<compile_context>
chip_gen: v7x
topology: tpu7x:2x2x1
jax: 0.10.2.dev20260603
libtpu: 0.0.44.dev20260713+nightly
codegen_flags: <defaults>
</compile_context>

<pallas_src>
import functools

import jax
import jax.numpy as jnp
from jax import lax
from jax.experimental import pallas as pl
from jax.experimental.pallas import tpu as pltpu
from jax.experimental.pallas import tpu_sc as plsc

_H = 128
_L = 16
_NJ = _H // _L
_S = 200
_CS = 80
_NB = 2
_NW = 32
_B = 4096
_EPS = 1e-12


def _rsqrt16(v):
    iv = lax.bitcast_convert_type(v, jnp.int32)
    y = lax.bitcast_convert_type(
        jnp.int32(0x5F3759DF) - lax.shift_right_logical(iv, 1), jnp.float32)
    for _ in range(3):
        y = y * (jnp.float32(1.5) - jnp.float32(0.5) * v * y * y)
    return y


def _ploop(n, unroll, body):
    plsc.parallel_loop(0, n, unroll=unroll)(body)


def _worker_id():
    return lax.axis_index("s") * 2 + lax.axis_index("c")


def _splat_tt(ref, k):
    v = ref[pl.ds(k, _L)]
    return jnp.full((_L,), v[0].astype(jnp.float32), jnp.float32)


def _reduce_pair(red, m8, vA, vB, base):
    a = vA + lax.rev(vA, (0,))
    b = vB + lax.rev(vB, (0,))
    c = jnp.where(m8, a, b)
    for off in (4, 2, 1):
        red[pl.ds(base, _L)] = c
        c = c + red[pl.ds(base + off, _L)]
    return c


def _body(ids_hbm, tt_hbm, word_hbm, pos_hbm, type_hbm, gamma_hbm, beta_hbm,
          out_hbm,
          pos2, in0, in1, ob0, ob1, ix0, ix1, tt0, tt1, gbuf, bbuf, tybuf,
          red, sg0, sg1, ss0, ss1):
    bpw = _B // _NW
    tpw = bpw * _S
    nit = tpw // _CS

    wid = _worker_id()
    tok_base = wid * tpw

    pltpu.sync_copy(pos_hbm.at[pl.ds(0, _S)], pos2)
    pltpu.sync_copy(type_hbm, tybuf)
    pltpu.sync_copy(gamma_hbm, gbuf)
    pltpu.sync_copy(beta_hbm, bbuf)

    def _fold(s, c):
        for j in range(_NJ):
            sl = pl.ds(j * _L, _L)
            pos2[s, sl] = pos2[s, sl] + tybuf[0, sl]
        return c
    lax.fori_loop(0, _S, _fold, 0)

    d = [tybuf[1, pl.ds(j * _L, _L)] - tybuf[0, pl.ds(j * _L, _L)]
         for j in range(_NJ)]
    g = [gbuf[pl.ds(j * _L, _L)] for j in range(_NJ)]
    bt = [bbuf[pl.ds(j * _L, _L)] for j in range(_NJ)]

    ins = [in0, in1]
    obs = [ob0, ob1]
    ixs = [ix0, ix1]
    tts = [tt0, tt1]
    sgs = [sg0, sg1]
    sss = [ss0, ss1]

    for p in range(_NB):
        t0 = tok_base + p * _CS
        pltpu.sync_copy(ids_hbm.at[pl.ds(t0, _CS)], ixs[p])
        pltpu.sync_copy(tt_hbm.at[pl.ds(t0, _CS)], tts[p].at[pl.ds(0, _CS)])
        pltpu.async_copy(word_hbm.at[ixs[p]], ins[p], sgs[p])

    inv_h = jnp.float32(1.0 / _H)
    m8 = lax.iota(jnp.int32, _L) < 8

    def _chunk(q, c):
        for p in range(_NB):
            i = q * _NB + p
            t0 = tok_base + i * _CS
            s_base = lax.rem(i * _CS, _S)

            pltpu.make_async_copy(word_hbm.at[ixs[p]], ins[p], sgs[p]).wait()

            @pl.when(i >= _NB)
            def _wait_prev_scatter():
                pltpu.make_async_copy(
                    obs[p], out_hbm.at[pl.ds(t0, _CS)], sss[p]).wait()

            def _build(k):
                s = s_base + k
                s_idx = jnp.where(s >= _S, s - _S, s)
                tf = _splat_tt(tts[p], k)
                e = []
                for j in range(_NJ):
                    sl = pl.ds(j * _L, _L)
                    e.append(ins[p][k, sl] + pos2[s_idx, sl] + tf * d[j])
                s1 = e[0]
                for j in range(1, _NJ):
                    s1 = s1 + e[j]
                sq = e[0] * e[0]
                for j in range(1, _NJ):
                    sq = sq + e[j] * e[j]
                return e, s1, sq

            def _norm(k, e, mean, rstd):
                mv = jnp.full((_L,), mean, jnp.float32)
                rv = jnp.full((_L,), rstd, jnp.float32)
                for j in range(_NJ):
                    sl = pl.ds(j * _L, _L)
                    obs[p][k, sl] = (e[j] - mv) * rv * g[j] + bt[j]

            def _pair(m):
                kA = 2 * m
                base = m * 64
                eA, s1A, sqA = _build(kA)
                eB, s1B, sqB = _build(kA + 1)
                c1 = _reduce_pair(red, m8, s1A, s1B, base)
                c2 = _reduce_pair(red, m8, sqA, sqB, base + 32)
                meanv = c1 * inv_h
                varv = c2 * inv_h - meanv * meanv
                y = _rsqrt16(varv + jnp.float32(_EPS))
                _norm(kA, eA, meanv[0], y[0])
                _norm(kA + 1, eB, meanv[8], y[8])

            _ploop(_CS // 2, 2, _pair)

            pltpu.async_copy(obs[p], out_hbm.at[pl.ds(t0, _CS)], sss[p])

            @pl.when(i + _NB < nit)
            def _prefetch():
                t2 = tok_base + (i + _NB) * _CS
                pltpu.sync_copy(ids_hbm.at[pl.ds(t2, _CS)], ixs[p])
                pltpu.sync_copy(tt_hbm.at[pl.ds(t2, _CS)],
                                tts[p].at[pl.ds(0, _CS)])
                pltpu.async_copy(word_hbm.at[ixs[p]], ins[p], sgs[p])
        return c
    lax.fori_loop(0, nit // _NB, _chunk, 0)

    for p in range(_NB):
        tl = tok_base + (nit - _NB + p) * _CS
        pltpu.make_async_copy(obs[p], out_hbm.at[pl.ds(tl, _CS)], sss[p]).wait()


@functools.lru_cache(maxsize=2)
def _make(interpret=False):
    mesh = plsc.VectorSubcoreMesh(core_axis_name="c", subcore_axis_name="s",
                                  num_cores=2, num_subcores=16)
    return pl.kernel(
        _body,
        out_type=jax.ShapeDtypeStruct((_B * _S, _H), jnp.float32),
        mesh=mesh,
        scratch_types=[
            pltpu.VMEM((_S, _H), jnp.float32),
            pltpu.VMEM((_CS, _H), jnp.float32),
            pltpu.VMEM((_CS, _H), jnp.float32),
            pltpu.VMEM((_CS, _H), jnp.float32),
            pltpu.VMEM((_CS, _H), jnp.float32),
            pltpu.VMEM((_CS,), jnp.int32),
            pltpu.VMEM((_CS,), jnp.int32),
            pltpu.VMEM((_CS + 24,), jnp.int32),
            pltpu.VMEM((_CS + 24,), jnp.int32),
            pltpu.VMEM((_H,), jnp.float32),
            pltpu.VMEM((_H,), jnp.float32),
            pltpu.VMEM((2, _H), jnp.float32),
            pltpu.VMEM((_CS * 32,), jnp.float32),
            pltpu.SemaphoreType.DMA,
            pltpu.SemaphoreType.DMA,
            pltpu.SemaphoreType.DMA,
            pltpu.SemaphoreType.DMA,
        ],
        interpret=interpret,
    )


def kernel(input_ids, token_type_ids, word_embeddings, position_embeddings,
           token_type_embeddings, ln_gamma, ln_beta):
    fn = _make(False)
    out = fn(input_ids.reshape(-1).astype(jnp.int32),
             token_type_ids.reshape(-1).astype(jnp.int32),
             word_embeddings, position_embeddings, token_type_embeddings,
             ln_gamma, ln_beta)
    return out.reshape(_B, _S, _H)

# --- scband reference (transcript-rebuilt; emitter-appended) ---
"""Pipeline reference for scband-bert-embeddings-67233418052268 (READ-ONLY COPY).

The authoritative reference and input builder live on the scoring server;
editing this copy changes nothing except your own understanding.
"""

import jax, jax.numpy as jnp
import numpy as np

VOCAB = 100000
HIDDEN = 128
MAXPOS = 512
TYPES = 2
EPS = 1e-12
B = 4096
S = 200


def setup_inputs(seed: int = 0) -> dict:
    key = jax.random.key(seed)
    k1, k2, k3, k4, k5 = jax.random.split(key, 5)
    input_ids = jax.random.randint(k1, (B, S), 0, VOCAB, dtype=jnp.int64 if jax.config.jax_enable_x64 else jnp.int32)
    token_type_ids = jax.random.randint(k2, (B, S), 0, TYPES, dtype=jnp.int64 if jax.config.jax_enable_x64 else jnp.int32)
    word_embeddings = jax.random.normal(k3, (VOCAB, HIDDEN), dtype=jnp.float32) * 0.02
    # padding_idx=0 -> zero row, matching nn.Embedding(padding_idx=0) init
    word_embeddings = word_embeddings.at[0].set(0.0)
    position_embeddings = jax.random.normal(k4, (MAXPOS, HIDDEN), dtype=jnp.float32) * 0.02
    token_type_embeddings = jax.random.normal(k5, (TYPES, HIDDEN), dtype=jnp.float32) * 0.02
    ln_gamma = jnp.ones((HIDDEN,), dtype=jnp.float32)
    ln_beta = jnp.zeros((HIDDEN,), dtype=jnp.float32)
    return {
        "input_ids": input_ids,
        "token_type_ids": token_type_ids,
        "word_embeddings": word_embeddings,
        "position_embeddings": position_embeddings,
        "token_type_embeddings": token_type_embeddings,
        "ln_gamma": ln_gamma,
        "ln_beta": ln_beta,
    }


def reference(input_ids, token_type_ids, word_embeddings, position_embeddings, token_type_embeddings, ln_gamma, ln_beta):
    seq_length = input_ids.shape[1]
    position_ids = jnp.arange(seq_length)  # past_key_values_length = 0
    inputs_embeds = jnp.take(word_embeddings, input_ids, axis=0)
    pos_embeds = jnp.take(position_embeddings, position_ids, axis=0)[None, :, :]
    type_embeds = jnp.take(token_type_embeddings, token_type_ids, axis=0)
    embeddings = inputs_embeds + pos_embeds + type_embeds
    # LayerNorm over last dim
    mean = jnp.mean(embeddings, axis=-1, keepdims=True)
    var = jnp.mean(jnp.square(embeddings - mean), axis=-1, keepdims=True)
    normed = (embeddings - mean) / jnp.sqrt(var + EPS)
    out = normed * ln_gamma + ln_beta
    # dropout is identity in eval / p=0
    return out

if __name__ == "__main__":
    import jax
    _d = setup_inputs()
    print(jax.jit(kernel)(*tuple(_d.values())))

</pallas_src>

<mosaic_0001>
#map = affine_map<(d0, d1) -> (0)>
#map1 = affine_map<(d0, d1) -> (0, 0)>
module attributes {stable_mosaic.version = 14 : i64} {
  func.func @_body(%arg0: i32, %arg1: i32, %arg2: memref<819200xi32, #tpu.memory_space<hbm>>, %arg3: memref<819200xi32, #tpu.memory_space<hbm>>, %arg4: memref<100000x128xf32, #tpu.memory_space<hbm>>, %arg5: memref<512x128xf32, #tpu.memory_space<hbm>>, %arg6: memref<2x128xf32, #tpu.memory_space<hbm>>, %arg7: memref<128xf32, #tpu.memory_space<hbm>>, %arg8: memref<128xf32, #tpu.memory_space<hbm>>, %arg9: memref<819200x128xf32, #tpu.memory_space<hbm>>, %arg10: memref<200x128xf32, #tpu.memory_space<vmem>>, %arg11: memref<80x128xf32, #tpu.memory_space<vmem>>, %arg12: memref<80x128xf32, #tpu.memory_space<vmem>>, %arg13: memref<80x128xf32, #tpu.memory_space<vmem>>, %arg14: memref<80x128xf32, #tpu.memory_space<vmem>>, %arg15: memref<80xi32, #tpu.memory_space<vmem>>, %arg16: memref<80xi32, #tpu.memory_space<vmem>>, %arg17: memref<104xi32, #tpu.memory_space<vmem>>, %arg18: memref<104xi32, #tpu.memory_space<vmem>>, %arg19: memref<128xf32, #tpu.memory_space<vmem>>, %arg20: memref<128xf32, #tpu.memory_space<vmem>>, %arg21: memref<2x128xf32, #tpu.memory_space<vmem>>, %arg22: memref<2560xf32, #tpu.memory_space<vmem>>, %arg23: memref<!tpu.dma_semaphore, #tpu.memory_space<semaphore_mem>>, %arg24: memref<!tpu.dma_semaphore, #tpu.memory_space<semaphore_mem>>, %arg25: memref<!tpu.dma_semaphore, #tpu.memory_space<semaphore_mem>>, %arg26: memref<!tpu.dma_semaphore, #tpu.memory_space<semaphore_mem>>) attributes {dimension_semantics = [#tpu.dimension_semantics<core_parallel>, #tpu.dimension_semantics<subcore_parallel>], iteration_bounds = array<i64: 2, 16>, scalar_prefetch = 0 : i64, scratch_operands = 17 : i64, tpu.core_type = #tpu.core_type<sc_vector_subcore>, window_params = [{transform_indices = #map}, {transform_indices = #map}, {transform_indices = #map1}, {transform_indices = #map1}, {transform_indices = #map1}, {transform_indices = #map}, {transform_indices = #map}, {transform_indices = #map1}]} {
    %mul3A = arith.constant 2 : i32
    %mul3A_0 = arith.muli %arg1, %mul3A : i32
    %add3A = arith.addi %mul3A_0, %arg0 : i32
    %mul3A_1 = arith.constant 25600 : i32
    %mul3A_2 = arith.muli %add3A, %mul3A_1 : i32
    "tpu.region"() ({
      %run_scoped3A = tpu.sem_alloc : memref<!tpu.dma_semaphore, #tpu.memory_space<semaphore_mem>>
      %dma_start3A_171 = arith.constant 0 : i32
      %dma_start3A_172 = arith.constant 0 : i32
      %dma_start3A_173 = tpu.memref_slice %arg5[%dma_start3A_171, %dma_start3A_172] : memref<512x128xf32, #tpu.memory_space<hbm>> -> memref<200x128xf32, #tpu.memory_space<hbm>>
      %dma_start3A_174 = arith.constant 0 : i32
      %dma_start3A_175 = arith.constant 0 : i32
      %dma_start3A_176 = tpu.memref_slice %arg5[%dma_start3A_174, %dma_start3A_175] : memref<512x128xf32, #tpu.memory_space<hbm>> -> memref<200x128xf32, #tpu.memory_space<hbm>>
      tpu.enqueue_dma source(%dma_start3A_176 : memref<200x128xf32, #tpu.memory_space<hbm>>) target(%arg10 : memref<200x128xf32, #tpu.memory_space<vmem>>) target_semaphore(%run_scoped3A : memref<!tpu.dma_semaphore, #tpu.memory_space<semaphore_mem>>)
      %dma_wait3A_177 = arith.constant 0 : i32
      %dma_wait3A_178 = arith.constant 0 : i32
      %dma_wait3A_179 = tpu.memref_slice %arg5[%dma_wait3A_177, %dma_wait3A_178] : memref<512x128xf32, #tpu.memory_space<hbm>> -> memref<200x128xf32, #tpu.memory_space<hbm>>
      %dma_wait3A_180 = arith.constant 0 : i32
      %dma_wait3A_181 = arith.constant 0 : i32
      %dma_wait3A_182 = tpu.memref_slice %arg5[%dma_wait3A_180, %dma_wait3A_181] : memref<512x128xf32, #tpu.memory_space<hbm>> -> memref<200x128xf32, #tpu.memory_space<hbm>>
      tpu.wait_dma2 semaphore(%run_scoped3A : memref<!tpu.dma_semaphore, #tpu.memory_space<semaphore_mem>>) src(%dma_wait3A_182 : memref<200x128xf32, #tpu.memory_space<hbm>>) dst(%arg10 : memref<200x128xf32, #tpu.memory_space<vmem>>)
      tpu.yield
    }) : () -> ()
    "tpu.region"() ({
      %run_scoped3A = tpu.sem_alloc : memref<!tpu.dma_semaphore, #tpu.memory_space<semaphore_mem>>
      tpu.enqueue_dma source(%arg6 : memref<2x128xf32, #tpu.memory_space<hbm>>) target(%arg21 : memref<2x128xf32, #tpu.memory_space<vmem>>) target_semaphore(%run_scoped3A : memref<!tpu.dma_semaphore, #tpu.memory_space<semaphore_mem>>)
      tpu.wait_dma2 semaphore(%run_scoped3A : memref<!tpu.dma_semaphore, #tpu.memory_space<semaphore_mem>>) src(%arg6 : memref<2x128xf32, #tpu.memory_space<hbm>>) dst(%arg21 : memref<2x128xf32, #tpu.memory_space<vmem>>)
      tpu.yield
    }) : () -> ()
    "tpu.region"() ({
      %run_scoped3A = tpu.sem_alloc : memref<!tpu.dma_semaphore, #tpu.memory_space<semaphore_mem>>
      tpu.enqueue_dma source(%arg7 : memref<128xf32, #tpu.memory_space<hbm>>) target(%arg19 : memref<128xf32, #tpu.memory_space<vmem>>) target_semaphore(%run_scoped3A : memref<!tpu.dma_semaphore, #tpu.memory_space<semaphore_mem>>)
      tpu.wait_dma2 semaphore(%run_scoped3A : memref<!tpu.dma_semaphore, #tpu.memory_space<semaphore_mem>>) src(%arg7 : memref<128xf32, #tpu.memory_space<hbm>>) dst(%arg19 : memref<128xf32, #tpu.memory_space<vmem>>)
      tpu.yield
    }) : () -> ()
    "tpu.region"() ({
      %run_scoped3A = tpu.sem_alloc : memref<!tpu.dma_semaphore, #tpu.memory_space<semaphore_mem>>
      tpu.enqueue_dma source(%arg8 : memref<128xf32, #tpu.memory_space<hbm>>) target(%arg20 : memref<128xf32, #tpu.memory_space<vmem>>) target_semaphore(%run_scoped3A : memref<!tpu.dma_semaphore, #tpu.memory_space<semaphore_mem>>)
      tpu.wait_dma2 semaphore(%run_scoped3A : memref<!tpu.dma_semaphore, #tpu.memory_space<semaphore_mem>>) src(%arg8 : memref<128xf32, #tpu.memory_space<hbm>>) dst(%arg20 : memref<128xf32, #tpu.memory_space<vmem>>)
      tpu.yield
    }) : () -> ()
    %scan3A = arith.constant 0 : i32
    %scan3A_3 = arith.constant 0 : i32
    %scan3A_4 = arith.constant 200 : i32
    %scan3A_5 = arith.addi %scan3A_3, %scan3A_4 : i32
    %scan3A_6 = arith.constant 1 : i32
    scf.for %scan3A_171 = %scan3A_3 to %scan3A_5 step %scan3A_6  : i32 {
      %get3A_172 = arith.index_cast %scan3A_171 : i32 to index
      %get3A_173 = arith.constant 0 : index
      %get3A_174 = tpu.vector_load %arg10[%get3A_172, %get3A_173] {strides = array<i32>} : memref<200x128xf32, #tpu.memory_space<vmem>>, vector<1x16xf32>,
      %get3A_175 = vector.shape_cast %get3A_174 : vector<1x16xf32> to vector<16xf32>
      %get3A_176 = arith.constant 0 : i32
      %get3A_177 = arith.index_cast %get3A_176 : i32 to index
      %get3A_178 = arith.constant 0 : index
      %get3A_179 = tpu.vector_load %arg21[%get3A_177, %get3A_178] {strides = array<i32>} : memref<2x128xf32, #tpu.memory_space<vmem>>, vector<1x16xf32>,
      %get3A_180 = vector.shape_cast %get3A_179 : vector<1x16xf32> to vector<16xf32>
      %add3A_181 = arith.addf %get3A_175, %get3A_180 : vector<16xf32>
      %swap3A = arith.index_cast %scan3A_171 : i32 to index
      %swap3A_182 = arith.constant 0 : index
      %swap3A_183 = tpu.vector_load %arg10[%swap3A, %swap3A_182] {strides = array<i32>} : memref<200x128xf32, #tpu.memory_space<vmem>>, vector<1x16xf32>,
      %swap3A_184 = vector.shape_cast %swap3A_183 : vector<1x16xf32> to vector<16xf32>
      %swap3A_185 = vector.shape_cast %add3A_181 : vector<16xf32> to vector<1x16xf32>
      tpu.vector_store %arg10[%swap3A, %swap3A_182], %swap3A_185 {strides = array<i32>} : memref<200x128xf32, #tpu.memory_space<vmem>>, vector<1x16xf32>,
      %get3A_186 = arith.index_cast %scan3A_171 : i32 to index
      %get3A_187 = arith.constant 16 : index
      %get3A_188 = tpu.vector_load %arg10[%get3A_186, %get3A_187] {strides = array<i32>} : memref<200x128xf32, #tpu.memory_space<vmem>>, vector<1x16xf32>,
      %get3A_189 = vector.shape_cast %get3A_188 : vector<1x16xf32> to vector<16xf32>
      %get3A_190 = arith.constant 0 : i32
      %get3A_191 = arith.index_cast %get3A_190 : i32 to index
      %get3A_192 = arith.constant 16 : index
      %get3A_193 = tpu.vector_load %arg21[%get3A_191, %get3A_192] {strides = array<i32>} : memref<2x128xf32, #tpu.memory_space<vmem>>, vector<1x16xf32>,
      %get3A_194 = vector.shape_cast %get3A_193 : vector<1x16xf32> to vector<16xf32>
      %add3A_195 = arith.addf %get3A_189, %get3A_194 : vector<16xf32>
      %swap3A_196 = arith.index_cast %scan3A_171 : i32 to index
      %swap3A_197 = arith.constant 16 : index
      %swap3A_198 = tpu.vector_load %arg10[%swap3A_196, %swap3A_197] {strides = array<i32>} : memref<200x128xf32, #tpu.memory_space<vmem>>, vector<1x16xf32>,
      %swap3A_199 = vector.shape_cast %swap3A_198 : vector<1x16xf32> to vector<16xf32>
      %swap3A_200 = vector.shape_cast %add3A_195 : vector<16xf32> to vector<1x16xf32>
      tpu.vector_store %arg10[%swap3A_196, %swap3A_197], %swap3A_200 {strides = array<i32>} : memref<200x128xf32, #tpu.memory_space<vmem>>, vector<1x16xf32>,
      %get3A_201 = arith.index_cast %scan3A_171 : i32 to index
      %get3A_202 = arith.constant 32 : index
      %get3A_203 = tpu.vector_load %arg10[%get3A_201, %get3A_202] {strides = array<i32>} : memref<200x128xf32, #tpu.memory_space<vmem>>, vector<1x16xf32>,
      %get3A_204 = vector.shape_cast %get3A_203 : vector<1x16xf32> to vector<16xf32>
      %get3A_205 = arith.constant 0 : i32
      %get3A_206 = arith.index_cast %get3A_205 : i32 to index
      %get3A_207 = arith.constant 32 : index
      %get3A_208 = tpu.vector_load %arg21[%get3A_206, %get3A_207] {strides = array<i32>} : memref<2x128xf32, #tpu.memory_space<vmem>>, vector<1x16xf32>,
      %get3A_209 = vector.shape_cast %get3A_208 : vector<1x16xf32> to vector<16xf32>
      %add3A_210 = arith.addf %get3A_204, %get3A_209 : vector<16xf32>
      %swap3A_211 = arith.index_cast %scan3A_171 : i32 to index
      %swap3A_212 = arith.constant 32 : index
      %swap3A_213 = tpu.vector_load %arg10[%swap3A_211, %swap3A_212] {strides = array<i32>} : memref<200x128xf32, #tpu.memory_space<vmem>>, vector<1x16xf32>,
      %swap3A_214 = vector.shape_cast %swap3A_213 : vector<1x16xf32> to vector<16xf32>
      %swap3A_215 = vector.shape_cast %add3A_210 : vector<16xf32> to vector<1x16xf32>
      tpu.vector_store %arg10[%swap3A_211, %swap3A_212], %swap3A_215 {strides = array<i32>} : memref<200x128xf32, #tpu.memory_space<vmem>>, vector<1x16xf32>,
      %get3A_216 = arith.index_cast %scan3A_171 : i32 to index
      %get3A_217 = arith.constant 48 : index
      %get3A_218 = tpu.vector_load %arg10[%get3A_216, %get3A_217] {strides = array<i32>} : memref<200x128xf32, #tpu.memory_space<vmem>>, vector<1x16xf32>,
      %get3A_219 = vector.shape_cast %get3A_218 : vector<1x16xf32> to vector<16xf32>
      %get3A_220 = arith.constant 0 : i32
      %get3A_221 = arith.index_cast %get3A_220 : i32 to index
      %get3A_222 = arith.constant 48 : index
      %get3A_223 = tpu.vector_load %arg21[%get3A_221, %get3A_222] {strides = array<i32>} : memref<2x128xf32, #tpu.memory_space<vmem>>, vector<1x16xf32>,
      %get3A_224 = vector.shape_cast %get3A_223 : vector<1x16xf32> to vector<16xf32>
      %add3A_225 = arith.addf %get3A_219, %get3A_224 : vector<16xf32>
      %swap3A_226 = arith.index_cast %scan3A_171 : i32 to index
      %swap3A_227 = arith.constant 48 : index
      %swap3A_228 = tpu.vector_load %arg10[%swap3A_226, %swap3A_227] {strides = array<i32>} : memref<200x128xf32, #tpu.memory_space<vmem>>, vector<1x16xf32>,
      %swap3A_229 = vector.shape_cast %swap3A_228 : vector<1x16xf32> to vector<16xf32>
      %swap3A_230 = vector.shape_cast %add3A_225 : vector<16xf32> to vector<1x16xf32>
      tpu.vector_store %arg10[%swap3A_226, %swap3A_227], %swap3A_230 {strides = array<i32>} : memref<200x128xf32, #tpu.memory_space<vmem>>, vector<1x16xf32>,
      %get3A_231 = arith.index_cast %scan3A_171 : i32 to index
      %get3A_232 = arith.constant 64 : index
      %get3A_233 = tpu.vector_load %arg10[%get3A_231, %get3A_232] {strides = array<i32>} : memref<200x128xf32, #tpu.memory_space<vmem>>, vector<1x16xf32>,
      %get3A_234 = vector.shape_cast %get3A_233 : vector<1x16xf32> to vector<16xf32>
      %get3A_235 = arith.constant 0 : i32
      %get3A_236 = arith.index_cast %get3A_235 : i32 to index
      %get3A_237 = arith.constant 64 : index
      %get3A_238 = tpu.vector_load %arg21[%get3A_236, %get3A_237] {strides = array<i32>} : memref<2x128xf32, #tpu.memory_space<vmem>>, vector<1x16xf32>,
      %get3A_239 = vector.shape_cast %get3A_238 : vector<1x16xf32> to vector<16xf32>
      %add3A_240 = arith.addf %get3A_234, %get3A_239 : vector<16xf32>
      %swap3A_241 = arith.index_cast %scan3A_171 : i32 to index
      %swap3A_242 = arith.constant 64 : index
      %swap3A_243 = tpu.vector_load %arg10[%swap3A_241, %swap3A_242] {strides = array<i32>} : memref<200x128xf32, #tpu.memory_space<vmem>>, vector<1x16xf32>,
      %swap3A_244 = vector.shape_cast %swap3A_243 : vector<1x16xf32> to vector<16xf32>
      %swap3A_245 = vector.shape_cast %add3A_240 : vector<16xf32> to vector<1x16xf32>
      tpu.vector_store %arg10[%swap3A_241, %swap3A_242], %swap3A_245 {strides = array<i32>} : memref<200x128xf32, #tpu.memory_space<vmem>>, vector<1x16xf32>,
      %get3A_246 = arith.index_cast %scan3A_171 : i32 to index
      %get3A_247 = arith.constant 80 : index
      %get3A_248 = tpu.vector_load %arg10[%get3A_246, %get3A_247] {strides = array<i32>} : memref<200x128xf32, #tpu.memory_space<vmem>>, vector<1x16xf32>,
      %get3A_249 = vector.shape_cast %get3A_248 : vector<1x16xf32> to vector<16xf32>
      %get3A_250 = arith.constant 0 : i32
      %get3A_251 = arith.index_cast %get3A_250 : i32 to index
      %get3A_252 = arith.constant 80 : index
      %get3A_253 = tpu.vector_load %arg21[%get3A_251, %get3A_252] {strides = array<i32>} : memref<2x128xf32, #tpu.memory_space<vmem>>, vector<1x16xf32>,
      %get3A_254 = vector.shape_cast %get3A_253 : vector<1x16xf32> to vector<16xf32>
      %add3A_255 = arith.addf %get3A_249, %get3A_254 : vector<16xf32>
      %swap3A_256 = arith.index_cast %scan3A_171 : i32 to index
      %swap3A_257 = arith.constant 80 : index
      %swap3A_258 = tpu.vector_load %arg10[%swap3A_256, %swap3A_257] {strides = array<i32>} : memref<200x128xf32, #tpu.memory_space<vmem>>, vector<1x16xf32>,
      %swap3A_259 = vector.shape_cast %swap3A_258 : vector<1x16xf32> to vector<16xf32>
      %swap3A_260 = vector.shape_cast %add3A_255 : vector<16xf32> to vector<1x16xf32>
      tpu.vector_store %arg10[%swap3A_256, %swap3A_257], %swap3A_260 {strides = array<i32>} : memref<200x128xf32, #tpu.memory_space<vmem>>, vector<1x16xf32>,
      %get3A_261 = arith.index_cast %scan3A_171 : i32 to index
      %get3A_262 = arith.constant 96 : index
      %get3A_263 = tpu.vector_load %arg10[%get3A_261, %get3A_262] {strides = array<i32>} : memref<200x128xf32, #tpu.memory_space<vmem>>, vector<1x16xf32>,
      %get3A_264 = vector.shape_cast %get3A_263 : vector<1x16xf32> to vector<16xf32>
      %get3A_265 = arith.constant 0 : i32
      %get3A_266 = arith.index_cast %get3A_265 : i32 to index
      %get3A_267 = arith.constant 96 : index
      %get3A_268 = tpu.vector_load %arg21[%get3A_266, %get3A_267] {strides = array<i32>} : memref<2x128xf32, #tpu.memory_space<vmem>>, vector<1x16xf32>,
      %get3A_269 = vector.shape_cast %get3A_268 : vector<1x16xf32> to vector<16xf32>
      %add3A_270 = arith.addf %get3A_264, %get3A_269 : vector<16xf32>
      %swap3A_271 = arith.index_cast %scan3A_171 : i32 to index
      %swap3A_272 = arith.constant 96 : index
      %swap3A_273 = tpu.vector_load %arg10[%swap3A_271, %swap3A_272] {strides = array<i32>} : memref<200x128xf32, #tpu.memory_space<vmem>>, vector<1x16xf32>,
      %swap3A_274 = vector.shape_cast %swap3A_273 : vector<1x16xf32> to vector<16xf32>
      %swap3A_275 = vector.shape_cast %add3A_270 : vector<16xf32> to vector<1x16xf32>
      tpu.vector_store %arg10[%swap3A_271, %swap3A_272], %swap3A_275 {strides = array<i32>} : memref<200x128xf32, #tpu.memory_space<vmem>>, vector<1x16xf32>,
      %get3A_276 = arith.index_cast %scan3A_171 : i32 to index
      %get3A_277 = arith.constant 112 : index
      %get3A_278 = tpu.vector_load %arg10[%get3A_276, %get3A_277] {strides = array<i32>} : memref<200x128xf32, #tpu.memory_space<vmem>>, vector<1x16xf32>,
      %get3A_279 = vector.shape_cast %get3A_278 : vector<1x16xf32> to vector<16xf32>
      %get3A_280 = arith.constant 0 : i32
      %get3A_281 = arith.index_cast %get3A_280 : i32 to index
      %get3A_282 = arith.constant 112 : index
      %get3A_283 = tpu.vector_load %arg21[%get3A_281, %get3A_282] {strides = array<i32>} : memref<2x128xf32, #tpu.memory_space<vmem>>, vector<1x16xf32>,
      %get3A_284 = vector.shape_cast %get3A_283 : vector<1x16xf32> to vector<16xf32>
      %add3A_285 = arith.addf %get3A_279, %get3A_284 : vector<16xf32>
      %swap3A_286 = arith.index_cast %scan3A_171 : i32 to index
      %swap3A_287 = arith.constant 112 : index
      %swap3A_288 = tpu.vector_load %arg10[%swap3A_286, %swap3A_287] {strides = array<i32>} : memref<200x128xf32, #tpu.memory_space<vmem>>, vector<1x16xf32>,
      %swap3A_289 = vector.shape_cast %swap3A_288 : vector<1x16xf32> to vector<16xf32>
      %swap3A_290 = vector.shape_cast %add3A_285 : vector<16xf32> to vector<1x16xf32>
      tpu.vector_store %arg10[%swap3A_286, %swap3A_287], %swap3A_290 {strides = array<i32>} : memref<200x128xf32, #tpu.memory_space<vmem>>, vector<1x16xf32>,
    }
    %scan3A_7 = arith.constant 200 : i32
    %get3A = arith.constant 1 : i32
    %get3A_8 = arith.index_cast %get3A : i32 to index
    %get3A_9 = arith.constant 0 : index
    %get3A_10 = tpu.vector_load %arg21[%get3A_8, %get3A_9] {strides = array<i32>} : memref<2x128xf32, #tpu.memory_space<vmem>>, vector<1x16xf32>,
    %get3A_11 = vector.shape_cast %get3A_10 : vector<1x16xf32> to vector<16xf32>
    %get3A_12 = arith.constant 0 : i32
    %get3A_13 = arith.index_cast %get3A_12 : i32 to index
    %get3A_14 = arith.constant 0 : index
    %get3A_15 = tpu.vector_load %arg21[%get3A_13, %get3A_14] {strides = array<i32>} : memref<2x128xf32, #tpu.memory_space<vmem>>, vector<1x16xf32>,
    %get3A_16 = vector.shape_cast %get3A_15 : vector<1x16xf32> to vector<16xf32>
    %sub3A = arith.subf %get3A_11, %get3A_16 : vector<16xf32>
    %get3A_17 = arith.constant 1 : i32
    %get3A_18 = arith.index_cast %get3A_17 : i32 to index
    %get3A_19 = arith.constant 16 : index
    %get3A_20 = tpu.vector_load %arg21[%get3A_18, %get3A_19] {strides = array<i32>} : memref<2x128xf32, #tpu.memory_space<vmem>>, vector<1x16xf32>,
    %get3A_21 = vector.shape_cast %get3A_20 : vector<1x16xf32> to vector<16xf32>
    %get3A_22 = arith.constant 0 : i32
    %get3A_23 = arith.index_cast %get3A_22 : i32 to index
    %get3A_24 = arith.constant 16 : index
    %get3A_25 = tpu.vector_load %arg21[%get3A_23, %get3A_24] {strides = array<i32>} : memref<2x128xf32, #tpu.memory_space<vmem>>, vector<1x16xf32>,
    %get3A_26 = vector.shape_cast %get3A_25 : vector<1x16xf32> to vector<16xf32>
    %sub3A_27 = arith.subf %get3A_21, %get3A_26 : vector<16xf32>
    %get3A_28 = arith.constant 1 : i32
    %get3A_29 = arith.index_cast %get3A_28 : i32 to index
    %get3A_30 = arith.constant 32 : index
    %get3A_31 = tpu.vector_load %arg21[%get3A_29, %get3A_30] {strides = array<i32>} : memref<2x128xf32, #tpu.memory_space<vmem>>, vector<1x16xf32>,
    %get3A_32 = vector.shape_cast %get3A_31 : vector<1x16xf32> to vector<16xf32>
    %get3A_33 = arith.constant 0 : i32
    %get3A_34 = arith.index_cast %get3A_33 : i32 to index
    %get3A_35 = arith.constant 32 : index
    %get3A_36 = tpu.vector_load %arg21[%get3A_34, %get3A_35] {strides = array<i32>} : memref<2x128xf32, #tpu.memory_space<vmem>>, vector<1x16xf32>,
    %get3A_37 = vector.shape_cast %get3A_36 : vector<1x16xf32> to vector<16xf32>
    %sub3A_38 = arith.subf %get3A_32, %get3A_37 : vector<16xf32>
    %get3A_39 = arith.constant 1 : i32
    %get3A_40 = arith.index_cast %get3A_39 : i32 to index
    %get3A_41 = arith.constant 48 : index
    %get3A_42 = tpu.vector_load %arg21[%get3A_40, %get3A_41] {strides = array<i32>} : memref<2x128xf32, #tpu.memory_space<vmem>>, vector<1x16xf32>,
    %get3A_43 = vector.shape_cast %get3A_42 : vector<1x16xf32> to vector<16xf32>
    %get3A_44 = arith.constant 0 : i32
    %get3A_45 = arith.index_cast %get3A_44 : i32 to index
    %get3A_46 = arith.constant 48 : index
    %get3A_47 = tpu.vector_load %arg21[%get3A_45, %get3A_46] {strides = array<i32>} : memref<2x128xf32, #tpu.memory_space<vmem>>, vector<1x16xf32>,
    %get3A_48 = vector.shape_cast %get3A_47 : vector<1x16xf32> to vector<16xf32>
    %sub3A_49 = arith.subf %get3A_43, %get3A_48 : vector<16xf32>
    %get3A_50 = arith.constant 1 : i32
    %get3A_51 = arith.index_cast %get3A_50 : i32 to index
    %get3A_52 = arith.constant 64 : index
    %get3A_53 = tpu.vector_load %arg21[%get3A_51, %get3A_52] {strides = array<i32>} : memref<2x128xf32, #tpu.memory_space<vmem>>, vector<1x16xf32>,
    %get3A_54 = vector.shape_cast %get3A_53 : vector<1x16xf32> to vector<16xf32>
    %get3A_55 = arith.constant 0 : i32
    %get3A_56 = arith.index_cast %get3A_55 : i32 to index
    %get3A_57 = arith.constant 64 : index
    %get3A_58 = tpu.vector_load %arg21[%get3A_56, %get3A_57] {strides = array<i32>} : memref<2x128xf32, #tpu.memory_space<vmem>>, vector<1x16xf32>,
    %get3A_59 = vector.shape_cast %get3A_58 : vector<1x16xf32> to vector<16xf32>
    %sub3A_60 = arith.subf %get3A_54, %get3A_59 : vector<16xf32>
    %get3A_61 = arith.constant 1 : i32
    %get3A_62 = arith.index_cast %get3A_61 : i32 to index
    %get3A_63 = arith.constant 80 : index
    %get3A_64 = tpu.vector_load %arg21[%get3A_62, %get3A_63] {strides = array<i32>} : memref<2x128xf32, #tpu.memory_space<vmem>>, vector<1x16xf32>,
    %get3A_65 = vector.shape_cast %get3A_64 : vector<1x16xf32> to vector<16xf32>
    %get3A_66 = arith.constant 0 : i32
    %get3A_67 = arith.index_cast %get3A_66 : i32 to index
    %get3A_68 = arith.constant 80 : index
    %get3A_69 = tpu.vector_load %arg21[%get3A_67, %get3A_68] {strides = array<i32>} : memref<2x128xf32, #tpu.memory_space<vmem>>, vector<1x16xf32>,
    %get3A_70 = vector.shape_cast %get3A_69 : vector<1x16xf32> to vector<16xf32>
    %sub3A_71 = arith.subf %get3A_65, %get3A_70 : vector<16xf32>
    %get3A_72 = arith.constant 1 : i32
    %get3A_73 = arith.index_cast %get3A_72 : i32 to index
    %get3A_74 = arith.constant 96 : index
    %get3A_75 = tpu.vector_load %arg21[%get3A_73, %get3A_74] {strides = array<i32>} : memref<2x128xf32, #tpu.memory_space<vmem>>, vector<1x16xf32>,
    %get3A_76 = vector.shape_cast %get3A_75 : vector<1x16xf32> to vector<16xf32>
    %get3A_77 = arith.constant 0 : i32
    %get3A_78 = arith.index_cast %get3A_77 : i32 to index
    %get3A_79 = arith.constant 96 : index
    %get3A_80 = tpu.vector_load %arg21[%get3A_78, %get3A_79] {strides = array<i32>} : memref<2x128xf32, #tpu.memory_space<vmem>>, vector<1x16xf32>,
    %get3A_81 = vector.shape_cast %get3A_80 : vector<1x16xf32> to vector<16xf32>
    %sub3A_82 = arith.subf %get3A_76, %get3A_81 : vector<16xf32>
    %get3A_83 = arith.constant 1 : i32
    %get3A_84 = arith.index_cast %get3A_83 : i32 to index
    %get3A_85 = arith.constant 112 : index
    %get3A_86 = tpu.vector_load %arg21[%get3A_84, %get3A_85] {strides = array<i32>} : memref<2x128xf32, #tpu.memory_space<vmem>>, vector<1x16xf32>,
    %get3A_87 = vector.shape_cast %get3A_86 : vector<1x16xf32> to vector<16xf32>
    %get3A_88 = arith.constant 0 : i32
    %get3A_89 = arith.index_cast %get3A_88 : i32 to index
    %get3A_90 = arith.constant 112 : index
    %get3A_91 = tpu.vector_load %arg21[%get3A_89, %get3A_90] {strides = array<i32>} : memref<2x128xf32, #tpu.memory_space<vmem>>, vector<1x16xf32>,
    %get3A_92 = vector.shape_cast %get3A_91 : vector<1x16xf32> to vector<16xf32>
    %sub3A_93 = arith.subf %get3A_87, %get3A_92 : vector<16xf32>
    %get3A_94 = arith.constant 0 : index
    %get3A_95 = tpu.vector_load %arg19[%get3A_94] {strides = array<i32>} : memref<128xf32, #tpu.memory_space<vmem>>, vector<16xf32>,
    %get3A_96 = vector.shape_cast %get3A_95 : vector<16xf32> to vector<16xf32>
    %get3A_97 = arith.constant 16 : index
    %get3A_98 = tpu.vector_load %arg19[%get3A_97] {strides = array<i32>} : memref<128xf32, #tpu.memory_space<vmem>>, vector<16xf32>,
    %get3A_99 = vector.shape_cast %get3A_98 : vector<16xf32> to vector<16xf32>
    %get3A_100 = arith.constant 32 : index
    %get3A_101 = tpu.vector_load %arg19[%get3A_100] {strides = array<i32>} : memref<128xf32, #tpu.memory_space<vmem>>, vector<16xf32>,
    %get3A_102 = vector.shape_cast %get3A_101 : vector<16xf32> to vector<16xf32>
    %get3A_103 = arith.constant 48 : index
    %get3A_104 = tpu.vector_load %arg19[%get3A_103] {strides = array<i32>} : memref<128xf32, #tpu.memory_space<vmem>>, vector<16xf32>,
    %get3A_105 = vector.shape_cast %get3A_104 : vector<16xf32> to vector<16xf32>
    %get3A_106 = arith.constant 64 : index
    %get3A_107 = tpu.vector_load %arg19[%get3A_106] {strides = array<i32>} : memref<128xf32, #tpu.memory_space<vmem>>, vector<16xf32>,
    %get3A_108 = vector.shape_cast %get3A_107 : vector<16xf32> to vector<16xf32>
    %get3A_109 = arith.constant 80 : index
    %get3A_110 = tpu.vector_load %arg19[%get3A_109] {strides = array<i32>} : memref<128xf32, #tpu.memory_space<vmem>>, vector<16xf32>,
    %get3A_111 = vector.shape_cast %get3A_110 : vector<16xf32> to vector<16xf32>
    %get3A_112 = arith.constant 96 : index
    %get3A_113 = tpu.vector_load %arg19[%get3A_112] {strides = array<i32>} : memref<128xf32, #tpu.memory_space<vmem>>, vector<16xf32>,
    %get3A_114 = vector.shape_cast %get3A_113 : vector<16xf32> to vector<16xf32>
    %get3A_115 = arith.constant 112 : index
    %get3A_116 = tpu.vector_load %arg19[%get3A_115] {strides = array<i32>} : memref<128xf32, #tpu.memory_space<vmem>>, vector<16xf32>,
    %get3A_117 = vector.shape_cast %get3A_116 : vector<16xf32> to vector<16xf32>
    %get3A_118 = arith.constant 0 : index
    %get3A_119 = tpu.vector_load %arg20[%get3A_118] {strides = array<i32>} : memref<128xf32, #tpu.memory_space<vmem>>, vector<16xf32>,
    %get3A_120 = vector.shape_cast %get3A_119 : vector<16xf32> to vector<16xf32>
    %get3A_121 = arith.constant 16 : index
    %get3A_122 = tpu.vector_load %arg20[%get3A_121] {strides = array<i32>} : memref<128xf32, #tpu.memory_space<vmem>>, vector<16xf32>,
    %get3A_123 = vector.shape_cast %get3A_122 : vector<16xf32> to vector<16xf32>
    %get3A_124 = arith.constant 32 : index
    %get3A_125 = tpu.vector_load %arg20[%get3A_124] {strides = array<i32>} : memref<128xf32, #tpu.memory_space<vmem>>, vector<16xf32>,
    %get3A_126 = vector.shape_cast %get3A_125 : vector<16xf32> to vector<16xf32>
    %get3A_127 = arith.constant 48 : index
    %get3A_128 = tpu.vector_load %arg20[%get3A_127] {strides = array<i32>} : memref<128xf32, #tpu.memory_space<vmem>>, vector<16xf32>,
    %get3A_129 = vector.shape_cast %get3A_128 : vector<16xf32> to vector<16xf32>
    %get3A_130 = arith.constant 64 : index
    %get3A_131 = tpu.vector_load %arg20[%get3A_130] {strides = array<i32>} : memref<128xf32, #tpu.memory_space<vmem>>, vector<16xf32>,
    %get3A_132 = vector.shape_cast %get3A_131 : vector<16xf32> to vector<16xf32>
    %get3A_133 = arith.constant 80 : index
    %get3A_134 = tpu.vector_load %arg20[%get3A_133] {strides = array<i32>} : memref<128xf32, #tpu.memory_space<vmem>>, vector<16xf32>,
    %get3A_135 = vector.shape_cast %get3A_134 : vector<16xf32> to vector<16xf32>
    %get3A_136 = arith.constant 96 : index
    %get3A_137 = tpu.vector_load %arg20[%get3A_136] {strides = array<i32>} : memref<128xf32, #tpu.memory_space<vmem>>, vector<16xf32>,
    %get3A_138 = vector.shape_cast %get3A_137 : vector<16xf32> to vector<16xf32>
    %get3A_139 = arith.constant 112 : index
    %get3A_140 = tpu.vector_load %arg20[%get3A_139] {strides = array<i32>} : memref<128xf32, #tpu.memory_space<vmem>>, vector<16xf32>,
    %get3A_141 = vector.shape_cast %get3A_140 : vector<16xf32> to vector<16xf32>
    %add3A_142 = arith.constant 0 : i32
    %add3A_143 = arith.addi %mul3A_2, %add3A_142 : i32
    "tpu.region"() ({
      %run_scoped3A = tpu.sem_alloc : memref<!tpu.dma_semaphore, #tpu.memory_space<semaphore_mem>>
      %dma_start3A_171 = tpu.memref_slice %arg2[%add3A_143] : memref<819200xi32, #tpu.memory_space<hbm>> -> memref<80xi32, #tpu.memory_space<hbm>>
      %dma_start3A_172 = tpu.memref_slice %arg2[%add3A_143] : memref<819200xi32, #tpu.memory_space<hbm>> -> memref<80xi32, #tpu.memory_space<hbm>>
      tpu.enqueue_dma source(%dma_start3A_172 : memref<80xi32, #tpu.memory_space<hbm>>) target(%arg15 : memref<80xi32, #tpu.memory_space<vmem>>) target_semaphore(%run_scoped3A : memref<!tpu.dma_semaphore, #tpu.memory_space<semaphore_mem>>)
      %dma_wait3A_173 = tpu.memref_slice %arg2[%add3A_143] : memref<819200xi32, #tpu.memory_space<hbm>> -> memref<80xi32, #tpu.memory_space<hbm>>
      %dma_wait3A_174 = tpu.memref_slice %arg2[%add3A_143] : memref<819200xi32, #tpu.memory_space<hbm>> -> memref<80xi32, #tpu.memory_space<hbm>>
      tpu.wait_dma2 semaphore(%run_scoped3A : memref<!tpu.dma_semaphore, #tpu.memory_space<semaphore_mem>>) src(%dma_wait3A_174 : memref<80xi32, #tpu.memory_space<hbm>>) dst(%arg15 : memref<80xi32, #tpu.memory_space<vmem>>)
      tpu.yield
    }) : () -> ()
    "tpu.region"() ({
      %run_scoped3A = tpu.sem_alloc : memref<!tpu.dma_semaphore, #tpu.memory_space<semaphore_mem>>
      %dma_start3A_171 = arith.constant 0 : i32
      %dma_start3A_172 = tpu.memref_slice %arg17[%dma_start3A_171] : memref<104xi32, #tpu.memory_space<vmem>> -> memref<80xi32, #tpu.memory_space<vmem>>
      %dma_start3A_173 = tpu.memref_slice %arg3[%add3A_143] : memref<819200xi32, #tpu.memory_space<hbm>> -> memref<80xi32, #tpu.memory_space<hbm>>
      %dma_start3A_174 = arith.constant 0 : i32
      %dma_start3A_175 = tpu.memref_slice %arg17[%dma_start3A_174] : memref<104xi32, #tpu.memory_space<vmem>> -> memref<80xi32, #tpu.memory_space<vmem>>
      %dma_start3A_176 = tpu.memref_slice %arg3[%add3A_143] : memref<819200xi32, #tpu.memory_space<hbm>> -> memref<80xi32, #tpu.memory_space<hbm>>
      tpu.enqueue_dma source(%dma_start3A_176 : memref<80xi32, #tpu.memory_space<hbm>>) target(%dma_start3A_175 : memref<80xi32, #tpu.memory_space<vmem>>) target_semaphore(%run_scoped3A : memref<!tpu.dma_semaphore, #tpu.memory_space<semaphore_mem>>)
      %dma_wait3A_177 = arith.constant 0 : i32
      %dma_wait3A_178 = tpu.memref_slice %arg17[%dma_wait3A_177] : memref<104xi32, #tpu.memory_space<vmem>> -> memref<80xi32, #tpu.memory_space<vmem>>
      %dma_wait3A_179 = tpu.memref_slice %arg3[%add3A_143] : memref<819200xi32, #tpu.memory_space<hbm>> -> memref<80xi32, #tpu.memory_space<hbm>>
      %dma_wait3A_180 = arith.constant 0 : i32
      %dma_wait3A_181 = tpu.memref_slice %arg17[%dma_wait3A_180] : memref<104xi32, #tpu.memory_space<vmem>> -> memref<80xi32, #tpu.memory_space<vmem>>
      %dma_wait3A_182 = tpu.memref_slice %arg3[%add3A_143] : memref<819200xi32, #tpu.memory_space<hbm>> -> memref<80xi32, #tpu.memory_space<hbm>>
      tpu.wait_dma2 semaphore(%run_scoped3A : memref<!tpu.dma_semaphore, #tpu.memory_space<semaphore_mem>>) src(%dma_wait3A_182 : memref<80xi32, #tpu.memory_space<hbm>>) dst(%dma_wait3A_181 : memref<80xi32, #tpu.memory_space<vmem>>)
      tpu.yield
    }) : () -> ()
    %dma_start3A = arith.constant 0 : i32
    %dma_start3A_144 = arith.constant 0 : i32
    %dma_start3A_145 = tpu.memref_slice %arg4[%dma_start3A, %dma_start3A_144] : memref<100000x128xf32, #tpu.memory_space<hbm>> -> memref<100000x128xf32, #tpu.memory_space<hbm>>
    tpu.enqueue_indirect_dma source(%dma_start3A_145 : memref<100000x128xf32, #tpu.memory_space<hbm>>) target(%arg11 : memref<80x128xf32, #tpu.memory_space<vmem>>) offsets(%arg15 : memref<80xi32, #tpu.memory_space<vmem>>) semaphore(%arg23 : memref<!tpu.dma_semaphore, #tpu.memory_space<semaphore_mem>>)
    %add3A_146 = arith.constant 80 : i32
    %add3A_147 = arith.addi %mul3A_2, %add3A_146 : i32
    "tpu.region"() ({
      %run_scoped3A = tpu.sem_alloc : memref<!tpu.dma_semaphore, #tpu.memory_space<semaphore_mem>>
      %dma_start3A_171 = tpu.memref_slice %arg2[%add3A_147] : memref<819200xi32, #tpu.memory_space<hbm>> -> memref<80xi32, #tpu.memory_space<hbm>>
      %dma_start3A_172 = tpu.memref_slice %arg2[%add3A_147] : memref<819200xi32, #tpu.memory_space<hbm>> -> memref<80xi32, #tpu.memory_space<hbm>>
      tpu.enqueue_dma source(%dma_start3A_172 : memref<80xi32, #tpu.memory_space<hbm>>) target(%arg16 : memref<80xi32, #tpu.memory_space<vmem>>) target_semaphore(%run_scoped3A : memref<!tpu.dma_semaphore, #tpu.memory_space<semaphore_mem>>)
      %dma_wait3A_173 = tpu.memref_slice %arg2[%add3A_147] : memref<819200xi32, #tpu.memory_space<hbm>> -> memref<80xi32, #tpu.memory_space<hbm>>
      %dma_wait3A_174 = tpu.memref_slice %arg2[%add3A_147] : memref<819200xi32, #tpu.memory_space<hbm>> -> memref<80xi32, #tpu.memory_space<hbm>>
      tpu.wait_dma2 semaphore(%run_scoped3A : memref<!tpu.dma_semaphore, #tpu.memory_space<semaphore_mem>>) src(%dma_wait3A_174 : memref<80xi32, #tpu.memory_space<hbm>>) dst(%arg16 : memref<80xi32, #tpu.memory_space<vmem>>)
      tpu.yield
    }) : () -> ()
    "tpu.region"() ({
      %run_scoped3A = tpu.sem_alloc : memref<!tpu.dma_semaphore, #tpu.memory_space<semaphore_mem>>
      %dma_start3A_171 = arith.constant 0 : i32
      %dma_start3A_172 = tpu.memref_slice %arg18[%dma_start3A_171] : memref<104xi32, #tpu.memory_space<vmem>> -> memref<80xi32, #tpu.memory_space<vmem>>
      %dma_start3A_173 = tpu.memref_slice %arg3[%add3A_147] : memref<819200xi32, #tpu.memory_space<hbm>> -> memref<80xi32, #tpu.memory_space<hbm>>
      %dma_start3A_174 = arith.constant 0 : i32
      %dma_start3A_175 = tpu.memref_slice %arg18[%dma_start3A_174] : memref<104xi32, #tpu.memory_space<vmem>> -> memref<80xi32, #tpu.memory_space<vmem>>
      %dma_start3A_176 = tpu.memref_slice %arg3[%add3A_147] : memref<819200xi32, #tpu.memory_space<hbm>> -> memref<80xi32, #tpu.memory_space<hbm>>
      tpu.enqueue_dma source(%dma_start3A_176 : memref<80xi32, #tpu.memory_space<hbm>>) target(%dma_start3A_175 : memref<80xi32, #tpu.memory_space<vmem>>) target_semaphore(%run_scoped3A : memref<!tpu.dma_semaphore, #tpu.memory_space<semaphore_mem>>)
      %dma_wait3A_177 = arith.constant 0 : i32
      %dma_wait3A_178 = tpu.memref_slice %arg18[%dma_wait3A_177] : memref<104xi32, #tpu.memory_space<vmem>> -> memref<80xi32, #tpu.memory_space<vmem>>
      %dma_wait3A_179 = tpu.memref_slice %arg3[%add3A_147] : memref<819200xi32, #tpu.memory_space<hbm>> -> memref<80xi32, #tpu.memory_space<hbm>>
      %dma_wait3A_180 = arith.constant 0 : i32
      %dma_wait3A_181 = tpu.memref_slice %arg18[%dma_wait3A_180] : memref<104xi32, #tpu.memory_space<vmem>> -> memref<80xi32, #tpu.memory_space<vmem>>
      %dma_wait3A_182 = tpu.memref_slice %arg3[%add3A_147] : memref<819200xi32, #tpu.memory_space<hbm>> -> memref<80xi32, #tpu.memory_space<hbm>>
      tpu.wait_dma2 semaphore(%run_scoped3A : memref<!tpu.dma_semaphore, #tpu.memory_space<semaphore_mem>>) src(%dma_wait3A_182 : memref<80xi32, #tpu.memory_space<hbm>>) dst(%dma_wait3A_181 : memref<80xi32, #tpu.memory_space<vmem>>)
      tpu.yield
    }) : () -> ()
    %dma_start3A_148 = arith.constant 0 : i32
    %dma_start3A_149 = arith.constant 0 : i32
    %dma_start3A_150 = tpu.memref_slice %arg4[%dma_start3A_148, %dma_start3A_149] : memref<100000x128xf32, #tpu.memory_space<hbm>> -> memref<100000x128xf32, #tpu.memory_space<hbm>>
    tpu.enqueue_indirect_dma source(%dma_start3A_150 : memref<100000x128xf32, #tpu.memory_space<hbm>>) target(%arg12 : memref<80x128xf32, #tpu.memory_space<vmem>>) offsets(%arg16 : memref<80xi32, #tpu.memory_space<vmem>>) semaphore(%arg24 : memref<!tpu.dma_semaphore, #tpu.memory_space<semaphore_mem>>)
    %iota3A = tpu.iota {dimensions = array<i32: 0>} : vector<16xi32>
    %lt3A = arith.constant 8 : i32
    %lt3A_151 = vector.broadcast %lt3A : i32 to vector<16xi32>
    %lt3A_152 = arith.cmpi slt, %iota3A, %lt3A_151 : vector<16xi32>
    %scan3A_153 = arith.constant 0 : i32
    %scan3A_154 = arith.constant 7.812500e-03 : f32
    %scan3A_155 = arith.constant 0 : i32
    %scan3A_156 = arith.constant 160 : i32
    %scan3A_157 = arith.addi %scan3A_155, %scan3A_156 : i32
    %scan3A_158 = arith.constant 1 : i32
    scf.for %scan3A_171 = %scan3A_155 to %scan3A_157 step %scan3A_158  : i32 {
      %mul3A_172 = arith.constant 2 : i32
      %mul3A_173 = arith.muli %scan3A_171, %mul3A_172 : i32
      %add3A_174 = arith.constant 0 : i32
      %add3A_175 = arith.addi %mul3A_173, %add3A_174 : i32
      %mul3A_176 = arith.constant 80 : i32
      %mul3A_177 = arith.muli %add3A_175, %mul3A_176 : i32
      %add3A_178 = arith.addi %mul3A_2, %mul3A_177 : i32
      %mul3A_179 = arith.constant 80 : i32
      %mul3A_180 = arith.muli %add3A_175, %mul3A_179 : i32
      %rem3A = arith.constant 200 : i32
      %rem3A_181 = arith.remsi %mul3A_180, %rem3A : i32
      %dma_wait3A_182 = arith.constant 0 : i32
      %dma_wait3A_183 = arith.constant 0 : i32
      %dma_wait3A_184 = tpu.memref_slice %arg4[%dma_wait3A_182, %dma_wait3A_183] : memref<100000x128xf32, #tpu.memory_space<hbm>> -> memref<100000x128xf32, #tpu.memory_space<hbm>>
      tpu.wait_indirect_dma semaphore(%arg23 : memref<!tpu.dma_semaphore, #tpu.memory_space<semaphore_mem>>) src(%dma_wait3A_184 : memref<100000x128xf32, #tpu.memory_space<hbm>>) dst(%arg11 : memref<80x128xf32, #tpu.memory_space<vmem>>)
      %ge3A = arith.constant 2 : i32
      %ge3A_185 = arith.cmpi sge, %add3A_175, %ge3A : i32
      %convert_element_type3A = arith.extui %ge3A_185 : i1 to i32
      %cond3A = arith.constant 0 : i32
      %cond3A_186 = arith.cmpi ne, %convert_element_type3A, %cond3A : i32
      scf.if %cond3A_186 {
        %dma_wait3A_233 = arith.constant 0 : i32
        %dma_wait3A_234 = tpu.memref_slice %arg9[%add3A_178, %dma_wait3A_233] : memref<819200x128xf32, #tpu.memory_space<hbm>> -> memref<80x128xf32, #tpu.memory_space<hbm>>
        %dma_wait3A_235 = arith.constant 0 : i32
        %dma_wait3A_236 = tpu.memref_slice %arg9[%add3A_178, %dma_wait3A_235] : memref<819200x128xf32, #tpu.memory_space<hbm>> -> memref<80x128xf32, #tpu.memory_space<hbm>>
        tpu.wait_dma2 semaphore(%arg25 : memref<!tpu.dma_semaphore, #tpu.memory_space<semaphore_mem>>) src(%arg13 : memref<80x128xf32, #tpu.memory_space<vmem>>) dst(%dma_wait3A_236 : memref<80x128xf32, #tpu.memory_space<hbm>>)
      } else {
      }
      %parallel_loop3A = arith.constant 0 : i32
      %parallel_loop3A_187 = arith.constant 40 : i32
      %parallel_loop3A_188 = arith.constant 1 : i32
      scf.for %parallel_loop3A_233 = %parallel_loop3A to %parallel_loop3A_187 step %parallel_loop3A_188  : i32 {
        %parallel_loop3A_234 = arith.constant 2 : i32
        %parallel_loop3A_235 = arith.muli %parallel_loop3A_234, %parallel_loop3A_233 : i32
        %parallel_loop3A_236 = arith.constant 64 : i32
        %parallel_loop3A_237 = arith.muli %parallel_loop3A_233, %parallel_loop3A_236 : i32
        %parallel_loop3A_238 = arith.addi %rem3A_181, %parallel_loop3A_235 : i32
        %parallel_loop3A_239 = arith.constant 200 : i32
        %parallel_loop3A_240 = arith.cmpi sge, %parallel_loop3A_238, %parallel_loop3A_239 : i32
        %parallel_loop3A_241 = arith.constant 200 : i32
        %parallel_loop3A_242 = arith.subi %parallel_loop3A_238, %parallel_loop3A_241 : i32
        %parallel_loop3A_243 = arith.select %parallel_loop3A_240, %parallel_loop3A_242, %parallel_loop3A_238 : i32
        %parallel_loop3A_244 = arith.index_cast %parallel_loop3A_235 : i32 to index
        %parallel_loop3A_245 = tpu.vector_load %arg17[%parallel_loop3A_244] {strides = array<i32>} : memref<104xi32, #tpu.memory_space<vmem>>, vector<16xi32>,
        %parallel_loop3A_246 = vector.shape_cast %parallel_loop3A_245 : vector<16xi32> to vector<16xi32>
        %parallel_loop3A_247 = vector.extract_strided_slice %parallel_loop3A_246 {offsets = [0], sizes = [1], strides = [1]} : vector<16xi32> to vector<1xi32>
        %parallel_loop3A_248 = vector.extract %parallel_loop3A_247[0] : i32 from vector<1xi32>
        %parallel_loop3A_249 = arith.sitofp %parallel_loop3A_248 : i32 to f32
        %parallel_loop3A_250 = vector.broadcast %parallel_loop3A_249 : f32 to vector<16xf32>
        %parallel_loop3A_251 = arith.index_cast %parallel_loop3A_235 : i32 to index
        %parallel_loop3A_252 = arith.constant 0 : index
        %parallel_loop3A_253 = tpu.vector_load %arg11[%parallel_loop3A_251, %parallel_loop3A_252] {strides = array<i32>} : memref<80x128xf32, #tpu.memory_space<vmem>>, vector<1x16xf32>,
        %parallel_loop3A_254 = vector.shape_cast %parallel_loop3A_253 : vector<1x16xf32> to vector<16xf32>
        %parallel_loop3A_255 = arith.index_cast %parallel_loop3A_243 : i32 to index
        %parallel_loop3A_256 = arith.constant 0 : index
        %parallel_loop3A_257 = tpu.vector_load %arg10[%parallel_loop3A_255, %parallel_loop3A_256] {strides = array<i32>} : memref<200x128xf32, #tpu.memory_space<vmem>>, vector<1x16xf32>,
        %parallel_loop3A_258 = vector.shape_cast %parallel_loop3A_257 : vector<1x16xf32> to vector<16xf32>
        %parallel_loop3A_259 = arith.addf %parallel_loop3A_254, %parallel_loop3A_258 : vector<16xf32>
        %parallel_loop3A_260 = arith.mulf %parallel_loop3A_250, %sub3A : vector<16xf32>
        %parallel_loop3A_261 = arith.addf %parallel_loop3A_259, %parallel_loop3A_260 : vector<16xf32>
        %parallel_loop3A_262 = arith.index_cast %parallel_loop3A_235 : i32 to index
        %parallel_loop3A_263 = arith.constant 16 : index
        %parallel_loop3A_264 = tpu.vector_load %arg11[%parallel_loop3A_262, %parallel_loop3A_263] {strides = array<i32>} : memref<80x128xf32, #tpu.memory_space<vmem>>, vector<1x16xf32>,
        %parallel_loop3A_265 = vector.shape_cast %parallel_loop3A_264 : vector<1x16xf32> to vector<16xf32>
        %parallel_loop3A_266 = arith.index_cast %parallel_loop3A_243 : i32 to index
        %parallel_loop3A_267 = arith.constant 16 : index
        %parallel_loop3A_268 = tpu.vector_load %arg10[%parallel_loop3A_266, %parallel_loop3A_267] {strides = array<i32>} : memref<200x128xf32, #tpu.memory_space<vmem>>, vector<1x16xf32>,
        %parallel_loop3A_269 = vector.shape_cast %parallel_loop3A_268 : vector<1x16xf32> to vector<16xf32>
        %parallel_loop3A_270 = arith.addf %parallel_loop3A_265, %parallel_loop3A_269 : vector<16xf32>
        %parallel_loop3A_271 = arith.mulf %parallel_loop3A_250, %sub3A_27 : vector<16xf32>
        %parallel_loop3A_272 = arith.addf %parallel_loop3A_270, %parallel_loop3A_271 : vector<16xf32>
        %parallel_loop3A_273 = arith.index_cast %parallel_loop3A_235 : i32 to index
        %parallel_loop3A_274 = arith.constant 32 : index
        %parallel_loop3A_275 = tpu.vector_load %arg11[%parallel_loop3A_273, %parallel_loop3A_274] {strides = array<i32>} : memref<80x128xf32, #tpu.memory_space<vmem>>, vector<1x16xf32>,
        %parallel_loop3A_276 = vector.shape_cast %parallel_loop3A_275 : vector<1x16xf32> to vector<16xf32>
        %parallel_loop3A_277 = arith.index_cast %parallel_loop3A_243 : i32 to index
        %parallel_loop3A_278 = arith.constant 32 : index
        %parallel_loop3A_279 = tpu.vector_load %arg10[%parallel_loop3A_277, %parallel_loop3A_278] {strides = array<i32>} : memref<200x128xf32, #tpu.memory_space<vmem>>, vector<1x16xf32>,
        %parallel_loop3A_280 = vector.shape_cast %parallel_loop3A_279 : vector<1x16xf32> to vector<16xf32>
        %parallel_loop3A_281 = arith.addf %parallel_loop3A_276, %parallel_loop3A_280 : vector<16xf32>
        %parallel_loop3A_282 = arith.mulf %parallel_loop3A_250, %sub3A_38 : vector<16xf32>
        %parallel_loop3A_283 = arith.addf %parallel_loop3A_281, %parallel_loop3A_282 : vector<16xf32>
        %parallel_loop3A_284 = arith.index_cast %parallel_loop3A_235 : i32 to index
        %parallel_loop3A_285 = arith.constant 48 : index
        %parallel_loop3A_286 = tpu.vector_load %arg11[%parallel_loop3A_284, %parallel_loop3A_285] {strides = array<i32>} : memref<80x128xf32, #tpu.memory_space<vmem>>, vector<1x16xf32>,
        %parallel_loop3A_287 = vector.shape_cast %parallel_loop3A_286 : vector<1x16xf32> to vector<16xf32>
        %parallel_loop3A_288 = arith.index_cast %parallel_loop3A_243 : i32 to index
        %parallel_loop3A_289 = arith.constant 48 : index
        %parallel_loop3A_290 = tpu.vector_load %arg10[%parallel_loop3A_288, %parallel_loop3A_289] {strides = array<i32>} : memref<200x128xf32, #tpu.memory_space<vmem>>, vector<1x16xf32>,
        %parallel_loop3A_291 = vector.shape_cast %parallel_loop3A_290 : vector<1x16xf32> to vector<16xf32>
        %parallel_loop3A_292 = arith.addf %parallel_loop3A_287, %parallel_loop3A_291 : vector<16xf32>
        %parallel_loop3A_293 = arith.mulf %parallel_loop3A_250, %sub3A_49 : vector<16xf32>
        %parallel_loop3A_294 = arith.addf %parallel_loop3A_292, %parallel_loop3A_293 : vector<16xf32>
        %parallel_loop3A_295 = arith.index_cast %parallel_loop3A_235 : i32 to index
        %parallel_loop3A_296 = arith.constant 64 : index
        %parallel_loop3A_297 = tpu.vector_load %arg11[%parallel_loop3A_295, %parallel_loop3A_296] {strides = array<i32>} : memref<80x128xf32, #tpu.memory_space<vmem>>, vector<1x16xf32>,
        %parallel_loop3A_298 = vector.shape_cast %parallel_loop3A_297 : vector<1x16xf32> to vector<16xf32>
        %parallel_loop3A_299 = arith.index_cast %parallel_loop3A_243 : i32 to index
        %parallel_loop3A_300 = arith.constant 64 : index
        %parallel_loop3A_301 = tpu.vector_load %arg10[%parallel_loop3A_299, %parallel_loop3A_300] {strides = array<i32>} : memref<200x128xf32, #tpu.memory_space<vmem>>, vector<1x16xf32>,
        %parallel_loop3A_302 = vector.shape_cast %parallel_loop3A_301 : vector<1x16xf32> to vector<16xf32>
        %parallel_loop3A_303 = arith.addf %parallel_loop3A_298, %parallel_loop3A_302 : vector<16xf32>
        %parallel_loop3A_304 = arith.mulf %parallel_loop3A_250, %sub3A_60 : vector<16xf32>
        %parallel_loop3A_305 = arith.addf %parallel_loop3A_303, %parallel_loop3A_304 : vector<16xf32>
        %parallel_loop3A_306 = arith.index_cast %parallel_loop3A_235 : i32 to index
        %parallel_loop3A_307 = arith.constant 80 : index
        %parallel_loop3A_308 = tpu.vector_load %arg11[%parallel_loop3A_306, %parallel_loop3A_307] {strides = array<i32>} : memref<80x128xf32, #tpu.memory_space<vmem>>, vector<1x16xf32>,
        %parallel_loop3A_309 = vector.shape_cast %parallel_loop3A_308 : vector<1x16xf32> to vector<16xf32>
        %parallel_loop3A_310 = arith.index_cast %parallel_loop3A_243 : i32 to index
        %parallel_loop3A_311 = arith.constant 80 : index
        %parallel_loop3A_312 = tpu.vector_load %arg10[%parallel_loop3A_310, %parallel_loop3A_311] {strides = array<i32>} : memref<200x128xf32, #tpu.memory_space<vmem>>, vector<1x16xf32>,
        %parallel_loop3A_313 = vector.shape_cast %parallel_loop3A_312 : vector<1x16xf32> to vector<16xf32>
        %parallel_loop3A_314 = arith.addf %parallel_loop3A_309, %parallel_loop3A_313 : vector<16xf32>
        %parallel_loop3A_315 = arith.mulf %parallel_loop3A_250, %sub3A_71 : vector<16xf32>
        %parallel_loop3A_316 = arith.addf %parallel_loop3A_314, %parallel_loop3A_315 : vector<16xf32>
        %parallel_loop3A_317 = arith.index_cast %parallel_loop3A_235 : i32 to index
        %parallel_loop3A_318 = arith.constant 96 : index
        %parallel_loop3A_319 = tpu.vector_load %arg11[%parallel_loop3A_317, %parallel_loop3A_318] {strides = array<i32>} : memref<80x128xf32, #tpu.memory_space<vmem>>, vector<1x16xf32>,
        %parallel_loop3A_320 = vector.shape_cast %parallel_loop3A_319 : vector<1x16xf32> to vector<16xf32>
        %parallel_loop3A_321 = arith.index_cast %parallel_loop3A_243 : i32 to index
        %parallel_loop3A_322 = arith.constant 96 : index
        %parallel_loop3A_323 = tpu.vector_load %arg10[%parallel_loop3A_321, %parallel_loop3A_322] {strides = array<i32>} : memref<200x128xf32, #tpu.memory_space<vmem>>, vector<1x16xf32>,
        %parallel_loop3A_324 = vector.shape_cast %parallel_loop3A_323 : vector<1x16xf32> to vector<16xf32>
        %parallel_loop3A_325 = arith.addf %parallel_loop3A_320, %parallel_loop3A_324 : vector<16xf32>
        %parallel_loop3A_326 = arith.mulf %parallel_loop3A_250, %sub3A_82 : vector<16xf32>
        %parallel_loop3A_327 = arith.addf %parallel_loop3A_325, %parallel_loop3A_326 : vector<16xf32>
        %parallel_loop3A_328 = arith.index_cast %parallel_loop3A_235 : i32 to index
        %parallel_loop3A_329 = arith.constant 112 : index
        %parallel_loop3A_330 = tpu.vector_load %arg11[%parallel_loop3A_328, %parallel_loop3A_329] {strides = array<i32>} : memref<80x128xf32, #tpu.memory_space<vmem>>, vector<1x16xf32>,
        %parallel_loop3A_331 = vector.shape_cast %parallel_loop3A_330 : vector<1x16xf32> to vector<16xf32>
        %parallel_loop3A_332 = arith.index_cast %parallel_loop3A_243 : i32 to index
        %parallel_loop3A_333 = arith.constant 112 : index
        %parallel_loop3A_334 = tpu.vector_load %arg10[%parallel_loop3A_332, %parallel_loop3A_333] {strides = array<i32>} : memref<200x128xf32, #tpu.memory_space<vmem>>, vector<1x16xf32>,
        %parallel_loop3A_335 = vector.shape_cast %parallel_loop3A_334 : vector<1x16xf32> to vector<16xf32>
        %parallel_loop3A_336 = arith.addf %parallel_loop3A_331, %parallel_loop3A_335 : vector<16xf32>
        %parallel_loop3A_337 = arith.mulf %parallel_loop3A_250, %sub3A_93 : vector<16xf32>
        %parallel_loop3A_338 = arith.addf %parallel_loop3A_336, %parallel_loop3A_337 : vector<16xf32>
        %parallel_loop3A_339 = arith.addf %parallel_loop3A_261, %parallel_loop3A_272 : vector<16xf32>
        %parallel_loop3A_340 = arith.addf %parallel_loop3A_339, %parallel_loop3A_283 : vector<16xf32>
        %parallel_loop3A_341 = arith.addf %parallel_loop3A_340, %parallel_loop3A_294 : vector<16xf32>
        %parallel_loop3A_342 = arith.addf %parallel_loop3A_341, %parallel_loop3A_305 : vector<16xf32>
        %parallel_loop3A_343 = arith.addf %parallel_loop3A_342, %parallel_loop3A_316 : vector<16xf32>
        %parallel_loop3A_344 = arith.addf %parallel_loop3A_343, %parallel_loop3A_327 : vector<16xf32>
        %parallel_loop3A_345 = arith.addf %parallel_loop3A_344, %parallel_loop3A_338 : vector<16xf32>
        %parallel_loop3A_346 = arith.mulf %parallel_loop3A_261, %parallel_loop3A_261 : vector<16xf32>
        %parallel_loop3A_347 = arith.mulf %parallel_loop3A_272, %parallel_loop3A_272 : vector<16xf32>
        %parallel_loop3A_348 = arith.addf %parallel_loop3A_346, %parallel_loop3A_347 : vector<16xf32>
        %parallel_loop3A_349 = arith.mulf %parallel_loop3A_283, %parallel_loop3A_283 : vector<16xf32>
        %parallel_loop3A_350 = arith.addf %parallel_loop3A_348, %parallel_loop3A_349 : vector<16xf32>
        %parallel_loop3A_351 = arith.mulf %parallel_loop3A_294, %parallel_loop3A_294 : vector<16xf32>
        %parallel_loop3A_352 = arith.addf %parallel_loop3A_350, %parallel_loop3A_351 : vector<16xf32>
        %parallel_loop3A_353 = arith.mulf %parallel_loop3A_305, %parallel_loop3A_305 : vector<16xf32>
        %parallel_loop3A_354 = arith.addf %parallel_loop3A_352, %parallel_loop3A_353 : vector<16xf32>
        %parallel_loop3A_355 = arith.mulf %parallel_loop3A_316, %parallel_loop3A_316 : vector<16xf32>
        %parallel_loop3A_356 = arith.addf %parallel_loop3A_354, %parallel_loop3A_355 : vector<16xf32>
        %parallel_loop3A_357 = arith.mulf %parallel_loop3A_327, %parallel_loop3A_327 : vector<16xf32>
        %parallel_loop3A_358 = arith.addf %parallel_loop3A_356, %parallel_loop3A_357 : vector<16xf32>
        %parallel_loop3A_359 = arith.mulf %parallel_loop3A_338, %parallel_loop3A_338 : vector<16xf32>
        %parallel_loop3A_360 = arith.addf %parallel_loop3A_358, %parallel_loop3A_359 : vector<16xf32>
        %parallel_loop3A_361 = arith.constant 1 : i32
        %parallel_loop3A_362 = arith.addi %parallel_loop3A_235, %parallel_loop3A_361 : i32
        %parallel_loop3A_363 = arith.addi %rem3A_181, %parallel_loop3A_362 : i32
        %parallel_loop3A_364 = arith.constant 200 : i32
        %parallel_loop3A_365 = arith.cmpi sge, %parallel_loop3A_363, %parallel_loop3A_364 : i32
        %parallel_loop3A_366 = arith.constant 200 : i32
        %parallel_loop3A_367 = arith.subi %parallel_loop3A_363, %parallel_loop3A_366 : i32
        %parallel_loop3A_368 = arith.select %parallel_loop3A_365, %parallel_loop3A_367, %parallel_loop3A_363 : i32
        %parallel_loop3A_369 = arith.index_cast %parallel_loop3A_362 : i32 to index
        %parallel_loop3A_370 = tpu.vector_load %arg17[%parallel_loop3A_369] {strides = array<i32>} : memref<104xi32, #tpu.memory_space<vmem>>, vector<16xi32>,
        %parallel_loop3A_371 = vector.shape_cast %parallel_loop3A_370 : vector<16xi32> to vector<16xi32>
        %parallel_loop3A_372 = vector.extract_strided_slice %parallel_loop3A_371 {offsets = [0], sizes = [1], strides = [1]} : vector<16xi32> to vector<1xi32>
        %parallel_loop3A_373 = vector.extract %parallel_loop3A_372[0] : i32 from vector<1xi32>
        %parallel_loop3A_374 = arith.sitofp %parallel_loop3A_373 : i32 to f32
        %parallel_loop3A_375 = vector.broadcast %parallel_loop3A_374 : f32 to vector<16xf32>
        %parallel_loop3A_376 = arith.index_cast %parallel_loop3A_362 : i32 to index
        %parallel_loop3A_377 = arith.constant 0 : index
        %parallel_loop3A_378 = tpu.vector_load %arg11[%parallel_loop3A_376, %parallel_loop3A_377] {strides = array<i32>} : memref<80x128xf32, #tpu.memory_space<vmem>>, vector<1x16xf32>,
        %parallel_loop3A_379 = vector.shape_cast %parallel_loop3A_378 : vector<1x16xf32> to vector<16xf32>
        %parallel_loop3A_380 = arith.index_cast %parallel_loop3A_368 : i32 to index
        %parallel_loop3A_381 = arith.constant 0 : index
        %parallel_loop3A_382 = tpu.vector_load %arg10[%parallel_loop3A_380, %parallel_loop3A_381] {strides = array<i32>} : memref<200x128xf32, #tpu.memory_space<vmem>>, vector<1x16xf32>,
        %parallel_loop3A_383 = vector.shape_cast %parallel_loop3A_382 : vector<1x16xf32> to vector<16xf32>
        %parallel_loop3A_384 = arith.addf %parallel_loop3A_379, %parallel_loop3A_383 : vector<16xf32>
        %parallel_loop3A_385 = arith.mulf %parallel_loop3A_375, %sub3A : vector<16xf32>
        %parallel_loop3A_386 = arith.addf %parallel_loop3A_384, %parallel_loop3A_385 : vector<16xf32>
        %parallel_loop3A_387 = arith.index_cast %parallel_loop3A_362 : i32 to index
        %parallel_loop3A_388 = arith.constant 16 : index
        %parallel_loop3A_389 = tpu.vector_load %arg11[%parallel_loop3A_387, %parallel_loop3A_388] {strides = array<i32>} : memref<80x128xf32, #tpu.memory_space<vmem>>, vector<1x16xf32>,
        %parallel_loop3A_390 = vector.shape_cast %parallel_loop3A_389 : vector<1x16xf32> to vector<16xf32>
        %parallel_loop3A_391 = arith.index_cast %parallel_loop3A_368 : i32 to index
        %parallel_loop3A_392 = arith.constant 16 : index
        %parallel_loop3A_393 = tpu.vector_load %arg10[%parallel_loop3A_391, %parallel_loop3A_392] {strides = array<i32>} : memref<200x128xf32, #tpu.memory_space<vmem>>, vector<1x16xf32>,
        %parallel_loop3A_394 = vector.shape_cast %parallel_loop3A_393 : vector<1x16xf32> to vector<16xf32>
        %parallel_loop3A_395 = arith.addf %parallel_loop3A_390, %parallel_loop3A_394 : vector<16xf32>
        %parallel_loop3A_396 = arith.mulf %parallel_loop3A_375, %sub3A_27 : vector<16xf32>
        %parallel_loop3A_397 = arith.addf %parallel_loop3A_395, %parallel_loop3A_396 : vector<16xf32>
        %parallel_loop3A_398 = arith.index_cast %parallel_loop3A_362 : i32 to index
        %parallel_loop3A_399 = arith.constant 32 : index
        %parallel_loop3A_400 = tpu.vector_load %arg11[%parallel_loop3A_398, %parallel_loop3A_399] {strides = array<i32>} : memref<80x128xf32, #tpu.memory_space<vmem>>, vector<1x16xf32>,
        %parallel_loop3A_401 = vector.shape_cast %parallel_loop3A_400 : vector<1x16xf32> to vector<16xf32>
        %parallel_loop3A_402 = arith.index_cast %parallel_loop3A_368 : i32 to index
        %parallel_loop3A_403 = arith.constant 32 : index
        %parallel_loop3A_404 = tpu.vector_load %arg10[%parallel_loop3A_402, %parallel_loop3A_403] {strides = array<i32>} : memref<200x128xf32, #tpu.memory_space<vmem>>, vector<1x16xf32>,
        %parallel_loop3A_405 = vector.shape_cast %parallel_loop3A_404 : vector<1x16xf32> to vector<16xf32>
        %parallel_loop3A_406 = arith.addf %parallel_loop3A_401, %parallel_loop3A_405 : vector<16xf32>
        %parallel_loop3A_407 = arith.mulf %parallel_loop3A_375, %sub3A_38 : vector<16xf32>
        %parallel_loop3A_408 = arith.addf %parallel_loop3A_406, %parallel_loop3A_407 : vector<16xf32>
        %parallel_loop3A_409 = arith.index_cast %parallel_loop3A_362 : i32 to index
        %parallel_loop3A_410 = arith.constant 48 : index
        %parallel_loop3A_411 = tpu.vector_load %arg11[%parallel_loop3A_409, %parallel_loop3A_410] {strides = array<i32>} : memref<80x128xf32, #tpu.memory_space<vmem>>, vector<1x16xf32>,
        %parallel_loop3A_412 = vector.shape_cast %parallel_loop3A_411 : vector<1x16xf32> to vector<16xf32>
        %parallel_loop3A_413 = arith.index_cast %parallel_loop3A_368 : i32 to index
        %parallel_loop3A_414 = arith.constant 48 : index
        %parallel_loop3A_415 = tpu.vector_load %arg10[%parallel_loop3A_413, %parallel_loop3A_414] {strides = array<i32>} : memref<200x128xf32, #tpu.memory_space<vmem>>, vector<1x16xf32>,
        %parallel_loop3A_416 = vector.shape_cast %parallel_loop3A_415 : vector<1x16xf32> to vector<16xf32>
        %parallel_loop3A_417 = arith.addf %parallel_loop3A_412, %parallel_loop3A_416 : vector<16xf32>
        %parallel_loop3A_418 = arith.mulf %parallel_loop3A_375, %sub3A_49 : vector<16xf32>
        %parallel_loop3A_419 = arith.addf %parallel_loop3A_417, %parallel_loop3A_418 : vector<16xf32>
        %parallel_loop3A_420 = arith.index_cast %parallel_loop3A_362 : i32 to index
        %parallel_loop3A_421 = arith.constant 64 : index
        %parallel_loop3A_422 = tpu.vector_load %arg11[%parallel_loop3A_420, %parallel_loop3A_421] {strides = array<i32>} : memref<80x128xf32, #tpu.memory_space<vmem>>, vector<1x16xf32>,
        %parallel_loop3A_423 = vector.shape_cast %parallel_loop3A_422 : vector<1x16xf32> to vector<16xf32>
        %parallel_loop3A_424 = arith.index_cast %parallel_loop3A_368 : i32 to index
        %parallel_loop3A_425 = arith.constant 64 : index
        %parallel_loop3A_426 = tpu.vector_load %arg10[%parallel_loop3A_424, %parallel_loop3A_425] {strides = array<i32>} : memref<200x128xf32, #tpu.memory_space<vmem>>, vector<1x16xf32>,
        %parallel_loop3A_427 = vector.shape_cast %parallel_loop3A_426 : vector<1x16xf32> to vector<16xf32>
        %parallel_loop3A_428 = arith.addf %parallel_loop3A_423, %parallel_loop3A_427 : vector<16xf32>
        %parallel_loop3A_429 = arith.mulf %parallel_loop3A_375, %sub3A_60 : vector<16xf32>
        %parallel_loop3A_430 = arith.addf %parallel_loop3A_428, %parallel_loop3A_429 : vector<16xf32>
        %parallel_loop3A_431 = arith.index_cast %parallel_loop3A_362 : i32 to index
        %parallel_loop3A_432 = arith.constant 80 : index
        %parallel_loop3A_433 = tpu.vector_load %arg11[%parallel_loop3A_431, %parallel_loop3A_432] {strides = array<i32>} : memref<80x128xf32, #tpu.memory_space<vmem>>, vector<1x16xf32>,
        %parallel_loop3A_434 = vector.shape_cast %parallel_loop3A_433 : vector<1x16xf32> to vector<16xf32>
        %parallel_loop3A_435 = arith.index_cast %parallel_loop3A_368 : i32 to index
        %parallel_loop3A_436 = arith.constant 80 : index
        %parallel_loop3A_437 = tpu.vector_load %arg10[%parallel_loop3A_435, %parallel_loop3A_436] {strides = array<i32>} : memref<200x128xf32, #tpu.memory_space<vmem>>, vector<1x16xf32>,
        %parallel_loop3A_438 = vector.shape_cast %parallel_loop3A_437 : vector<1x16xf32> to vector<16xf32>
        %parallel_loop3A_439 = arith.addf %parallel_loop3A_434, %parallel_loop3A_438 : vector<16xf32>
        %parallel_loop3A_440 = arith.mulf %parallel_loop3A_375, %sub3A_71 : vector<16xf32>
        %parallel_loop3A_441 = arith.addf %parallel_loop3A_439, %parallel_loop3A_440 : vector<16xf32>
        %parallel_loop3A_442 = arith.index_cast %parallel_loop3A_362 : i32 to index
        %parallel_loop3A_443 = arith.constant 96 : index
        %parallel_loop3A_444 = tpu.vector_load %arg11[%parallel_loop3A_442, %parallel_loop3A_443] {strides = array<i32>} : memref<80x128xf32, #tpu.memory_space<vmem>>, vector<1x16xf32>,
        %parallel_loop3A_445 = vector.shape_cast %parallel_loop3A_444 : vector<1x16xf32> to vector<16xf32>
        %parallel_loop3A_446 = arith.index_cast %parallel_loop3A_368 : i32 to index
        %parallel_loop3A_447 = arith.constant 96 : index
        %parallel_loop3A_448 = tpu.vector_load %arg10[%parallel_loop3A_446, %parallel_loop3A_447] {strides = array<i32>} : memref<200x128xf32, #tpu.memory_space<vmem>>, vector<1x16xf32>,
        %parallel_loop3A_449 = vector.shape_cast %parallel_loop3A_448 : vector<1x16xf32> to vector<16xf32>
        %parallel_loop3A_450 = arith.addf %parallel_loop3A_445, %parallel_loop3A_449 : vector<16xf32>
        %parallel_loop3A_451 = arith.mulf %parallel_loop3A_375, %sub3A_82 : vector<16xf32>
        %parallel_loop3A_452 = arith.addf %parallel_loop3A_450, %parallel_loop3A_451 : vector<16xf32>
        %parallel_loop3A_453 = arith.index_cast %parallel_loop3A_362 : i32 to index
        %parallel_loop3A_454 = arith.constant 112 : index
        %parallel_loop3A_455 = tpu.vector_load %arg11[%parallel_loop3A_453, %parallel_loop3A_454] {strides = array<i32>} : memref<80x128xf32, #tpu.memory_space<vmem>>, vector<1x16xf32>,
        %parallel_loop3A_456 = vector.shape_cast %parallel_loop3A_455 : vector<1x16xf32> to vector<16xf32>
        %parallel_loop3A_457 = arith.index_cast %parallel_loop3A_368 : i32 to index
        %parallel_loop3A_458 = arith.constant 112 : index
        %parallel_loop3A_459 = tpu.vector_load %arg10[%parallel_loop3A_457, %parallel_loop3A_458] {strides = array<i32>} : memref<200x128xf32, #tpu.memory_space<vmem>>, vector<1x16xf32>,
        %parallel_loop3A_460 = vector.shape_cast %parallel_loop3A_459 : vector<1x16xf32> to vector<16xf32>
        %parallel_loop3A_461 = arith.addf %parallel_loop3A_456, %parallel_loop3A_460 : vector<16xf32>
        %parallel_loop3A_462 = arith.mulf %parallel_loop3A_375, %sub3A_93 : vector<16xf32>
        %parallel_loop3A_463 = arith.addf %parallel_loop3A_461, %parallel_loop3A_462 : vector<16xf32>
        %parallel_loop3A_464 = arith.addf %parallel_loop3A_386, %parallel_loop3A_397 : vector<16xf32>
        %parallel_loop3A_465 = arith.addf %parallel_loop3A_464, %parallel_loop3A_408 : vector<16xf32>
        %parallel_loop3A_466 = arith.addf %parallel_loop3A_465, %parallel_loop3A_419 : vector<16xf32>
        %parallel_loop3A_467 = arith.addf %parallel_loop3A_466, %parallel_loop3A_430 : vector<16xf32>
        %parallel_loop3A_468 = arith.addf %parallel_loop3A_467, %parallel_loop3A_441 : vector<16xf32>
        %parallel_loop3A_469 = arith.addf %parallel_loop3A_468, %parallel_loop3A_452 : vector<16xf32>
        %parallel_loop3A_470 = arith.addf %parallel_loop3A_469, %parallel_loop3A_463 : vector<16xf32>
        %parallel_loop3A_471 = arith.mulf %parallel_loop3A_386, %parallel_loop3A_386 : vector<16xf32>
        %parallel_loop3A_472 = arith.mulf %parallel_loop3A_397, %parallel_loop3A_397 : vector<16xf32>
        %parallel_loop3A_473 = arith.addf %parallel_loop3A_471, %parallel_loop3A_472 : vector<16xf32>
        %parallel_loop3A_474 = arith.mulf %parallel_loop3A_408, %parallel_loop3A_408 : vector<16xf32>
        %parallel_loop3A_475 = arith.addf %parallel_loop3A_473, %parallel_loop3A_474 : vector<16xf32>
        %parallel_loop3A_476 = arith.mulf %parallel_loop3A_419, %parallel_loop3A_419 : vector<16xf32>
        %parallel_loop3A_477 = arith.addf %parallel_loop3A_475, %parallel_loop3A_476 : vector<16xf32>
        %parallel_loop3A_478 = arith.mulf %parallel_loop3A_430, %parallel_loop3A_430 : vector<16xf32>
        %parallel_loop3A_479 = arith.addf %parallel_loop3A_477, %parallel_loop3A_478 : vector<16xf32>
        %parallel_loop3A_480 = arith.mulf %parallel_loop3A_441, %parallel_loop3A_441 : vector<16xf32>
        %parallel_loop3A_481 = arith.addf %parallel_loop3A_479, %parallel_loop3A_480 : vector<16xf32>
        %parallel_loop3A_482 = arith.mulf %parallel_loop3A_452, %parallel_loop3A_452 : vector<16xf32>
        %parallel_loop3A_483 = arith.addf %parallel_loop3A_481, %parallel_loop3A_482 : vector<16xf32>
        %parallel_loop3A_484 = arith.mulf %parallel_loop3A_463, %parallel_loop3A_463 : vector<16xf32>
        %parallel_loop3A_485 = arith.addf %parallel_loop3A_483, %parallel_loop3A_484 : vector<16xf32>
        %parallel_loop3A_486 = arith.constant 15 : i32
        %parallel_loop3A_487 = vector.broadcast %parallel_loop3A_486 : i32 to vector<16xi32>
        %parallel_loop3A_488 = tpu.iota {dimensions = array<i32: 0>} : vector<16xi32>
        %parallel_loop3A_489 = arith.subi %parallel_loop3A_487, %parallel_loop3A_488 : vector<16xi32>
        %parallel_loop3A_490 = tpu.dynamic_gather %parallel_loop3A_345[%parallel_loop3A_489] in [0] : vector<16xf32>, vector<16xi32> -> vector<16xf32>
        %parallel_loop3A_491 = arith.addf %parallel_loop3A_345, %parallel_loop3A_490 : vector<16xf32>
        %parallel_loop3A_492 = arith.constant 15 : i32
        %parallel_loop3A_493 = vector.broadcast %parallel_loop3A_492 : i32 to vector<16xi32>
        %parallel_loop3A_494 = tpu.iota {dimensions = array<i32: 0>} : vector<16xi32>
        %parallel_loop3A_495 = arith.subi %parallel_loop3A_493, %parallel_loop3A_494 : vector<16xi32>
        %parallel_loop3A_496 = tpu.dynamic_gather %parallel_loop3A_470[%parallel_loop3A_495] in [0] : vector<16xf32>, vector<16xi32> -> vector<16xf32>
        %parallel_loop3A_497 = arith.addf %parallel_loop3A_470, %parallel_loop3A_496 : vector<16xf32>
        %parallel_loop3A_498 = arith.select %lt3A_152, %parallel_loop3A_491, %parallel_loop3A_497 : vector<16xi1>, vector<16xf32>
        %parallel_loop3A_499 = arith.index_cast %parallel_loop3A_237 : i32 to index
        %parallel_loop3A_500 = tpu.vector_load %arg22[%parallel_loop3A_499] {strides = array<i32>} : memref<2560xf32, #tpu.memory_space<vmem>>, vector<16xf32>,
        %parallel_loop3A_501 = vector.shape_cast %parallel_loop3A_500 : vector<16xf32> to vector<16xf32>
        %parallel_loop3A_502 = vector.shape_cast %parallel_loop3A_498 : vector<16xf32> to vector<16xf32>
        tpu.vector_store %arg22[%parallel_loop3A_499], %parallel_loop3A_502 {strides = array<i32>} : memref<2560xf32, #tpu.memory_space<vmem>>, vector<16xf32>,
        %parallel_loop3A_503 = arith.constant 4 : i32
        %parallel_loop3A_504 = arith.addi %parallel_loop3A_237, %parallel_loop3A_503 : i32
        %parallel_loop3A_505 = arith.index_cast %parallel_loop3A_504 : i32 to index
        %parallel_loop3A_506 = tpu.vector_load %arg22[%parallel_loop3A_505] {strides = array<i32>} : memref<2560xf32, #tpu.memory_space<vmem>>, vector<16xf32>,
        %parallel_loop3A_507 = vector.shape_cast %parallel_loop3A_506 : vector<16xf32> to vector<16xf32>
        %parallel_loop3A_508 = arith.addf %parallel_loop3A_498, %parallel_loop3A_507 : vector<16xf32>
        %parallel_loop3A_509 = arith.index_cast %parallel_loop3A_237 : i32 to index
        %parallel_loop3A_510 = tpu.vector_load %arg22[%parallel_loop3A_509] {strides = array<i32>} : memref<2560xf32, #tpu.memory_space<vmem>>, vector<16xf32>,
        %parallel_loop3A_511 = vector.shape_cast %parallel_loop3A_510 : vector<16xf32> to vector<16xf32>
        %parallel_loop3A_512 = vector.shape_cast %parallel_loop3A_508 : vector<16xf32> to vector<16xf32>
        tpu.vector_store %arg22[%parallel_loop3A_509], %parallel_loop3A_512 {strides = array<i32>} : memref<2560xf32, #tpu.memory_space<vmem>>, vector<16xf32>,
        %parallel_loop3A_513 = arith.constant 2 : i32
        %parallel_loop3A_514 = arith.addi %parallel_loop3A_237, %parallel_loop3A_513 : i32
        %parallel_loop3A_515 = arith.index_cast %parallel_loop3A_514 : i32 to index
        %parallel_loop3A_516 = tpu.vector_load %arg22[%parallel_loop3A_515] {strides = array<i32>} : memref<2560xf32, #tpu.memory_space<vmem>>, vector<16xf32>,
        %parallel_loop3A_517 = vector.shape_cast %parallel_loop3A_516 : vector<16xf32> to vector<16xf32>
        %parallel_loop3A_518 = arith.addf %parallel_loop3A_508, %parallel_loop3A_517 : vector<16xf32>
        %parallel_loop3A_519 = arith.index_cast %parallel_loop3A_237 : i32 to index
        %parallel_loop3A_520 = tpu.vector_load %arg22[%parallel_loop3A_519] {strides = array<i32>} : memref<2560xf32, #tpu.memory_space<vmem>>, vector<16xf32>,
        %parallel_loop3A_521 = vector.shape_cast %parallel_loop3A_520 : vector<16xf32> to vector<16xf32>
        %parallel_loop3A_522 = vector.shape_cast %parallel_loop3A_518 : vector<16xf32> to vector<16xf32>
        tpu.vector_store %arg22[%parallel_loop3A_519], %parallel_loop3A_522 {strides = array<i32>} : memref<2560xf32, #tpu.memory_space<vmem>>, vector<16xf32>,
        %parallel_loop3A_523 = arith.constant 1 : i32
        %parallel_loop3A_524 = arith.addi %parallel_loop3A_237, %parallel_loop3A_523 : i32
        %parallel_loop3A_525 = arith.index_cast %parallel_loop3A_524 : i32 to index
        %parallel_loop3A_526 = tpu.vector_load %arg22[%parallel_loop3A_525] {strides = array<i32>} : memref<2560xf32, #tpu.memory_space<vmem>>, vector<16xf32>,
        %parallel_loop3A_527 = vector.shape_cast %parallel_loop3A_526 : vector<16xf32> to vector<16xf32>
        %parallel_loop3A_528 = arith.addf %parallel_loop3A_518, %parallel_loop3A_527 : vector<16xf32>
        %parallel_loop3A_529 = arith.constant 32 : i32
        %parallel_loop3A_530 = arith.addi %parallel_loop3A_237, %parallel_loop3A_529 : i32
        %parallel_loop3A_531 = arith.constant 15 : i32
        %parallel_loop3A_532 = vector.broadcast %parallel_loop3A_531 : i32 to vector<16xi32>
        %parallel_loop3A_533 = tpu.iota {dimensions = array<i32: 0>} : vector<16xi32>
        %parallel_loop3A_534 = arith.subi %parallel_loop3A_532, %parallel_loop3A_533 : vector<16xi32>
        %parallel_loop3A_535 = tpu.dynamic_gather %parallel_loop3A_360[%parallel_loop3A_534] in [0] : vector<16xf32>, vector<16xi32> -> vector<16xf32>
        %parallel_loop3A_536 = arith.addf %parallel_loop3A_360, %parallel_loop3A_535 : vector<16xf32>
        %parallel_loop3A_537 = arith.constant 15 : i32
        %parallel_loop3A_538 = vector.broadcast %parallel_loop3A_537 : i32 to vector<16xi32>
        %parallel_loop3A_539 = tpu.iota {dimensions = array<i32: 0>} : vector<16xi32>
        %parallel_loop3A_540 = arith.subi %parallel_loop3A_538, %parallel_loop3A_539 : vector<16xi32>
        %parallel_loop3A_541 = tpu.dynamic_gather %parallel_loop3A_485[%parallel_loop3A_540] in [0] : vector<16xf32>, vector<16xi32> -> vector<16xf32>
        %parallel_loop3A_542 = arith.addf %parallel_loop3A_485, %parallel_loop3A_541 : vector<16xf32>
        %parallel_loop3A_543 = arith.select %lt3A_152, %parallel_loop3A_536, %parallel_loop3A_542 : vector<16xi1>, vector<16xf32>
        %parallel_loop3A_544 = arith.index_cast %parallel_loop3A_530 : i32 to index
        %parallel_loop3A_545 = tpu.vector_load %arg22[%parallel_loop3A_544] {strides = array<i32>} : memref<2560xf32, #tpu.memory_space<vmem>>, vector<16xf32>,
        %parallel_loop3A_546 = vector.shape_cast %parallel_loop3A_545 : vector<16xf32> to vector<16xf32>
        %parallel_loop3A_547 = vector.shape_cast %parallel_loop3A_543 : vector<16xf32> to vector<16xf32>
        tpu.vector_store %arg22[%parallel_loop3A_544], %parallel_loop3A_547 {strides = array<i32>} : memref<2560xf32, #tpu.memory_space<vmem>>, vector<16xf32>,
        %parallel_loop3A_548 = arith.constant 4 : i32
        %parallel_loop3A_549 = arith.addi %parallel_loop3A_530, %parallel_loop3A_548 : i32
        %parallel_loop3A_550 = arith.index_cast %parallel_loop3A_549 : i32 to index
        %parallel_loop3A_551 = tpu.vector_load %arg22[%parallel_loop3A_550] {strides = array<i32>} : memref<2560xf32, #tpu.memory_space<vmem>>, vector<16xf32>,
        %parallel_loop3A_552 = vector.shape_cast %parallel_loop3A_551 : vector<16xf32> to vector<16xf32>
        %parallel_loop3A_553 = arith.addf %parallel_loop3A_543, %parallel_loop3A_552 : vector<16xf32>
        %parallel_loop3A_554 = arith.index_cast %parallel_loop3A_530 : i32 to index
        %parallel_loop3A_555 = tpu.vector_load %arg22[%parallel_loop3A_554] {strides = array<i32>} : memref<2560xf32, #tpu.memory_space<vmem>>, vector<16xf32>,
        %parallel_loop3A_556 = vector.shape_cast %parallel_loop3A_555 : vector<16xf32> to vector<16xf32>
        %parallel_loop3A_557 = vector.shape_cast %parallel_loop3A_553 : vector<16xf32> to vector<16xf32>
        tpu.vector_store %arg22[%parallel_loop3A_554], %parallel_loop3A_557 {strides = array<i32>} : memref<2560xf32, #tpu.memory_space<vmem>>, vector<16xf32>,
        %parallel_loop3A_558 = arith.constant 2 : i32
        %parallel_loop3A_559 = arith.addi %parallel_loop3A_530, %parallel_loop3A_558 : i32
        %parallel_loop3A_560 = arith.index_cast %parallel_loop3A_559 : i32 to index
        %parallel_loop3A_561 = tpu.vector_load %arg22[%parallel_loop3A_560] {strides = array<i32>} : memref<2560xf32, #tpu.memory_space<vmem>>, vector<16xf32>,
        %parallel_loop3A_562 = vector.shape_cast %parallel_loop3A_561 : vector<16xf32> to vector<16xf32>
        %parallel_loop3A_563 = arith.addf %parallel_loop3A_553, %parallel_loop3A_562 : vector<16xf32>
        %parallel_loop3A_564 = arith.index_cast %parallel_loop3A_530 : i32 to index
        %parallel_loop3A_565 = tpu.vector_load %arg22[%parallel_loop3A_564] {strides = array<i32>} : memref<2560xf32, #tpu.memory_space<vmem>>, vector<16xf32>,
        %parallel_loop3A_566 = vector.shape_cast %parallel_loop3A_565 : vector<16xf32> to vector<16xf32>
        %parallel_loop3A_567 = vector.shape_cast %parallel_loop3A_563 : vector<16xf32> to vector<16xf32>
        tpu.vector_store %arg22[%parallel_loop3A_564], %parallel_loop3A_567 {strides = array<i32>} : memref<2560xf32, #tpu.memory_space<vmem>>, vector<16xf32>,
        %parallel_loop3A_568 = arith.constant 1 : i32
        %parallel_loop3A_569 = arith.addi %parallel_loop3A_530, %parallel_loop3A_568 : i32
        %parallel_loop3A_570 = arith.index_cast %parallel_loop3A_569 : i32 to index
        %parallel_loop3A_571 = tpu.vector_load %arg22[%parallel_loop3A_570] {strides = array<i32>} : memref<2560xf32, #tpu.memory_space<vmem>>, vector<16xf32>,
        %parallel_loop3A_572 = vector.shape_cast %parallel_loop3A_571 : vector<16xf32> to vector<16xf32>
        %parallel_loop3A_573 = arith.addf %parallel_loop3A_563, %parallel_loop3A_572 : vector<16xf32>
        %parallel_loop3A_574 = vector.broadcast %scan3A_154 : f32 to vector<16xf32>
        %parallel_loop3A_575 = arith.mulf %parallel_loop3A_528, %parallel_loop3A_574 : vector<16xf32>
        %parallel_loop3A_576 = vector.broadcast %scan3A_154 : f32 to vector<16xf32>
        %parallel_loop3A_577 = arith.mulf %parallel_loop3A_573, %parallel_loop3A_576 : vector<16xf32>
        %parallel_loop3A_578 = arith.mulf %parallel_loop3A_575, %parallel_loop3A_575 : vector<16xf32>
        %parallel_loop3A_579 = arith.subf %parallel_loop3A_577, %parallel_loop3A_578 : vector<16xf32>
        %parallel_loop3A_580 = arith.constant 9.99999996E-13 : f32
        %parallel_loop3A_581 = vector.broadcast %parallel_loop3A_580 : f32 to vector<16xf32>
        %parallel_loop3A_582 = arith.addf %parallel_loop3A_579, %parallel_loop3A_581 : vector<16xf32>
        %parallel_loop3A_583 = tpu.bitcast %parallel_loop3A_582 : vector<16xf32> -> vector<16xi32>
        %parallel_loop3A_584 = arith.constant 1 : i32
        %parallel_loop3A_585 = vector.broadcast %parallel_loop3A_584 : i32 to vector<16xi32>
        %parallel_loop3A_586 = arith.shrui %parallel_loop3A_583, %parallel_loop3A_585 : vector<16xi32>
        %parallel_loop3A_587 = arith.constant 1597463007 : i32
        %parallel_loop3A_588 = vector.broadcast %parallel_loop3A_587 : i32 to vector<16xi32>
        %parallel_loop3A_589 = arith.subi %parallel_loop3A_588, %parallel_loop3A_586 : vector<16xi32>
        %parallel_loop3A_590 = tpu.bitcast %parallel_loop3A_589 : vector<16xi32> -> vector<16xf32>
        %parallel_loop3A_591 = arith.constant 5.000000e-01 : f32
        %parallel_loop3A_592 = vector.broadcast %parallel_loop3A_591 : f32 to vector<16xf32>
        %parallel_loop3A_593 = arith.mulf %parallel_loop3A_592, %parallel_loop3A_582 : vector<16xf32>
        %parallel_loop3A_594 = arith.mulf %parallel_loop3A_593, %parallel_loop3A_590 : vector<16xf32>
        %parallel_loop3A_595 = arith.mulf %parallel_loop3A_594, %parallel_loop3A_590 : vector<16xf32>
        %parallel_loop3A_596 = arith.constant 1.500000e+00 : f32
        %parallel_loop3A_597 = vector.broadcast %parallel_loop3A_596 : f32 to vector<16xf32>
        %parallel_loop3A_598 = arith.subf %parallel_loop3A_597, %parallel_loop3A_595 : vector<16xf32>
        %parallel_loop3A_599 = arith.mulf %parallel_loop3A_590, %parallel_loop3A_598 : vector<16xf32>
        %parallel_loop3A_600 = arith.constant 5.000000e-01 : f32
        %parallel_loop3A_601 = vector.broadcast %parallel_loop3A_600 : f32 to vector<16xf32>
        %parallel_loop3A_602 = arith.mulf %parallel_loop3A_601, %parallel_loop3A_582 : vector<16xf32>
        %parallel_loop3A_603 = arith.mulf %parallel_loop3A_602, %parallel_loop3A_599 : vector<16xf32>
        %parallel_loop3A_604 = arith.mulf %parallel_loop3A_603, %parallel_loop3A_599 : vector<16xf32>
        %parallel_loop3A_605 = arith.constant 1.500000e+00 : f32
        %parallel_loop3A_606 = vector.broadcast %parallel_loop3A_605 : f32 to vector<16xf32>
        %parallel_loop3A_607 = arith.subf %parallel_loop3A_606, %parallel_loop3A_604 : vector<16xf32>
        %parallel_loop3A_608 = arith.mulf %parallel_loop3A_599, %parallel_loop3A_607 : vector<16xf32>
        %parallel_loop3A_609 = arith.constant 5.000000e-01 : f32
        %parallel_loop3A_610 = vector.broadcast %parallel_loop3A_609 : f32 to vector<16xf32>
        %parallel_loop3A_611 = arith.mulf %parallel_loop3A_610, %parallel_loop3A_582 : vector<16xf32>
        %parallel_loop3A_612 = arith.mulf %parallel_loop3A_611, %parallel_loop3A_608 : vector<16xf32>
        %parallel_loop3A_613 = arith.mulf %parallel_loop3A_612, %parallel_loop3A_608 : vector<16xf32>
        %parallel_loop3A_614 = arith.constant 1.500000e+00 : f32
        %parallel_loop3A_615 = vector.broadcast %parallel_loop3A_614 : f32 to vector<16xf32>
        %parallel_loop3A_616 = arith.subf %parallel_loop3A_615, %parallel_loop3A_613 : vector<16xf32>
        %parallel_loop3A_617 = arith.mulf %parallel_loop3A_608, %parallel_loop3A_616 : vector<16xf32>
        %parallel_loop3A_618 = vector.extract_strided_slice %parallel_loop3A_575 {offsets = [0], sizes = [1], strides = [1]} : vector<16xf32> to vector<1xf32>
        %parallel_loop3A_619 = vector.extract %parallel_loop3A_618[0] : f32 from vector<1xf32>
        %parallel_loop3A_620 = vector.extract_strided_slice %parallel_loop3A_617 {offsets = [0], sizes = [1], strides = [1]} : vector<16xf32> to vector<1xf32>
        %parallel_loop3A_621 = vector.extract %parallel_loop3A_620[0] : f32 from vector<1xf32>
        %parallel_loop3A_622 = vector.broadcast %parallel_loop3A_619 : f32 to vector<16xf32>
        %parallel_loop3A_623 = vector.broadcast %parallel_loop3A_621 : f32 to vector<16xf32>
        %parallel_loop3A_624 = arith.subf %parallel_loop3A_261, %parallel_loop3A_622 : vector<16xf32>
        %parallel_loop3A_625 = arith.mulf %parallel_loop3A_624, %parallel_loop3A_623 : vector<16xf32>
        %parallel_loop3A_626 = arith.mulf %parallel_loop3A_625, %get3A_96 : vector<16xf32>
        %parallel_loop3A_627 = arith.addf %parallel_loop3A_626, %get3A_120 : vector<16xf32>
        %parallel_loop3A_628 = arith.index_cast %parallel_loop3A_235 : i32 to index
        %parallel_loop3A_629 = arith.constant 0 : index
        %parallel_loop3A_630 = tpu.vector_load %arg13[%parallel_loop3A_628, %parallel_loop3A_629] {strides = array<i32>} : memref<80x128xf32, #tpu.memory_space<vmem>>, vector<1x16xf32>,
        %parallel_loop3A_631 = vector.shape_cast %parallel_loop3A_630 : vector<1x16xf32> to vector<16xf32>
        %parallel_loop3A_632 = vector.shape_cast %parallel_loop3A_627 : vector<16xf32> to vector<1x16xf32>
        tpu.vector_store %arg13[%parallel_loop3A_628, %parallel_loop3A_629], %parallel_loop3A_632 {strides = array<i32>} : memref<80x128xf32, #tpu.memory_space<vmem>>, vector<1x16xf32>,
        %parallel_loop3A_633 = arith.subf %parallel_loop3A_272, %parallel_loop3A_622 : vector<16xf32>
        %parallel_loop3A_634 = arith.mulf %parallel_loop3A_633, %parallel_loop3A_623 : vector<16xf32>
        %parallel_loop3A_635 = arith.mulf %parallel_loop3A_634, %get3A_99 : vector<16xf32>
        %parallel_loop3A_636 = arith.addf %parallel_loop3A_635, %get3A_123 : vector<16xf32>
        %parallel_loop3A_637 = arith.index_cast %parallel_loop3A_235 : i32 to index
        %parallel_loop3A_638 = arith.constant 16 : index
        %parallel_loop3A_639 = tpu.vector_load %arg13[%parallel_loop3A_637, %parallel_loop3A_638] {strides = array<i32>} : memref<80x128xf32, #tpu.memory_space<vmem>>, vector<1x16xf32>,
        %parallel_loop3A_640 = vector.shape_cast %parallel_loop3A_639 : vector<1x16xf32> to vector<16xf32>
        %parallel_loop3A_641 = vector.shape_cast %parallel_loop3A_636 : vector<16xf32> to vector<1x16xf32>
        tpu.vector_store %arg13[%parallel_loop3A_637, %parallel_loop3A_638], %parallel_loop3A_641 {strides = array<i32>} : memref<80x128xf32, #tpu.memory_space<vmem>>, vector<1x16xf32>,
        %parallel_loop3A_642 = arith.subf %parallel_loop3A_283, %parallel_loop3A_622 : vector<16xf32>
        %parallel_loop3A_643 = arith.mulf %parallel_loop3A_642, %parallel_loop3A_623 : vector<16xf32>
        %parallel_loop3A_644 = arith.mulf %parallel_loop3A_643, %get3A_102 : vector<16xf32>
        %parallel_loop3A_645 = arith.addf %parallel_loop3A_644, %get3A_126 : vector<16xf32>
        %parallel_loop3A_646 = arith.index_cast %parallel_loop3A_235 : i32 to index
        %parallel_loop3A_647 = arith.constant 32 : index
        %parallel_loop3A_648 = tpu.vector_load %arg13[%parallel_loop3A_646, %parallel_loop3A_647] {strides = array<i32>} : memref<80x128xf32, #tpu.memory_space<vmem>>, vector<1x16xf32>,
        %parallel_loop3A_649 = vector.shape_cast %parallel_loop3A_648 : vector<1x16xf32> to vector<16xf32>
        %parallel_loop3A_650 = vector.shape_cast %parallel_loop3A_645 : vector<16xf32> to vector<1x16xf32>
        tpu.vector_store %arg13[%parallel_loop3A_646, %parallel_loop3A_647], %parallel_loop3A_650 {strides = array<i32>} : memref<80x128xf32, #tpu.memory_space<vmem>>, vector<1x16xf32>,
        %parallel_loop3A_651 = arith.subf %parallel_loop3A_294, %parallel_loop3A_622 : vector<16xf32>
        %parallel_loop3A_652 = arith.mulf %parallel_loop3A_651, %parallel_loop3A_623 : vector<16xf32>
        %parallel_loop3A_653 = arith.mulf %parallel_loop3A_652, %get3A_105 : vector<16xf32>
        %parallel_loop3A_654 = arith.addf %parallel_loop3A_653, %get3A_129 : vector<16xf32>
        %parallel_loop3A_655 = arith.index_cast %parallel_loop3A_235 : i32 to index
        %parallel_loop3A_656 = arith.constant 48 : index
        %parallel_loop3A_657 = tpu.vector_load %arg13[%parallel_loop3A_655, %parallel_loop3A_656] {strides = array<i32>} : memref<80x128xf32, #tpu.memory_space<vmem>>, vector<1x16xf32>,
        %parallel_loop3A_658 = vector.shape_cast %parallel_loop3A_657 : vector<1x16xf32> to vector<16xf32>
        %parallel_loop3A_659 = vector.shape_cast %parallel_loop3A_654 : vector<16xf32> to vector<1x16xf32>
        tpu.vector_store %arg13[%parallel_loop3A_655, %parallel_loop3A_656], %parallel_loop3A_659 {strides = array<i32>} : memref<80x128xf32, #tpu.memory_space<vmem>>, vector<1x16xf32>,
        %parallel_loop3A_660 = arith.subf %parallel_loop3A_305, %parallel_loop3A_622 : vector<16xf32>
        %parallel_loop3A_661 = arith.mulf %parallel_loop3A_660, %parallel_loop3A_623 : vector<16xf32>
        %parallel_loop3A_662 = arith.mulf %parallel_loop3A_661, %get3A_108 : vector<16xf32>
        %parallel_loop3A_663 = arith.addf %parallel_loop3A_662, %get3A_132 : vector<16xf32>
        %parallel_loop3A_664 = arith.index_cast %parallel_loop3A_235 : i32 to index
        %parallel_loop3A_665 = arith.constant 64 : index
        %parallel_loop3A_666 = tpu.vector_load %arg13[%parallel_loop3A_664, %parallel_loop3A_665] {strides = array<i32>} : memref<80x128xf32, #tpu.memory_space<vmem>>, vector<1x16xf32>,
        %parallel_loop3A_667 = vector.shape_cast %parallel_loop3A_666 : vector<1x16xf32> to vector<16xf32>
        %parallel_loop3A_668 = vector.shape_cast %parallel_loop3A_663 : vector<16xf32> to vector<1x16xf32>
        tpu.vector_store %arg13[%parallel_loop3A_664, %parallel_loop3A_665], %parallel_loop3A_668 {strides = array<i32>} : memref<80x128xf32, #tpu.memory_space<vmem>>, vector<1x16xf32>,
        %parallel_loop3A_669 = arith.subf %parallel_loop3A_316, %parallel_loop3A_622 : vector<16xf32>
        %parallel_loop3A_670 = arith.mulf %parallel_loop3A_669, %parallel_loop3A_623 : vector<16xf32>
        %parallel_loop3A_671 = arith.mulf %parallel_loop3A_670, %get3A_111 : vector<16xf32>
        %parallel_loop3A_672 = arith.addf %parallel_loop3A_671, %get3A_135 : vector<16xf32>
        %parallel_loop3A_673 = arith.index_cast %parallel_loop3A_235 : i32 to index
        %parallel_loop3A_674 = arith.constant 80 : index
        %parallel_loop3A_675 = tpu.vector_load %arg13[%parallel_loop3A_673, %parallel_loop3A_674] {strides = array<i32>} : memref<80x128xf32, #tpu.memory_space<vmem>>, vector<1x16xf32>,
        %parallel_loop3A_676 = vector.shape_cast %parallel_loop3A_675 : vector<1x16xf32> to vector<16xf32>
        %parallel_loop3A_677 = vector.shape_cast %parallel_loop3A_672 : vector<16xf32> to vector<1x16xf32>
        tpu.vector_store %arg13[%parallel_loop3A_673, %parallel_loop3A_674], %parallel_loop3A_677 {strides = array<i32>} : memref<80x128xf32, #tpu.memory_space<vmem>>, vector<1x16xf32>,
        %parallel_loop3A_678 = arith.subf %parallel_loop3A_327, %parallel_loop3A_622 : vector<16xf32>
        %parallel_loop3A_679 = arith.mulf %parallel_loop3A_678, %parallel_loop3A_623 : vector<16xf32>
        %parallel_loop3A_680 = arith.mulf %parallel_loop3A_679, %get3A_114 : vector<16xf32>
        %parallel_loop3A_681 = arith.addf %parallel_loop3A_680, %get3A_138 : vector<16xf32>
        %parallel_loop3A_682 = arith.index_cast %parallel_loop3A_235 : i32 to index
        %parallel_loop3A_683 = arith.constant 96 : index
        %parallel_loop3A_684 = tpu.vector_load %arg13[%parallel_loop3A_682, %parallel_loop3A_683] {strides = array<i32>} : memref<80x128xf32, #tpu.memory_space<vmem>>, vector<1x16xf32>,
        %parallel_loop3A_685 = vector.shape_cast %parallel_loop3A_684 : vector<1x16xf32> to vector<16xf32>
        %parallel_loop3A_686 = vector.shape_cast %parallel_loop3A_681 : vector<16xf32> to vector<1x16xf32>
        tpu.vector_store %arg13[%parallel_loop3A_682, %parallel_loop3A_683], %parallel_loop3A_686 {strides = array<i32>} : memref<80x128xf32, #tpu.memory_space<vmem>>, vector<1x16xf32>,
        %parallel_loop3A_687 = arith.subf %parallel_loop3A_338, %parallel_loop3A_622 : vector<16xf32>
        %parallel_loop3A_688 = arith.mulf %parallel_loop3A_687, %parallel_loop3A_623 : vector<16xf32>
        %parallel_loop3A_689 = arith.mulf %parallel_loop3A_688, %get3A_117 : vector<16xf32>
        %parallel_loop3A_690 = arith.addf %parallel_loop3A_689, %get3A_141 : vector<16xf32>
        %parallel_loop3A_691 = arith.index_cast %parallel_loop3A_235 : i32 to index
        %parallel_loop3A_692 = arith.constant 112 : index
        %parallel_loop3A_693 = tpu.vector_load %arg13[%parallel_loop3A_691, %parallel_loop3A_692] {strides = array<i32>} : memref<80x128xf32, #tpu.memory_space<vmem>>, vector<1x16xf32>,
        %parallel_loop3A_694 = vector.shape_cast %parallel_loop3A_693 : vector<1x16xf32> to vector<16xf32>
        %parallel_loop3A_695 = vector.shape_cast %parallel_loop3A_690 : vector<16xf32> to vector<1x16xf32>
        tpu.vector_store %arg13[%parallel_loop3A_691, %parallel_loop3A_692], %parallel_loop3A_695 {strides = array<i32>} : memref<80x128xf32, #tpu.memory_space<vmem>>, vector<1x16xf32>,
        %parallel_loop3A_696 = arith.constant 1 : i32
        %parallel_loop3A_697 = arith.addi %parallel_loop3A_235, %parallel_loop3A_696 : i32
        %parallel_loop3A_698 = vector.extract_strided_slice %parallel_loop3A_575 {offsets = [8], sizes = [1], strides = [1]} : vector<16xf32> to vector<1xf32>
        %parallel_loop3A_699 = vector.extract %parallel_loop3A_698[0] : f32 from vector<1xf32>
        %parallel_loop3A_700 = vector.extract_strided_slice %parallel_loop3A_617 {offsets = [8], sizes = [1], strides = [1]} : vector<16xf32> to vector<1xf32>
        %parallel_loop3A_701 = vector.extract %parallel_loop3A_700[0] : f32 from vector<1xf32>
        %parallel_loop3A_702 = vector.broadcast %parallel_loop3A_699 : f32 to vector<16xf32>
        %parallel_loop3A_703 = vector.broadcast %parallel_loop3A_701 : f32 to vector<16xf32>
        %parallel_loop3A_704 = arith.subf %parallel_loop3A_386, %parallel_loop3A_702 : vector<16xf32>
        %parallel_loop3A_705 = arith.mulf %parallel_loop3A_704, %parallel_loop3A_703 : vector<16xf32>
        %parallel_loop3A_706 = arith.mulf %parallel_loop3A_705, %get3A_96 : vector<16xf32>
        %parallel_loop3A_707 = arith.addf %parallel_loop3A_706, %get3A_120 : vector<16xf32>
        %parallel_loop3A_708 = arith.index_cast %parallel_loop3A_697 : i32 to index
        %parallel_loop3A_709 = arith.constant 0 : index
        %parallel_loop3A_710 = tpu.vector_load %arg13[%parallel_loop3A_708, %parallel_loop3A_709] {strides = array<i32>} : memref<80x128xf32, #tpu.memory_space<vmem>>, vector<1x16xf32>,
        %parallel_loop3A_711 = vector.shape_cast %parallel_loop3A_710 : vector<1x16xf32> to vector<16xf32>
        %parallel_loop3A_712 = vector.shape_cast %parallel_loop3A_707 : vector<16xf32> to vector<1x16xf32>
        tpu.vector_store %arg13[%parallel_loop3A_708, %parallel_loop3A_709], %parallel_loop3A_712 {strides = array<i32>} : memref<80x128xf32, #tpu.memory_space<vmem>>, vector<1x16xf32>,
        %parallel_loop3A_713 = arith.subf %parallel_loop3A_397, %parallel_loop3A_702 : vector<16xf32>
        %parallel_loop3A_714 = arith.mulf %parallel_loop3A_713, %parallel_loop3A_703 : vector<16xf32>
        %parallel_loop3A_715 = arith.mulf %parallel_loop3A_714, %get3A_99 : vector<16xf32>
        %parallel_loop3A_716 = arith.addf %parallel_loop3A_715, %get3A_123 : vector<16xf32>
        %parallel_loop3A_717 = arith.index_cast %parallel_loop3A_697 : i32 to index
        %parallel_loop3A_718 = arith.constant 16 : index
        %parallel_loop3A_719 = tpu.vector_load %arg13[%parallel_loop3A_717, %parallel_loop3A_718] {strides = array<i32>} : memref<80x128xf32, #tpu.memory_space<vmem>>, vector<1x16xf32>,
        %parallel_loop3A_720 = vector.shape_cast %parallel_loop3A_719 : vector<1x16xf32> to vector<16xf32>
        %parallel_loop3A_721 = vector.shape_cast %parallel_loop3A_716 : vector<16xf32> to vector<1x16xf32>
        tpu.vector_store %arg13[%parallel_loop3A_717, %parallel_loop3A_718], %parallel_loop3A_721 {strides = array<i32>} : memref<80x128xf32, #tpu.memory_space<vmem>>, vector<1x16xf32>,
        %parallel_loop3A_722 = arith.subf %parallel_loop3A_408, %parallel_loop3A_702 : vector<16xf32>
        %parallel_loop3A_723 = arith.mulf %parallel_loop3A_722, %parallel_loop3A_703 : vector<16xf32>
        %parallel_loop3A_724 = arith.mulf %parallel_loop3A_723, %get3A_102 : vector<16xf32>
        %parallel_loop3A_725 = arith.addf %parallel_loop3A_724, %get3A_126 : vector<16xf32>
        %parallel_loop3A_726 = arith.index_cast %parallel_loop3A_697 : i32 to index
        %parallel_loop3A_727 = arith.constant 32 : index
        %parallel_loop3A_728 = tpu.vector_load %arg13[%parallel_loop3A_726, %parallel_loop3A_727] {strides = array<i32>} : memref<80x128xf32, #tpu.memory_space<vmem>>, vector<1x16xf32>,
        %parallel_loop3A_729 = vector.shape_cast %parallel_loop3A_728 : vector<1x16xf32> to vector<16xf32>
        %parallel_loop3A_730 = vector.shape_cast %parallel_loop3A_725 : vector<16xf32> to vector<1x16xf32>
        tpu.vector_store %arg13[%parallel_loop3A_726, %parallel_loop3A_727], %parallel_loop3A_730 {strides = array<i32>} : memref<80x128xf32, #tpu.memory_space<vmem>>, vector<1x16xf32>,
        %parallel_loop3A_731 = arith.subf %parallel_loop3A_419, %parallel_loop3A_702 : vector<16xf32>
        %parallel_loop3A_732 = arith.mulf %parallel_loop3A_731, %parallel_loop3A_703 : vector<16xf32>
        %parallel_loop3A_733 = arith.mulf %parallel_loop3A_732, %get3A_105 : vector<16xf32>
        %parallel_loop3A_734 = arith.addf %parallel_loop3A_733, %get3A_129 : vector<16xf32>
        %parallel_loop3A_735 = arith.index_cast %parallel_loop3A_697 : i32 to index
        %parallel_loop3A_736 = arith.constant 48 : index
        %parallel_loop3A_737 = tpu.vector_load %arg13[%parallel_loop3A_735, %parallel_loop3A_736] {strides = array<i32>} : memref<80x128xf32, #tpu.memory_space<vmem>>, vector<1x16xf32>,
        %parallel_loop3A_738 = vector.shape_cast %parallel_loop3A_737 : vector<1x16xf32> to vector<16xf32>
        %parallel_loop3A_739 = vector.shape_cast %parallel_loop3A_734 : vector<16xf32> to vector<1x16xf32>
        tpu.vector_store %arg13[%parallel_loop3A_735, %parallel_loop3A_736], %parallel_loop3A_739 {strides = array<i32>} : memref<80x128xf32, #tpu.memory_space<vmem>>, vector<1x16xf32>,
        %parallel_loop3A_740 = arith.subf %parallel_loop3A_430, %parallel_loop3A_702 : vector<16xf32>
        %parallel_loop3A_741 = arith.mulf %parallel_loop3A_740, %parallel_loop3A_703 : vector<16xf32>
        %parallel_loop3A_742 = arith.mulf %parallel_loop3A_741, %get3A_108 : vector<16xf32>
        %parallel_loop3A_743 = arith.addf %parallel_loop3A_742, %get3A_132 : vector<16xf32>
        %parallel_loop3A_744 = arith.index_cast %parallel_loop3A_697 : i32 to index
        %parallel_loop3A_745 = arith.constant 64 : index
        %parallel_loop3A_746 = tpu.vector_load %arg13[%parallel_loop3A_744, %parallel_loop3A_745] {strides = array<i32>} : memref<80x128xf32, #tpu.memory_space<vmem>>, vector<1x16xf32>,
        %parallel_loop3A_747 = vector.shape_cast %parallel_loop3A_746 : vector<1x16xf32> to vector<16xf32>
        %parallel_loop3A_748 = vector.shape_cast %parallel_loop3A_743 : vector<16xf32> to vector<1x16xf32>
        tpu.vector_store %arg13[%parallel_loop3A_744, %parallel_loop3A_745], %parallel_loop3A_748 {strides = array<i32>} : memref<80x128xf32, #tpu.memory_space<vmem>>, vector<1x16xf32>,
        %parallel_loop3A_749 = arith.subf %parallel_loop3A_441, %parallel_loop3A_702 : vector<16xf32>
        %parallel_loop3A_750 = arith.mulf %parallel_loop3A_749, %parallel_loop3A_703 : vector<16xf32>
        %parallel_loop3A_751 = arith.mulf %parallel_loop3A_750, %get3A_111 : vector<16xf32>
        %parallel_loop3A_752 = arith.addf %parallel_loop3A_751, %get3A_135 : vector<16xf32>
        %parallel_loop3A_753 = arith.index_cast %parallel_loop3A_697 : i32 to index
        %parallel_loop3A_754 = arith.constant 80 : index
        %parallel_loop3A_755 = tpu.vector_load %arg13[%parallel_loop3A_753, %parallel_loop3A_754] {strides = array<i32>} : memref<80x128xf32, #tpu.memory_space<vmem>>, vector<1x16xf32>,
        %parallel_loop3A_756 = vector.shape_cast %parallel_loop3A_755 : vector<1x16xf32> to vector<16xf32>
        %parallel_loop3A_757 = vector.shape_cast %parallel_loop3A_752 : vector<16xf32> to vector<1x16xf32>
        tpu.vector_store %arg13[%parallel_loop3A_753, %parallel_loop3A_754], %parallel_loop3A_757 {strides = array<i32>} : memref<80x128xf32, #tpu.memory_space<vmem>>, vector<1x16xf32>,
        %parallel_loop3A_758 = arith.subf %parallel_loop3A_452, %parallel_loop3A_702 : vector<16xf32>
        %parallel_loop3A_759 = arith.mulf %parallel_loop3A_758, %parallel_loop3A_703 : vector<16xf32>
        %parallel_loop3A_760 = arith.mulf %parallel_loop3A_759, %get3A_114 : vector<16xf32>
        %parallel_loop3A_761 = arith.addf %parallel_loop3A_760, %get3A_138 : vector<16xf32>
        %parallel_loop3A_762 = arith.index_cast %parallel_loop3A_697 : i32 to index
        %parallel_loop3A_763 = arith.constant 96 : index
        %parallel_loop3A_764 = tpu.vector_load %arg13[%parallel_loop3A_762, %parallel_loop3A_763] {strides = array<i32>} : memref<80x128xf32, #tpu.memory_space<vmem>>, vector<1x16xf32>,
        %parallel_loop3A_765 = vector.shape_cast %parallel_loop3A_764 : vector<1x16xf32> to vector<16xf32>
        %parallel_loop3A_766 = vector.shape_cast %parallel_loop3A_761 : vector<16xf32> to vector<1x16xf32>
        tpu.vector_store %arg13[%parallel_loop3A_762, %parallel_loop3A_763], %parallel_loop3A_766 {strides = array<i32>} : memref<80x128xf32, #tpu.memory_space<vmem>>, vector<1x16xf32>,
        %parallel_loop3A_767 = arith.subf %parallel_loop3A_463, %parallel_loop3A_702 : vector<16xf32>
        %parallel_loop3A_768 = arith.mulf %parallel_loop3A_767, %parallel_loop3A_703 : vector<16xf32>
        %parallel_loop3A_769 = arith.mulf %parallel_loop3A_768, %get3A_117 : vector<16xf32>
        %parallel_loop3A_770 = arith.addf %parallel_loop3A_769, %get3A_141 : vector<16xf32>
        %parallel_loop3A_771 = arith.index_cast %parallel_loop3A_697 : i32 to index
        %parallel_loop3A_772 = arith.constant 112 : index
        %parallel_loop3A_773 = tpu.vector_load %arg13[%parallel_loop3A_771, %parallel_loop3A_772] {strides = array<i32>} : memref<80x128xf32, #tpu.memory_space<vmem>>, vector<1x16xf32>,
        %parallel_loop3A_774 = vector.shape_cast %parallel_loop3A_773 : vector<1x16xf32> to vector<16xf32>
        %parallel_loop3A_775 = vector.shape_cast %parallel_loop3A_770 : vector<16xf32> to vector<1x16xf32>
        tpu.vector_store %arg13[%parallel_loop3A_771, %parallel_loop3A_772], %parallel_loop3A_775 {strides = array<i32>} : memref<80x128xf32, #tpu.memory_space<vmem>>, vector<1x16xf32>,
      } {sc.loop_unroll_factor = 2 : i64, sc.parallel_access}
      %dma_start3A_189 = arith.constant 0 : i32
      %dma_start3A_190 = tpu.memref_slice %arg9[%add3A_178, %dma_start3A_189] : memref<819200x128xf32, #tpu.memory_space<hbm>> -> memref<80x128xf32, #tpu.memory_space<hbm>>
      %dma_start3A_191 = arith.constant 0 : i32
      %dma_start3A_192 = tpu.memref_slice %arg9[%add3A_178, %dma_start3A_191] : memref<819200x128xf32, #tpu.memory_space<hbm>> -> memref<80x128xf32, #tpu.memory_space<hbm>>
      tpu.enqueue_dma source(%arg13 : memref<80x128xf32, #tpu.memory_space<vmem>>) target(%dma_start3A_192 : memref<80x128xf32, #tpu.memory_space<hbm>>) target_semaphore(%arg25 : memref<!tpu.dma_semaphore, #tpu.memory_space<semaphore_mem>>)
      %add3A_193 = arith.constant 2 : i32
      %add3A_194 = arith.addi %add3A_175, %add3A_193 : i32
      %lt3A_195 = arith.constant 320 : i32
      %lt3A_196 = arith.cmpi slt, %add3A_194, %lt3A_195 : i32
      %convert_element_type3A_197 = arith.extui %lt3A_196 : i1 to i32
      %cond3A_198 = arith.constant 0 : i32
      %cond3A_199 = arith.cmpi ne, %convert_element_type3A_197, %cond3A_198 : i32
      scf.if %cond3A_199 {
        %add3A_233 = arith.constant 2 : i32
        %add3A_234 = arith.addi %add3A_175, %add3A_233 : i32
        %mul3A_235 = arith.constant 80 : i32
        %mul3A_236 = arith.muli %add3A_234, %mul3A_235 : i32
        %add3A_237 = arith.addi %mul3A_2, %mul3A_236 : i32
        "tpu.region"() ({
          %run_scoped3A = tpu.sem_alloc : memref<!tpu.dma_semaphore, #tpu.memory_space<semaphore_mem>>
          %dma_start3A_241 = tpu.memref_slice %arg2[%add3A_237] : memref<819200xi32, #tpu.memory_space<hbm>> -> memref<80xi32, #tpu.memory_space<hbm>>
          %dma_start3A_242 = tpu.memref_slice %arg2[%add3A_237] : memref<819200xi32, #tpu.memory_space<hbm>> -> memref<80xi32, #tpu.memory_space<hbm>>
          tpu.enqueue_dma source(%dma_start3A_242 : memref<80xi32, #tpu.memory_space<hbm>>) target(%arg15 : memref<80xi32, #tpu.memory_space<vmem>>) target_semaphore(%run_scoped3A : memref<!tpu.dma_semaphore, #tpu.memory_space<semaphore_mem>>)
          %dma_wait3A_243 = tpu.memref_slice %arg2[%add3A_237] : memref<819200xi32, #tpu.memory_space<hbm>> -> memref<80xi32, #tpu.memory_space<hbm>>
          %dma_wait3A_244 = tpu.memref_slice %arg2[%add3A_237] : memref<819200xi32, #tpu.memory_space<hbm>> -> memref<80xi32, #tpu.memory_space<hbm>>
          tpu.wait_dma2 semaphore(%run_scoped3A : memref<!tpu.dma_semaphore, #tpu.memory_space<semaphore_mem>>) src(%dma_wait3A_244 : memref<80xi32, #tpu.memory_space<hbm>>) dst(%arg15 : memref<80xi32, #tpu.memory_space<vmem>>)
          tpu.yield
        }) : () -> ()
        "tpu.region"() ({
          %run_scoped3A = tpu.sem_alloc : memref<!tpu.dma_semaphore, #tpu.memory_space<semaphore_mem>>
          %dma_start3A_241 = arith.constant 0 : i32
          %dma_start3A_242 = tpu.memref_slice %arg17[%dma_start3A_241] : memref<104xi32, #tpu.memory_space<vmem>> -> memref<80xi32, #tpu.memory_space<vmem>>
          %dma_start3A_243 = tpu.memref_slice %arg3[%add3A_237] : memref<819200xi32, #tpu.memory_space<hbm>> -> memref<80xi32, #tpu.memory_space<hbm>>
          %dma_start3A_244 = arith.constant 0 : i32
          %dma_start3A_245 = tpu.memref_slice %arg17[%dma_start3A_244] : memref<104xi32, #tpu.memory_space<vmem>> -> memref<80xi32, #tpu.memory_space<vmem>>
          %dma_start3A_246 = tpu.memref_slice %arg3[%add3A_237] : memref<819200xi32, #tpu.memory_space<hbm>> -> memref<80xi32, #tpu.memory_space<hbm>>
          tpu.enqueue_dma source(%dma_start3A_246 : memref<80xi32, #tpu.memory_space<hbm>>) target(%dma_start3A_245 : memref<80xi32, #tpu.memory_space<vmem>>) target_semaphore(%run_scoped3A : memref<!tpu.dma_semaphore, #tpu.memory_space<semaphore_mem>>)
          %dma_wait3A_247 = arith.constant 0 : i32
          %dma_wait3A_248 = tpu.memref_slice %arg17[%dma_wait3A_247] : memref<104xi32, #tpu.memory_space<vmem>> -> memref<80xi32, #tpu.memory_space<vmem>>
          %dma_wait3A_249 = tpu.memref_slice %arg3[%add3A_237] : memref<819200xi32, #tpu.memory_space<hbm>> -> memref<80xi32, #tpu.memory_space<hbm>>
          %dma_wait3A_250 = arith.constant 0 : i32
          %dma_wait3A_251 = tpu.memref_slice %arg17[%dma_wait3A_250] : memref<104xi32, #tpu.memory_space<vmem>> -> memref<80xi32, #tpu.memory_space<vmem>>
          %dma_wait3A_252 = tpu.memref_slice %arg3[%add3A_237] : memref<819200xi32, #tpu.memory_space<hbm>> -> memref<80xi32, #tpu.memory_space<hbm>>
          tpu.wait_dma2 semaphore(%run_scoped3A : memref<!tpu.dma_semaphore, #tpu.memory_space<semaphore_mem>>) src(%dma_wait3A_252 : memref<80xi32, #tpu.memory_space<hbm>>) dst(%dma_wait3A_251 : memref<80xi32, #tpu.memory_space<vmem>>)
          tpu.yield
        }) : () -> ()
        %dma_start3A_238 = arith.constant 0 : i32
        %dma_start3A_239 = arith.constant 0 : i32
        %dma_start3A_240 = tpu.memref_slice %arg4[%dma_start3A_238, %dma_start3A_239] : memref<100000x128xf32, #tpu.memory_space<hbm>> -> memref<100000x128xf32, #tpu.memory_space<hbm>>
        tpu.enqueue_indirect_dma source(%dma_start3A_240 : memref<100000x128xf32, #tpu.memory_space<hbm>>) target(%arg11 : memref<80x128xf32, #tpu.memory_space<vmem>>) offsets(%arg15 : memref<80xi32, #tpu.memory_space<vmem>>) semaphore(%arg23 : memref<!tpu.dma_semaphore, #tpu.memory_space<semaphore_mem>>)
      } else {
      }
      %mul3A_200 = arith.constant 2 : i32
      %mul3A_201 = arith.muli %scan3A_171, %mul3A_200 : i32
      %add3A_202 = arith.constant 1 : i32
      %add3A_203 = arith.addi %mul3A_201, %add3A_202 : i32
      %mul3A_204 = arith.constant 80 : i32
      %mul3A_205 = arith.muli %add3A_203, %mul3A_204 : i32
      %add3A_206 = arith.addi %mul3A_2, %mul3A_205 : i32
      %mul3A_207 = arith.constant 80 : i32
      %mul3A_208 = arith.muli %add3A_203, %mul3A_207 : i32
      %rem3A_209 = arith.constant 200 : i32
      %rem3A_210 = arith.remsi %mul3A_208, %rem3A_209 : i32
      %dma_wait3A_211 = arith.constant 0 : i32
      %dma_wait3A_212 = arith.constant 0 : i32
      %dma_wait3A_213 = tpu.memref_slice %arg4[%dma_wait3A_211, %dma_wait3A_212] : memref<100000x128xf32, #tpu.memory_space<hbm>> -> memref<100000x128xf32, #tpu.memory_space<hbm>>
      tpu.wait_indirect_dma semaphore(%arg24 : memref<!tpu.dma_semaphore, #tpu.memory_space<semaphore_mem>>) src(%dma_wait3A_213 : memref<100000x128xf32, #tpu.memory_space<hbm>>) dst(%arg12 : memref<80x128xf32, #tpu.memory_space<vmem>>)
      %ge3A_214 = arith.constant 2 : i32
      %ge3A_215 = arith.cmpi sge, %add3A_203, %ge3A_214 : i32
      %convert_element_type3A_216 = arith.extui %ge3A_215 : i1 to i32
      %cond3A_217 = arith.constant 0 : i32
      %cond3A_218 = arith.cmpi ne, %convert_element_type3A_216, %cond3A_217 : i32
      scf.if %cond3A_218 {
        %dma_wait3A_233 = arith.constant 0 : i32
        %dma_wait3A_234 = tpu.memref_slice %arg9[%add3A_206, %dma_wait3A_233] : memref<819200x128xf32, #tpu.memory_space<hbm>> -> memref<80x128xf32, #tpu.memory_space<hbm>>
        %dma_wait3A_235 = arith.constant 0 : i32
        %dma_wait3A_236 = tpu.memref_slice %arg9[%add3A_206, %dma_wait3A_235] : memref<819200x128xf32, #tpu.memory_space<hbm>> -> memref<80x128xf32, #tpu.memory_space<hbm>>
        tpu.wait_dma2 semaphore(%arg26 : memref<!tpu.dma_semaphore, #tpu.memory_space<semaphore_mem>>) src(%arg14 : memref<80x128xf32, #tpu.memory_space<vmem>>) dst(%dma_wait3A_236 : memref<80x128xf32, #tpu.memory_space<hbm>>)
      } else {
      }
      %parallel_loop3A_219 = arith.constant 0 : i32
      %parallel_loop3A_220 = arith.constant 40 : i32
      %parallel_loop3A_221 = arith.constant 1 : i32
      scf.for %parallel_loop3A_233 = %parallel_loop3A_219 to %parallel_loop3A_220 step %parallel_loop3A_221  : i32 {
        %parallel_loop3A_234 = arith.constant 2 : i32
        %parallel_loop3A_235 = arith.muli %parallel_loop3A_234, %parallel_loop3A_233 : i32
        %parallel_loop3A_236 = arith.constant 64 : i32
        %parallel_loop3A_237 = arith.muli %parallel_loop3A_233, %parallel_loop3A_236 : i32
        %parallel_loop3A_238 = arith.addi %rem3A_210, %parallel_loop3A_235 : i32
        %parallel_loop3A_239 = arith.constant 200 : i32
        %parallel_loop3A_240 = arith.cmpi sge, %parallel_loop3A_238, %parallel_loop3A_239 : i32
        %parallel_loop3A_241 = arith.constant 200 : i32
        %parallel_loop3A_242 = arith.subi %parallel_loop3A_238, %parallel_loop3A_241 : i32
        %parallel_loop3A_243 = arith.select %parallel_loop3A_240, %parallel_loop3A_242, %parallel_loop3A_238 : i32
        %parallel_loop3A_244 = arith.index_cast %parallel_loop3A_235 : i32 to index
        %parallel_loop3A_245 = tpu.vector_load %arg18[%parallel_loop3A_244] {strides = array<i32>} : memref<104xi32, #tpu.memory_space<vmem>>, vector<16xi32>,
        %parallel_loop3A_246 = vector.shape_cast %parallel_loop3A_245 : vector<16xi32> to vector<16xi32>
        %parallel_loop3A_247 = vector.extract_strided_slice %parallel_loop3A_246 {offsets = [0], sizes = [1], strides = [1]} : vector<16xi32> to vector<1xi32>
        %parallel_loop3A_248 = vector.extract %parallel_loop3A_247[0] : i32 from vector<1xi32>
        %parallel_loop3A_249 = arith.sitofp %parallel_loop3A_248 : i32 to f32
        %parallel_loop3A_250 = vector.broadcast %parallel_loop3A_249 : f32 to vector<16xf32>
        %parallel_loop3A_251 = arith.index_cast %parallel_loop3A_235 : i32 to index
        %parallel_loop3A_252 = arith.constant 0 : index
        %parallel_loop3A_253 = tpu.vector_load %arg12[%parallel_loop3A_251, %parallel_loop3A_252] {strides = array<i32>} : memref<80x128xf32, #tpu.memory_space<vmem>>, vector<1x16xf32>,
        %parallel_loop3A_254 = vector.shape_cast %parallel_loop3A_253 : vector<1x16xf32> to vector<16xf32>
        %parallel_loop3A_255 = arith.index_cast %parallel_loop3A_243 : i32 to index
        %parallel_loop3A_256 = arith.constant 0 : index
        %parallel_loop3A_257 = tpu.vector_load %arg10[%parallel_loop3A_255, %parallel_loop3A_256] {strides = array<i32>} : memref<200x128xf32, #tpu.memory_space<vmem>>, vector<1x16xf32>,
        %parallel_loop3A_258 = vector.shape_cast %parallel_loop3A_257 : vector<1x16xf32> to vector<16xf32>
        %parallel_loop3A_259 = arith.addf %parallel_loop3A_254, %parallel_loop3A_258 : vector<16xf32>
        %parallel_loop3A_260 = arith.mulf %parallel_loop3A_250, %sub3A : vector<16xf32>
        %parallel_loop3A_261 = arith.addf %parallel_loop3A_259, %parallel_loop3A_260 : vector<16xf32>
        %parallel_loop3A_262 = arith.index_cast %parallel_loop3A_235 : i32 to index
        %parallel_loop3A_263 = arith.constant 16 : index
        %parallel_loop3A_264 = tpu.vector_load %arg12[%parallel_loop3A_262, %parallel_loop3A_263] {strides = array<i32>} : memref<80x128xf32, #tpu.memory_space<vmem>>, vector<1x16xf32>,
        %parallel_loop3A_265 = vector.shape_cast %parallel_loop3A_264 : vector<1x16xf32> to vector<16xf32>
        %parallel_loop3A_266 = arith.index_cast %parallel_loop3A_243 : i32 to index
        %parallel_loop3A_267 = arith.constant 16 : index
        %parallel_loop3A_268 = tpu.vector_load %arg10[%parallel_loop3A_266, %parallel_loop3A_267] {strides = array<i32>} : memref<200x128xf32, #tpu.memory_space<vmem>>, vector<1x16xf32>,
        %parallel_loop3A_269 = vector.shape_cast %parallel_loop3A_268 : vector<1x16xf32> to vector<16xf32>
        %parallel_loop3A_270 = arith.addf %parallel_loop3A_265, %parallel_loop3A_269 : vector<16xf32>
        %parallel_loop3A_271 = arith.mulf %parallel_loop3A_250, %sub3A_27 : vector<16xf32>
        %parallel_loop3A_272 = arith.addf %parallel_loop3A_270, %parallel_loop3A_271 : vector<16xf32>
        %parallel_loop3A_273 = arith.index_cast %parallel_loop3A_235 : i32 to index
        %parallel_loop3A_274 = arith.constant 32 : index
        %parallel_loop3A_275 = tpu.vector_load %arg12[%parallel_loop3A_273, %parallel_loop3A_274] {strides = array<i32>} : memref<80x128xf32, #tpu.memory_space<vmem>>, vector<1x16xf32>,
        %parallel_loop3A_276 = vector.shape_cast %parallel_loop3A_275 : vector<1x16xf32> to vector<16xf32>
        %parallel_loop3A_277 = arith.index_cast %parallel_loop3A_243 : i32 to index
        %parallel_loop3A_278 = arith.constant 32 : index
        %parallel_loop3A_279 = tpu.vector_load %arg10[%parallel_loop3A_277, %parallel_loop3A_278] {strides = array<i32>} : memref<200x128xf32, #tpu.memory_space<vmem>>, vector<1x16xf32>,
        %parallel_loop3A_280 = vector.shape_cast %parallel_loop3A_279 : vector<1x16xf32> to vector<16xf32>
        %parallel_loop3A_281 = arith.addf %parallel_loop3A_276, %parallel_loop3A_280 : vector<16xf32>
        %parallel_loop3A_282 = arith.mulf %parallel_loop3A_250, %sub3A_38 : vector<16xf32>
        %parallel_loop3A_283 = arith.addf %parallel_loop3A_281, %parallel_loop3A_282 : vector<16xf32>
        %parallel_loop3A_284 = arith.index_cast %parallel_loop3A_235 : i32 to index
        %parallel_loop3A_285 = arith.constant 48 : index
        %parallel_loop3A_286 = tpu.vector_load %arg12[%parallel_loop3A_284, %parallel_loop3A_285] {strides = array<i32>} : memref<80x128xf32, #tpu.memory_space<vmem>>, vector<1x16xf32>,
        %parallel_loop3A_287 = vector.shape_cast %parallel_loop3A_286 : vector<1x16xf32> to vector<16xf32>
        %parallel_loop3A_288 = arith.index_cast %parallel_loop3A_243 : i32 to index
        %parallel_loop3A_289 = arith.constant 48 : index
        %parallel_loop3A_290 = tpu.vector_load %arg10[%parallel_loop3A_288, %parallel_loop3A_289] {strides = array<i32>} : memref<200x128xf32, #tpu.memory_space<vmem>>, vector<1x16xf32>,
        %parallel_loop3A_291 = vector.shape_cast %parallel_loop3A_290 : vector<1x16xf32> to vector<16xf32>
        %parallel_loop3A_292 = arith.addf %parallel_loop3A_287, %parallel_loop3A_291 : vector<16xf32>
        %parallel_loop3A_293 = arith.mulf %parallel_loop3A_250, %sub3A_49 : vector<16xf32>
        %parallel_loop3A_294 = arith.addf %parallel_loop3A_292, %parallel_loop3A_293 : vector<16xf32>
        %parallel_loop3A_295 = arith.index_cast %parallel_loop3A_235 : i32 to index
        %parallel_loop3A_296 = arith.constant 64 : index
        %parallel_loop3A_297 = tpu.vector_load %arg12[%parallel_loop3A_295, %parallel_loop3A_296] {strides = array<i32>} : memref<80x128xf32, #tpu.memory_space<vmem>>, vector<1x16xf32>,
        %parallel_loop3A_298 = vector.shape_cast %parallel_loop3A_297 : vector<1x16xf32> to vector<16xf32>
        %parallel_loop3A_299 = arith.index_cast %parallel_loop3A_243 : i32 to index
        %parallel_loop3A_300 = arith.constant 64 : index
        %parallel_loop3A_301 = tpu.vector_load %arg10[%parallel_loop3A_299, %parallel_loop3A_300] {strides = array<i32>} : memref<200x128xf32, #tpu.memory_space<vmem>>, vector<1x16xf32>,
        %parallel_loop3A_302 = vector.shape_cast %parallel_loop3A_301 : vector<1x16xf32> to vector<16xf32>
        %parallel_loop3A_303 = arith.addf %parallel_loop3A_298, %parallel_loop3A_302 : vector<16xf32>
        %parallel_loop3A_304 = arith.mulf %parallel_loop3A_250, %sub3A_60 : vector<16xf32>
        %parallel_loop3A_305 = arith.addf %parallel_loop3A_303, %parallel_loop3A_304 : vector<16xf32>
        %parallel_loop3A_306 = arith.index_cast %parallel_loop3A_235 : i32 to index
        %parallel_loop3A_307 = arith.constant 80 : index
        %parallel_loop3A_308 = tpu.vector_load %arg12[%parallel_loop3A_306, %parallel_loop3A_307] {strides = array<i32>} : memref<80x128xf32, #tpu.memory_space<vmem>>, vector<1x16xf32>,
        %parallel_loop3A_309 = vector.shape_cast %parallel_loop3A_308 : vector<1x16xf32> to vector<16xf32>
        %parallel_loop3A_310 = arith.index_cast %parallel_loop3A_243 : i32 to index
        %parallel_loop3A_311 = arith.constant 80 : index
        %parallel_loop3A_312 = tpu.vector_load %arg10[%parallel_loop3A_310, %parallel_loop3A_311] {strides = array<i32>} : memref<200x128xf32, #tpu.memory_space<vmem>>, vector<1x16xf32>,
        %parallel_loop3A_313 = vector.shape_cast %parallel_loop3A_312 : vector<1x16xf32> to vector<16xf32>
        %parallel_loop3A_314 = arith.addf %parallel_loop3A_309, %parallel_loop3A_313 : vector<16xf32>
        %parallel_loop3A_315 = arith.mulf %parallel_loop3A_250, %sub3A_71 : vector<16xf32>
        %parallel_loop3A_316 = arith.addf %parallel_loop3A_314, %parallel_loop3A_315 : vector<16xf32>
        %parallel_loop3A_317 = arith.index_cast %parallel_loop3A_235 : i32 to index
        %parallel_loop3A_318 = arith.constant 96 : index
        %parallel_loop3A_319 = tpu.vector_load %arg12[%parallel_loop3A_317, %parallel_loop3A_318] {strides = array<i32>} : memref<80x128xf32, #tpu.memory_space<vmem>>, vector<1x16xf32>,
        %parallel_loop3A_320 = vector.shape_cast %parallel_loop3A_319 : vector<1x16xf32> to vector<16xf32>
        %parallel_loop3A_321 = arith.index_cast %parallel_loop3A_243 : i32 to index
        %parallel_loop3A_322 = arith.constant 96 : index
        %parallel_loop3A_323 = tpu.vector_load %arg10[%parallel_loop3A_321, %parallel_loop3A_322] {strides = array<i32>} : memref<200x128xf32, #tpu.memory_space<vmem>>, vector<1x16xf32>,
        %parallel_loop3A_324 = vector.shape_cast %parallel_loop3A_323 : vector<1x16xf32> to vector<16xf32>
        %parallel_loop3A_325 = arith.addf %parallel_loop3A_320, %parallel_loop3A_324 : vector<16xf32>
        %parallel_loop3A_326 = arith.mulf %parallel_loop3A_250, %sub3A_82 : vector<16xf32>
        %parallel_loop3A_327 = arith.addf %parallel_loop3A_325, %parallel_loop3A_326 : vector<16xf32>
        %parallel_loop3A_328 = arith.index_cast %parallel_loop3A_235 : i32 to index
        %parallel_loop3A_329 = arith.constant 112 : index
        %parallel_loop3A_330 = tpu.vector_load %arg12[%parallel_loop3A_328, %parallel_loop3A_329] {strides = array<i32>} : memref<80x128xf32, #tpu.memory_space<vmem>>, vector<1x16xf32>,
        %parallel_loop3A_331 = vector.shape_cast %parallel_loop3A_330 : vector<1x16xf32> to vector<16xf32>
        %parallel_loop3A_332 = arith.index_cast %parallel_loop3A_243 : i32 to index
        %parallel_loop3A_333 = arith.constant 112 : index
        %parallel_loop3A_334 = tpu.vector_load %arg10[%parallel_loop3A_332, %parallel_loop3A_333] {strides = array<i32>} : memref<200x128xf32, #tpu.memory_space<vmem>>, vector<1x16xf32>,
        %parallel_loop3A_335 = vector.shape_cast %parallel_loop3A_334 : vector<1x16xf32> to vector<16xf32>
        %parallel_loop3A_336 = arith.addf %parallel_loop3A_331, %parallel_loop3A_335 : vector<16xf32>
        %parallel_loop3A_337 = arith.mulf %parallel_loop3A_250, %sub3A_93 : vector<16xf32>
        %parallel_loop3A_338 = arith.addf %parallel_loop3A_336, %parallel_loop3A_337 : vector<16xf32>
        %parallel_loop3A_339 = arith.addf %parallel_loop3A_261, %parallel_loop3A_272 : vector<16xf32>
        %parallel_loop3A_340 = arith.addf %parallel_loop3A_339, %parallel_loop3A_283 : vector<16xf32>
        %parallel_loop3A_341 = arith.addf %parallel_loop3A_340, %parallel_loop3A_294 : vector<16xf32>
        %parallel_loop3A_342 = arith.addf %parallel_loop3A_341, %parallel_loop3A_305 : vector<16xf32>
        %parallel_loop3A_343 = arith.addf %parallel_loop3A_342, %parallel_loop3A_316 : vector<16xf32>
        %parallel_loop3A_344 = arith.addf %parallel_loop3A_343, %parallel_loop3A_327 : vector<16xf32>
        %parallel_loop3A_345 = arith.addf %parallel_loop3A_344, %parallel_loop3A_338 : vector<16xf32>
        %parallel_loop3A_346 = arith.mulf %parallel_loop3A_261, %parallel_loop3A_261 : vector<16xf32>
        %parallel_loop3A_347 = arith.mulf %parallel_loop3A_272, %parallel_loop3A_272 : vector<16xf32>
        %parallel_loop3A_348 = arith.addf %parallel_loop3A_346, %parallel_loop3A_347 : vector<16xf32>
        %parallel_loop3A_349 = arith.mulf %parallel_loop3A_283, %parallel_loop3A_283 : vector<16xf32>
        %parallel_loop3A_350 = arith.addf %parallel_loop3A_348, %parallel_loop3A_349 : vector<16xf32>
        %parallel_loop3A_351 = arith.mulf %parallel_loop3A_294, %parallel_loop3A_294 : vector<16xf32>
        %parallel_loop3A_352 = arith.addf %parallel_loop3A_350, %parallel_loop3A_351 : vector<16xf32>
        %parallel_loop3A_353 = arith.mulf %parallel_loop3A_305, %parallel_loop3A_305 : vector<16xf32>
        %parallel_loop3A_354 = arith.addf %parallel_loop3A_352, %parallel_loop3A_353 : vector<16xf32>
        %parallel_loop3A_355 = arith.mulf %parallel_loop3A_316, %parallel_loop3A_316 : vector<16xf32>
        %parallel_loop3A_356 = arith.addf %parallel_loop3A_354, %parallel_loop3A_355 : vector<16xf32>
        %parallel_loop3A_357 = arith.mulf %parallel_loop3A_327, %parallel_loop3A_327 : vector<16xf32>
        %parallel_loop3A_358 = arith.addf %parallel_loop3A_356, %parallel_loop3A_357 : vector<16xf32>
        %parallel_loop3A_359 = arith.mulf %parallel_loop3A_338, %parallel_loop3A_338 : vector<16xf32>
        %parallel_loop3A_360 = arith.addf %parallel_loop3A_358, %parallel_loop3A_359 : vector<16xf32>
        %parallel_loop3A_361 = arith.constant 1 : i32
        %parallel_loop3A_362 = arith.addi %parallel_loop3A_235, %parallel_loop3A_361 : i32
        %parallel_loop3A_363 = arith.addi %rem3A_210, %parallel_loop3A_362 : i32
        %parallel_loop3A_364 = arith.constant 200 : i32
        %parallel_loop3A_365 = arith.cmpi sge, %parallel_loop3A_363, %parallel_loop3A_364 : i32
        %parallel_loop3A_366 = arith.constant 200 : i32
        %parallel_loop3A_367 = arith.subi %parallel_loop3A_363, %parallel_loop3A_366 : i32
        %parallel_loop3A_368 = arith.select %parallel_loop3A_365, %parallel_loop3A_367, %parallel_loop3A_363 : i32
        %parallel_loop3A_369 = arith.index_cast %parallel_loop3A_362 : i32 to index
        %parallel_loop3A_370 = tpu.vector_load %arg18[%parallel_loop3A_369] {strides = array<i32>} : memref<104xi32, #tpu.memory_space<vmem>>, vector<16xi32>,
        %parallel_loop3A_371 = vector.shape_cast %parallel_loop3A_370 : vector<16xi32> to vector<16xi32>
        %parallel_loop3A_372 = vector.extract_strided_slice %parallel_loop3A_371 {offsets = [0], sizes = [1], strides = [1]} : vector<16xi32> to vector<1xi32>
        %parallel_loop3A_373 = vector.extract %parallel_loop3A_372[0] : i32 from vector<1xi32>
        %parallel_loop3A_374 = arith.sitofp %parallel_loop3A_373 : i32 to f32
        %parallel_loop3A_375 = vector.broadcast %parallel_loop3A_374 : f32 to vector<16xf32>
        %parallel_loop3A_376 = arith.index_cast %parallel_loop3A_362 : i32 to index
        %parallel_loop3A_377 = arith.constant 0 : index
        %parallel_loop3A_378 = tpu.vector_load %arg12[%parallel_loop3A_376, %parallel_loop3A_377] {strides = array<i32>} : memref<80x128xf32, #tpu.memory_space<vmem>>, vector<1x16xf32>,
        %parallel_loop3A_379 = vector.shape_cast %parallel_loop3A_378 : vector<1x16xf32> to vector<16xf32>
        %parallel_loop3A_380 = arith.index_cast %parallel_loop3A_368 : i32 to index
        %parallel_loop3A_381 = arith.constant 0 : index
        %parallel_loop3A_382 = tpu.vector_load %arg10[%parallel_loop3A_380, %parallel_loop3A_381] {strides = array<i32>} : memref<200x128xf32, #tpu.memory_space<vmem>>, vector<1x16xf32>,
        %parallel_loop3A_383 = vector.shape_cast %parallel_loop3A_382 : vector<1x16xf32> to vector<16xf32>
        %parallel_loop3A_384 = arith.addf %parallel_loop3A_379, %parallel_loop3A_383 : vector<16xf32>
        %parallel_loop3A_385 = arith.mulf %parallel_loop3A_375, %sub3A : vector<16xf32>
        %parallel_loop3A_386 = arith.addf %parallel_loop3A_384, %parallel_loop3A_385 : vector<16xf32>
        %parallel_loop3A_387 = arith.index_cast %parallel_loop3A_362 : i32 to index
        %parallel_loop3A_388 = arith.constant 16 : index
        %parallel_loop3A_389 = tpu.vector_load %arg12[%parallel_loop3A_387, %parallel_loop3A_388] {strides = array<i32>} : memref<80x128xf32, #tpu.memory_space<vmem>>, vector<1x16xf32>,
        %parallel_loop3A_390 = vector.shape_cast %parallel_loop3A_389 : vector<1x16xf32> to vector<16xf32>
        %parallel_loop3A_391 = arith.index_cast %parallel_loop3A_368 : i32 to index
        %parallel_loop3A_392 = arith.constant 16 : index
        %parallel_loop3A_393 = tpu.vector_load %arg10[%parallel_loop3A_391, %parallel_loop3A_392] {strides = array<i32>} : memref<200x128xf32, #tpu.memory_space<vmem>>, vector<1x16xf32>,
        %parallel_loop3A_394 = vector.shape_cast %parallel_loop3A_393 : vector<1x16xf32> to vector<16xf32>
        %parallel_loop3A_395 = arith.addf %parallel_loop3A_390, %parallel_loop3A_394 : vector<16xf32>
        %parallel_loop3A_396 = arith.mulf %parallel_loop3A_375, %sub3A_27 : vector<16xf32>
        %parallel_loop3A_397 = arith.addf %parallel_loop3A_395, %parallel_loop3A_396 : vector<16xf32>
        %parallel_loop3A_398 = arith.index_cast %parallel_loop3A_362 : i32 to index
        %parallel_loop3A_399 = arith.constant 32 : index
        %parallel_loop3A_400 = tpu.vector_load %arg12[%parallel_loop3A_398, %parallel_loop3A_399] {strides = array<i32>} : memref<80x128xf32, #tpu.memory_space<vmem>>, vector<1x16xf32>,
        %parallel_loop3A_401 = vector.shape_cast %parallel_loop3A_400 : vector<1x16xf32> to vector<16xf32>
        %parallel_loop3A_402 = arith.index_cast %parallel_loop3A_368 : i32 to index
        %parallel_loop3A_403 = arith.constant 32 : index
        %parallel_loop3A_404 = tpu.vector_load %arg10[%parallel_loop3A_402, %parallel_loop3A_403] {strides = array<i32>} : memref<200x128xf32, #tpu.memory_space<vmem>>, vector<1x16xf32>,
        %parallel_loop3A_405 = vector.shape_cast %parallel_loop3A_404 : vector<1x16xf32> to vector<16xf32>
        %parallel_loop3A_406 = arith.addf %parallel_loop3A_401, %parallel_loop3A_405 : vector<16xf32>
        %parallel_loop3A_407 = arith.mulf %parallel_loop3A_375, %sub3A_38 : vector<16xf32>
        %parallel_loop3A_408 = arith.addf %parallel_loop3A_406, %parallel_loop3A_407 : vector<16xf32>
        %parallel_loop3A_409 = arith.index_cast %parallel_loop3A_362 : i32 to index
        %parallel_loop3A_410 = arith.constant 48 : index
        %parallel_loop3A_411 = tpu.vector_load %arg12[%parallel_loop3A_409, %parallel_loop3A_410] {strides = array<i32>} : memref<80x128xf32, #tpu.memory_space<vmem>>, vector<1x16xf32>,
        %parallel_loop3A_412 = vector.shape_cast %parallel_loop3A_411 : vector<1x16xf32> to vector<16xf32>
        %parallel_loop3A_413 = arith.index_cast %parallel_loop3A_368 : i32 to index
        %parallel_loop3A_414 = arith.constant 48 : index
        %parallel_loop3A_415 = tpu.vector_load %arg10[%parallel_loop3A_413, %parallel_loop3A_414] {strides = array<i32>} : memref<200x128xf32, #tpu.memory_space<vmem>>, vector<1x16xf32>,
        %parallel_loop3A_416 = vector.shape_cast %parallel_loop3A_415 : vector<1x16xf32> to vector<16xf32>
        %parallel_loop3A_417 = arith.addf %parallel_loop3A_412, %parallel_loop3A_416 : vector<16xf32>
        %parallel_loop3A_418 = arith.mulf %parallel_loop3A_375, %sub3A_49 : vector<16xf32>
        %parallel_loop3A_419 = arith.addf %parallel_loop3A_417, %parallel_loop3A_418 : vector<16xf32>
        %parallel_loop3A_420 = arith.index_cast %parallel_loop3A_362 : i32 to index
        %parallel_loop3A_421 = arith.constant 64 : index
        %parallel_loop3A_422 = tpu.vector_load %arg12[%parallel_loop3A_420, %parallel_loop3A_421] {strides = array<i32>} : memref<80x128xf32, #tpu.memory_space<vmem>>, vector<1x16xf32>,
        %parallel_loop3A_423 = vector.shape_cast %parallel_loop3A_422 : vector<1x16xf32> to vector<16xf32>
        %parallel_loop3A_424 = arith.index_cast %parallel_loop3A_368 : i32 to index
        %parallel_loop3A_425 = arith.constant 64 : index
        %parallel_loop3A_426 = tpu.vector_load %arg10[%parallel_loop3A_424, %parallel_loop3A_425] {strides = array<i32>} : memref<200x128xf32, #tpu.memory_space<vmem>>, vector<1x16xf32>,
        %parallel_loop3A_427 = vector.shape_cast %parallel_loop3A_426 : vector<1x16xf32> to vector<16xf32>
        %parallel_loop3A_428 = arith.addf %parallel_loop3A_423, %parallel_loop3A_427 : vector<16xf32>
        %parallel_loop3A_429 = arith.mulf %parallel_loop3A_375, %sub3A_60 : vector<16xf32>
        %parallel_loop3A_430 = arith.addf %parallel_loop3A_428, %parallel_loop3A_429 : vector<16xf32>
        %parallel_loop3A_431 = arith.index_cast %parallel_loop3A_362 : i32 to index
        %parallel_loop3A_432 = arith.constant 80 : index
        %parallel_loop3A_433 = tpu.vector_load %arg12[%parallel_loop3A_431, %parallel_loop3A_432] {strides = array<i32>} : memref<80x128xf32, #tpu.memory_space<vmem>>, vector<1x16xf32>,
        %parallel_loop3A_434 = vector.shape_cast %parallel_loop3A_433 : vector<1x16xf32> to vector<16xf32>
        %parallel_loop3A_435 = arith.index_cast %parallel_loop3A_368 : i32 to index
        %parallel_loop3A_436 = arith.constant 80 : index
        %parallel_loop3A_437 = tpu.vector_load %arg10[%parallel_loop3A_435, %parallel_loop3A_436] {strides = array<i32>} : memref<200x128xf32, #tpu.memory_space<vmem>>, vector<1x16xf32>,
        %parallel_loop3A_438 = vector.shape_cast %parallel_loop3A_437 : vector<1x16xf32> to vector<16xf32>
        %parallel_loop3A_439 = arith.addf %parallel_loop3A_434, %parallel_loop3A_438 : vector<16xf32>
        %parallel_loop3A_440 = arith.mulf %parallel_loop3A_375, %sub3A_71 : vector<16xf32>
        %parallel_loop3A_441 = arith.addf %parallel_loop3A_439, %parallel_loop3A_440 : vector<16xf32>
        %parallel_loop3A_442 = arith.index_cast %parallel_loop3A_362 : i32 to index
        %parallel_loop3A_443 = arith.constant 96 : index
        %parallel_loop3A_444 = tpu.vector_load %arg12[%parallel_loop3A_442, %parallel_loop3A_443] {strides = array<i32>} : memref<80x128xf32, #tpu.memory_space<vmem>>, vector<1x16xf32>,
        %parallel_loop3A_445 = vector.shape_cast %parallel_loop3A_444 : vector<1x16xf32> to vector<16xf32>
        %parallel_loop3A_446 = arith.index_cast %parallel_loop3A_368 : i32 to index
        %parallel_loop3A_447 = arith.constant 96 : index
        %parallel_loop3A_448 = tpu.vector_load %arg10[%parallel_loop3A_446, %parallel_loop3A_447] {strides = array<i32>} : memref<200x128xf32, #tpu.memory_space<vmem>>, vector<1x16xf32>,
        %parallel_loop3A_449 = vector.shape_cast %parallel_loop3A_448 : vector<1x16xf32> to vector<16xf32>
        %parallel_loop3A_450 = arith.addf %parallel_loop3A_445, %parallel_loop3A_449 : vector<16xf32>
        %parallel_loop3A_451 = arith.mulf %parallel_loop3A_375, %sub3A_82 : vector<16xf32>
        %parallel_loop3A_452 = arith.addf %parallel_loop3A_450, %parallel_loop3A_451 : vector<16xf32>
        %parallel_loop3A_453 = arith.index_cast %parallel_loop3A_362 : i32 to index
        %parallel_loop3A_454 = arith.constant 112 : index
        %parallel_loop3A_455 = tpu.vector_load %arg12[%parallel_loop3A_453, %parallel_loop3A_454] {strides = array<i32>} : memref<80x128xf32, #tpu.memory_space<vmem>>, vector<1x16xf32>,
        %parallel_loop3A_456 = vector.shape_cast %parallel_loop3A_455 : vector<1x16xf32> to vector<16xf32>
        %parallel_loop3A_457 = arith.index_cast %parallel_loop3A_368 : i32 to index
        %parallel_loop3A_458 = arith.constant 112 : index
        %parallel_loop3A_459 = tpu.vector_load %arg10[%parallel_loop3A_457, %parallel_loop3A_458] {strides = array<i32>} : memref<200x128xf32, #tpu.memory_space<vmem>>, vector<1x16xf32>,
        %parallel_loop3A_460 = vector.shape_cast %parallel_loop3A_459 : vector<1x16xf32> to vector<16xf32>
        %parallel_loop3A_461 = arith.addf %parallel_loop3A_456, %parallel_loop3A_460 : vector<16xf32>
        %parallel_loop3A_462 = arith.mulf %parallel_loop3A_375, %sub3A_93 : vector<16xf32>
        %parallel_loop3A_463 = arith.addf %parallel_loop3A_461, %parallel_loop3A_462 : vector<16xf32>
        %parallel_loop3A_464 = arith.addf %parallel_loop3A_386, %parallel_loop3A_397 : vector<16xf32>
        %parallel_loop3A_465 = arith.addf %parallel_loop3A_464, %parallel_loop3A_408 : vector<16xf32>
        %parallel_loop3A_466 = arith.addf %parallel_loop3A_465, %parallel_loop3A_419 : vector<16xf32>
        %parallel_loop3A_467 = arith.addf %parallel_loop3A_466, %parallel_loop3A_430 : vector<16xf32>
        %parallel_loop3A_468 = arith.addf %parallel_loop3A_467, %parallel_loop3A_441 : vector<16xf32>
        %parallel_loop3A_469 = arith.addf %parallel_loop3A_468, %parallel_loop3A_452 : vector<16xf32>
        %parallel_loop3A_470 = arith.addf %parallel_loop3A_469, %parallel_loop3A_463 : vector<16xf32>
        %parallel_loop3A_471 = arith.mulf %parallel_loop3A_386, %parallel_loop3A_386 : vector<16xf32>
        %parallel_loop3A_472 = arith.mulf %parallel_loop3A_397, %parallel_loop3A_397 : vector<16xf32>
        %parallel_loop3A_473 = arith.addf %parallel_loop3A_471, %parallel_loop3A_472 : vector<16xf32>
        %parallel_loop3A_474 = arith.mulf %parallel_loop3A_408, %parallel_loop3A_408 : vector<16xf32>
        %parallel_loop3A_475 = arith.addf %parallel_loop3A_473, %parallel_loop3A_474 : vector<16xf32>
        %parallel_loop3A_476 = arith.mulf %parallel_loop3A_419, %parallel_loop3A_419 : vector<16xf32>
        %parallel_loop3A_477 = arith.addf %parallel_loop3A_475, %parallel_loop3A_476 : vector<16xf32>
        %parallel_loop3A_478 = arith.mulf %parallel_loop3A_430, %parallel_loop3A_430 : vector<16xf32>
        %parallel_loop3A_479 = arith.addf %parallel_loop3A_477, %parallel_loop3A_478 : vector<16xf32>
        %parallel_loop3A_480 = arith.mulf %parallel_loop3A_441, %parallel_loop3A_441 : vector<16xf32>
        %parallel_loop3A_481 = arith.addf %parallel_loop3A_479, %parallel_loop3A_480 : vector<16xf32>
        %parallel_loop3A_482 = arith.mulf %parallel_loop3A_452, %parallel_loop3A_452 : vector<16xf32>
        %parallel_loop3A_483 = arith.addf %parallel_loop3A_481, %parallel_loop3A_482 : vector<16xf32>
        %parallel_loop3A_484 = arith.mulf %parallel_loop3A_463, %parallel_loop3A_463 : vector<16xf32>
        %parallel_loop3A_485 = arith.addf %parallel_loop3A_483, %parallel_loop3A_484 : vector<16xf32>
        %parallel_loop3A_486 = arith.constant 15 : i32
        %parallel_loop3A_487 = vector.broadcast %parallel_loop3A_486 : i32 to vector<16xi32>
        %parallel_loop3A_488 = tpu.iota {dimensions = array<i32: 0>} : vector<16xi32>
        %parallel_loop3A_489 = arith.subi %parallel_loop3A_487, %parallel_loop3A_488 : vector<16xi32>
        %parallel_loop3A_490 = tpu.dynamic_gather %parallel_loop3A_345[%parallel_loop3A_489] in [0] : vector<16xf32>, vector<16xi32> -> vector<16xf32>
        %parallel_loop3A_491 = arith.addf %parallel_loop3A_345, %parallel_loop3A_490 : vector<16xf32>
        %parallel_loop3A_492 = arith.constant 15 : i32
        %parallel_loop3A_493 = vector.broadcast %parallel_loop3A_492 : i32 to vector<16xi32>
        %parallel_loop3A_494 = tpu.iota {dimensions = array<i32: 0>} : vector<16xi32>
        %parallel_loop3A_495 = arith.subi %parallel_loop3A_493, %parallel_loop3A_494 : vector<16xi32>
        %parallel_loop3A_496 = tpu.dynamic_gather %parallel_loop3A_470[%parallel_loop3A_495] in [0] : vector<16xf32>, vector<16xi32> -> vector<16xf32>
        %parallel_loop3A_497 = arith.addf %parallel_loop3A_470, %parallel_loop3A_496 : vector<16xf32>
        %parallel_loop3A_498 = arith.select %lt3A_152, %parallel_loop3A_491, %parallel_loop3A_497 : vector<16xi1>, vector<16xf32>
        %parallel_loop3A_499 = arith.index_cast %parallel_loop3A_237 : i32 to index
        %parallel_loop3A_500 = tpu.vector_load %arg22[%parallel_loop3A_499] {strides = array<i32>} : memref<2560xf32, #tpu.memory_space<vmem>>, vector<16xf32>,
        %parallel_loop3A_501 = vector.shape_cast %parallel_loop3A_500 : vector<16xf32> to vector<16xf32>
        %parallel_loop3A_502 = vector.shape_cast %parallel_loop3A_498 : vector<16xf32> to vector<16xf32>
        tpu.vector_store %arg22[%parallel_loop3A_499], %parallel_loop3A_502 {strides = array<i32>} : memref<2560xf32, #tpu.memory_space<vmem>>, vector<16xf32>,
        %parallel_loop3A_503 = arith.constant 4 : i32
        %parallel_loop3A_504 = arith.addi %parallel_loop3A_237, %parallel_loop3A_503 : i32
        %parallel_loop3A_505 = arith.index_cast %parallel_loop3A_504 : i32 to index
        %parallel_loop3A_506 = tpu.vector_load %arg22[%parallel_loop3A_505] {strides = array<i32>} : memref<2560xf32, #tpu.memory_space<vmem>>, vector<16xf32>,
        %parallel_loop3A_507 = vector.shape_cast %parallel_loop3A_506 : vector<16xf32> to vector<16xf32>
        %parallel_loop3A_508 = arith.addf %parallel_loop3A_498, %parallel_loop3A_507 : vector<16xf32>
        %parallel_loop3A_509 = arith.index_cast %parallel_loop3A_237 : i32 to index
        %parallel_loop3A_510 = tpu.vector_load %arg22[%parallel_loop3A_509] {strides = array<i32>} : memref<2560xf32, #tpu.memory_space<vmem>>, vector<16xf32>,
        %parallel_loop3A_511 = vector.shape_cast %parallel_loop3A_510 : vector<16xf32> to vector<16xf32>
        %parallel_loop3A_512 = vector.shape_cast %parallel_loop3A_508 : vector<16xf32> to vector<16xf32>
        tpu.vector_store %arg22[%parallel_loop3A_509], %parallel_loop3A_512 {strides = array<i32>} : memref<2560xf32, #tpu.memory_space<vmem>>, vector<16xf32>,
        %parallel_loop3A_513 = arith.constant 2 : i32
        %parallel_loop3A_514 = arith.addi %parallel_loop3A_237, %parallel_loop3A_513 : i32
        %parallel_loop3A_515 = arith.index_cast %parallel_loop3A_514 : i32 to index
        %parallel_loop3A_516 = tpu.vector_load %arg22[%parallel_loop3A_515] {strides = array<i32>} : memref<2560xf32, #tpu.memory_space<vmem>>, vector<16xf32>,
        %parallel_loop3A_517 = vector.shape_cast %parallel_loop3A_516 : vector<16xf32> to vector<16xf32>
        %parallel_loop3A_518 = arith.addf %parallel_loop3A_508, %parallel_loop3A_517 : vector<16xf32>
        %parallel_loop3A_519 = arith.index_cast %parallel_loop3A_237 : i32 to index
        %parallel_loop3A_520 = tpu.vector_load %arg22[%parallel_loop3A_519] {strides = array<i32>} : memref<2560xf32, #tpu.memory_space<vmem>>, vector<16xf32>,
        %parallel_loop3A_521 = vector.shape_cast %parallel_loop3A_520 : vector<16xf32> to vector<16xf32>
        %parallel_loop3A_522 = vector.shape_cast %parallel_loop3A_518 : vector<16xf32> to vector<16xf32>
        tpu.vector_store %arg22[%parallel_loop3A_519], %parallel_loop3A_522 {strides = array<i32>} : memref<2560xf32, #tpu.memory_space<vmem>>, vector<16xf32>,
        %parallel_loop3A_523 = arith.constant 1 : i32
        %parallel_loop3A_524 = arith.addi %parallel_loop3A_237, %parallel_loop3A_523 : i32
        %parallel_loop3A_525 = arith.index_cast %parallel_loop3A_524 : i32 to index
        %parallel_loop3A_526 = tpu.vector_load %arg22[%parallel_loop3A_525] {strides = array<i32>} : memref<2560xf32, #tpu.memory_space<vmem>>, vector<16xf32>,
        %parallel_loop3A_527 = vector.shape_cast %parallel_loop3A_526 : vector<16xf32> to vector<16xf32>
        %parallel_loop3A_528 = arith.addf %parallel_loop3A_518, %parallel_loop3A_527 : vector<16xf32>
        %parallel_loop3A_529 = arith.constant 32 : i32
        %parallel_loop3A_530 = arith.addi %parallel_loop3A_237, %parallel_loop3A_529 : i32
        %parallel_loop3A_531 = arith.constant 15 : i32
        %parallel_loop3A_532 = vector.broadcast %parallel_loop3A_531 : i32 to vector<16xi32>
        %parallel_loop3A_533 = tpu.iota {dimensions = array<i32: 0>} : vector<16xi32>
        %parallel_loop3A_534 = arith.subi %parallel_loop3A_532, %parallel_loop3A_533 : vector<16xi32>
        %parallel_loop3A_535 = tpu.dynamic_gather %parallel_loop3A_360[%parallel_loop3A_534] in [0] : vector<16xf32>, vector<16xi32> -> vector<16xf32>
        %parallel_loop3A_536 = arith.addf %parallel_loop3A_360, %parallel_loop3A_535 : vector<16xf32>
        %parallel_loop3A_537 = arith.constant 15 : i32
        %parallel_loop3A_538 = vector.broadcast %parallel_loop3A_537 : i32 to vector<16xi32>
        %parallel_loop3A_539 = tpu.iota {dimensions = array<i32: 0>} : vector<16xi32>
        %parallel_loop3A_540 = arith.subi %parallel_loop3A_538, %parallel_loop3A_539 : vector<16xi32>
        %parallel_loop3A_541 = tpu.dynamic_gather %parallel_loop3A_485[%parallel_loop3A_540] in [0] : vector<16xf32>, vector<16xi32> -> vector<16xf32>
        %parallel_loop3A_542 = arith.addf %parallel_loop3A_485, %parallel_loop3A_541 : vector<16xf32>
        %parallel_loop3A_543 = arith.select %lt3A_152, %parallel_loop3A_536, %parallel_loop3A_542 : vector<16xi1>, vector<16xf32>
        %parallel_loop3A_544 = arith.index_cast %parallel_loop3A_530 : i32 to index
        %parallel_loop3A_545 = tpu.vector_load %arg22[%parallel_loop3A_544] {strides = array<i32>} : memref<2560xf32, #tpu.memory_space<vmem>>, vector<16xf32>,
        %parallel_loop3A_546 = vector.shape_cast %parallel_loop3A_545 : vector<16xf32> to vector<16xf32>
        %parallel_loop3A_547 = vector.shape_cast %parallel_loop3A_543 : vector<16xf32> to vector<16xf32>
        tpu.vector_store %arg22[%parallel_loop3A_544], %parallel_loop3A_547 {strides = array<i32>} : memref<2560xf32, #tpu.memory_space<vmem>>, vector<16xf32>,
        %parallel_loop3A_548 = arith.constant 4 : i32
        %parallel_loop3A_549 = arith.addi %parallel_loop3A_530, %parallel_loop3A_548 : i32
        %parallel_loop3A_550 = arith.index_cast %parallel_loop3A_549 : i32 to index
        %parallel_loop3A_551 = tpu.vector_load %arg22[%parallel_loop3A_550] {strides = array<i32>} : memref<2560xf32, #tpu.memory_space<vmem>>, vector<16xf32>,
        %parallel_loop3A_552 = vector.shape_cast %parallel_loop3A_551 : vector<16xf32> to vector<16xf32>
        %parallel_loop3A_553 = arith.addf %parallel_loop3A_543, %parallel_loop3A_552 : vector<16xf32>
        %parallel_loop3A_554 = arith.index_cast %parallel_loop3A_530 : i32 to index
        %parallel_loop3A_555 = tpu.vector_load %arg22[%parallel_loop3A_554] {strides = array<i32>} : memref<2560xf32, #tpu.memory_space<vmem>>, vector<16xf32>,
        %parallel_loop3A_556 = vector.shape_cast %parallel_loop3A_555 : vector<16xf32> to vector<16xf32>
        %parallel_loop3A_557 = vector.shape_cast %parallel_loop3A_553 : vector<16xf32> to vector<16xf32>
        tpu.vector_store %arg22[%parallel_loop3A_554], %parallel_loop3A_557 {strides = array<i32>} : memref<2560xf32, #tpu.memory_space<vmem>>, vector<16xf32>,
        %parallel_loop3A_558 = arith.constant 2 : i32
        %parallel_loop3A_559 = arith.addi %parallel_loop3A_530, %parallel_loop3A_558 : i32
        %parallel_loop3A_560 = arith.index_cast %parallel_loop3A_559 : i32 to index
        %parallel_loop3A_561 = tpu.vector_load %arg22[%parallel_loop3A_560] {strides = array<i32>} : memref<2560xf32, #tpu.memory_space<vmem>>, vector<16xf32>,
        %parallel_loop3A_562 = vector.shape_cast %parallel_loop3A_561 : vector<16xf32> to vector<16xf32>
        %parallel_loop3A_563 = arith.addf %parallel_loop3A_553, %parallel_loop3A_562 : vector<16xf32>
        %parallel_loop3A_564 = arith.index_cast %parallel_loop3A_530 : i32 to index
        %parallel_loop3A_565 = tpu.vector_load %arg22[%parallel_loop3A_564] {strides = array<i32>} : memref<2560xf32, #tpu.memory_space<vmem>>, vector<16xf32>,
        %parallel_loop3A_566 = vector.shape_cast %parallel_loop3A_565 : vector<16xf32> to vector<16xf32>
        %parallel_loop3A_567 = vector.shape_cast %parallel_loop3A_563 : vector<16xf32> to vector<16xf32>
        tpu.vector_store %arg22[%parallel_loop3A_564], %parallel_loop3A_567 {strides = array<i32>} : memref<2560xf32, #tpu.memory_space<vmem>>, vector<16xf32>,
        %parallel_loop3A_568 = arith.constant 1 : i32
        %parallel_loop3A_569 = arith.addi %parallel_loop3A_530, %parallel_loop3A_568 : i32
        %parallel_loop3A_570 = arith.index_cast %parallel_loop3A_569 : i32 to index
        %parallel_loop3A_571 = tpu.vector_load %arg22[%parallel_loop3A_570] {strides = array<i32>} : memref<2560xf32, #tpu.memory_space<vmem>>, vector<16xf32>,
        %parallel_loop3A_572 = vector.shape_cast %parallel_loop3A_571 : vector<16xf32> to vector<16xf32>
        %parallel_loop3A_573 = arith.addf %parallel_loop3A_563, %parallel_loop3A_572 : vector<16xf32>
        %parallel_loop3A_574 = vector.broadcast %scan3A_154 : f32 to vector<16xf32>
        %parallel_loop3A_575 = arith.mulf %parallel_loop3A_528, %parallel_loop3A_574 : vector<16xf32>
        %parallel_loop3A_576 = vector.broadcast %scan3A_154 : f32 to vector<16xf32>
        %parallel_loop3A_577 = arith.mulf %parallel_loop3A_573, %parallel_loop3A_576 : vector<16xf32>
        %parallel_loop3A_578 = arith.mulf %parallel_loop3A_575, %parallel_loop3A_575 : vector<16xf32>
        %parallel_loop3A_579 = arith.subf %parallel_loop3A_577, %parallel_loop3A_578 : vector<16xf32>
        %parallel_loop3A_580 = arith.constant 9.99999996E-13 : f32
        %parallel_loop3A_581 = vector.broadcast %parallel_loop3A_580 : f32 to vector<16xf32>
        %parallel_loop3A_582 = arith.addf %parallel_loop3A_579, %parallel_loop3A_581 : vector<16xf32>
        %parallel_loop3A_583 = tpu.bitcast %parallel_loop3A_582 : vector<16xf32> -> vector<16xi32>
        %parallel_loop3A_584 = arith.constant 1 : i32
        %parallel_loop3A_585 = vector.broadcast %parallel_loop3A_584 : i32 to vector<16xi32>
        %parallel_loop3A_586 = arith.shrui %parallel_loop3A_583, %parallel_loop3A_585 : vector<16xi32>
        %parallel_loop3A_587 = arith.constant 1597463007 : i32
        %parallel_loop3A_588 = vector.broadcast %parallel_loop3A_587 : i32 to vector<16xi32>
        %parallel_loop3A_589 = arith.subi %parallel_loop3A_588, %parallel_loop3A_586 : vector<16xi32>
        %parallel_loop3A_590 = tpu.bitcast %parallel_loop3A_589 : vector<16xi32> -> vector<16xf32>
        %parallel_loop3A_591 = arith.constant 5.000000e-01 : f32
        %parallel_loop3A_592 = vector.broadcast %parallel_loop3A_591 : f32 to vector<16xf32>
        %parallel_loop3A_593 = arith.mulf %parallel_loop3A_592, %parallel_loop3A_582 : vector<16xf32>
        %parallel_loop3A_594 = arith.mulf %parallel_loop3A_593, %parallel_loop3A_590 : vector<16xf32>
        %parallel_loop3A_595 = arith.mulf %parallel_loop3A_594, %parallel_loop3A_590 : vector<16xf32>
        %parallel_loop3A_596 = arith.constant 1.500000e+00 : f32
        %parallel_loop3A_597 = vector.broadcast %parallel_loop3A_596 : f32 to vector<16xf32>
        %parallel_loop3A_598 = arith.subf %parallel_loop3A_597, %parallel_loop3A_595 : vector<16xf32>
        %parallel_loop3A_599 = arith.mulf %parallel_loop3A_590, %parallel_loop3A_598 : vector<16xf32>
        %parallel_loop3A_600 = arith.constant 5.000000e-01 : f32
        %parallel_loop3A_601 = vector.broadcast %parallel_loop3A_600 : f32 to vector<16xf32>
        %parallel_loop3A_602 = arith.mulf %parallel_loop3A_601, %parallel_loop3A_582 : vector<16xf32>
        %parallel_loop3A_603 = arith.mulf %parallel_loop3A_602, %parallel_loop3A_599 : vector<16xf32>
        %parallel_loop3A_604 = arith.mulf %parallel_loop3A_603, %parallel_loop3A_599 : vector<16xf32>
        %parallel_loop3A_605 = arith.constant 1.500000e+00 : f32
        %parallel_loop3A_606 = vector.broadcast %parallel_loop3A_605 : f32 to vector<16xf32>
        %parallel_loop3A_607 = arith.subf %parallel_loop3A_606, %parallel_loop3A_604 : vector<16xf32>
        %parallel_loop3A_608 = arith.mulf %parallel_loop3A_599, %parallel_loop3A_607 : vector<16xf32>
        %parallel_loop3A_609 = arith.constant 5.000000e-01 : f32
        %parallel_loop3A_610 = vector.broadcast %parallel_loop3A_609 : f32 to vector<16xf32>
        %parallel_loop3A_611 = arith.mulf %parallel_loop3A_610, %parallel_loop3A_582 : vector<16xf32>
        %parallel_loop3A_612 = arith.mulf %parallel_loop3A_611, %parallel_loop3A_608 : vector<16xf32>
        %parallel_loop3A_613 = arith.mulf %parallel_loop3A_612, %parallel_loop3A_608 : vector<16xf32>
        %parallel_loop3A_614 = arith.constant 1.500000e+00 : f32
        %parallel_loop3A_615 = vector.broadcast %parallel_loop3A_614 : f32 to vector<16xf32>
        %parallel_loop3A_616 = arith.subf %parallel_loop3A_615, %parallel_loop3A_613 : vector<16xf32>
        %parallel_loop3A_617 = arith.mulf %parallel_loop3A_608, %parallel_loop3A_616 : vector<16xf32>
        %parallel_loop3A_618 = vector.extract_strided_slice %parallel_loop3A_575 {offsets = [0], sizes = [1], strides = [1]} : vector<16xf32> to vector<1xf32>
        %parallel_loop3A_619 = vector.extract %parallel_loop3A_618[0] : f32 from vector<1xf32>
        %parallel_loop3A_620 = vector.extract_strided_slice %parallel_loop3A_617 {offsets = [0], sizes = [1], strides = [1]} : vector<16xf32> to vector<1xf32>
        %parallel_loop3A_621 = vector.extract %parallel_loop3A_620[0] : f32 from vector<1xf32>
        %parallel_loop3A_622 = vector.broadcast %parallel_loop3A_619 : f32 to vector<16xf32>
        %parallel_loop3A_623 = vector.broadcast %parallel_loop3A_621 : f32 to vector<16xf32>
        %parallel_loop3A_624 = arith.subf %parallel_loop3A_261, %parallel_loop3A_622 : vector<16xf32>
        %parallel_loop3A_625 = arith.mulf %parallel_loop3A_624, %parallel_loop3A_623 : vector<16xf32>
        %parallel_loop3A_626 = arith.mulf %parallel_loop3A_625, %get3A_96 : vector<16xf32>
        %parallel_loop3A_627 = arith.addf %parallel_loop3A_626, %get3A_120 : vector<16xf32>
        %parallel_loop3A_628 = arith.index_cast %parallel_loop3A_235 : i32 to index
        %parallel_loop3A_629 = arith.constant 0 : index
        %parallel_loop3A_630 = tpu.vector_load %arg14[%parallel_loop3A_628, %parallel_loop3A_629] {strides = array<i32>} : memref<80x128xf32, #tpu.memory_space<vmem>>, vector<1x16xf32>,
        %parallel_loop3A_631 = vector.shape_cast %parallel_loop3A_630 : vector<1x16xf32> to vector<16xf32>
        %parallel_loop3A_632 = vector.shape_cast %parallel_loop3A_627 : vector<16xf32> to vector<1x16xf32>
        tpu.vector_store %arg14[%parallel_loop3A_628, %parallel_loop3A_629], %parallel_loop3A_632 {strides = array<i32>} : memref<80x128xf32, #tpu.memory_space<vmem>>, vector<1x16xf32>,
        %parallel_loop3A_633 = arith.subf %parallel_loop3A_272, %parallel_loop3A_622 : vector<16xf32>
        %parallel_loop3A_634 = arith.mulf %parallel_loop3A_633, %parallel_loop3A_623 : vector<16xf32>
        %parallel_loop3A_635 = arith.mulf %parallel_loop3A_634, %get3A_99 : vector<16xf32>
        %parallel_loop3A_636 = arith.addf %parallel_loop3A_635, %get3A_123 : vector<16xf32>
        %parallel_loop3A_637 = arith.index_cast %parallel_loop3A_235 : i32 to index
        %parallel_loop3A_638 = arith.constant 16 : index
        %parallel_loop3A_639 = tpu.vector_load %arg14[%parallel_loop3A_637, %parallel_loop3A_638] {strides = array<i32>} : memref<80x128xf32, #tpu.memory_space<vmem>>, vector<1x16xf32>,
        %parallel_loop3A_640 = vector.shape_cast %parallel_loop3A_639 : vector<1x16xf32> to vector<16xf32>
        %parallel_loop3A_641 = vector.shape_cast %parallel_loop3A_636 : vector<16xf32> to vector<1x16xf32>
        tpu.vector_store %arg14[%parallel_loop3A_637, %parallel_loop3A_638], %parallel_loop3A_641 {strides = array<i32>} : memref<80x128xf32, #tpu.memory_space<vmem>>, vector<1x16xf32>,
        %parallel_loop3A_642 = arith.subf %parallel_loop3A_283, %parallel_loop3A_622 : vector<16xf32>
        %parallel_loop3A_643 = arith.mulf %parallel_loop3A_642, %parallel_loop3A_623 : vector<16xf32>
        %parallel_loop3A_644 = arith.mulf %parallel_loop3A_643, %get3A_102 : vector<16xf32>
        %parallel_loop3A_645 = arith.addf %parallel_loop3A_644, %get3A_126 : vector<16xf32>
        %parallel_loop3A_646 = arith.index_cast %parallel_loop3A_235 : i32 to index
        %parallel_loop3A_647 = arith.constant 32 : index
        %parallel_loop3A_648 = tpu.vector_load %arg14[%parallel_loop3A_646, %parallel_loop3A_647] {strides = array<i32>} : memref<80x128xf32, #tpu.memory_space<vmem>>, vector<1x16xf32>,
        %parallel_loop3A_649 = vector.shape_cast %parallel_loop3A_648 : vector<1x16xf32> to vector<16xf32>
        %parallel_loop3A_650 = vector.shape_cast %parallel_loop3A_645 : vector<16xf32> to vector<1x16xf32>
        tpu.vector_store %arg14[%parallel_loop3A_646, %parallel_loop3A_647], %parallel_loop3A_650 {strides = array<i32>} : memref<80x128xf32, #tpu.memory_space<vmem>>, vector<1x16xf32>,
        %parallel_loop3A_651 = arith.subf %parallel_loop3A_294, %parallel_loop3A_622 : vector<16xf32>
        %parallel_loop3A_652 = arith.mulf %parallel_loop3A_651, %parallel_loop3A_623 : vector<16xf32>
        %parallel_loop3A_653 = arith.mulf %parallel_loop3A_652, %get3A_105 : vector<16xf32>
        %parallel_loop3A_654 = arith.addf %parallel_loop3A_653, %get3A_129 : vector<16xf32>
        %parallel_loop3A_655 = arith.index_cast %parallel_loop3A_235 : i32 to index
        %parallel_loop3A_656 = arith.constant 48 : index
        %parallel_loop3A_657 = tpu.vector_load %arg14[%parallel_loop3A_655, %parallel_loop3A_656] {strides = array<i32>} : memref<80x128xf32, #tpu.memory_space<vmem>>, vector<1x16xf32>,
        %parallel_loop3A_658 = vector.shape_cast %parallel_loop3A_657 : vector<1x16xf32> to vector<16xf32>
        %parallel_loop3A_659 = vector.shape_cast %parallel_loop3A_654 : vector<16xf32> to vector<1x16xf32>
        tpu.vector_store %arg14[%parallel_loop3A_655, %parallel_loop3A_656], %parallel_loop3A_659 {strides = array<i32>} : memref<80x128xf32, #tpu.memory_space<vmem>>, vector<1x16xf32>,
        %parallel_loop3A_660 = arith.subf %parallel_loop3A_305, %parallel_loop3A_622 : vector<16xf32>
        %parallel_loop3A_661 = arith.mulf %parallel_loop3A_660, %parallel_loop3A_623 : vector<16xf32>
        %parallel_loop3A_662 = arith.mulf %parallel_loop3A_661, %get3A_108 : vector<16xf32>
        %parallel_loop3A_663 = arith.addf %parallel_loop3A_662, %get3A_132 : vector<16xf32>
        %parallel_loop3A_664 = arith.index_cast %parallel_loop3A_235 : i32 to index
        %parallel_loop3A_665 = arith.constant 64 : index
        %parallel_loop3A_666 = tpu.vector_load %arg14[%parallel_loop3A_664, %parallel_loop3A_665] {strides = array<i32>} : memref<80x128xf32, #tpu.memory_space<vmem>>, vector<1x16xf32>,
        %parallel_loop3A_667 = vector.shape_cast %parallel_loop3A_666 : vector<1x16xf32> to vector<16xf32>
        %parallel_loop3A_668 = vector.shape_cast %parallel_loop3A_663 : vector<16xf32> to vector<1x16xf32>
        tpu.vector_store %arg14[%parallel_loop3A_664, %parallel_loop3A_665], %parallel_loop3A_668 {strides = array<i32>} : memref<80x128xf32, #tpu.memory_space<vmem>>, vector<1x16xf32>,
        %parallel_loop3A_669 = arith.subf %parallel_loop3A_316, %parallel_loop3A_622 : vector<16xf32>
        %parallel_loop3A_670 = arith.mulf %parallel_loop3A_669, %parallel_loop3A_623 : vector<16xf32>
        %parallel_loop3A_671 = arith.mulf %parallel_loop3A_670, %get3A_111 : vector<16xf32>
        %parallel_loop3A_672 = arith.addf %parallel_loop3A_671, %get3A_135 : vector<16xf32>
        %parallel_loop3A_673 = arith.index_cast %parallel_loop3A_235 : i32 to index
        %parallel_loop3A_674 = arith.constant 80 : index
        %parallel_loop3A_675 = tpu.vector_load %arg14[%parallel_loop3A_673, %parallel_loop3A_674] {strides = array<i32>} : memref<80x128xf32, #tpu.memory_space<vmem>>, vector<1x16xf32>,
        %parallel_loop3A_676 = vector.shape_cast %parallel_loop3A_675 : vector<1x16xf32> to vector<16xf32>
        %parallel_loop3A_677 = vector.shape_cast %parallel_loop3A_672 : vector<16xf32> to vector<1x16xf32>
        tpu.vector_store %arg14[%parallel_loop3A_673, %parallel_loop3A_674], %parallel_loop3A_677 {strides = array<i32>} : memref<80x128xf32, #tpu.memory_space<vmem>>, vector<1x16xf32>,
        %parallel_loop3A_678 = arith.subf %parallel_loop3A_327, %parallel_loop3A_622 : vector<16xf32>
        %parallel_loop3A_679 = arith.mulf %parallel_loop3A_678, %parallel_loop3A_623 : vector<16xf32>
        %parallel_loop3A_680 = arith.mulf %parallel_loop3A_679, %get3A_114 : vector<16xf32>
        %parallel_loop3A_681 = arith.addf %parallel_loop3A_680, %get3A_138 : vector<16xf32>
        %parallel_loop3A_682 = arith.index_cast %parallel_loop3A_235 : i32 to index
        %parallel_loop3A_683 = arith.constant 96 : index
        %parallel_loop3A_684 = tpu.vector_load %arg14[%parallel_loop3A_682, %parallel_loop3A_683] {strides = array<i32>} : memref<80x128xf32, #tpu.memory_space<vmem>>, vector<1x16xf32>,
        %parallel_loop3A_685 = vector.shape_cast %parallel_loop3A_684 : vector<1x16xf32> to vector<16xf32>
        %parallel_loop3A_686 = vector.shape_cast %parallel_loop3A_681 : vector<16xf32> to vector<1x16xf32>
        tpu.vector_store %arg14[%parallel_loop3A_682, %parallel_loop3A_683], %parallel_loop3A_686 {strides = array<i32>} : memref<80x128xf32, #tpu.memory_space<vmem>>, vector<1x16xf32>,
        %parallel_loop3A_687 = arith.subf %parallel_loop3A_338, %parallel_loop3A_622 : vector<16xf32>
        %parallel_loop3A_688 = arith.mulf %parallel_loop3A_687, %parallel_loop3A_623 : vector<16xf32>
        %parallel_loop3A_689 = arith.mulf %parallel_loop3A_688, %get3A_117 : vector<16xf32>
        %parallel_loop3A_690 = arith.addf %parallel_loop3A_689, %get3A_141 : vector<16xf32>
        %parallel_loop3A_691 = arith.index_cast %parallel_loop3A_235 : i32 to index
        %parallel_loop3A_692 = arith.constant 112 : index
        %parallel_loop3A_693 = tpu.vector_load %arg14[%parallel_loop3A_691, %parallel_loop3A_692] {strides = array<i32>} : memref<80x128xf32, #tpu.memory_space<vmem>>, vector<1x16xf32>,
        %parallel_loop3A_694 = vector.shape_cast %parallel_loop3A_693 : vector<1x16xf32> to vector<16xf32>
        %parallel_loop3A_695 = vector.shape_cast %parallel_loop3A_690 : vector<16xf32> to vector<1x16xf32>
        tpu.vector_store %arg14[%parallel_loop3A_691, %parallel_loop3A_692], %parallel_loop3A_695 {strides = array<i32>} : memref<80x128xf32, #tpu.memory_space<vmem>>, vector<1x16xf32>,
        %parallel_loop3A_696 = arith.constant 1 : i32
        %parallel_loop3A_697 = arith.addi %parallel_loop3A_235, %parallel_loop3A_696 : i32
        %parallel_loop3A_698 = vector.extract_strided_slice %parallel_loop3A_575 {offsets = [8], sizes = [1], strides = [1]} : vector<16xf32> to vector<1xf32>
        %parallel_loop3A_699 = vector.extract %parallel_loop3A_698[0] : f32 from vector<1xf32>
        %parallel_loop3A_700 = vector.extract_strided_slice %parallel_loop3A_617 {offsets = [8], sizes = [1], strides = [1]} : vector<16xf32> to vector<1xf32>
        %parallel_loop3A_701 = vector.extract %parallel_loop3A_700[0] : f32 from vector<1xf32>
        %parallel_loop3A_702 = vector.broadcast %parallel_loop3A_699 : f32 to vector<16xf32>
        %parallel_loop3A_703 = vector.broadcast %parallel_loop3A_701 : f32 to vector<16xf32>
        %parallel_loop3A_704 = arith.subf %parallel_loop3A_386, %parallel_loop3A_702 : vector<16xf32>
        %parallel_loop3A_705 = arith.mulf %parallel_loop3A_704, %parallel_loop3A_703 : vector<16xf32>
        %parallel_loop3A_706 = arith.mulf %parallel_loop3A_705, %get3A_96 : vector<16xf32>
        %parallel_loop3A_707 = arith.addf %parallel_loop3A_706, %get3A_120 : vector<16xf32>
        %parallel_loop3A_708 = arith.index_cast %parallel_loop3A_697 : i32 to index
        %parallel_loop3A_709 = arith.constant 0 : index
        %parallel_loop3A_710 = tpu.vector_load %arg14[%parallel_loop3A_708, %parallel_loop3A_709] {strides = array<i32>} : memref<80x128xf32, #tpu.memory_space<vmem>>, vector<1x16xf32>,
        %parallel_loop3A_711 = vector.shape_cast %parallel_loop3A_710 : vector<1x16xf32> to vector<16xf32>
        %parallel_loop3A_712 = vector.shape_cast %parallel_loop3A_707 : vector<16xf32> to vector<1x16xf32>
        tpu.vector_store %arg14[%parallel_loop3A_708, %parallel_loop3A_709], %parallel_loop3A_712 {strides = array<i32>} : memref<80x128xf32, #tpu.memory_space<vmem>>, vector<1x16xf32>,
        %parallel_loop3A_713 = arith.subf %parallel_loop3A_397, %parallel_loop3A_702 : vector<16xf32>
        %parallel_loop3A_714 = arith.mulf %parallel_loop3A_713, %parallel_loop3A_703 : vector<16xf32>
        %parallel_loop3A_715 = arith.mulf %parallel_loop3A_714, %get3A_99 : vector<16xf32>
        %parallel_loop3A_716 = arith.addf %parallel_loop3A_715, %get3A_123 : vector<16xf32>
        %parallel_loop3A_717 = arith.index_cast %parallel_loop3A_697 : i32 to index
        %parallel_loop3A_718 = arith.constant 16 : index
        %parallel_loop3A_719 = tpu.vector_load %arg14[%parallel_loop3A_717, %parallel_loop3A_718] {strides = array<i32>} : memref<80x128xf32, #tpu.memory_space<vmem>>, vector<1x16xf32>,
        %parallel_loop3A_720 = vector.shape_cast %parallel_loop3A_719 : vector<1x16xf32> to vector<16xf32>
        %parallel_loop3A_721 = vector.shape_cast %parallel_loop3A_716 : vector<16xf32> to vector<1x16xf32>
        tpu.vector_store %arg14[%parallel_loop3A_717, %parallel_loop3A_718], %parallel_loop3A_721 {strides = array<i32>} : memref<80x128xf32, #tpu.memory_space<vmem>>, vector<1x16xf32>,
        %parallel_loop3A_722 = arith.subf %parallel_loop3A_408, %parallel_loop3A_702 : vector<16xf32>
        %parallel_loop3A_723 = arith.mulf %parallel_loop3A_722, %parallel_loop3A_703 : vector<16xf32>
        %parallel_loop3A_724 = arith.mulf %parallel_loop3A_723, %get3A_102 : vector<16xf32>
        %parallel_loop3A_725 = arith.addf %parallel_loop3A_724, %get3A_126 : vector<16xf32>
        %parallel_loop3A_726 = arith.index_cast %parallel_loop3A_697 : i32 to index
        %parallel_loop3A_727 = arith.constant 32 : index
        %parallel_loop3A_728 = tpu.vector_load %arg14[%parallel_loop3A_726, %parallel_loop3A_727] {strides = array<i32>} : memref<80x128xf32, #tpu.memory_space<vmem>>, vector<1x16xf32>,
        %parallel_loop3A_729 = vector.shape_cast %parallel_loop3A_728 : vector<1x16xf32> to vector<16xf32>
        %parallel_loop3A_730 = vector.shape_cast %parallel_loop3A_725 : vector<16xf32> to vector<1x16xf32>
        tpu.vector_store %arg14[%parallel_loop3A_726, %parallel_loop3A_727], %parallel_loop3A_730 {strides = array<i32>} : memref<80x128xf32, #tpu.memory_space<vmem>>, vector<1x16xf32>,
        %parallel_loop3A_731 = arith.subf %parallel_loop3A_419, %parallel_loop3A_702 : vector<16xf32>
        %parallel_loop3A_732 = arith.mulf %parallel_loop3A_731, %parallel_loop3A_703 : vector<16xf32>
        %parallel_loop3A_733 = arith.mulf %parallel_loop3A_732, %get3A_105 : vector<16xf32>
        %parallel_loop3A_734 = arith.addf %parallel_loop3A_733, %get3A_129 : vector<16xf32>
        %parallel_loop3A_735 = arith.index_cast %parallel_loop3A_697 : i32 to index
        %parallel_loop3A_736 = arith.constant 48 : index
        %parallel_loop3A_737 = tpu.vector_load %arg14[%parallel_loop3A_735, %parallel_loop3A_736] {strides = array<i32>} : memref<80x128xf32, #tpu.memory_space<vmem>>, vector<1x16xf32>,
        %parallel_loop3A_738 = vector.shape_cast %parallel_loop3A_737 : vector<1x16xf32> to vector<16xf32>
        %parallel_loop3A_739 = vector.shape_cast %parallel_loop3A_734 : vector<16xf32> to vector<1x16xf32>
        tpu.vector_store %arg14[%parallel_loop3A_735, %parallel_loop3A_736], %parallel_loop3A_739 {strides = array<i32>} : memref<80x128xf32, #tpu.memory_space<vmem>>, vector<1x16xf32>,
        %parallel_loop3A_740 = arith.subf %parallel_loop3A_430, %parallel_loop3A_702 : vector<16xf32>
        %parallel_loop3A_741 = arith.mulf %parallel_loop3A_740, %parallel_loop3A_703 : vector<16xf32>
        %parallel_loop3A_742 = arith.mulf %parallel_loop3A_741, %get3A_108 : vector<16xf32>
        %parallel_loop3A_743 = arith.addf %parallel_loop3A_742, %get3A_132 : vector<16xf32>
        %parallel_loop3A_744 = arith.index_cast %parallel_loop3A_697 : i32 to index
        %parallel_loop3A_745 = arith.constant 64 : index
        %parallel_loop3A_746 = tpu.vector_load %arg14[%parallel_loop3A_744, %parallel_loop3A_745] {strides = array<i32>} : memref<80x128xf32, #tpu.memory_space<vmem>>, vector<1x16xf32>,
        %parallel_loop3A_747 = vector.shape_cast %parallel_loop3A_746 : vector<1x16xf32> to vector<16xf32>
        %parallel_loop3A_748 = vector.shape_cast %parallel_loop3A_743 : vector<16xf32> to vector<1x16xf32>
        tpu.vector_store %arg14[%parallel_loop3A_744, %parallel_loop3A_745], %parallel_loop3A_748 {strides = array<i32>} : memref<80x128xf32, #tpu.memory_space<vmem>>, vector<1x16xf32>,
        %parallel_loop3A_749 = arith.subf %parallel_loop3A_441, %parallel_loop3A_702 : vector<16xf32>
        %parallel_loop3A_750 = arith.mulf %parallel_loop3A_749, %parallel_loop3A_703 : vector<16xf32>
        %parallel_loop3A_751 = arith.mulf %parallel_loop3A_750, %get3A_111 : vector<16xf32>
        %parallel_loop3A_752 = arith.addf %parallel_loop3A_751, %get3A_135 : vector<16xf32>
        %parallel_loop3A_753 = arith.index_cast %parallel_loop3A_697 : i32 to index
        %parallel_loop3A_754 = arith.constant 80 : index
        %parallel_loop3A_755 = tpu.vector_load %arg14[%parallel_loop3A_753, %parallel_loop3A_754] {strides = array<i32>} : memref<80x128xf32, #tpu.memory_space<vmem>>, vector<1x16xf32>,
        %parallel_loop3A_756 = vector.shape_cast %parallel_loop3A_755 : vector<1x16xf32> to vector<16xf32>
        %parallel_loop3A_757 = vector.shape_cast %parallel_loop3A_752 : vector<16xf32> to vector<1x16xf32>
        tpu.vector_store %arg14[%parallel_loop3A_753, %parallel_loop3A_754], %parallel_loop3A_757 {strides = array<i32>} : memref<80x128xf32, #tpu.memory_space<vmem>>, vector<1x16xf32>,
        %parallel_loop3A_758 = arith.subf %parallel_loop3A_452, %parallel_loop3A_702 : vector<16xf32>
        %parallel_loop3A_759 = arith.mulf %parallel_loop3A_758, %parallel_loop3A_703 : vector<16xf32>
        %parallel_loop3A_760 = arith.mulf %parallel_loop3A_759, %get3A_114 : vector<16xf32>
        %parallel_loop3A_761 = arith.addf %parallel_loop3A_760, %get3A_138 : vector<16xf32>
        %parallel_loop3A_762 = arith.index_cast %parallel_loop3A_697 : i32 to index
        %parallel_loop3A_763 = arith.constant 96 : index
        %parallel_loop3A_764 = tpu.vector_load %arg14[%parallel_loop3A_762, %parallel_loop3A_763] {strides = array<i32>} : memref<80x128xf32, #tpu.memory_space<vmem>>, vector<1x16xf32>,
        %parallel_loop3A_765 = vector.shape_cast %parallel_loop3A_764 : vector<1x16xf32> to vector<16xf32>
        %parallel_loop3A_766 = vector.shape_cast %parallel_loop3A_761 : vector<16xf32> to vector<1x16xf32>
        tpu.vector_store %arg14[%parallel_loop3A_762, %parallel_loop3A_763], %parallel_loop3A_766 {strides = array<i32>} : memref<80x128xf32, #tpu.memory_space<vmem>>, vector<1x16xf32>,
        %parallel_loop3A_767 = arith.subf %parallel_loop3A_463, %parallel_loop3A_702 : vector<16xf32>
        %parallel_loop3A_768 = arith.mulf %parallel_loop3A_767, %parallel_loop3A_703 : vector<16xf32>
        %parallel_loop3A_769 = arith.mulf %parallel_loop3A_768, %get3A_117 : vector<16xf32>
        %parallel_loop3A_770 = arith.addf %parallel_loop3A_769, %get3A_141 : vector<16xf32>
        %parallel_loop3A_771 = arith.index_cast %parallel_loop3A_697 : i32 to index
        %parallel_loop3A_772 = arith.constant 112 : index
        %parallel_loop3A_773 = tpu.vector_load %arg14[%parallel_loop3A_771, %parallel_loop3A_772] {strides = array<i32>} : memref<80x128xf32, #tpu.memory_space<vmem>>, vector<1x16xf32>,
        %parallel_loop3A_774 = vector.shape_cast %parallel_loop3A_773 : vector<1x16xf32> to vector<16xf32>
        %parallel_loop3A_775 = vector.shape_cast %parallel_loop3A_770 : vector<16xf32> to vector<1x16xf32>
        tpu.vector_store %arg14[%parallel_loop3A_771, %parallel_loop3A_772], %parallel_loop3A_775 {strides = array<i32>} : memref<80x128xf32, #tpu.memory_space<vmem>>, vector<1x16xf32>,
      } {sc.loop_unroll_factor = 2 : i64, sc.parallel_access}
      %dma_start3A_222 = arith.constant 0 : i32
      %dma_start3A_223 = tpu.memref_slice %arg9[%add3A_206, %dma_start3A_222] : memref<819200x128xf32, #tpu.memory_space<hbm>> -> memref<80x128xf32, #tpu.memory_space<hbm>>
      %dma_start3A_224 = arith.constant 0 : i32
      %dma_start3A_225 = tpu.memref_slice %arg9[%add3A_206, %dma_start3A_224] : memref<819200x128xf32, #tpu.memory_space<hbm>> -> memref<80x128xf32, #tpu.memory_space<hbm>>
      tpu.enqueue_dma source(%arg14 : memref<80x128xf32, #tpu.memory_space<vmem>>) target(%dma_start3A_225 : memref<80x128xf32, #tpu.memory_space<hbm>>) target_semaphore(%arg26 : memref<!tpu.dma_semaphore, #tpu.memory_space<semaphore_mem>>)
      %add3A_226 = arith.constant 2 : i32
      %add3A_227 = arith.addi %add3A_203, %add3A_226 : i32
      %lt3A_228 = arith.constant 320 : i32
      %lt3A_229 = arith.cmpi slt, %add3A_227, %lt3A_228 : i32
      %convert_element_type3A_230 = arith.extui %lt3A_229 : i1 to i32
      %cond3A_231 = arith.constant 0 : i32
      %cond3A_232 = arith.cmpi ne, %convert_element_type3A_230, %cond3A_231 : i32
      scf.if %cond3A_232 {
        %add3A_233 = arith.constant 2 : i32
        %add3A_234 = arith.addi %add3A_203, %add3A_233 : i32
        %mul3A_235 = arith.constant 80 : i32
        %mul3A_236 = arith.muli %add3A_234, %mul3A_235 : i32
        %add3A_237 = arith.addi %mul3A_2, %mul3A_236 : i32
        "tpu.region"() ({
          %run_scoped3A = tpu.sem_alloc : memref<!tpu.dma_semaphore, #tpu.memory_space<semaphore_mem>>
          %dma_start3A_241 = tpu.memref_slice %arg2[%add3A_237] : memref<819200xi32, #tpu.memory_space<hbm>> -> memref<80xi32, #tpu.memory_space<hbm>>
          %dma_start3A_242 = tpu.memref_slice %arg2[%add3A_237] : memref<819200xi32, #tpu.memory_space<hbm>> -> memref<80xi32, #tpu.memory_space<hbm>>
          tpu.enqueue_dma source(%dma_start3A_242 : memref<80xi32, #tpu.memory_space<hbm>>) target(%arg16 : memref<80xi32, #tpu.memory_space<vmem>>) target_semaphore(%run_scoped3A : memref<!tpu.dma_semaphore, #tpu.memory_space<semaphore_mem>>)
          %dma_wait3A_243 = tpu.memref_slice %arg2[%add3A_237] : memref<819200xi32, #tpu.memory_space<hbm>> -> memref<80xi32, #tpu.memory_space<hbm>>
          %dma_wait3A_244 = tpu.memref_slice %arg2[%add3A_237] : memref<819200xi32, #tpu.memory_space<hbm>> -> memref<80xi32, #tpu.memory_space<hbm>>
          tpu.wait_dma2 semaphore(%run_scoped3A : memref<!tpu.dma_semaphore, #tpu.memory_space<semaphore_mem>>) src(%dma_wait3A_244 : memref<80xi32, #tpu.memory_space<hbm>>) dst(%arg16 : memref<80xi32, #tpu.memory_space<vmem>>)
          tpu.yield
        }) : () -> ()
        "tpu.region"() ({
          %run_scoped3A = tpu.sem_alloc : memref<!tpu.dma_semaphore, #tpu.memory_space<semaphore_mem>>
          %dma_start3A_241 = arith.constant 0 : i32
          %dma_start3A_242 = tpu.memref_slice %arg18[%dma_start3A_241] : memref<104xi32, #tpu.memory_space<vmem>> -> memref<80xi32, #tpu.memory_space<vmem>>
          %dma_start3A_243 = tpu.memref_slice %arg3[%add3A_237] : memref<819200xi32, #tpu.memory_space<hbm>> -> memref<80xi32, #tpu.memory_space<hbm>>
          %dma_start3A_244 = arith.constant 0 : i32
          %dma_start3A_245 = tpu.memref_slice %arg18[%dma_start3A_244] : memref<104xi32, #tpu.memory_space<vmem>> -> memref<80xi32, #tpu.memory_space<vmem>>
          %dma_start3A_246 = tpu.memref_slice %arg3[%add3A_237] : memref<819200xi32, #tpu.memory_space<hbm>> -> memref<80xi32, #tpu.memory_space<hbm>>
          tpu.enqueue_dma source(%dma_start3A_246 : memref<80xi32, #tpu.memory_space<hbm>>) target(%dma_start3A_245 : memref<80xi32, #tpu.memory_space<vmem>>) target_semaphore(%run_scoped3A : memref<!tpu.dma_semaphore, #tpu.memory_space<semaphore_mem>>)
          %dma_wait3A_247 = arith.constant 0 : i32
          %dma_wait3A_248 = tpu.memref_slice %arg18[%dma_wait3A_247] : memref<104xi32, #tpu.memory_space<vmem>> -> memref<80xi32, #tpu.memory_space<vmem>>
          %dma_wait3A_249 = tpu.memref_slice %arg3[%add3A_237] : memref<819200xi32, #tpu.memory_space<hbm>> -> memref<80xi32, #tpu.memory_space<hbm>>
          %dma_wait3A_250 = arith.constant 0 : i32
          %dma_wait3A_251 = tpu.memref_slice %arg18[%dma_wait3A_250] : memref<104xi32, #tpu.memory_space<vmem>> -> memref<80xi32, #tpu.memory_space<vmem>>
          %dma_wait3A_252 = tpu.memref_slice %arg3[%add3A_237] : memref<819200xi32, #tpu.memory_space<hbm>> -> memref<80xi32, #tpu.memory_space<hbm>>
          tpu.wait_dma2 semaphore(%run_scoped3A : memref<!tpu.dma_semaphore, #tpu.memory_space<semaphore_mem>>) src(%dma_wait3A_252 : memref<80xi32, #tpu.memory_space<hbm>>) dst(%dma_wait3A_251 : memref<80xi32, #tpu.memory_space<vmem>>)
          tpu.yield
        }) : () -> ()
        %dma_start3A_238 = arith.constant 0 : i32
        %dma_start3A_239 = arith.constant 0 : i32
        %dma_start3A_240 = tpu.memref_slice %arg4[%dma_start3A_238, %dma_start3A_239] : memref<100000x128xf32, #tpu.memory_space<hbm>> -> memref<100000x128xf32, #tpu.memory_space<hbm>>
        tpu.enqueue_indirect_dma source(%dma_start3A_240 : memref<100000x128xf32, #tpu.memory_space<hbm>>) target(%arg12 : memref<80x128xf32, #tpu.memory_space<vmem>>) offsets(%arg16 : memref<80xi32, #tpu.memory_space<vmem>>) semaphore(%arg24 : memref<!tpu.dma_semaphore, #tpu.memory_space<semaphore_mem>>)
      } else {
      }
    }
    %scan3A_159 = arith.constant 160 : i32
    %add3A_160 = arith.constant 25440 : i32
    %add3A_161 = arith.addi %mul3A_2, %add3A_160 : i32
    %dma_wait3A = arith.constant 0 : i32
    %dma_wait3A_162 = tpu.memref_slice %arg9[%add3A_161, %dma_wait3A] : memref<819200x128xf32, #tpu.memory_space<hbm>> -> memref<80x128xf32, #tpu.memory_space<hbm>>
    %dma_wait3A_163 = arith.constant 0 : i32
    %dma_wait3A_164 = tpu.memref_slice %arg9[%add3A_161, %dma_wait3A_163] : memref<819200x128xf32, #tpu.memory_space<hbm>> -> memref<80x128xf32, #tpu.memory_space<hbm>>
    tpu.wait_dma2 semaphore(%arg25 : memref<!tpu.dma_semaphore, #tpu.memory_space<semaphore_mem>>) src(%arg13 : memref<80x128xf32, #tpu.memory_space<vmem>>) dst(%dma_wait3A_164 : memref<80x128xf32, #tpu.memory_space<hbm>>)
    %add3A_165 = arith.constant 25520 : i32
    %add3A_166 = arith.addi %mul3A_2, %add3A_165 : i32
    %dma_wait3A_167 = arith.constant 0 : i32
    %dma_wait3A_168 = tpu.memref_slice %arg9[%add3A_166, %dma_wait3A_167] : memref<819200x128xf32, #tpu.memory_space<hbm>> -> memref<80x128xf32, #tpu.memory_space<hbm>>
    %dma_wait3A_169 = arith.constant 0 : i32
    %dma_wait3A_170 = tpu.memref_slice %arg9[%add3A_166, %dma_wait3A_169] : memref<819200x128xf32, #tpu.memory_space<hbm>> -> memref<80x128xf32, #tpu.memory_space<hbm>>
    tpu.wait_dma2 semaphore(%arg26 : memref<!tpu.dma_semaphore, #tpu.memory_space<semaphore_mem>>) src(%arg14 : memref<80x128xf32, #tpu.memory_space<vmem>>) dst(%dma_wait3A_170 : memref<80x128xf32, #tpu.memory_space<hbm>>)
    return
  }
}

</mosaic_0001>

<sc_bundles>
// kernel: kernel.3.cloned.1.call-start
scs
__scs_entry_jumppad:
0x0: {  	(pc) =	sbr.rel $0x88, $3  }
0x1: {  	(tag) =	ssettag $0x0;
	lr =	simm.s32 $0x1  }
0x2: {  	[smem:$0x3F9A] =	sst lr;
	_ =	strace $0xD0000000  }
0x3: {  	_ = 	snop  }
0x4: {  	_ = 	snop  }
0x5: {  	_ = 	snop  }
0x6: {  	_ = 	snop  }
0x7: {  	_ = 	snop  }
__scs_overlays_trampoline_lowered:
0x8: {  	[smem:$0x3FA9] =	sst s0  }
0x9: {  	[smem:$0x3FAA] =	sst s1  }
0xa: {  	[smem:$0x3FAB] =	sst s2  }
0xb: {  	[smem:$0x3FAC] =	sst s3  }
0xc: {  	[smem:$0x3FAD] =	sst s4  }
0xd: {  	[smem:$0x3FAE] =	sst s5  }
0xe: {  	[smem:$0x3FAF] =	sst s6  }
0xf: {  	[smem:$0x3FB0] =	sst s7  }
0x10: {  	[smem:$0x3FB1] =	sst s8  }
0x11: {  	[smem:$0x3FB2] =	sst s9;
	s0 =	simm.s32 @!p0 $0x0  }
0x12: {  	s1 =	sld [smem:$0x3F98];
	s0 =	simm.s32 @p0 $0x1  }
0x13: {  	[smem:$0x3FB3] =	sst s0;
	s0 =	simm.s32 @!p1 $0x0  }
0x14: {  	s2 =	sld [smem:$0x3F97];
	s0 =	simm.s32 @p1 $0x1  }
0x15: {  	[smem:$0x3FB4] =	sst s0;
	s0 =	simm.s32 @!p2 $0x0  }
0x16: {  	s3 =	sld [smem:$0x3FDB];
	s0 =	simm.s32 @p2 $0x1  }
0x17: {  	s4 =	simm.s32 $0x1BF5;
	[smem:$0x3FB6] =	sst s0  }
0x18: {  	s0 =	sld [smem:$0x3F99];
	_ =	swait.ge [sflag:s4], $0x0  }
0x19: {  	s7 =	sld [smem:$0x3F9A]  }
0x1a: {  	s8 =	sadd.s32 $0xFFFFE003, lr  }
0x1b: {  	s9 =	sadd.s32 $0xFFFFFEF7, lr;
	s5 =	simm.s32 $0xFFFFFFFF;
	p2 =	slt.u32 s8, $0xFFFFF086  }
0x1c: {  	p1 =	slt.u32 s9, $0xF7A;
	s5 =	simm.s32 @!p2 $0x0  }
0x1d: {  	s5 =	simm.s32 @p1 $0x1;
	p0 =	seq.s32 s7, s2  }
0x1e: {  	s7 =	smul.u32 @!p0 $0xF7A, s2;
	p2 =	seq.s32 @!p0 s5, $0x0  }
0x1f: {  	s9 =	smul.u32 $0xF7A, s1;
	s8 =	simm.s32 @!p0 $0x1BF5;
	p2 =	por !p2, p0  }
0x20: {  	[sflag:s8] =	ssyncset.s32 @!p0 $0xFFFFF086;
	s6 =	sadd.s32 @!p0 s3, s7;
	s7 =	simm.s32 @!p0 $0x108  }
0x21: {  	s3 =	sadd.s32 s3, s9;
	s6 =	sadd.s32 @!p0 $0x88, s6;
	s7 =	simm.s32 @p2 $0x1082  }
0x22: {  	[simem:s7], [sflag:s8] =	dma.local @!p0 [hbm:s6], $0xF7A  }
0x23: {  	s9 =	sor.u32 $0xD0000000, s2;
	s6 =	simm.s32 $0x108;
	_ =	swait.ge @!p0 [sflag:s8], $0x0  }
0x24: {  	s3 =	sadd.s32 $0x88, s3;
	s6 =	simm.s32 @!p1 $0x1082;
	[sflag:s4] =	ssyncset.s32 $0xFFFFF086  }
0x25: {  	[simem:s6], [sflag:s4] =	dma.local [hbm:s3], $0xF7A  }
0x26: {  	[smem:$0x3F9A] =	sst s1;
	(tag) =	ssettag s2;
	_ =	strace s9  }
0x27: {  	s1 =	sld [smem:$0x3FAA]  }
0x28: {  	s2 =	sld [smem:$0x3FAB]  }
0x29: {  	s4 =	sld [smem:$0x3FAD]  }
0x2a: {  	p0 =	seq.s32 s5, $0x0;
	s5 =	sld [smem:$0x3FAE]  }
0x2b: {  	s6 =	sld [smem:$0x3FAF]  }
0x2c: {  	s7 =	sld [smem:$0x3FB0]  }
0x2d: {  	s3 =	simm.s32 $0x108;
	s8 =	sld [smem:$0x3FB1]  }
0x2e: {  	s3 =	simm.s32 @!p0 $0x1082;
	s9 =	sld [smem:$0x3FB2]  }
0x2f: {  	lr =	sadd.s32 s0, s3;
	s0 =	sld [smem:$0x3FA9]  }
0x30: {  	s3 =	sld [smem:$0x3FAC]  }
0x31: {  	[smem:$0x3FB5] =	sst s10  }
0x32: {  	s10 =	sld [smem:$0x3FB3];
	_ =	sdelay $0x3  }
0x33: {  	p0 =	seq.s32 s10, $0x1;
	s10 =	sld [smem:$0x3FB5];
	_ =	sdelay $0x3  }
0x34: {  	[smem:$0x3FB5] =	sst s10  }
0x35: {  	s10 =	sld [smem:$0x3FB4];
	_ =	sdelay $0x3  }
0x36: {  	p1 =	seq.s32 s10, $0x1;
	s10 =	sld [smem:$0x3FB5];
	_ =	sdelay $0x3  }
0x37: {  	[smem:$0x3FB5] =	sst s10  }
0x38: {  	s10 =	sld [smem:$0x3FB6]  }
0x39: {  	_ = 	snop;
	(pc) =	sbr.ind lr, $3  }
0x3a: {  	_ = 	snop  }
0x3b: {  	_ = 	snop  }
0x3c: {  	p2 =	seq.s32 s10, $0x1;
	s10 =	sld [smem:$0x3FB5]  }
0x3d: {  	_ =	shalt  }
0x3e: {  	_ =	shalt  }
0x3f: {  	_ =	shalt  }
0x40: {  	_ =	shalt  }
0x41: {  	_ =	shalt  }
0x42: {  	_ =	shalt  }
0x43: {  	_ =	shalt  }
0x44: {  	_ =	shalt  }
0x45: {  	_ =	shalt  }
0x46: {  	_ =	shalt  }
0x47: {  	_ =	shalt  }
0x48: {  	_ =	shalt  }
0x49: {  	_ =	shalt  }
0x4a: {  	_ =	shalt  }
0x4b: {  	_ =	shalt  }
0x4c: {  	_ =	shalt  }
0x4d: {  	_ =	shalt  }
0x4e: {  	_ =	shalt  }
0x4f: {  	_ =	shalt  }
0x50: {  	_ =	shalt  }
0x51: {  	_ =	shalt  }
0x52: {  	_ =	shalt  }
0x53: {  	_ =	shalt  }
0x54: {  	_ =	shalt  }
0x55: {  	_ =	shalt  }
0x56: {  	_ =	shalt  }
0x57: {  	_ =	shalt  }
0x58: {  	_ =	shalt  }
0x59: {  	_ =	shalt  }
0x5a: {  	_ =	shalt  }
0x5b: {  	_ =	shalt  }
0x5c: {  	_ =	shalt  }
0x5d: {  	_ =	shalt  }
0x5e: {  	_ =	shalt  }
0x5f: {  	_ =	shalt  }
0x60: {  	_ =	shalt  }
0x61: {  	_ =	shalt  }
0x62: {  	_ =	shalt  }
0x63: {  	_ =	shalt  }
0x64: {  	_ =	shalt  }
0x65: {  	_ =	shalt  }
0x66: {  	_ =	shalt  }
0x67: {  	_ =	shalt  }
0x68: {  	_ =	shalt  }
0x69: {  	_ =	shalt  }
0x6a: {  	_ =	shalt  }
0x6b: {  	_ =	shalt  }
0x6c: {  	_ =	shalt  }
0x6d: {  	_ =	shalt  }
0x6e: {  	_ =	shalt  }
0x6f: {  	_ =	shalt  }
0x70: {  	_ =	shalt  }
0x71: {  	_ =	shalt  }
0x72: {  	_ =	shalt  }
0x73: {  	_ =	shalt  }
0x74: {  	_ =	shalt  }
0x75: {  	_ =	shalt  }
0x76: {  	_ =	shalt  }
0x77: {  	_ =	shalt  }
0x78: {  	_ =	shalt  }
0x79: {  	_ =	shalt  }
0x7a: {  	_ =	shalt  }
0x7b: {  	_ =	shalt  }
0x7c: {  	_ =	shalt  }
0x7d: {  	_ =	shalt  }
0x7e: {  	_ =	shalt  }
0x7f: {  	_ =	shalt  }
0x80: {  	_ =	shalt  }
0x81: {  	_ =	shalt  }
0x82: {  	_ =	shalt  }
0x83: {  	_ =	shalt  }
0x84: {  	_ =	shalt  }
0x85: {  	_ =	shalt  }
0x86: {  	_ =	shalt  }
0x87: {  	_ =	shalt  }
.Lfunc_end0:
.L_simem_size_0:
called_computation_lowered:
.L_overlay_start_0:
0x88: {  	s2 =	sld [smem:$0x3FD9]  }
0x89: {  	s3 =	sld [smem:$0x3FFE];
	_ =	sdelay $0x1  }
0x8a: {  	s1 =	srdreg.scid  }
0x8b: {  	s0 =	sand.u32 $0x1, s1  }
0x8c: {  	s17 =	sshll.u32 s0, $0xA;
	s2 =	sadd.s32 s3, s2  }
0x8d: {  	s2 =	sadd.s32 s2, s17  }
0x8e: {  	[smem:$0x3FC1] =	sst s2  }
0x8f: {  	_ = 	snop  }
0x90: {  	s2 =	sld [smem:$0x3FC7]  }
0x91: {  	s18 =	sld [smem:$0x3FC6]  }
0x92: {  	s4 =	sld [smem:$0x3FC5]  }
0x93: {  	s5 =	sld [smem:$0x3FC4]  }
0x94: {  	s6 =	sld [smem:$0x3FC3]  }
0x95: {  	s7 =	sld [smem:$0x3FD0];
	(tm) =	ssettm $0x1  }
0x96: {  	s8 =	sld [smem:$0x3FFB];
	_ =	sdelay $0x3  }
0x97: {  	_ =	strace s8  }
0x98: {  	s8 =	sld [smem:$0x3FFC];
	_ =	sdelay $0x3  }
0x99: {  	_ =	strace s8  }
0x9a: {  	s8 =	sld [smem:$0x3FFD];
	_ =	sdelay $0x3  }
0x9b: {  	_ =	strace s8  }
0x9c: {  	_ =	strace $0x8FFFFFFF  }
0x9d: {  	s19 =	sld [smem:$0x3FDB];
	_ =	sdelay $0x1  }
0x9e: {  	s9 =	simm.s32 $_scs_section_size  }
0x9f: {  	s10 =	simm.s32 $_size__tile_overlayer_lowered;
	s11 =	simm.s32 $_tile_overlayer_lowered  }
0xa0: {  	s22 =	simm.s32 $0x1BFF;
	s21 =	sshll.u32 s11, $0x1;
	s8 =	sadd.s32 s9, s19  }
0xa1: {  	s12 =	simm.s32 $0x0;
	s20 =	sshll.u32 s10, $0x1;
	s10 =	sadd.s32 s21, s8  }
0xa2: {  	[timem:s12], [sflag:s22] =	dma.local [hbm:s10], s20  }
0xa3: {  	_ =	swait.ge [sflag:s22], s20  }
0xa4: {  	s9 =	ssub.s32 $0x0, s20;
	[sflag:s22] =	ssyncset.done $0x0  }
0xa5: {  	[sflag:s22] =	ssyncadd.s32 s9;
	_ =	sdelay $0x1  }
0xa6: {  	s23 =	simm.s32 $0x1B8B  }
0xa7: {  	_ =	swait.ge [sflag:s23], $0x1  }
0xa8: {  	[sflag:s23] =	ssyncset.done $0x0  }
0xa9: {  	s25 =	simm.s32 $0x1B8E;
	s24 =	sld [smem:$0x3FFE];
	[sflag:s23] =	ssyncadd.s32 $0xFFFFFFFF  }
0xaa: {  	s26 =	simm.s32 $execute0_lowered;
	[smem:$0x3FD2] =	sst s25  }
0xab: {  	s10 =	sshll.u32 s26, $0x1;
	_ =	strace $0x80000046;
	[dreg:$0x1] =	wrdreg $0xFFFFFFFF  }
0xac: {  	s28 =	simm.s32 $_size_execute0_lowered;
	s8 =	sadd.s32 s8, s10;
	[dreg:$0x0] =	wrdreg $0x0  }
0xad: {  	s10 =	sshll.u32 s28, $0x1;
	[dreg:$0x2] =	wrdreg s8  }
0xae: {  	[dreg:$0x3] =	wrdreg s10  }
0xaf: {  	[dreg:$0x4] =	wrdreg $0xC0  }
0xb0: {  	_ =	task [dreg:s12], $0x5FFFF  }
0xb1: {  	[dreg:$0x1] =	wrdreg $0xFFFFFFFF  }
0xb2: {  	[dreg:$0x0] =	wrdreg $0x60  }
0xb3: {  	[dreg:$0x2] =	wrdreg s24  }
0xb4: {  	[dreg:$0x3] =	wrdreg s2  }
0xb5: {  	[dreg:$0x4] =	wrdreg s18  }
0xb6: {  	[dreg:$0x5] =	wrdreg s4  }
0xb7: {  	[dreg:$0x6] =	wrdreg s5  }
0xb8: {  	[dreg:$0x7] =	wrdreg s6  }
0xb9: {  	[dreg:$0x8] =	wrdreg s7  }
0xba: {  	[dreg:$0x9] =	wrdreg $0x9  }
0xbb: {  	_ =	task.clear_ibuf [dreg:s12], $0xAFFFF;
	_ =	strace $0x90000046  }
0xbc: {  	s29 =	simm.s32 $0x9;
	_ =	strace $0x80000048  }
0xbd: {  	_ =	swait.ge [sflag:s29], $0x1  }
0xbe: {  	[sflag:s29] =	ssyncadd.s32 $0xFFFFFFFF  }
0xbf: {  	_ =	strace $0x90000048  }
0xc0: {  	_ =	sfence  }
0xc1: {  	s30 =	sld [smem:$0x0];
	_ =	sdelay $0x2  }
0xc2: {  	s31 =	sshll.u32 s1, $0xD;
	s1 =	sshrl.u32 s1, $0x2  }
0xc3: {  	s3 =	sand.u32 $0x4000, s31;
	s1 =	sadd.s32 s1, s30  }
0xc4: {  	s0 =	sor.u32 s3, s0;
	s1 =	sshll.u32 s1, $0x11  }
0xc5: {  	s0 =	sor.u32 s1, s0  }
0xc6: {  	s0 =	sadd.s32 $0x8F2B, s0  }
0xc7: {  	[sflag:s0] =	ssyncadd.remote.s32 $0x1  }
0xc8: {  	_ =	sfence.sel $0xFFFF  }
0xc9: {  	[dreg:$0x0] =	wrdreg $0xFFFFFFFF;
	(pc) =	sbr.abs _section_cstart, $3  }
0xca: {  	[dreg:$0x1] =	wrdreg $0xFFFFFFFF  }
0xcb: {  	_ =	task.clear_ibuf [dreg:s12], $0x2FFFF;
	_ =	strace $0x9FFFFFFF  }
0xcc: {  	(tm) =	ssettm $0x7FFFFFFF  }
0xcd: {  	_ =	shalt  }
tec
execute0_lowered:
.L_overlay_start_1:
0x0: {  	(tag) =	ssettag $0x1  }
0x1: {  	s1 =	rddreg [dreg:$0x0]  }
0x2: {  	s16 =	rddreg [dreg:$0x1]  }
0x3: {  	s2 =	srdreg.scid;
	s9 =	rddreg [dreg:$0x6];
	s8 =	simm.s32 $0x0  }
0x4: {  	s3 =	stileid.u32;
	s21 =	simm.s32 $0xFFFF9C80;
	[smem:$0x7FF] =	sst s8  }
0x5: {  	s23 =	simm.s32 $0xFFFF9D00;
	_ =	strace $0x80000047;
	[dreg:$0x9] =	wrdreg s21  }
0x6: {  	s25 =	simm.s32 $0xFFFF9D80;
	s26 =	simm.s32 $0xFFFFC400;
	[dreg:$0xa] =	wrdreg s23  }
0x7: {  	s28 =	simm.s32 $0xFFFFC480;
	s29 =	simm.s32 $0xFFFFC500;
	[dreg:$0xb] =	wrdreg s25  }
0x8: {  	s2 =	sand.u32 $0x1, s2;
	s3 =	sshll.u32 s3, $0x1;
	[dreg:$0xe] =	wrdreg s26  }
0x9: {  	s31 =	simm.s32 $0xFFFFC580;
	s3 =	sor.u32 s2, s3;
	[dreg:$0xf] =	wrdreg s28  }
0xa: {  	s10 =	sadd.s32 $0x600, s1;
	[dreg:$0x10] =	wrdreg s29;
	s5 =	smul.u32 $0x6400, s3  }
0xb: {  	s11 =	sadd.s32 $0x19600, s1;
	s2 =	ssub.s32 $0x2, s2;
	[dreg:$0x11] =	wrdreg s31  }
0xc: {  	s13 =	sshrl.u32 s2, $0x1;
	s20 =	sor.u32 $0xA0, s5;
	[dreg:$0x12] =	wrdreg s5  }
0xd: {  	s14 =	ssub.s32 s2, s13;
	s22 =	sor.u32 $0xF0, s5;
	[dreg:$0x17] =	wrdreg s20  }
0xe: {  	s4 =	sshrl.u32 s5, $0x3;
	s24 =	smax.u32 s14, $0x1;
	[dreg:$0x18] =	wrdreg s22  }
.Ltmp0:
0xf: {  	v0 =	vlaneseq.u32;
	s0 =	sadd.s32 s10, s4;
	[dreg:$0x19] =	wrdreg s24;
	(pc) =	sbr.rel .LBB2_1-.Ltmp0, $4  }
0x10: {  	v0 =	vmul.u32 $0xFFFFFFFF, v0;
	s15 =	sor.u32 $0xA, s4;
	s17 =	sadd.s32 s11, s4;
	[dreg:$0x13] =	wrdreg s0  }
0x11: {  	s30 =	simm.s32 $0x1;
	[dreg:$0x14] =	wrdreg s17;
	s18 =	sadd.s32 s10, s15  }
0x12: {  	v0 =	vadd.s32 $0xF, v0;
	s3 =	simm.s32 $0x0;
	s19 =	sadd.s32 s11, s15;
	[dreg:$0x15] =	wrdreg s18  }
0x13: {  	vm0 =	vmmov $0xff;
	[tilespmem:$0x1FFF0] =	vst v0;
	s5 =	simm.s32 $0x2;
	[dreg:$0x16] =	wrdreg s19;
	s19 =	simm.s32 $0x5  }
.LBB2_10:
0x14: {  	s1 =	simm.s32 $0x3  }
0x15: {  	_ =	swait.ge [sflag:s1], $0x2800  }
0x16: {  	[sflag:s1] =	ssyncset.done $0x0  }
0x17: {  	s2 =	simm.s32 $0x4;
	[sflag:s1] =	ssyncadd.s32 $0xFFFFD800  }
0x18: {  	_ =	swait.ge [sflag:s2], $0x2800  }
0x19: {  	s3 =	rddreg [dreg:$0x1a]  }
0x1a: {  	s31 =	rddreg [dreg:$0x19];
	s3 =	sadd.s32 $0x1, s3  }
0x1b: {  	p0 =	sne.s32 s3, s31  }
.Ltmp1:
0x1c: {  	_ = 	snop;
	(pc) =	sbr.rel @!p0 .LBB2_11-.Ltmp1, $3  }
0x1d: {  	_ =	sdelay $0x1  }
0x1e: {  	[sflag:s2] =	ssyncset.done $0x0  }
0x1f: {  	s16 =	smov.u32 s0;
	[sflag:s2] =	ssyncadd.s32 $0xFFFFD800  }
.LBB2_1:
0x20: {  	[dreg:$0x1a] =	wrdreg s3  }
0x21: {  	s1 =	rddreg [dreg:$0x2]  }
0x22: {  	[tilespmem:s8], [sflag:$0x5] =	stream.linear.gather [hbm4b:s1+s8], $0x6400, $0x38;
	[tilespmem:$0x11200] =	vst v63  }
0x23: {  	_ =	swait.ge [sflag:s19], $0x6400  }
0x24: {  	[sflag:s19] =	ssyncset.done $0x0  }
0x25: {  	[sflag:s19] =	ssyncadd.s32 $0xFFFF9C00  }
0x26: {  	s0 =	simm.s32 $0x10700;
	s25 =	rddreg [dreg:$0x3]  }
0x27: {  	[tilespmem:s0], [sflag:$0x5] =	stream.linear.gather [hbm4b:s25+s8], $0x100, $0x38;
	[tilespmem:$0x11200] =	vst v63  }
0x28: {  	_ =	swait.ge [sflag:s19], $0x100  }
0x29: {  	[sflag:s19] =	ssyncset.done $0x0  }
0x2a: {  	[sflag:s19] =	ssyncadd.s32 $0xFFFFFF00  }
0x2b: {  	s28 =	simm.s32 $0x10600;
	s26 =	rddreg [dreg:$0x4]  }
0x2c: {  	[tilespmem:s28], [sflag:$0x5] =	stream.linear.gather [hbm4b:s26+s8], $0x80, $0x38;
	[tilespmem:$0x11200] =	vst v63  }
0x2d: {  	_ =	swait.ge [sflag:s19], $0x80  }
0x2e: {  	[sflag:s19] =	ssyncset.done $0x0  }
0x2f: {  	[sflag:s19] =	ssyncadd.s32 $0xFFFFFF80  }
0x30: {  	s31 =	simm.s32 $0x10680;
	s29 =	rddreg [dreg:$0x5]  }
0x31: {  	[tilespmem:s31], [sflag:$0x5] =	stream.linear.gather [hbm4b:s29+s8], $0x80, $0x38;
	[tilespmem:$0x11200] =	vst v63  }
0x32: {  	_ =	swait.ge [sflag:s19], $0x80  }
0x33: {  	[sflag:s19] =	ssyncset.done $0x0  }
0x34: {  	s1 =	simm.s32 $0x0;
	[sflag:s19] =	ssyncadd.s32 $0xFFFFFF80  }
0x35: {  	s3 =	simm.s32 $0x200;
	v1 =	vld [tilespmem:s1+$0x0]  }
.LBB2_2:
0x36: {  	p0 =	sne.s32 s3, $0x18E00;
	v2 =	vld [tilespmem:$0x10700];
	_ =	sdelay $0x4  }
0x37: {  	v1 =	vadd.f32 v2, v1;
	_ =	sdelay $0x1  }
0x38: {  	[tilespmem:s1+$0x0] =	vst v1;
	v1 =	vld [tilespmem:s1+$0x10]  }
0x39: {  	v2 =	vld [tilespmem:$0x10710];
	_ =	sdelay $0x4  }
0x3a: {  	v1 =	vadd.f32 v2, v1;
	_ =	sdelay $0x1  }
0x3b: {  	[tilespmem:s1+$0x10] =	vst v1;
	v1 =	vld [tilespmem:s1+$0x20]  }
0x3c: {  	v2 =	vld [tilespmem:$0x10720];
	_ =	sdelay $0x4  }
0x3d: {  	v1 =	vadd.f32 v2, v1;
	_ =	sdelay $0x1  }
0x3e: {  	[tilespmem:s1+$0x20] =	vst v1;
	v1 =	vld [tilespmem:s1+$0x30]  }
0x3f: {  	v2 =	vld [tilespmem:$0x10730];
	_ =	sdelay $0x4  }
0x40: {  	v1 =	vadd.f32 v2, v1;
	_ =	sdelay $0x1  }
0x41: {  	[tilespmem:s1+$0x30] =	vst v1;
	v1 =	vld [tilespmem:s1+$0x40]  }
0x42: {  	v2 =	vld [tilespmem:$0x10740];
	_ =	sdelay $0x4  }
0x43: {  	v1 =	vadd.f32 v2, v1;
	_ =	sdelay $0x1  }
0x44: {  	[tilespmem:s1+$0x40] =	vst v1;
	v1 =	vld [tilespmem:s1+$0x50]  }
0x45: {  	v2 =	vld [tilespmem:$0x10750];
	_ =	sdelay $0x4  }
0x46: {  	v1 =	vadd.f32 v2, v1;
	_ =	sdelay $0x1  }
0x47: {  	[tilespmem:s1+$0x50] =	vst v1;
	v1 =	vld [tilespmem:s1+$0x60]  }
0x48: {  	v2 =	vld [tilespmem:$0x10760];
	_ =	sdelay $0x4  }
0x49: {  	v1 =	vadd.f32 v2, v1;
	_ =	sdelay $0x1  }
0x4a: {  	[tilespmem:s1+$0x60] =	vst v1;
	v1 =	vld [tilespmem:s1+$0x70]  }
0x4b: {  	v2 =	vld [tilespmem:$0x10770];
	_ =	sdelay $0x2  }
.Ltmp2:
0x4c: {  	(pc) =	sbr.rel @p0 .LBB2_2-.Ltmp2, $4  }
0x4d: {  	_ = 	snop  }
0x4e: {  	v2 =	vadd.f32 v2, v1  }
0x4f: {  	s2 =	sshra.s32 s3, $0x2  }
0x50: {  	s3 =	sadd.s32 $0x200, s3;
	v1 =	vld [tilespmem:s2+$0x0];
	[tilespmem:s1+$0x70] =	vst v2;
	s1 =	smov.u32 s2  }
0x51: {  	v2 =	vld [tilespmem:$0x10700];
	_ =	sdelay $0x4  }
0x52: {  	v1 =	vadd.f32 v2, v1;
	_ =	sdelay $0x1  }
0x53: {  	v34 =	vld [tilespmem:s1+$0x10];
	[tilespmem:s1+$0x0] =	vst v1  }
0x54: {  	v35 =	vld [tilespmem:$0x10710];
	_ =	sdelay $0x4  }
0x55: {  	v1 =	vadd.f32 v35, v34;
	_ =	sdelay $0x1  }
0x56: {  	v36 =	vld [tilespmem:s1+$0x20];
	[tilespmem:s1+$0x10] =	vst v1  }
0x57: {  	v37 =	vld [tilespmem:$0x10720];
	_ =	sdelay $0x4  }
0x58: {  	v1 =	vadd.f32 v37, v36;
	_ =	sdelay $0x1  }
0x59: {  	v38 =	vld [tilespmem:s1+$0x30];
	[tilespmem:s1+$0x20] =	vst v1  }
0x5a: {  	v39 =	vld [tilespmem:$0x10730];
	_ =	sdelay $0x4  }
0x5b: {  	v1 =	vadd.f32 v39, v38;
	_ =	sdelay $0x1  }
0x5c: {  	v40 =	vld [tilespmem:s1+$0x40];
	[tilespmem:s1+$0x30] =	vst v1  }
0x5d: {  	v41 =	vld [tilespmem:$0x10740];
	_ =	sdelay $0x4  }
0x5e: {  	v1 =	vadd.f32 v41, v40;
	_ =	sdelay $0x1  }
0x5f: {  	v42 =	vld [tilespmem:s1+$0x50];
	[tilespmem:s1+$0x40] =	vst v1  }
0x60: {  	v43 =	vld [tilespmem:$0x10750];
	_ =	sdelay $0x4  }
0x61: {  	v1 =	vadd.f32 v43, v42;
	_ =	sdelay $0x1  }
0x62: {  	v44 =	vld [tilespmem:s1+$0x60];
	[tilespmem:s1+$0x50] =	vst v1  }
0x63: {  	v45 =	vld [tilespmem:$0x10760];
	_ =	sdelay $0x4  }
0x64: {  	v1 =	vadd.f32 v45, v44;
	_ =	sdelay $0x1  }
0x65: {  	v46 =	vld [tilespmem:s1+$0x70];
	[tilespmem:s1+$0x60] =	vst v1  }
0x66: {  	v47 =	vld [tilespmem:$0x10770];
	_ =	sdelay $0x4  }
0x67: {  	v1 =	vadd.f32 v47, v46;
	_ =	sdelay $0x1  }
0x68: {  	[tilespmem:s1+$0x70] =	vst v1  }
0x69: {  	v1 =	vld [tilespmem:$0x10780]  }
0x6a: {  	v48 =	vld [tilespmem:$0x10700]  }
0x6b: {  	v3 =	vld [tilespmem:$0x10790]  }
0x6c: {  	v4 =	vld [tilespmem:$0x10710]  }
0x6d: {  	v5 =	vld [tilespmem:$0x107A0]  }
0x6e: {  	v6 =	vld [tilespmem:$0x10720]  }
0x6f: {  	v7 =	vld [tilespmem:$0x107B0]  }
0x70: {  	v8 =	vld [tilespmem:$0x10730]  }
0x71: {  	v9 =	vld [tilespmem:$0x107C0]  }
0x72: {  	v10 =	vld [tilespmem:$0x10740]  }
0x73: {  	v11 =	vld [tilespmem:$0x107D0]  }
0x74: {  	v12 =	vld [tilespmem:$0x10750]  }
0x75: {  	v13 =	vld [tilespmem:$0x107E0]  }
0x76: {  	v14 =	vld [tilespmem:$0x10760]  }
0x77: {  	v15 =	vld [tilespmem:$0x107F0]  }
0x78: {  	v16 =	vld [tilespmem:$0x10770]  }
0x79: {  	v0 =	vld [tilespmem:$0x10600]  }
0x7a: {  	v49 =	vld [tilespmem:$0x10610]  }
0x7b: {  	v50 =	vld [tilespmem:$0x10620]  }
0x7c: {  	v51 =	vld [tilespmem:$0x10630]  }
0x7d: {  	v52 =	vld [tilespmem:$0x10640]  }
0x7e: {  	v53 =	vld [tilespmem:$0x10650]  }
0x7f: {  	v54 =	vld [tilespmem:$0x10660]  }
0x80: {  	v55 =	vld [tilespmem:$0x10670]  }
0x81: {  	v56 =	vld [tilespmem:$0x10680]  }
0x82: {  	v57 =	vld [tilespmem:$0x10690]  }
0x83: {  	v58 =	vld [tilespmem:$0x106A0]  }
0x84: {  	v59 =	vld [tilespmem:$0x106B0]  }
0x85: {  	v60 =	vld [tilespmem:$0x106C0]  }
0x86: {  	v61 =	vld [tilespmem:$0x106D0]  }
0x87: {  	s20 =	simm.s32 $0x0;
	s0 =	rddreg [dreg:$0x13];
	s22 =	simm.s32 $0x10400;
	v62 =	vld [tilespmem:$0x106E0]  }
0x88: {  	v63 =	vld [tilespmem:$0x106F0];
	[tilespmem:s22], [sflag:$0x5] =	stream.linear.gather [hbm4b:s0+s20], $0x50, $0x38  }
0x89: {  	[tilespmem:$0x1FE70] =	vst v0  }
0x8a: {  	[tilespmem:$0x1FE80] =	vst v49  }
0x8b: {  	[tilespmem:$0x1FE90] =	vst v50  }
0x8c: {  	[tilespmem:$0x1FEA0] =	vst v51  }
0x8d: {  	[tilespmem:$0x1FEB0] =	vst v52  }
0x8e: {  	[tilespmem:$0x1FEC0] =	vst v53  }
0x8f: {  	[tilespmem:$0x1FED0] =	vst v54  }
0x90: {  	[tilespmem:$0x1FEE0] =	vst v55  }
0x91: {  	[tilespmem:$0x1FEF0] =	vst v56  }
0x92: {  	[tilespmem:$0x1FF00] =	vst v57  }
0x93: {  	[tilespmem:$0x1FF10] =	vst v58  }
0x94: {  	[tilespmem:$0x1FF20] =	vst v59  }
0x95: {  	[tilespmem:$0x1FF30] =	vst v60  }
0x96: {  	[tilespmem:$0x1FF40] =	vst v61  }
0x97: {  	[tilespmem:$0x1FF50] =	vst v62  }
0x98: {  	[tilespmem:$0x1FF60] =	vst v63  }
0x99: {  	_ =	swait.ge [sflag:s19], $0x50  }
0x9a: {  	[sflag:s19] =	ssyncset.done $0x0  }
0x9b: {  	s2 =	simm.s32 $0x10500;
	s23 =	rddreg [dreg:$0x14];
	[sflag:s19] =	ssyncadd.s32 $0xFFFFFFB0  }
0x9c: {  	[tilespmem:s2], [sflag:$0x5] =	stream.linear.gather [hbm4b:s23+s20], $0x50, $0x38;
	[tilespmem:$0x11200] =	vst v63  }
0x9d: {  	_ =	swait.ge [sflag:s19], $0x50  }
0x9e: {  	[sflag:s19] =	ssyncset.done $0x0  }
0x9f: {  	s21 =	simm.s32 $0x50;
	s24 =	simm.s32 $0x6400;
	[sflag:s19] =	ssyncadd.s32 $0xFFFFFFB0  }
0xa0: {  	[tilespmem:s24], [sflag:$0x1] =	stream.indirect.gather [hbm4b:s16+s21], $0x80, s22, s21, $0xb8;
	[tilespmem:$0x11200] =	vst v63  }
0xa1: {  	s26 =	simm.s32 $0x10480;
	s25 =	rddreg [dreg:$0x15]  }
0xa2: {  	[tilespmem:s26], [sflag:$0x5] =	stream.linear.gather [hbm4b:s25+s20], $0x50, $0x38;
	[tilespmem:$0x11200] =	vst v63  }
0xa3: {  	_ =	swait.ge [sflag:s19], $0x50  }
0xa4: {  	[sflag:s19] =	ssyncset.done $0x0  }
0xa5: {  	s29 =	simm.s32 $0x10580;
	s28 =	rddreg [dreg:$0x16];
	[sflag:s19] =	ssyncadd.s32 $0xFFFFFFB0  }
0xa6: {  	v45 =	vsub.f32 v11, v12;
	[tilespmem:s29], [sflag:$0x5] =	stream.linear.gather [hbm4b:s28+s20], $0x50, $0x38;
	[tilespmem:$0x11200] =	vst v63  }
0xa7: {  	v36 =	vsub.f32 v13, v14;
	_ =	swait.ge [sflag:s19], $0x50  }
0xa8: {  	v55 =	vsub.f32 v15, v16;
	[tilespmem:$0x1FF70] =	vst v45  }
0xa9: {  	v54 =	vsub.f32 v9, v10;
	[tilespmem:$0x1FF80] =	vst v36  }
0xaa: {  	v59 =	vsub.f32 v5, v6;
	[tilespmem:$0x1FF90] =	vst v55  }
0xab: {  	v23 =	vsub.f32 v3, v4;
	[tilespmem:$0x1FFA0] =	vst v54  }
0xac: {  	v63 =	vsub.f32 v7, v8;
	[tilespmem:$0x1FFB0] =	vst v59  }
0xad: {  	v22 =	vsub.f32 v1, v48;
	[tilespmem:$0x1FFC0] =	vst v23  }
0xae: {  	s31 =	simm.s32 $0x8C00;
	s22 =	simm.s32 $0x53;
	[sflag:s19] =	ssyncset.done $0x0;
	[tilespmem:$0x1FFD0] =	vst v63  }
0xaf: {  	s24 =	simm.s32 $0x0;
	s25 =	simm.s32 $0x0;
	[tilespmem:$0x1FFE0] =	vst v22;
	[sflag:s19] =	ssyncadd.s32 $0xFFFFFFB0  }
0xb0: {  	[tilespmem:s31], [sflag:$0x2] =	stream.indirect.gather [hbm4b:s16+s21], $0x80, s26, s21, $0xb8;
	[tilespmem:$0x11200] =	vst v63  }
.LBB2_4:
0xb1: {  	s1 =	smulhi.u32 $0x51EB851F, s21;
	_ =	sdelay $0x1  }
0xb2: {  	s2 =	smulhi.u32 $0x51EB851F, s24;
	s1 =	sshrl.u32 s1, $0x6  }
0xb3: {  	s3 =	smul.u32 $0xFFFFFF38, s1  }
0xb4: {  	s2 =	sshrl.u32 s2, $0x6;
	s1 =	smul.u32 $0x6400, s1  }
0xb5: {  	s4 =	smul.u32 $0x6400, s2  }
0xb6: {  	[dreg:$0xc] =	wrdreg s3;
	s1 =	ssub.s32 s20, s1  }
0xb7: {  	s29 =	ssub.s32 s20, s4;
	[dreg:$0xd] =	wrdreg s1  }
0xb8: {  	[dreg:$0x8] =	wrdreg s29  }
0xb9: {  	_ =	swait.ge [sflag:s30], $0x2800  }
0xba: {  	p1 =	seq.s32 s25, $0x0;
	[sflag:s30] =	ssyncset.done $0x0  }
0xbb: {  	s1 =	simm.s32 @!p1 $0x3;
	[sflag:s30] =	ssyncadd.s32 $0xFFFFD800  }
0xbc: {  	_ =	swait.ge @!p1 [sflag:s1], $0x2800  }
0xbd: {  	[sflag:s1] =	ssyncset.done @!p1 $0x0  }
0xbe: {  	s3 =	simm.s32 $0x6500;
	[sflag:s1] =	ssyncadd.s32 @!p1 $0xFFFFD800  }
0xbf: {  	v1 =	vld [tilespmem:s3+$0x70]  }
0xc0: {  	v2 =	vld [tilespmem:s3+$0xF0]  }
0xc1: {  	v3 =	vld [tilespmem:s3+$0x60]  }
0xc2: {  	v4 =	vld [tilespmem:s3+$0xE0]  }
0xc3: {  	v5 =	vld [tilespmem:s3+$0x50]  }
0xc4: {  	v6 =	vld [tilespmem:s3+$0xD0]  }
0xc5: {  	v7 =	vld [tilespmem:s3+$0x40]  }
0xc6: {  	v8 =	vld [tilespmem:s3+$0xC0]  }
0xc7: {  	v9 =	vld [tilespmem:s3+$0x30]  }
0xc8: {  	v10 =	vld [tilespmem:s3+$0xB0]  }
0xc9: {  	v11 =	vld [tilespmem:s3+$0x20]  }
0xca: {  	s31 =	smul.u32 $0xC8, s2;
	v12 =	vld [tilespmem:s3+$0xA0]  }
0xcb: {  	s0 =	simm.s32 $0x10502;
	v13 =	vld [tilespmem:s3+$0x0]  }
0xcc: {  	s1 =	ssub.s32 s24, s31;
	v14 =	vld [tilespmem:s0+$0x0]  }
0xcd: {  	s7 =	rddreg [dreg:$0x8];
	s12 =	sadd.s32 $0x2, s1;
	v15 =	vld [tilespmem:s3+$0x10]  }
0xce: {  	s6 =	rddreg [dreg:$0xa];
	v16 =	vld [tilespmem:s0+$0x1];
	p0 =	sgt.u32 s12, $0xC7  }
0xcf: {  	s4 =	sadd.s32 $0x0, s7;
	v17 =	vld [tilespmem:s3+$0x80];
	s6 =	simm.s32 @!p0 $0x100  }
0xd0: {  	s14 =	sadd.s32 $0x3, s1;
	v18 =	vld [tilespmem:s3+$0x90];
	s6 =	sadd.s32 s6, s4  }
0xd1: {  	s13 =	rddreg [dreg:$0xb];
	p2 =	sgt.u32 s14, $0xC7;
	v19 =	vld [tilespmem:s6+$0x70]  }
0xd2: {  	s13 =	simm.s32 @!p2 $0x180;
	v20 =	vld [tilespmem:s6+$0x60];
	(v2sf) =	vpush v14, $0x0  }
0xd3: {  	s15 =	sadd.s32 s13, s4;
	v21 =	vld [tilespmem:s6+$0x50]  }
0xd4: {  	v25 =	vld [tilespmem:s15+$0x50];
	(v2sf) =	vpush v16, $0x0  }
0xd5: {  	v26 =	vld [tilespmem:s6+$0x40]  }
0xd6: {  	v27 =	vld [tilespmem:s15+$0x40]  }
0xd7: {  	v28 =	vld [tilespmem:s6+$0x30]  }
0xd8: {  	v29 =	vld [tilespmem:s15+$0x30]  }
0xd9: {  	v30 =	vld [tilespmem:s6+$0x20]  }
0xda: {  	v31 =	vld [tilespmem:s15+$0x20]  }
0xdb: {  	v14 =	vld [tilespmem:s15+$0x70]  }
0xdc: {  	v32 =	vld [tilespmem:s6+$0x0]  }
0xdd: {  	v16 =	vld [tilespmem:s15+$0x60];
	v19 =	vadd.f32 v19, v1  }
0xde: {  	v1 =	vld [tilespmem:s6+$0x10];
	v20 =	vadd.f32 v20, v3;
	v21 =	vadd.f32 v21, v5  }
0xdf: {  	v6 =	vadd.f32 v25, v6;
	v5 =	vadd.f32 v26, v7;
	v3 =	vld [tilespmem:s15+$0x10]  }
0xe0: {  	v7 =	vadd.f32 v27, v8;
	v14 =	vadd.f32 v14, v2;
	v2 =	vld [tilespmem:s15+$0x0]  }
0xe1: {  	v53 =	vld [tilespmem:s0+$0xFFFFFFFE];
	v8 =	vadd.f32 v29, v10;
	v10 =	vadd.f32 v31, v12;
	s17 =	spop (v2sf)  }
0xe2: {  	v16 =	vadd.f32 v16, v4;
	v4 =	vadd.f32 v28, v9;
	s6 =	scvt.s32.f32 s17  }
0xe3: {  	v9 =	vadd.f32 v30, v11;
	v11 =	vadd.f32 v32, v13;
	s18 =	spop (v2sf)  }
0xe4: {  	v1 =	vadd.f32 v1, v15;
	v3 =	vadd.f32 v3, v18;
	s13 =	scvt.s32.f32 s18;
	v12 =	vmul.f32 s6, v59  }
0xe5: {  	v17 =	vadd.f32 v2, v17;
	v13 =	vmul.f32 s6, v22;
	v15 =	vmul.f32 s6, v23  }
0xe6: {  	(v2sf) =	vpush v53, $0x0;
	v52 =	vmul.f32 s13, v22;
	v18 =	vmul.f32 s13, v23  }
0xe7: {  	v60 =	vadd.f32 v13, v11;
	v24 =	vadd.f32 v15, v1;
	v11 =	vmul.f32 s13, v59  }
0xe8: {  	v15 =	vmul.f32 s6, v63;
	v33 =	vadd.f32 v9, v12;
	v38 =	vadd.f32 v52, v17  }
0xe9: {  	v9 =	vmul.f32 s13, v63;
	v44 =	vadd.f32 v18, v3;
	v39 =	vadd.f32 v10, v11  }
0xea: {  	v12 =	vadd.f32 v24, v60;
	v4 =	vadd.f32 v4, v15  }
0xeb: {  	v13 =	vld [tilespmem:s0+$0xFFFFFFFF];
	v10 =	vmul.f32 s6, v54;
	v34 =	vadd.f32 v8, v9;
	v18 =	vadd.f32 v44, v38  }
0xec: {  	v8 =	vmul.f32 s13, v54;
	v9 =	vmul.f32 s6, v45;
	v12 =	vadd.f32 v33, v12  }
0xed: {  	s23 =	sadd.s32 $0x1, s1;
	v5 =	vadd.f32 v5, v10;
	v18 =	vadd.f32 v39, v18  }
0xee: {  	v50 =	vld [tilespmem:$0x1FFF0];
	s12 =	rddreg [dreg:$0x9];
	p0 =	sgt.u32 s23, $0xC7;
	v35 =	vadd.f32 v7, v8;
	v8 =	vmul.f32 s13, v45;
	v7 =	vadd.f32 v21, v9  }
0xef: {  	v61 =	vmovc v36;
	v56 =	vld [tilespmem:s3+$0xFFFFFF00];
	s12 =	simm.s32 @!p0 $0x80;
	v10 =	vmul.f32 s6, v36;
	v12 =	vadd.f32 v4, v12;
	v18 =	vadd.f32 v34, v18  }
0xf0: {  	v58 =	vld [tilespmem:s3+$0xFFFFFF80];
	s12 =	sadd.s32 s12, s4;
	(v2sf) =	vpush v13, $0x0;
	v36 =	vadd.f32 v6, v8;
	v6 =	vmul.f32 s13, v61  }
0xf1: {  	s14 =	sadd.s32 $0xFFFF9C00, s4;
	p0 =	sgt.u32 s1, $0xC7;
	v25 =	vld [tilespmem:s12+$0x0];
	v9 =	vmul.f32 s6, v55;
	v12 =	vadd.f32 v5, v12;
	v18 =	vadd.f32 v35, v18  }
0xf2: {  	v57 =	vld [tilespmem:s3+$0xFFFFFF10];
	s4 =	smov.u32 @p0 s14;
	v8 =	vadd.f32 v20, v10;
	v37 =	vadd.f32 v16, v6;
	v6 =	vmul.f32 s13, v55  }
0xf3: {  	v11 =	vld [tilespmem:s4+$0x10];
	v12 =	vadd.f32 v7, v12;
	v18 =	vadd.f32 v36, v18  }
0xf4: {  	v49 =	vld [tilespmem:s3+$0xFFFFFF50];
	v10 =	vadd.f32 v19, v9;
	v9 =	vadd.f32 v14, v6  }
0xf5: {  	v62 =	vld [tilespmem:s12+$0x50];
	v12 =	vadd.f32 v8, v12;
	v14 =	vadd.f32 v37, v18  }
0xf6: {  	v30 =	vld [tilespmem:s4+$0x20];
	v25 =	vadd.f32 v25, v58;
	v46 =	vmul.f32 v60, v60  }
0xf7: {  	v17 =	vld [tilespmem:s4+$0x0];
	v47 =	vmul.f32 v24, v24;
	v12 =	vadd.f32 v10, v12;
	v14 =	vadd.f32 v9, v14  }
0xf8: {  	v58 =	vld [tilespmem:s4+$0x50];
	v42 =	vmul.f32 v44, v44;
	v28 =	vadd.f32 v11, v57;
	v11 =	vmul.f32 v38, v38  }
0xf9: {  	v15 =	vld [tilespmem:s12+$0x10];
	v51 =	vperm.xlane v12, v50;
	v40 =	vperm.xlane v14, v50  }
0xfa: {  	v52 =	vmul.f32 v33, v33;
	v31 =	vadd.f32 v47, v46;
	v16 =	vld [tilespmem:s12+$0x20];
	v11 =	vadd.f32 v42, v11  }
0xfb: {  	v53 =	vmul.f32 v39, v39;
	v6 =	vld [tilespmem:s3+$0xFFFFFFA0];
	v12 =	vadd.f32 v51, v12;
	v14 =	vadd.f32 v14, v40  }
0xfc: {  	v13 =	vld [tilespmem:s3+$0xFFFFFFB0];
	v17 =	vadd.f32 v17, v56;
	v56 =	vadd.f32 v52, v31;
	v57 =	vmul.f32 v4, v4  }
0xfd: {  	s26 =	simm.s32 $0x40;
	s28 =	simm.s32 $0x0;
	v19 =	vld [tilespmem:s12+$0x30];
	v11 =	vadd.f32 v53, v11;
	v12 =	vsel vm0, v12, v14;
	v14 =	vmul.f32 v34, v34  }
0xfe: {  	s29 =	sor.u32 $0x44, s26;
	v20 =	vld [tilespmem:s3+$0xFFFFFF20];
	v47 =	vmul.f32 v5, v5;
	v46 =	vadd.f32 v57, v56;
	[tilespmem:s28+$0x10840] =	vst v12  }
0xff: {  	v48 =	vld [tilespmem:s29+$0x10800];
	v11 =	vadd.f32 v14, v11;
	v14 =	vmul.f32 v35, v35  }
0x100: {  	v21 =	vld [tilespmem:s3+$0xFFFFFF90];
	v6 =	vadd.f32 v16, v6;
	v16 =	vadd.f32 v47, v46;
	v51 =	vmul.f32 v7, v7  }
0x101: {  	v52 =	vld [tilespmem:s3+$0xFFFFFFD0];
	v31 =	vadd.f32 v58, v49;
	v11 =	vadd.f32 v14, v11;
	v14 =	vmul.f32 v36, v36  }
0x102: {  	v19 =	vadd.f32 v19, v13;
	v13 =	vadd.f32 v51, v16;
	v16 =	vmul.f32 v8, v8  }
0x103: {  	s31 =	spop (v2sf);
	v20 =	vadd.f32 v30, v20;
	v11 =	vadd.f32 v14, v11;
	v14 =	vmul.f32 v37, v37  }
0x104: {  	v41 =	vld [tilespmem:s4+$0x40];
	s2 =	scvt.s32.f32 s31;
	s0 =	spop (v2sf);
	v30 =	vadd.f32 v12, v48;
	v12 =	vadd.f32 v16, v13;
	v13 =	vmul.f32 v10, v10  }
0x105: {  	v43 =	vld [tilespmem:s12+$0x40];
	v15 =	vadd.f32 v15, v21;
	s14 =	scvt.s32.f32 s0;
	v11 =	vadd.f32 v14, v11;
	v14 =	vmul.f32 v9, v9  }
0x106: {  	v26 =	vld [tilespmem:s3+$0xFFFFFF30];
	v29 =	vadd.f32 v62, v52;
	v13 =	vadd.f32 v13, v12;
	v12 =	vmul.f32 s2, v22  }
0x107: {  	v18 =	vld [tilespmem:s4+$0x30];
	v57 =	vmul.f32 s2, v23;
	v58 =	vmul.f32 s14, v23;
	v40 =	vadd.f32 v14, v11  }
0x108: {  	v27 =	vld [tilespmem:s3+$0xFFFFFF40];
	v14 =	vperm.xlane v13, v50;
	v11 =	vadd.f32 v12, v17;
	v17 =	vmul.f32 s14, v22  }
0x109: {  	v42 =	vld [tilespmem:s3+$0xFFFFFFC0];
	v62 =	vmul.f32 s2, v59;
	v2 =	vadd.f32 v58, v15;
	v12 =	vadd.f32 v57, v28  }
0x10a: {  	v56 =	vld [tilespmem:s3+$0xFFFFFF60];
	v28 =	vadd.f32 v14, v13;
	v14 =	vmul.f32 s14, v59;
	v1 =	vadd.f32 v17, v25  }
0x10b: {  	v53 =	vld [tilespmem:s4+$0x60];
	v15 =	vmul.f32 v11, v11;
	v46 =	vmul.f32 v12, v12  }
0x10c: {  	v18 =	vadd.f32 v18, v26;
	v26 =	vadd.f32 v2, v1;
	v47 =	vmul.f32 v1, v1  }
0x10d: {  	[tilespmem:$0x1FC90] =	vst v1;
	v1 =	vadd.f32 v6, v14;
	v6 =	vadd.f32 v46, v15;
	v15 =	vmul.f32 s14, v63  }
0x10e: {  	v27 =	vadd.f32 v41, v27;
	v48 =	vmul.f32 v2, v2;
	v17 =	vadd.f32 v12, v11  }
0x10f: {  	[tilespmem:$0x1FCA0] =	vst v2;
	v13 =	vadd.f32 v20, v62;
	v20 =	vmul.f32 s2, v63;
	v2 =	vadd.f32 v19, v15  }
0x110: {  	v21 =	vadd.f32 v53, v56;
	v58 =	vmul.f32 s14, v45;
	v16 =	vadd.f32 v43, v42;
	[tilespmem:$0x1FCB0] =	vst v1  }
0x111: {  	v17 =	vadd.f32 v13, v17;
	v14 =	vadd.f32 v18, v20;
	v19 =	vmul.f32 s14, v54;
	v20 =	vld [tilespmem:s12+$0x60];
	[tilespmem:$0x1FCC0] =	vst v2  }
0x112: {  	v51 =	vmul.f32 v13, v13;
	v18 =	vmul.f32 s2, v54;
	v26 =	vadd.f32 v1, v26;
	v53 =	vld [tilespmem:s3+$0xFFFFFFE0]  }
0x113: {  	v49 =	vadd.f32 v48, v47;
	v15 =	vmul.f32 v1, v1;
	v1 =	vadd.f32 v16, v19  }
0x114: {  	v6 =	vadd.f32 v51, v6;
	v52 =	vmul.f32 v14, v14;
	v26 =	vadd.f32 v2, v26  }
0x115: {  	v57 =	vmul.f32 s2, v45;
	v25 =	vadd.f32 v15, v49;
	v15 =	vadd.f32 v27, v18;
	v18 =	vld [tilespmem:s4+$0x70];
	[tilespmem:$0x1FCD0] =	vst v1  }
0x116: {  	v56 =	vmul.f32 v2, v2;
	v6 =	vadd.f32 v52, v6;
	v2 =	vadd.f32 v29, v58;
	v42 =	vld [tilespmem:s3+$0xFFFFFF70]  }
0x117: {  	v52 =	vmul.f32 s14, v61;
	v26 =	vadd.f32 v1, v26;
	v19 =	vld [tilespmem:s12+$0x70];
	v20 =	vadd.f32 v20, v53  }
0x118: {  	v17 =	vadd.f32 v14, v17;
	v16 =	vadd.f32 v31, v57;
	v62 =	vmul.f32 v15, v15;
	v27 =	vld [tilespmem:s3+$0xFFFFFFF0]  }
0x119: {  	v48 =	vmul.f32 v2, v2;
	[tilespmem:$0x1FCE0] =	vst v2;
	v26 =	vadd.f32 v2, v26;
	v2 =	vadd.f32 v20, v52  }
0x11a: {  	v47 =	vmul.f32 s2, v61;
	v25 =	vadd.f32 v56, v25;
	v17 =	vadd.f32 v15, v17  }
0x11b: {  	v58 =	vmul.f32 s2, v55;
	v6 =	vadd.f32 v62, v6;
	v18 =	vadd.f32 v18, v42;
	[tilespmem:$0x1FCF0] =	vst v2  }
0x11c: {  	s4 =	sor.u32 $0x42, s26;
	v46 =	vmul.f32 v1, v1;
	v53 =	vadd.f32 v16, v17;
	v17 =	vadd.f32 v21, v47;
	[tilespmem:s28+$0x10840] =	vst v30  }
0x11d: {  	v62 =	vmul.f32 s14, v55;
	v19 =	vadd.f32 v19, v27;
	v20 =	vadd.f32 v18, v58;
	v18 =	vld [tilespmem:s4+$0x10800]  }
0x11e: {  	v49 =	vperm.xlane v40, v50;
	v57 =	vadd.f32 v46, v25;
	v31 =	vadd.f32 v17, v53  }
0x11f: {  	v1 =	vadd.f32 v19, v62;
	v19 =	vadd.f32 v2, v26  }
0x120: {  	v56 =	vmul.f32 v16, v16;
	v29 =	vadd.f32 v49, v40;
	v21 =	vadd.f32 v48, v57  }
0x121: {  	v48 =	vadd.f32 v20, v31;
	v19 =	vadd.f32 v1, v19  }
0x122: {  	v6 =	vadd.f32 v56, v6;
	v42 =	vmul.f32 v17, v17;
	v18 =	vadd.f32 v18, v30  }
0x123: {  	[tilespmem:$0x1FD10] =	vst v1;
	v51 =	vperm.xlane v48, v50;
	v52 =	vperm.xlane v19, v50  }
0x124: {  	s7 =	sor.u32 $0x41, s26;
	s12 =	sor.u32 $0x60, s26;
	v57 =	vsel vm0, v28, v29;
	v43 =	vmul.f32 v2, v2;
	v6 =	vadd.f32 v42, v6;
	[tilespmem:s28+$0x10840] =	vst v18  }
0x125: {  	s14 =	sor.u32 $0x64, s26;
	v25 =	vadd.f32 v51, v48;
	v19 =	vadd.f32 v19, v52;
	v58 =	vld [tilespmem:s7+$0x10800];
	[tilespmem:s12+$0x10800] =	vst v57  }
0x126: {  	s3 =	simm.s32 $0x6700;
	v46 =	vmul.f32 v20, v20;
	v21 =	vadd.f32 v43, v21;
	v47 =	vmul.f32 v1, v1;
	v62 =	vld [tilespmem:s14+$0x10800]  }
0x127: {  	v29 =	vld [tilespmem:s3+$0x70];
	v19 =	vsel vm0, v25, v19  }
0x128: {  	v31 =	vld [tilespmem:s3+$0x60];
	v6 =	vadd.f32 v46, v6;
	v21 =	vadd.f32 v47, v21;
	[tilespmem:s28+$0x10800] =	vst v19  }
0x129: {  	v32 =	vld [tilespmem:s28+$0x10804]  }
0x12a: {  	v49 =	vld [tilespmem:s3+$0xB0];
	v53 =	vperm.xlane v6, v50;
	v56 =	vperm.xlane v21, v50  }
0x12b: {  	v27 =	vld [tilespmem:s3+$0x0];
	v25 =	vadd.f32 v62, v57  }
0x12c: {  	v3 =	vld [tilespmem:s3+$0x90];
	v6 =	vadd.f32 v53, v6;
	v21 =	vadd.f32 v56, v21  }
0x12d: {  	s15 =	sor.u32 $0x62, s26;
	v48 =	vld [tilespmem:s3+$0x30];
	[tilespmem:s12+$0x10800] =	vst v25  }
0x12e: {  	v6 =	vsel vm0, v6, v21;
	v19 =	vadd.f32 v19, v32;
	v41 =	vld [tilespmem:s15+$0x10800]  }
0x12f: {  	v52 =	vld [tilespmem:s3+$0x20];
	[tilespmem:s28+$0x10820] =	vst v6  }
0x130: {  	v40 =	vld [tilespmem:s28+$0x10824];
	[tilespmem:s28+$0x10800] =	vst v19  }
0x131: {  	v42 =	vld [tilespmem:s28+$0x10802]  }
0x132: {  	v30 =	vld [tilespmem:s3+$0xF0]  }
0x133: {  	s13 =	simm.s32 $0x10506;
	v53 =	vld [tilespmem:s3+$0xA0];
	v21 =	vadd.f32 v41, v25  }
0x134: {  	v56 =	vld [tilespmem:s13+$0x0]  }
0x135: {  	s17 =	sor.u32 $0x61, s26;
	s14 =	sadd.s32 $0x4, s1;
	v32 =	vld [tilespmem:s3+$0xE0];
	v6 =	vadd.f32 v40, v6;
	[tilespmem:s12+$0x10800] =	vst v21  }
0x136: {  	s18 =	rddreg [dreg:$0x8];
	s1 =	sadd.s32 $0x2, s14;
	v46 =	vadd.f32 v42, v19;
	v19 =	vld [tilespmem:s17+$0x10800]  }
0x137: {  	s6 =	rddreg [dreg:$0xa];
	p0 =	sgt.u32 s1, $0xC7;
	v57 =	vld [tilespmem:s13+$0x1];
	[tilespmem:s28+$0x10820] =	vst v6  }
0x138: {  	s4 =	sadd.s32 $0x200, s18;
	s6 =	simm.s32 @!p0 $0x100;
	v18 =	vadd.f32 v58, v18;
	v43 =	vld [tilespmem:s28+$0x10822]  }
0x139: {  	s26 =	sadd.s32 s6, s4;
	v62 =	vld [tilespmem:s3+$0x80]  }
0x13a: {  	v2 =	vld [tilespmem:s26+$0x70];
	v18 =	vmul.f32 $7.812500000e-03, v18  }
0x13b: {  	v40 =	vld [tilespmem:s3+$0x50];
	v19 =	vadd.f32 v19, v21  }
0x13c: {  	v58 =	vmul.f32 v18, v18;
	v42 =	vld [tilespmem:s3+$0x40]  }
0x13d: {  	v1 =	vbroadcast v18, $0x0;
	v41 =	vld [tilespmem:s3+$0xD0];
	v6 =	vadd.f32 v43, v6;
	[tilespmem:s28+$0x10800] =	vst v46;
	v19 =	vmul.f32 $7.812500000e-03, v19  }
0x13e: {  	v47 =	vld [tilespmem:s28+$0x10801]  }
0x13f: {  	s23 =	sadd.s32 $0x3, s14;
	v43 =	vld [tilespmem:s3+$0xC0];
	[tilespmem:s28+$0x10820] =	vst v6;
	v0 =	vsub.f32 v19, v58;
	v19 =	vsub.f32 v60, v1  }
0x140: {  	p2 =	sgt.u32 s23, $0xC7;
	s12 =	rddreg [dreg:$0xb];
	v28 =	vld [tilespmem:s28+$0x10821]  }
0x141: {  	s12 =	simm.s32 @!p2 $0x180;
	v21 =	vld [tilespmem:s3+$0x10];
	[tilespmem:$0x1FBD0] =	vst v19;
	v19 =	vsub.f32 v24, v1  }
0x142: {  	s2 =	sadd.s32 s12, s4  }
0x143: {  	v25 =	vadd.f32 v47, v46;
	v46 =	vld [tilespmem:s2+$0x70];
	[tilespmem:$0x1FBE0] =	vst v19;
	v19 =	vsub.f32 v33, v1  }
0x144: {  	v4 =	vsub.f32 v4, v1  }
0x145: {  	(v2sf) =	vpush v56, $0x0;
	v47 =	vld [tilespmem:s26+$0x60];
	[tilespmem:$0x1FC00] =	vst v19  }
0x146: {  	(v2sf) =	vpush v57, $0x0;
	v51 =	vld [tilespmem:s2+$0x60];
	[tilespmem:$0x1FC10] =	vst v4;
	v4 =	vsub.f32 v5, v1  }
0x147: {  	v58 =	vmul.f32 $7.812500000e-03, v25;
	v33 =	vbroadcast v18, $0x8;
	v5 =	vsub.f32 v7, v1  }
0x148: {  	v57 =	vsub.f32 v10, v1;
	v28 =	vadd.f32 v28, v6;
	[tilespmem:$0x1FC20] =	vst v4  }
0x149: {  	v19 =	vsub.f32 v8, v1;
	v6 =	vsub.f32 v9, v33;
	v1 =	vbroadcast v58, $0x0;
	v4 =	vld [tilespmem:s26+$0x50];
	[tilespmem:$0x1FC40] =	vst v5  }
0x14a: {  	v24 =	vld [tilespmem:s2+$0x50]  }
0x14b: {  	v18 =	vmul.f32 v58, v58;
	v5 =	vmul.f32 $7.812500000e-03, v28;
	v8 =	vld [tilespmem:s26+$0x40];
	[tilespmem:$0x1FC50] =	vst v6;
	v6 =	vsub.f32 v11, v1;
	_ =	sdelay $0x1  }
0x14c: {  	v18 =	vsub.f32 v5, v18;
	v5 =	vld [tilespmem:s2+$0x40];
	[tilespmem:$0x1FD00] =	vst v6;
	v6 =	vsub.f32 v12, v1;
	_ =	sdelay $0x1  }
0x14d: {  	[tilespmem:$0x1FD20] =	vst v6;
	v6 =	vsub.f32 v13, v1;
	_ =	sdelay $0x1  }
0x14e: {  	v9 =	vld [tilespmem:s26+$0x30];
	[tilespmem:$0x1FD30] =	vst v6;
	v6 =	vsub.f32 v14, v1;
	_ =	sdelay $0x1  }
0x14f: {  	[tilespmem:$0x1FD40] =	vst v6;
	v6 =	vsub.f32 v15, v1;
	_ =	sdelay $0x1  }
0x150: {  	v11 =	vld [tilespmem:s2+$0x30];
	[tilespmem:$0x1FD50] =	vst v6;
	v6 =	vsub.f32 v16, v1;
	_ =	sdelay $0x1  }
0x151: {  	[tilespmem:$0x1FD60] =	vst v6;
	v6 =	vsub.f32 v17, v1;
	_ =	sdelay $0x1  }
0x152: {  	v12 =	vld [tilespmem:s26+$0x20];
	[tilespmem:$0x1FD70] =	vst v6  }
0x153: {  	s28 =	spop (v2sf);
	v26 =	vsub.f32 v38, v33;
	v60 =	vsub.f32 v20, v1;
	v1 =	vld [tilespmem:s2+$0x20]  }
0x154: {  	s1 =	scvt.s32.f32 s28;
	v13 =	vadd.f32 v2, v29;
	v20 =	vadd.f32 v4, v40;
	v2 =	vld [tilespmem:s26+$0x0]  }
0x155: {  	v28 =	vadd.f32 v24, v41;
	v16 =	vadd.f32 v47, v31;
	v15 =	vld [tilespmem:s26+$0x10]  }
0x156: {  	v56 =	vmul.f32 s1, v63;
	v47 =	vadd.f32 v5, v43;
	v5 =	vadd.f32 v9, v48;
	v4 =	vld [tilespmem:s2+$0x0]  }
0x157: {  	s29 =	spop (v2sf);
	v14 =	vadd.f32 v46, v30;
	v46 =	vadd.f32 v8, v42;
	v8 =	vld [tilespmem:s2+$0x10]  }
0x158: {  	v17 =	vadd.f32 v51, v32;
	v51 =	vmul.f32 s1, v23;
	v31 =	vadd.f32 v5, v56;
	s2 =	scvt.s32.f32 s29  }
0x159: {  	v11 =	vadd.f32 v11, v49;
	v49 =	vmul.f32 s1, v22;
	v12 =	vadd.f32 v12, v52  }
0x15a: {  	v52 =	vmul.f32 s2, v22;
	v1 =	vadd.f32 v1, v53;
	v2 =	vadd.f32 v2, v27  }
0x15b: {  	s31 =	sadd.s32 $0x1, s14;
	v9 =	vadd.f32 v15, v21;
	v15 =	vmul.f32 s1, v59;
	v4 =	vadd.f32 v4, v62  }
0x15c: {  	p0 =	sgt.u32 s31, $0xC7;
	s6 =	rddreg [dreg:$0x9];
	v3 =	vadd.f32 v8, v3;
	v53 =	vmul.f32 s2, v23;
	v30 =	vadd.f32 v49, v2  }
0x15d: {  	s6 =	simm.s32 @!p0 $0x80;
	p0 =	sgt.u32 s14, $0xC7;
	s12 =	sadd.s32 $0xFFFF9C00, s4;
	v40 =	vld [tilespmem:s13+$0xFFFFFFFF];
	v25 =	vadd.f32 v51, v9;
	v2 =	vmul.f32 s2, v59;
	v24 =	vadd.f32 v52, v4  }
0x15e: {  	s6 =	sadd.s32 s6, s4;
	s4 =	smov.u32 @p0 s12;
	v10 =	vadd.f32 v53, v3;
	v27 =	vadd.f32 v12, v15;
	v12 =	vld [tilespmem:s13+$0xFFFFFFFE]  }
0x15f: {  	v41 =	vld [tilespmem:s4+$0x10];
	v6 =	vadd.f32 v1, v2;
	v1 =	vmul.f32 s2, v63;
	v3 =	vadd.f32 v25, v30  }
0x160: {  	v32 =	vsub.f32 v39, v33;
	v42 =	vld [tilespmem:s6+$0x0];
	v2 =	vmul.f32 s1, v54;
	v4 =	vadd.f32 v10, v24  }
0x161: {  	v43 =	vld [tilespmem:s6+$0x10];
	v5 =	vadd.f32 v11, v1;
	v1 =	vmul.f32 s2, v54;
	v3 =	vadd.f32 v27, v3  }
0x162: {  	v48 =	vld [tilespmem:s3+$0xFFFFFF10];
	v15 =	vmul.f32 s1, v45;
	v11 =	vadd.f32 v6, v4;
	v51 =	vadd.f32 v46, v2  }
0x163: {  	v38 =	vld [tilespmem:s6+$0x20];
	v2 =	vmul.f32 s1, v61;
	(v2sf) =	vpush v12, $0x0;
	v7 =	vadd.f32 v47, v1  }
0x164: {  	v56 =	vld [tilespmem:s3+$0xFFFFFFA0];
	v1 =	vmul.f32 s2, v45;
	v62 =	vadd.f32 v31, v3;
	v11 =	vadd.f32 v5, v11  }
0x165: {  	v21 =	vld [tilespmem:s4+$0x0];
	v47 =	vadd.f32 v20, v15;
	v15 =	vmul.f32 s2, v61;
	v46 =	vadd.f32 v16, v2  }
0x166: {  	v49 =	vld [tilespmem:s3+$0xFFFFFF80];
	v8 =	vadd.f32 v28, v1;
	v1 =	vmul.f32 s1, v55;
	v16 =	vadd.f32 v51, v62  }
0x167: {  	v52 =	vld [tilespmem:s3+$0xFFFFFF90];
	v9 =	vadd.f32 v17, v15;
	v11 =	vadd.f32 v7, v11  }
0x168: {  	v53 =	vld [tilespmem:s4+$0x20];
	v15 =	vmul.f32 s2, v55;
	v28 =	vsub.f32 v44, v33;
	v29 =	vadd.f32 v13, v1  }
0x169: {  	v4 =	vld [tilespmem:s4+$0x30];
	v13 =	vadd.f32 v47, v16;
	v1 =	vsub.f32 v35, v33  }
0x16a: {  	v20 =	vld [tilespmem:s3+$0xFFFFFF00];
	v17 =	vadd.f32 v14, v15;
	v14 =	vadd.f32 v8, v11  }
0x16b: {  	v44 =	vld [tilespmem:s3+$0xFFFFFF20];
	v15 =	vadd.f32 v46, v13;
	[tilespmem:$0x1FC60] =	vst v1;
	v1 =	vsub.f32 v36, v33  }
0x16c: {  	(v2sf) =	vpush v40, $0x0;
	v16 =	vadd.f32 v9, v14  }
0x16d: {  	v39 =	vadd.f32 v29, v15;
	[tilespmem:$0x1FC70] =	vst v1;
	v1 =	vsub.f32 v37, v33  }
0x16e: {  	v40 =	vmul.f32 v30, v30;
	v62 =	vsub.f32 v34, v33;
	v34 =	vadd.f32 v17, v16  }
0x16f: {  	v3 =	vmul.f32 v25, v25;
	v35 =	vld [tilespmem:s6+$0x30];
	v36 =	vperm.xlane v39, v50;
	[tilespmem:$0x1FC80] =	vst v1  }
0x170: {  	v37 =	vperm.xlane v34, v50;
	v33 =	vld [tilespmem:s3+$0xFFFFFF30]  }
0x171: {  	v3 =	vadd.f32 v3, v40;
	v40 =	vmul.f32 v27, v27;
	v36 =	vadd.f32 v36, v39;
	v39 =	vld [tilespmem:s3+$0xFFFFFFB0]  }
0x172: {  	v41 =	vadd.f32 v41, v48;
	v48 =	vmul.f32 v31, v31;
	v34 =	vadd.f32 v34, v37;
	v37 =	vld [tilespmem:s4+$0x40];
	[tilespmem:$0x1FB40] =	vst v24  }
0x173: {  	v2 =	vmul.f32 v24, v24;
	v3 =	vadd.f32 v40, v3;
	v1 =	vmul.f32 v10, v10;
	[tilespmem:$0x1FB50] =	vst v10  }
0x174: {  	v43 =	vadd.f32 v43, v52;
	v52 =	vmul.f32 v51, v51;
	v20 =	vadd.f32 v21, v20;
	v21 =	vld [tilespmem:s6+$0x40]  }
0x175: {  	s0 =	simm.s32 $0x80;
	v3 =	vadd.f32 v48, v3;
	v1 =	vadd.f32 v1, v2;
	v2 =	vsel vm0, v36, v34;
	v34 =	vld [tilespmem:s3+$0xFFFFFF40];
	[tilespmem:$0x1FB60] =	vst v6  }
0x176: {  	s15 =	simm.s32 $0xC0;
	v24 =	vmul.f32 v6, v6;
	[tilespmem:s0+$0x10840] =	vst v2  }
0x177: {  	s7 =	sor.u32 $0x44, s15;
	v38 =	vadd.f32 v38, v56;
	v56 =	vmul.f32 v47, v47;
	v3 =	vadd.f32 v52, v3;
	v40 =	vld [tilespmem:s3+$0xFFFFFFC0];
	[tilespmem:$0x1FB70] =	vst v5  }
0x178: {  	v42 =	vadd.f32 v42, v49;
	v1 =	vadd.f32 v24, v1;
	v24 =	vmul.f32 v5, v5;
	v49 =	vld [tilespmem:s7+$0x10800]  }
0x179: {  	v3 =	vadd.f32 v56, v3;
	v56 =	vmul.f32 v46, v46;
	v48 =	vld [tilespmem:s4+$0x50]  }
0x17a: {  	v1 =	vadd.f32 v24, v1;
	v24 =	vmul.f32 v7, v7;
	v36 =	vld [tilespmem:s6+$0x50];
	[tilespmem:$0x1FB80] =	vst v7  }
0x17b: {  	v3 =	vadd.f32 v56, v3;
	v56 =	vmul.f32 v29, v29;
	v52 =	vld [tilespmem:s3+$0xFFFFFF50]  }
0x17c: {  	s12 =	spop (v2sf);
	v6 =	vadd.f32 v4, v33;
	v1 =	vadd.f32 v24, v1;
	v33 =	vld [tilespmem:s3+$0xFFFFFFD0];
	v24 =	vmul.f32 v8, v8  }
0x17d: {  	v44 =	vadd.f32 v53, v44;
	v3 =	vadd.f32 v56, v3;
	s17 =	scvt.s32.f32 s12;
	[tilespmem:$0x1FB90] =	vst v8  }
0x17e: {  	v5 =	vadd.f32 v35, v39;
	v35 =	vld [tilespmem:s3+$0xFFFFFF60];
	v1 =	vadd.f32 v24, v1;
	v24 =	vmul.f32 v9, v9  }
0x17f: {  	v21 =	vadd.f32 v21, v40;
	v40 =	vmul.f32 s17, v22;
	v2 =	vadd.f32 v2, v49;
	v49 =	vld [tilespmem:s4+$0x60]  }
0x180: {  	[tilespmem:$0x1FBA0] =	vst v9;
	v1 =	vadd.f32 v24, v1;
	v24 =	vmul.f32 v17, v17;
	v48 =	vadd.f32 v48, v52  }
0x181: {  	v52 =	vadd.f32 v36, v33;
	v36 =	vadd.f32 v40, v20;
	v20 =	vperm.xlane v3, v50;
	[tilespmem:s0+$0x10840] =	vst v2  }
0x182: {  	s18 =	sor.u32 $0x42, s15;
	s23 =	spop (v2sf);
	v40 =	vadd.f32 $9.999999960e-13, v0;
	v1 =	vadd.f32 v24, v1;
	[tilespmem:$0x1FBB0] =	vst v17  }
0x183: {  	v53 =	vadd.f32 v37, v34;
	v24 =	vmul.f32 s17, v23;
	v3 =	vadd.f32 v20, v3;
	v39 =	vld [tilespmem:s18+$0x10800];
	s18 =	scvt.s32.f32 s23  }
0x184: {  	v0 =	vmul.f32 $5.000000000e-01, v40;
	v20 =	vperm.xlane v1, v50;
	v56 =	vadd.f32 v49, v35  }
0x185: {  	v35 =	vadd.f32 v24, v41;
	v41 =	vshrl.u32 v40, $0x1;
	v49 =	vmul.f32 s18, v22  }
0x186: {  	v1 =	vadd.f32 v20, v1;
	v20 =	vsub.s32 $0x5F3759DF, v41;
	v24 =	vmul.f32 s18, v23  }
0x187: {  	v23 =	vmul.f32 v36, v36;
	v33 =	vadd.f32 v49, v42;
	v42 =	vmul.f32 v20, v0  }
0x188: {  	v49 =	vmul.f32 s17, v59;
	v13 =	vadd.f32 v24, v43;
	v10 =	vadd.f32 v39, v2  }
0x189: {  	v2 =	vsel vm0, v3, v1;
	v3 =	vmul.f32 s18, v59;
	v59 =	vmul.f32 s17, v63  }
0x18a: {  	v63 =	vmul.f32 s18, v63;
	v39 =	vadd.f32 v44, v49;
	v22 =	vmul.f32 v20, v42  }
0x18b: {  	s26 =	sor.u32 $0x60, s15;
	s23 =	sor.u32 $0x41, s15;
	v43 =	vmul.f32 v13, v13;
	v44 =	vld [tilespmem:s6+$0x60];
	[tilespmem:s0+$0x10840] =	vst v10;
	v34 =	vadd.f32 v38, v3;
	v3 =	vmul.f32 v35, v35  }
0x18c: {  	s28 =	sor.u32 $0x64, s15;
	v38 =	vmul.f32 v33, v33;
	v41 =	vadd.f32 v6, v59;
	v37 =	vadd.f32 v5, v63;
	v11 =	vld [tilespmem:s23+$0x10800];
	[tilespmem:s26+$0x10800] =	vst v2  }
0x18d: {  	v5 =	vadd.f32 $9.999999960e-13, v18;
	v18 =	vmul.f32 s17, v54;
	v40 =	vsub.f32 $1.500000000e+00, v22;
	v24 =	vld [tilespmem:s28+$0x10800]  }
0x18e: {  	v59 =	vld [tilespmem:s3+$0xFFFFFFE0];
	v1 =	vmul.f32 v39, v39;
	v3 =	vadd.f32 v3, v23;
	v22 =	vadd.f32 v43, v38  }
0x18f: {  	v23 =	vshrl.u32 v5, $0x1;
	v9 =	vmul.f32 $5.000000000e-01, v5;
	v20 =	vmul.f32 v20, v40  }
0x190: {  	v43 =	vadd.f32 v53, v18;
	v49 =	vmul.f32 v37, v37;
	v18 =	vsub.s32 $0x5F3759DF, v23  }
0x191: {  	v4 =	vadd.f32 v1, v3;
	v3 =	vmul.f32 v34, v34;
	v6 =	vmul.f32 v20, v0  }
0x192: {  	v38 =	vmul.f32 v18, v9;
	v8 =	vadd.f32 v24, v2;
	v24 =	vmul.f32 s18, v54  }
0x193: {  	v5 =	vld [tilespmem:s4+$0x70];
	v1 =	vmul.f32 s17, v45;
	v44 =	vadd.f32 v44, v59;
	v6 =	vmul.f32 v6, v20  }
0x194: {  	v63 =	vmul.f32 v43, v43;
	v7 =	vadd.f32 v3, v22;
	v2 =	vld [tilespmem:s3+$0xFFFFFF70];
	v14 =	vadd.f32 v21, v24  }
0x195: {  	s29 =	sor.u32 $0x62, s15;
	[tilespmem:s26+$0x10800] =	vst v8;
	v24 =	vmul.f32 v41, v41;
	v6 =	vsub.f32 $1.500000000e+00, v6;
	v21 =	vmul.f32 v18, v38  }
0x196: {  	v54 =	vadd.f32 v48, v1;
	v7 =	vadd.f32 v49, v7;
	v38 =	vmul.f32 s18, v45;
	v3 =	vld [tilespmem:s29+$0x10800]  }
0x197: {  	v40 =	vld [tilespmem:s6+$0x70];
	v4 =	vadd.f32 v24, v4;
	v6 =	vmul.f32 v6, v20;
	v20 =	vsub.f32 $1.500000000e+00, v21  }
0x198: {  	v15 =	vadd.f32 v52, v38;
	v24 =	vld [tilespmem:s3+$0xFFFFFFF0];
	v1 =	vmul.f32 v14, v14;
	v38 =	vmul.f32 s17, v61  }
0x199: {  	v2 =	vadd.f32 v5, v2;
	v20 =	vmul.f32 v18, v20;
	v4 =	vadd.f32 v63, v4  }
0x19a: {  	v56 =	vadd.f32 v56, v38;
	v5 =	vmul.f32 v6, v0;
	v18 =	vmul.f32 s17, v55  }
0x19b: {  	v1 =	vadd.f32 v1, v7;
	v3 =	vadd.f32 v3, v8;
	v8 =	vmul.f32 v54, v54  }
0x19c: {  	v7 =	vmul.f32 s18, v61;
	v52 =	vadd.f32 v2, v18;
	v2 =	vmul.f32 v5, v6  }
0x19d: {  	v21 =	vadd.f32 v40, v24;
	v4 =	vadd.f32 v8, v4;
	v8 =	vmul.f32 s18, v55  }
0x19e: {  	v38 =	vadd.f32 v44, v7;
	[tilespmem:s26+$0x10800] =	vst v3;
	v2 =	vsub.f32 $1.500000000e+00, v2  }
0x19f: {  	s31 =	sor.u32 $0x61, s15;
	v7 =	vmul.f32 v15, v15;
	v0 =	vld [tilespmem:$0x1FBD0];
	v53 =	vadd.f32 v21, v8;
	v8 =	vadd.f32 v11, v10  }
0x1a0: {  	v40 =	vld [tilespmem:s31+$0x10800];
	v2 =	vmul.f32 v2, v6  }
0x1a1: {  	v1 =	vadd.f32 v7, v1;
	v7 =	vmul.f32 v56, v56;
	v55 =	vmul.f32 $7.812500000e-03, v8  }
0x1a2: {  	v8 =	vmul.f32 v38, v38;
	v10 =	vbroadcast v2, $0x0;
	_ =	sdelay $0x1  }
0x1a3: {  	v12 =	vadd.f32 v7, v4;
	v4 =	vadd.f32 v8, v1;
	v8 =	vmul.f32 v10, v0;
	v0 =	vld [tilespmem:$0x1FBE0]  }
0x1a4: {  	v3 =	vadd.f32 v40, v3;
	_ =	sdelay $0x1  }
0x1a5: {  	v11 =	vmul.f32 v55, v55;
	v3 =	vmul.f32 $7.812500000e-03, v3;
	_ =	sdelay $0x1  }
0x1a6: {  	v3 =	vsub.f32 v3, v11;
	v11 =	vmul.f32 v10, v0;
	v0 =	vld [tilespmem:$0x1FC00];
	_ =	sdelay $0x4  }
0x1a7: {  	v24 =	vmul.f32 v10, v0;
	v0 =	vld [tilespmem:$0x1FC10];
	_ =	sdelay $0x2  }
0x1a8: {  	v5 =	vmul.f32 v20, v9;
	_ =	sdelay $0x1  }
0x1a9: {  	v5 =	vmul.f32 v5, v20;
	v0 =	vmul.f32 v10, v0  }
0x1aa: {  	v7 =	vadd.f32 v35, v36;
	v6 =	vadd.f32 v13, v33  }
0x1ab: {  	v5 =	vsub.f32 $1.500000000e+00, v5;
	[tilespmem:$0x1FD80] =	vst v0;
	v0 =	vld [tilespmem:$0x1FC20]  }
0x1ac: {  	v7 =	vadd.f32 v39, v7;
	v6 =	vadd.f32 v34, v6  }
0x1ad: {  	v5 =	vmul.f32 v5, v20  }
0x1ae: {  	v7 =	vadd.f32 v41, v7;
	v6 =	vadd.f32 v37, v6  }
0x1af: {  	v9 =	vmul.f32 v5, v9  }
0x1b0: {  	v7 =	vadd.f32 v43, v7;
	v6 =	vadd.f32 v14, v6;
	v61 =	vmul.f32 v10, v0;
	v0 =	vld [tilespmem:$0x1FC40]  }
0x1b1: {  	v9 =	vmul.f32 v9, v5  }
0x1b2: {  	v7 =	vadd.f32 v54, v7;
	v6 =	vadd.f32 v15, v6  }
0x1b3: {  	v9 =	vsub.f32 $1.500000000e+00, v9  }
0x1b4: {  	v7 =	vadd.f32 v56, v7;
	v6 =	vadd.f32 v38, v6  }
0x1b5: {  	v1 =	vmul.f32 v53, v53;
	v3 =	vadd.f32 $9.999999960e-13, v3;
	v0 =	vmul.f32 v10, v0  }
0x1b6: {  	[tilespmem:$0x1FC30] =	vst v15;
	v16 =	vmul.f32 v9, v5;
	v7 =	vadd.f32 v52, v7;
	v5 =	vadd.f32 v53, v6  }
0x1b7: {  	v1 =	vadd.f32 v1, v4;
	v15 =	vmul.f32 $5.000000000e-01, v3;
	[tilespmem:$0x1FD90] =	vst v0;
	v0 =	vld [tilespmem:$0x1FC50]  }
0x1b8: {  	v9 =	vshrl.u32 v3, $0x1;
	v4 =	vperm.xlane v7, v50;
	v3 =	vperm.xlane v5, v50;
	_ =	sdelay $0x1  }
0x1b9: {  	v2 =	vbroadcast v2, $0x8;
	v4 =	vadd.f32 v4, v7;
	v3 =	vadd.f32 v5, v3;
	_ =	sdelay $0x1  }
0x1ba: {  	v3 =	vsel vm0, v4, v3;
	v4 =	vmul.f32 v2, v0;
	v0 =	vmul.f32 v2, v32;
	_ =	sdelay $0x1  }
0x1bb: {  	[tilespmem:$0x1FDA0] =	vst v0;
	v0 =	vmul.f32 v2, v62;
	_ =	sdelay $0x1  }
0x1bc: {  	[tilespmem:$0x1FDB0] =	vst v0;
	v0 =	vld [tilespmem:$0x1FC60];
	_ =	sdelay $0x4  }
0x1bd: {  	v0 =	vmul.f32 v2, v0;
	_ =	sdelay $0x1  }
0x1be: {  	[tilespmem:$0x1FDC0] =	vst v0;
	v0 =	vld [tilespmem:$0x1FC70];
	_ =	sdelay $0x4  }
0x1bf: {  	[tilespmem:$0x1FBC0] =	vst v13;
	v0 =	vmul.f32 v2, v0  }
0x1c0: {  	[tilespmem:$0x1FBF0] =	vst v14  }
0x1c1: {  	[tilespmem:$0x1FDD0] =	vst v0  }
0x1c2: {  	[tilespmem:s0+$0x10800] =	vst v3  }
0x1c3: {  	v0 =	vld [tilespmem:$0x1FC80]  }
0x1c4: {  	v20 =	vmul.f32 v10, v19  }
0x1c5: {  	v57 =	vmul.f32 v10, v57;
	v10 =	vmul.f32 v52, v52;
	_ =	sdelay $0x1  }
0x1c6: {  	v6 =	vadd.f32 v10, v12  }
0x1c7: {  	v0 =	vmul.f32 v2, v0  }
0x1c8: {  	v7 =	vsub.s32 $0x5F3759DF, v9;
	v10 =	vperm.xlane v1, v50;
	v9 =	vperm.xlane v6, v50  }
0x1c9: {  	[tilespmem:$0x1FDE0] =	vst v0;
	v0 =	vld [tilespmem:$0x1FC90]  }
0x1ca: {  	v1 =	vadd.f32 v10, v1;
	v6 =	vadd.f32 v9, v6;
	_ =	sdelay $0x1  }
0x1cb: {  	v9 =	vbroadcast v58, $0x8;
	v1 =	vsel vm0, v6, v1  }
0x1cc: {  	[tilespmem:s0+$0x10820] =	vst v1  }
0x1cd: {  	v63 =	vmul.f32 v2, v28;
	v28 =	vsub.f32 v0, v9;
	v0 =	vld [tilespmem:$0x1FCA0];
	_ =	sdelay $0x4  }
0x1ce: {  	v62 =	vsub.f32 v0, v9;
	v0 =	vld [tilespmem:$0x1FCB0];
	_ =	sdelay $0x4  }
0x1cf: {  	v44 =	vsub.f32 v0, v9;
	v0 =	vld [tilespmem:$0x1FCC0];
	_ =	sdelay $0x4  }
0x1d0: {  	v17 =	vsub.f32 v0, v9;
	v0 =	vld [tilespmem:$0x1FCD0];
	_ =	sdelay $0x4  }
0x1d1: {  	v21 =	vsub.f32 v0, v9;
	v0 =	vld [tilespmem:$0x1FCE0];
	_ =	sdelay $0x4  }
0x1d2: {  	v19 =	vsub.f32 v0, v9;
	v0 =	vld [tilespmem:$0x1FCF0];
	_ =	sdelay $0x1  }
0x1d3: {  	v5 =	vmul.f32 v7, v15;
	_ =	sdelay $0x1  }
0x1d4: {  	v5 =	vmul.f32 v7, v5  }
0x1d5: {  	v45 =	vsub.f32 v0, v9;
	v0 =	vld [tilespmem:$0x1FD00]  }
0x1d6: {  	v5 =	vsub.f32 $1.500000000e+00, v5  }
0x1d7: {  	v23 =	vmul.f32 v2, v26  }
0x1d8: {  	v2 =	vmul.f32 v7, v5;
	v7 =	vbroadcast v16, $0x0;
	_ =	sdelay $0x1  }
0x1d9: {  	v5 =	vld [tilespmem:s0+$0x10804];
	v0 =	vmul.f32 v7, v0  }
0x1da: {  	v10 =	vld [tilespmem:s0+$0x10824]  }
0x1db: {  	[tilespmem:$0x1FDF0] =	vst v0;
	v0 =	vld [tilespmem:$0x1FD10];
	_ =	sdelay $0x4  }
0x1dc: {  	v59 =	vsub.f32 v0, v9;
	v0 =	vld [tilespmem:$0x1FD20];
	_ =	sdelay $0x4  }
0x1dd: {  	v0 =	vmul.f32 v7, v0;
	_ =	sdelay $0x1  }
0x1de: {  	[tilespmem:$0x1FE00] =	vst v0;
	v0 =	vld [tilespmem:$0x1FD30];
	_ =	sdelay $0x4  }
0x1df: {  	v0 =	vmul.f32 v7, v0;
	_ =	sdelay $0x1  }
0x1e0: {  	[tilespmem:$0x1FE10] =	vst v0;
	v0 =	vld [tilespmem:$0x1FD40];
	_ =	sdelay $0x4  }
0x1e1: {  	v0 =	vmul.f32 v7, v0;
	_ =	sdelay $0x1  }
0x1e2: {  	[tilespmem:$0x1FE20] =	vst v0;
	v0 =	vld [tilespmem:$0x1FD50];
	_ =	sdelay $0x4  }
0x1e3: {  	v0 =	vmul.f32 v7, v0;
	_ =	sdelay $0x1  }
0x1e4: {  	[tilespmem:$0x1FE30] =	vst v0;
	v0 =	vld [tilespmem:$0x1FD60];
	_ =	sdelay $0x4  }
0x1e5: {  	v0 =	vmul.f32 v7, v0;
	_ =	sdelay $0x1  }
0x1e6: {  	[tilespmem:$0x1FE40] =	vst v0;
	v0 =	vld [tilespmem:$0x1FD70];
	_ =	sdelay $0x4  }
0x1e7: {  	v0 =	vmul.f32 v7, v0;
	_ =	sdelay $0x1  }
0x1e8: {  	[tilespmem:$0x1FE50] =	vst v0;
	v0 =	vmul.f32 v7, v60  }
0x1e9: {  	v32 =	vld [tilespmem:$0x1FEE0];
	v6 =	vadd.f32 v3, v5  }
0x1ea: {  	v3 =	vmul.f32 v2, v15;
	[tilespmem:$0x1FE60] =	vst v0  }
0x1eb: {  	v26 =	vld [tilespmem:$0x1FF60];
	v13 =	vadd.f32 v10, v1;
	[tilespmem:s0+$0x10800] =	vst v6  }
0x1ec: {  	v5 =	vbroadcast v55, $0x0;
	v1 =	vmul.f32 v3, v2;
	v3 =	vld [tilespmem:$0x1FE70]  }
0x1ed: {  	v58 =	vld [tilespmem:$0x1FE80];
	[tilespmem:s0+$0x10820] =	vst v13  }
0x1ee: {  	v4 =	vmul.f32 v4, v32;
	v9 =	vsub.f32 v31, v5;
	v31 =	vld [tilespmem:$0x1FEF0];
	_ =	sdelay $0x1  }
0x1ef: {  	v14 =	vadd.f32 v4, v26  }
0x1f0: {  	s18 =	simm.s32 $0xB500;
	v4 =	vmul.f32 v8, v3  }
0x1f1: {  	v18 =	vld [tilespmem:$0x1FE90];
	[tilespmem:s18+$0xF0] =	vst v14  }
0x1f2: {  	v12 =	vld [tilespmem:$0x1FEA0];
	v4 =	vadd.f32 v4, v31  }
0x1f3: {  	v0 =	vld [tilespmem:$0x1FD80]  }
0x1f4: {  	v60 =	vld [tilespmem:$0x1FF00];
	[tilespmem:s18+$0x0] =	vst v4  }
0x1f5: {  	v4 =	vld [tilespmem:$0x1FEB0];
	_ =	sdelay $0x1  }
0x1f6: {  	v48 =	vsub.f32 v30, v5  }
0x1f7: {  	v49 =	vsub.f32 v25, v5;
	v42 =	vsub.f32 v47, v5;
	v47 =	vmul.f32 v11, v58  }
0x1f8: {  	v10 =	vsub.f32 v27, v5;
	v50 =	vsub.f32 v46, v5  }
0x1f9: {  	v1 =	vsub.f32 $1.500000000e+00, v1;
	v14 =	vadd.f32 v47, v60;
	v46 =	vmul.f32 v61, v4;
	v61 =	vld [tilespmem:$0x1FF10]  }
0x1fa: {  	v40 =	vsub.f32 v51, v5;
	v5 =	vsub.f32 v29, v5;
	v29 =	vld [tilespmem:$0x1FEC0]  }
0x1fb: {  	v1 =	vmul.f32 v1, v2;
	v2 =	vmul.f32 v0, v12;
	v0 =	vld [tilespmem:$0x1FD90];
	[tilespmem:s18+$0x10] =	vst v14  }
0x1fc: {  	v24 =	vmul.f32 v24, v18;
	v30 =	vld [tilespmem:$0x1FED0];
	_ =	sdelay $0x1  }
0x1fd: {  	v24 =	vadd.f32 v24, v61;
	_ =	sdelay $0x1  }
0x1fe: {  	v25 =	vld [tilespmem:s0+$0x10802];
	[tilespmem:s18+$0x20] =	vst v24  }
0x1ff: {  	v47 =	vmul.f32 v0, v29;
	v0 =	vmul.f32 v20, v30;
	v20 =	vld [tilespmem:$0x1FF20];
	_ =	sdelay $0x3  }
0x200: {  	v6 =	vadd.f32 v25, v6  }
0x201: {  	v2 =	vadd.f32 v2, v20  }
0x202: {  	[tilespmem:s0+$0x10800] =	vst v6  }
0x203: {  	v11 =	vld [tilespmem:s0+$0x10822];
	[tilespmem:s18+$0x30] =	vst v2  }
0x204: {  	v24 =	vld [tilespmem:$0x1FF30];
	_ =	sdelay $0x3  }
0x205: {  	v11 =	vadd.f32 v11, v13;
	v14 =	vbroadcast v16, $0x8  }
0x206: {  	v2 =	vadd.f32 v46, v24  }
0x207: {  	v16 =	vmul.f32 v57, v32;
	v57 =	vmul.f32 v14, v62;
	v62 =	vld [tilespmem:$0x1FF40];
	[tilespmem:s0+$0x10820] =	vst v11  }
0x208: {  	[tilespmem:s18+$0x40] =	vst v2  }
0x209: {  	v13 =	vld [tilespmem:$0x1FF50];
	_ =	sdelay $0x3  }
0x20a: {  	v27 =	vmul.f32 v14, v44;
	v44 =	vadd.f32 v47, v62  }
0x20b: {  	v2 =	vadd.f32 v0, v13  }
0x20c: {  	[tilespmem:s18+$0x50] =	vst v44  }
0x20d: {  	[tilespmem:s18+$0x60] =	vst v2  }
0x20e: {  	v0 =	vld [tilespmem:$0x1FDA0];
	_ =	sdelay $0x1  }
0x20f: {  	v7 =	vmul.f32 v14, v28;
	v28 =	vmul.f32 v14, v17;
	v17 =	vld [tilespmem:s0+$0x10801]  }
0x210: {  	v23 =	vmul.f32 v23, v3  }
0x211: {  	v16 =	vadd.f32 v16, v26  }
0x212: {  	v2 =	vmul.f32 v0, v18;
	v0 =	vadd.f32 v23, v31  }
0x213: {  	[tilespmem:s18+$0x70] =	vst v16  }
0x214: {  	v16 =	vadd.f32 v17, v6;
	v6 =	vld [tilespmem:$0x1FDB0];
	[tilespmem:s18+$0x80] =	vst v0  }
0x215: {  	v63 =	vmul.f32 v63, v58;
	v0 =	vld [tilespmem:$0x1FDC0];
	_ =	sdelay $0x1  }
0x216: {  	v17 =	vadd.f32 v63, v60;
	_ =	sdelay $0x1  }
0x217: {  	[tilespmem:s18+$0x90] =	vst v17  }
0x218: {  	v22 =	vmul.f32 v0, v4;
	v0 =	vld [tilespmem:$0x1FDD0];
	_ =	sdelay $0x1  }
0x219: {  	v2 =	vadd.f32 v2, v61;
	_ =	sdelay $0x1  }
0x21a: {  	v15 =	vmul.f32 v1, v15;
	v51 =	vld [tilespmem:s0+$0x10821];
	[tilespmem:s18+$0xA0] =	vst v2  }
0x21b: {  	v6 =	vmul.f32 v6, v12;
	v23 =	vmul.f32 v0, v29;
	v0 =	vld [tilespmem:$0x1FDE0]  }
0x21c: {  	v15 =	vmul.f32 v15, v1  }
0x21d: {  	v6 =	vadd.f32 v6, v20  }
0x21e: {  	v15 =	vsub.f32 $1.500000000e+00, v15  }
0x21f: {  	[tilespmem:s18+$0xB0] =	vst v6  }
0x220: {  	v17 =	vadd.f32 v51, v11;
	v11 =	vmul.f32 v15, v1;
	v1 =	vmul.f32 v0, v30;
	v0 =	vld [tilespmem:$0x1FDF0];
	_ =	sdelay $0x4  }
0x221: {  	v6 =	vmul.f32 v0, v3;
	v0 =	vld [tilespmem:$0x1FE00];
	_ =	sdelay $0x1  }
0x222: {  	v2 =	vadd.f32 v22, v24;
	_ =	sdelay $0x1  }
0x223: {  	[tilespmem:s18+$0xC0] =	vst v2  }
0x224: {  	v15 =	vmul.f32 v0, v58;
	v0 =	vld [tilespmem:$0x1FE10];
	_ =	sdelay $0x4  }
0x225: {  	v2 =	vmul.f32 v0, v18;
	v0 =	vld [tilespmem:$0x1FE20];
	_ =	sdelay $0x1  }
0x226: {  	v51 =	vadd.f32 v23, v62;
	_ =	sdelay $0x1  }
0x227: {  	[tilespmem:s18+$0xD0] =	vst v51  }
0x228: {  	v25 =	vmul.f32 v14, v45;
	v45 =	vmul.f32 v0, v12;
	v0 =	vld [tilespmem:$0x1FE30];
	_ =	sdelay $0x3  }
0x229: {  	v1 =	vadd.f32 v1, v13  }
0x22a: {  	v44 =	vmul.f32 v0, v4;
	v0 =	vld [tilespmem:$0x1FE40]  }
0x22b: {  	[tilespmem:s18+$0xE0] =	vst v1  }
0x22c: {  	v21 =	vmul.f32 v14, v21;
	v6 =	vadd.f32 v6, v31;
	v1 =	vld [tilespmem:$0x1FE50]  }
0x22d: {  	v19 =	vmul.f32 v14, v19;
	v14 =	vmul.f32 v14, v59;
	v15 =	vadd.f32 v15, v60;
	v8 =	vld [tilespmem:$0x1FE60]  }
0x22e: {  	v59 =	vmul.f32 v57, v58;
	v21 =	vmul.f32 v21, v4;
	v2 =	vadd.f32 v2, v61;
	[tilespmem:s18+$0xFFFFFF00] =	vst v6  }
0x22f: {  	v63 =	vmovc v26;
	v58 =	vbroadcast v55, $0x8;
	[tilespmem:s18+$0xFFFFFF10] =	vst v15;
	v15 =	vadd.f32 v45, v20;
	v0 =	vmul.f32 v0, v29  }
0x230: {  	v4 =	vmul.f32 v19, v29;
	v6 =	vmul.f32 v7, v3;
	[tilespmem:s18+$0xFFFFFF20] =	vst v2;
	v19 =	vadd.f32 v44, v24  }
0x231: {  	v51 =	vmul.f32 v28, v12;
	[tilespmem:s18+$0xFFFFFF30] =	vst v15;
	v1 =	vmul.f32 v1, v30;
	v12 =	vadd.f32 v0, v62  }
0x232: {  	v18 =	vmul.f32 v27, v18;
	v6 =	vadd.f32 v6, v31;
	[tilespmem:s18+$0xFFFFFF40] =	vst v19;
	v22 =	vmul.f32 v8, v32  }
0x233: {  	s23 =	smul.u32 $0xA0, s25;
	v2 =	vmul.f32 v25, v30;
	v19 =	vadd.f32 v59, v60;
	v62 =	vadd.f32 v1, v13;
	[tilespmem:s18+$0xFFFFFF50] =	vst v12  }
0x234: {  	s1 =	simm.s32 $0xB500;
	s4 =	simm.s32 $0x2;
	v1 =	vmul.f32 v14, v32;
	v15 =	vadd.f32 v22, v63;
	v13 =	vadd.f32 v18, v61;
	s0 =	rddreg [dreg:$0x12]  }
0x235: {  	s6 =	simm.s32 $0x6900;
	s3 =	simm.s32 $0x200;
	v47 =	vmovc v3;
	v18 =	vmul.f32 $7.812500000e-03, v16;
	v14 =	vadd.f32 v51, v20;
	v16 =	vadd.f32 v21, v24;
	[tilespmem:s18+$0xFFFFFF60] =	vst v62;
	s12 =	sadd.s32 s0, s23  }
.LBB2_5:
0x236: {  	v0 =	vld [tilespmem:$0x1FBB0];
	_ =	sdelay $0x4  }
0x237: {  	v21 =	vsub.f32 v0, v58;
	v0 =	vld [tilespmem:$0x1FB40];
	_ =	sdelay $0x4  }
0x238: {  	v60 =	vsub.f32 v0, v58;
	v0 =	vld [tilespmem:$0x1FB50];
	_ =	sdelay $0x2  }
0x239: {  	v44 =	vbroadcast v18, $0x0;
	_ =	sdelay $0x1  }
0x23a: {  	v61 =	vsub.f32 v0, v58;
	v0 =	vsub.f32 v39, v44;
	_ =	sdelay $0x1  }
0x23b: {  	[tilespmem:$0x1F9D0] =	vst v0;
	v0 =	vsub.f32 v41, v44;
	_ =	sdelay $0x1  }
0x23c: {  	v45 =	vbroadcast v18, $0x8;
	[tilespmem:$0x1F9E0] =	vst v0;
	v0 =	vsub.f32 v52, v44;
	_ =	sdelay $0x1  }
0x23d: {  	[tilespmem:$0x1F9F0] =	vst v0;
	v0 =	vsub.f32 v33, v45;
	_ =	sdelay $0x1  }
0x23e: {  	[tilespmem:$0x1FA00] =	vst v0;
	v0 =	vld [tilespmem:$0x1FBC0];
	_ =	sdelay $0x4  }
0x23f: {  	v0 =	vsub.f32 v0, v45;
	_ =	sdelay $0x1  }
0x240: {  	[tilespmem:$0x1FA20] =	vst v0;
	v0 =	vsub.f32 v34, v45;
	_ =	sdelay $0x1  }
0x241: {  	[tilespmem:$0x1FA30] =	vst v0;
	v0 =	vsub.f32 v37, v45;
	_ =	sdelay $0x1  }
0x242: {  	[tilespmem:$0x1FA40] =	vst v0;
	v0 =	vld [tilespmem:$0x1FBF0];
	_ =	sdelay $0x4  }
0x243: {  	v0 =	vsub.f32 v0, v45;
	_ =	sdelay $0x1  }
0x244: {  	[tilespmem:$0x1FA50] =	vst v0;
	v0 =	vld [tilespmem:$0x1FC30];
	_ =	sdelay $0x4  }
0x245: {  	v0 =	vsub.f32 v0, v45;
	_ =	sdelay $0x1  }
0x246: {  	[tilespmem:$0x1FA60] =	vst v0;
	v0 =	vsub.f32 v38, v45;
	_ =	sdelay $0x1  }
0x247: {  	[tilespmem:$0x1FA80] =	vst v0;
	v0 =	vsub.f32 v53, v45;
	_ =	sdelay $0x1  }
0x248: {  	[tilespmem:$0x1FAA0] =	vst v0;
	v0 =	vld [tilespmem:$0x1FB60];
	_ =	sdelay $0x4  }
0x249: {  	v25 =	vsub.f32 v0, v58;
	v0 =	vld [tilespmem:$0x1FB70];
	_ =	sdelay $0x4  }
0x24a: {  	v26 =	vsub.f32 v0, v58;
	v0 =	vld [tilespmem:$0x1FB80];
	_ =	sdelay $0x4  }
0x24b: {  	v27 =	vsub.f32 v0, v58;
	v0 =	vld [tilespmem:$0x1FB90];
	_ =	sdelay $0x4  }
0x24c: {  	v28 =	vsub.f32 v0, v58;
	v0 =	vld [tilespmem:$0x1FBA0]  }
0x24d: {  	v51 =	vld [tilespmem:$0x1FEE0]  }
0x24e: {  	v12 =	vld [tilespmem:s6+$0x70]  }
0x24f: {  	[tilespmem:s18+$0xFFFFFF70] =	vst v15;
	v15 =	vld [tilespmem:s6+$0xF0]  }
0x250: {  	v20 =	vmul.f32 $7.812500000e-03, v17;
	v59 =	vbroadcast v11, $0x8;
	v17 =	vld [tilespmem:s6+$0x60]  }
0x251: {  	v32 =	vmul.f32 v18, v18;
	v29 =	vsub.f32 v0, v58;
	v0 =	vld [tilespmem:$0x1FF50]  }
0x252: {  	v18 =	vld [tilespmem:s6+$0xE0];
	v21 =	vmul.f32 v59, v21  }
0x253: {  	[tilespmem:s18+$0xFFFFFF90] =	vst v19;
	v19 =	vld [tilespmem:s6+$0x50];
	v30 =	vsub.f32 v20, v32  }
0x254: {  	[tilespmem:s18+$0xFFFFFF80] =	vst v6;
	v20 =	vld [tilespmem:s6+$0xD0];
	v21 =	vmul.f32 v21, v51  }
0x255: {  	[tilespmem:s18+$0xFFFFFFA0] =	vst v13;
	v32 =	vld [tilespmem:s6+$0xC0];
	v31 =	vadd.f32 $9.999999960e-13, v30  }
0x256: {  	v62 =	vbroadcast v11, $0x0;
	[tilespmem:s18+$0xFFFFFFB0] =	vst v14;
	v21 =	vadd.f32 v21, v63;
	v2 =	vadd.f32 v2, v0;
	v0 =	vld [tilespmem:$0x1FF60]  }
0x257: {  	[tilespmem:s18+$0xFFFFFFC0] =	vst v16;
	s18 =	sadd.s32 $0x200, s18;
	v55 =	vsub.f32 v43, v44;
	v30 =	vld [tilespmem:s6+$0x40]  }
0x258: {  	s13 =	sadd.s32 $0x4, s13;
	v43 =	vmul.f32 v62, v49;
	v49 =	vshrl.u32 v31, $0x1;
	v63 =	vmul.f32 $5.000000000e-01, v31;
	v31 =	vld [tilespmem:s6+$0x30];
	[tilespmem:s18+$0xF0] =	vst v21  }
0x259: {  	v45 =	vld [tilespmem:s13+$0x0];
	_ =	sdelay $0x1  }
0x25a: {  	v1 =	vadd.f32 v1, v0;
	v0 =	vld [tilespmem:$0x1FEF0]  }
0x25b: {  	v7 =	vld [tilespmem:$0x1FEC0];
	v41 =	vmul.f32 v62, v48  }
0x25c: {  	v11 =	vld [tilespmem:$0x1FF40];
	v6 =	vsub.f32 v36, v44;
	v57 =	vsub.f32 v54, v44  }
0x25d: {  	v54 =	vsub.s32 $0x5F3759DF, v49;
	v41 =	vmul.f32 v41, v47;
	(v2sf) =	vpush v45, $0x0;
	v45 =	vld [tilespmem:$0x1FE80]  }
0x25e: {  	v16 =	vld [tilespmem:$0x1FE90];
	v36 =	vsub.f32 v35, v44;
	v35 =	vsub.f32 v56, v44;
	v44 =	vmul.f32 v54, v63  }
0x25f: {  	v13 =	vadd.f32 v41, v0;
	v0 =	vld [tilespmem:$0x1FF00]  }
0x260: {  	s2 =	rddreg [dreg:$0x8];
	s14 =	sadd.s32 $0x4, s14;
	v8 =	vld [tilespmem:s6+$0x10];
	v21 =	vmul.f32 v54, v44  }
0x261: {  	s28 =	rddreg [dreg:$0xa];
	s3 =	sadd.s32 $0x200, s3;
	s29 =	sadd.s32 $0x2, s14;
	v46 =	vld [tilespmem:s13+$0x1]  }
0x262: {  	s7 =	rddreg [dreg:$0xb];
	s17 =	sadd.s32 $0x3, s14;
	p0 =	sgt.u32 s29, $0xC7;
	v14 =	vld [tilespmem:s6+$0x80];
	v21 =	vsub.f32 $1.500000000e+00, v21;
	[tilespmem:s1+$0xFFFFFFF0] =	vst v1;
	v1 =	vmul.f32 v43, v45  }
0x263: {  	p2 =	sgt.u32 s17, $0xC7;
	s29 =	sadd.s32 s3, s2;
	s28 =	simm.s32 @!p0 $0x100;
	v49 =	vld [tilespmem:s6+$0x90]  }
0x264: {  	s7 =	simm.s32 @!p2 $0x180;
	s28 =	sadd.s32 s28, s29;
	v4 =	vadd.f32 v4, v11;
	v21 =	vmul.f32 v54, v21;
	v1 =	vadd.f32 v1, v0;
	v0 =	vld [tilespmem:$0x1FF10]  }
0x265: {  	v10 =	vmul.f32 v62, v10;
	s26 =	sadd.s32 s7, s29;
	v56 =	vld [tilespmem:s28+$0x70]  }
0x266: {  	v3 =	vmul.f32 v62, v50;
	[tilespmem:s1+$0xFFFFFFD0] =	vst v4;
	v4 =	vld [tilespmem:s26+$0x70];
	v50 =	vmul.f32 v21, v63  }
0x267: {  	v10 =	vmul.f32 v10, v16;
	v22 =	vld [tilespmem:s28+$0x60]  }
0x268: {  	v23 =	vld [tilespmem:s26+$0x40];
	v52 =	vmul.f32 v50, v21  }
0x269: {  	v10 =	vadd.f32 v10, v0;
	v0 =	vld [tilespmem:$0x1FED0]  }
0x26a: {  	v39 =	vld [tilespmem:s6+$0xB0];
	[tilespmem:s1+$0xFFFFFFE0] =	vst v2;
	v2 =	vsub.f32 $1.500000000e+00, v52  }
0x26b: {  	v9 =	vmul.f32 v62, v9;
	v48 =	vld [tilespmem:s26+$0x60]  }
0x26c: {  	v40 =	vmul.f32 v62, v40;
	v38 =	vmul.f32 v59, v61;
	v61 =	vld [tilespmem:$0x1FEA0]  }
0x26d: {  	v42 =	vmul.f32 v62, v42;
	v5 =	vmul.f32 v62, v5;
	v62 =	vld [tilespmem:s28+$0x40]  }
0x26e: {  	v21 =	vmul.f32 v2, v21;
	v3 =	vmul.f32 v3, v0;
	v2 =	vmov v0;
	v0 =	vld [tilespmem:$0x1FF20]  }
0x26f: {  	v53 =	vmul.f32 v59, v60;
	v60 =	vld [tilespmem:s26+$0x50]  }
0x270: {  	v33 =	vld [tilespmem:s6+$0x20]  }
0x271: {  	v9 =	vmul.f32 v9, v61;
	v52 =	vld [tilespmem:s28+$0x50]  }
0x272: {  	v34 =	vld [tilespmem:s6+$0xA0]  }
0x273: {  	v37 =	vld [tilespmem:s6+$0x0];
	v9 =	vadd.f32 v9, v0;
	v0 =	vmul.f32 v5, v51  }
0x274: {  	v44 =	vadd.f32 v48, v18;
	v18 =	vadd.f32 v60, v20;
	v60 =	vld [tilespmem:$0x1FFA0]  }
0x275: {  	v22 =	vadd.f32 v22, v17;
	(v2sf) =	vpush v46, $0x0;
	v46 =	vld [tilespmem:$0x1FEB0];
	[tilespmem:$0x1FA70] =	vst v0;
	v0 =	vmul.f32 v53, v47  }
0x276: {  	v63 =	vmul.f32 v21, v63;
	v17 =	vadd.f32 v52, v19;
	v19 =	vadd.f32 v62, v30;
	v62 =	vld [tilespmem:$0x1FF80]  }
0x277: {  	[tilespmem:$0x1FAB0] =	vst v0;
	v0 =	vld [tilespmem:$0x1FF30]  }
0x278: {  	v50 =	vmul.f32 v63, v21;
	v63 =	vld [tilespmem:s13+$0xFFFFFFFE];
	[tilespmem:s18+$0x0] =	vst v13  }
0x279: {  	v24 =	vld [tilespmem:s28+$0x30];
	[tilespmem:s18+$0x10] =	vst v1  }
0x27a: {  	v40 =	vmul.f32 v40, v46;
	v58 =	vsub.f32 $1.500000000e+00, v50;
	v5 =	vld [tilespmem:s26+$0x30];
	[tilespmem:s18+$0x20] =	vst v10  }
0x27b: {  	v42 =	vmul.f32 v42, v7;
	v15 =	vadd.f32 v4, v15;
	v51 =	vld [tilespmem:s28+$0x20];
	[tilespmem:s18+$0x30] =	vst v9  }
0x27c: {  	v4 =	vmul.f32 v58, v21;
	v54 =	vld [tilespmem:s26+$0x20];
	v10 =	vadd.f32 v40, v0;
	v0 =	vmul.f32 v38, v45  }
0x27d: {  	v25 =	vmul.f32 v59, v25;
	v26 =	vmul.f32 v59, v26;
	v43 =	vld [tilespmem:s6+$0xFFFFFF80]  }
0x27e: {  	v27 =	vmul.f32 v59, v27;
	v41 =	vld [tilespmem:s6+$0xFFFFFF00];
	v9 =	vadd.f32 v42, v11;
	v11 =	vbroadcast v4, $0x8;
	[tilespmem:$0x1FAE0] =	vst v0  }
0x27f: {  	v0 =	vmul.f32 v25, v16;
	[tilespmem:s18+$0x40] =	vst v10;
	v10 =	vbroadcast v4, $0x0;
	v4 =	vld [tilespmem:$0x1FFE0]  }
0x280: {  	v28 =	vmul.f32 v59, v28;
	v29 =	vmul.f32 v59, v29;
	v59 =	vld [tilespmem:s28+$0x0];
	[tilespmem:s18+$0x50] =	vst v9  }
0x281: {  	v25 =	vadd.f32 v54, v34;
	v34 =	vld [tilespmem:$0x1FFC0];
	[tilespmem:$0x1FAF0] =	vst v0;
	v0 =	vmul.f32 v26, v61  }
0x282: {  	v9 =	vld [tilespmem:s28+$0x10]  }
0x283: {  	s31 =	rddreg [dreg:$0x9];
	s0 =	sadd.s32 $0x1, s14;
	v20 =	vld [tilespmem:s26+$0x10];
	s28 =	spop (v2sf);
	[tilespmem:$0x1FB00] =	vst v0;
	v0 =	vmul.f32 v27, v46  }
0x284: {  	p3 =	sgt.u32 s14, $0xC7;
	p2 =	sgt.u32 s0, $0xC7;
	v21 =	vadd.f32 v23, v32;
	v24 =	vadd.f32 v24, v31;
	v31 =	vld [tilespmem:$0x1FF90];
	s2 =	scvt.s32.f32 s28  }
0x285: {  	s17 =	sadd.s32 $0xFFFF9C00, s29;
	s31 =	simm.s32 @!p2 $0x80;
	v40 =	vadd.f32 v56, v12;
	v12 =	vld [tilespmem:s26+$0x0];
	v1 =	vmul.f32 v10, v6;
	s0 =	spop (v2sf);
	[tilespmem:$0x1FB10] =	vst v0;
	v0 =	vmul.f32 v28, v7  }
0x286: {  	s31 =	sadd.s32 s31, s29;
	s29 =	smov.u32 @p3 s17;
	v30 =	vmovc v45;
	v61 =	vld [tilespmem:$0x1FF70];
	v45 =	vmul.f32 v10, v57;
	(v2sf) =	vpush v63, $0x0;
	s17 =	scvt.s32.f32 s0;
	v48 =	vmul.f32 s2, v4  }
0x287: {  	v6 =	vld [tilespmem:s29+$0x10];
	v46 =	vadd.f32 v51, v33;
	v50 =	vmul.f32 s2, v34;
	[tilespmem:$0x1FB20] =	vst v0;
	v0 =	vmul.f32 v29, v2  }
0x288: {  	v7 =	vld [tilespmem:$0x1FFB0];
	v52 =	vmul.f32 s17, v34;
	v8 =	vadd.f32 v9, v8;
	v20 =	vadd.f32 v20, v49  }
0x289: {  	v33 =	vld [tilespmem:s29+$0x0];
	v23 =	vmul.f32 s17, v60;
	[tilespmem:$0x1FB30] =	vst v0;
	v0 =	vadd.f32 v5, v39;
	v5 =	vadd.f32 v59, v37  }
0x28a: {  	v51 =	vmul.f32 s17, v4;
	v12 =	vadd.f32 v12, v14;
	v26 =	vadd.f32 v52, v20;
	v20 =	vld [tilespmem:s6+$0xFFFFFF10]  }
0x28b: {  	[tilespmem:$0x1FA10] =	vst v3;
	v49 =	vmul.f32 s2, v61;
	v3 =	vadd.f32 v21, v23;
	v58 =	vadd.f32 v48, v5;
	v5 =	vld [tilespmem:$0x1FFD0]  }
0x28c: {  	v63 =	vmul.f32 v10, v55;
	[tilespmem:$0x1FA90] =	vst v1;
	v8 =	vadd.f32 v50, v8;
	v1 =	vadd.f32 v51, v12;
	v39 =	vld [tilespmem:s13+$0xFFFFFFFF]  }
0x28d: {  	v42 =	vld [tilespmem:s29+$0x20];
	v17 =	vadd.f32 v17, v49;
	v9 =	vmul.f32 s2, v7;
	v53 =	vmul.f32 s17, v7  }
0x28e: {  	v38 =	vld [tilespmem:s31+$0x10];
	v56 =	vmul.f32 s2, v60;
	v33 =	vadd.f32 v33, v41;
	v32 =	vadd.f32 v26, v1  }
0x28f: {  	v55 =	vld [tilespmem:s6+$0xFFFFFF40];
	v16 =	vadd.f32 v46, v9;
	v29 =	vadd.f32 v25, v53;
	v9 =	vmul.f32 v10, v36  }
0x290: {  	v21 =	vld [tilespmem:s6+$0xFFFFFF20];
	v59 =	vadd.f32 v8, v58;
	v57 =	vadd.f32 v6, v20;
	v54 =	vmul.f32 s2, v5  }
0x291: {  	v52 =	vld [tilespmem:s31+$0x20];
	v32 =	vadd.f32 v29, v32;
	(v2sf) =	vpush v39, $0x0;
	v12 =	vmul.f32 s17, v5  }
0x292: {  	v13 =	vmovc v47;
	v49 =	vld [tilespmem:s29+$0x30];
	v47 =	vmul.f32 v58, v58;
	v28 =	vadd.f32 v16, v59;
	v14 =	vadd.f32 v24, v54  }
0x293: {  	v51 =	vld [tilespmem:s6+$0xFFFFFFB0];
	v2 =	vadd.f32 v0, v12;
	v12 =	vadd.f32 v19, v56;
	v19 =	vmul.f32 s17, v61  }
0x294: {  	[tilespmem:$0x1FAC0] =	vst v9;
	v9 =	vld [tilespmem:$0x1F9E0];
	v24 =	vmul.f32 s2, v62;
	v0 =	vmul.f32 s2, v31;
	v46 =	vadd.f32 v14, v28  }
0x295: {  	v56 =	vld [tilespmem:s6+$0xFFFFFFA0];
	v32 =	vadd.f32 v2, v32;
	v23 =	vadd.f32 v18, v19;
	v19 =	vmul.f32 s17, v62  }
0x296: {  	v41 =	vld [tilespmem:s31+$0x40];
	v18 =	vadd.f32 v22, v24;
	v28 =	vmul.f32 v8, v8;
	v53 =	vadd.f32 v12, v46  }
0x297: {  	v24 =	vld [tilespmem:s6+$0xFFFFFF30];
	v32 =	vadd.f32 v3, v32;
	v27 =	vadd.f32 v44, v19  }
0x298: {  	v59 =	vmul.f32 s17, v31;
	v19 =	vadd.f32 v40, v0;
	v0 =	vld [tilespmem:$0x1F9D0];
	v47 =	vadd.f32 v28, v47  }
0x299: {  	v37 =	vld [tilespmem:s31+$0x0];
	[tilespmem:$0x1FB50] =	vst v26;
	v26 =	vmul.f32 v26, v26;
	v53 =	vadd.f32 v17, v53;
	v54 =	vadd.f32 v23, v32  }
0x29a: {  	v6 =	vld [tilespmem:$0x1FFF0];
	v44 =	vmul.f32 v10, v9;
	v52 =	vadd.f32 v52, v56;
	v32 =	vadd.f32 v15, v59  }
0x29b: {  	v50 =	vld [tilespmem:s31+$0x50];
	v56 =	vmul.f32 v23, v23;
	v59 =	vadd.f32 v18, v53;
	v25 =	vadd.f32 v27, v54  }
0x29c: {  	v48 =	vld [tilespmem:s6+$0xFFFFFF90];
	v24 =	vadd.f32 v49, v24;
	v49 =	vmul.f32 v17, v17;
	v53 =	vmul.f32 v1, v1  }
0x29d: {  	v20 =	vld [tilespmem:s29+$0x50];
	v0 =	vmul.f32 v10, v0;
	v22 =	vadd.f32 v19, v59;
	v40 =	vadd.f32 v32, v25  }
0x29e: {  	v46 =	vld [tilespmem:s31+$0x30];
	v59 =	vmul.f32 v16, v16;
	v26 =	vadd.f32 v26, v53;
	v53 =	vmul.f32 v29, v29  }
0x29f: {  	v37 =	vadd.f32 v37, v43;
	v43 =	vld [tilespmem:s29+$0x60];
	v39 =	vperm.xlane v22, v6;
	v25 =	vperm.xlane v40, v6  }
0x2a0: {  	v54 =	vmul.f32 v14, v14;
	[tilespmem:$0x1FAD0] =	vst v0;
	v0 =	vld [tilespmem:s29+$0x40];
	v28 =	vadd.f32 v59, v47;
	v26 =	vadd.f32 v53, v26  }
0x2a1: {  	v6 =	vld [tilespmem:s6+$0xFFFFFF50];
	v59 =	vmul.f32 v2, v2;
	v22 =	vadd.f32 v39, v22;
	v25 =	vadd.f32 v40, v25  }
0x2a2: {  	v53 =	vld [tilespmem:s29+$0x70];
	s29 =	spop (v2sf);
	v40 =	vadd.f32 v42, v21;
	v21 =	vadd.f32 v54, v28;
	v28 =	vmul.f32 v12, v12  }
0x2a3: {  	[tilespmem:$0x1FB40] =	vst v1;
	v46 =	vadd.f32 v46, v51;
	v47 =	vld [tilespmem:s6+$0xFFFFFF60];
	s29 =	scvt.s32.f32 s29;
	v26 =	vadd.f32 v59, v26;
	v59 =	vmul.f32 v3, v3  }
0x2a4: {  	s15 =	sadd.s32 $0x80, s15;
	s28 =	sshra.s32 s3, $0x2;
	[tilespmem:$0x1FB60] =	vst v29;
	s0 =	spop (v2sf);
	v39 =	vld [tilespmem:s6+$0xFFFFFFD0];
	v54 =	vmul.f32 v18, v18;
	v22 =	vsel vm0, v22, v25;
	v21 =	vadd.f32 v28, v21  }
0x2a5: {  	s26 =	sor.u32 $0x44, s15;
	v1 =	vld [tilespmem:s6+$0xFFFFFFE0];
	s2 =	scvt.s32.f32 s0;
	v29 =	vmul.f32 s29, v4;
	v25 =	vadd.f32 v38, v48;
	v26 =	vadd.f32 v59, v26;
	[tilespmem:s28+$0x10840] =	vst v22  }
0x2a6: {  	[tilespmem:$0x1FB70] =	vst v2;
	v0 =	vadd.f32 v0, v55;
	v55 =	vmul.f32 v27, v27;
	v42 =	vld [tilespmem:s26+$0x10800];
	v59 =	vadd.f32 v49, v21  }
0x2a7: {  	[tilespmem:$0x1FBA0] =	vst v27;
	v2 =	vld [tilespmem:$0x1FFF0];
	v38 =	vmul.f32 s2, v7;
	v27 =	vadd.f32 v20, v6;
	v20 =	vmul.f32 v10, v35  }
0x2a8: {  	[tilespmem:$0x1FB90] =	vst v23;
	v48 =	vld [tilespmem:s31+$0x60];
	v26 =	vadd.f32 v56, v26;
	v56 =	vmul.f32 v19, v19;
	v23 =	vadd.f32 v54, v59  }
0x2a9: {  	v36 =	vld [tilespmem:s6+$0xFFFFFFC0];
	v47 =	vadd.f32 v43, v47;
	v49 =	vmul.f32 s29, v34;
	v50 =	vadd.f32 v50, v39  }
0x2aa: {  	v9 =	vld [tilespmem:s31+$0x70];
	v39 =	vadd.f32 v52, v38;
	v38 =	vmul.f32 s2, v61;
	v23 =	vadd.f32 v56, v23  }
0x2ab: {  	v21 =	vld [tilespmem:s6+$0xFFFFFFF0];
	v26 =	vadd.f32 v55, v26;
	v59 =	vmul.f32 v32, v32;
	v22 =	vadd.f32 v22, v42  }
0x2ac: {  	[tilespmem:$0x1FB80] =	vst v3;
	v34 =	vmul.f32 s2, v34;
	v3 =	vadd.f32 v50, v38;
	v55 =	vperm.xlane v23, v2;
	v2 =	vld [tilespmem:$0x1FFF0]  }
0x2ad: {  	s31 =	sor.u32 $0x42, s15;
	v1 =	vadd.f32 v48, v1;
	v26 =	vadd.f32 v59, v26;
	v56 =	vmul.f32 s2, v4;
	[tilespmem:s28+$0x10840] =	vst v22  }
0x2ae: {  	v54 =	vmul.f32 s29, v7;
	v59 =	vadd.f32 v29, v33;
	v42 =	vadd.f32 v41, v36;
	v28 =	vld [tilespmem:s31+$0x10800]  }
0x2af: {  	v33 =	vmul.f32 s29, v5;
	v36 =	vadd.f32 v49, v57;
	v35 =	vadd.f32 v56, v37  }
0x2b0: {  	v56 =	vmul.f32 v39, v39;
	v23 =	vadd.f32 v55, v23;
	v55 =	vadd.f32 v40, v54  }
0x2b1: {  	v21 =	vadd.f32 v9, v21;
	v57 =	vmul.f32 v35, v35;
	v29 =	vperm.xlane v26, v2  }
0x2b2: {  	v54 =	vmul.f32 v55, v55;
	v2 =	vadd.f32 v34, v25;
	v25 =	vadd.f32 v36, v59  }
0x2b3: {  	v15 =	vmovc v8;
	v34 =	vmul.f32 v36, v36;
	v22 =	vadd.f32 v28, v22;
	v26 =	vadd.f32 v29, v26  }
0x2b4: {  	[tilespmem:$0x1FBB0] =	vst v32;
	v8 =	vadd.f32 v24, v33;
	v28 =	vmul.f32 v59, v59;
	v32 =	vmul.f32 v2, v2  }
0x2b5: {  	v51 =	vld [tilespmem:s6+$0xFFFFFF70];
	s0 =	sor.u32 $0x60, s15;
	s26 =	sor.u32 $0x41, s15;
	v25 =	vadd.f32 v55, v25;
	[tilespmem:s28+$0x10840] =	vst v22;
	v23 =	vsel vm0, v23, v26;
	v26 =	vadd.f32 v2, v35  }
0x2b6: {  	s17 =	sor.u32 $0x64, s15;
	v28 =	vadd.f32 v34, v28;
	v34 =	vmul.f32 s2, v5;
	v43 =	vadd.f32 v32, v57;
	v29 =	vld [tilespmem:s26+$0x10800];
	[tilespmem:s0+$0x10800] =	vst v23  }
0x2b7: {  	v57 =	vmul.f32 s29, v60;
	v25 =	vadd.f32 v8, v25;
	v52 =	vld [tilespmem:s17+$0x10800];
	v26 =	vadd.f32 v39, v26  }
0x2b8: {  	v32 =	vmul.f32 s2, v60;
	v37 =	vadd.f32 v46, v34;
	v28 =	vadd.f32 v54, v28  }
0x2b9: {  	v33 =	vmul.f32 v8, v8;
	v24 =	vadd.f32 v56, v43;
	v7 =	vadd.f32 v0, v57  }
0x2ba: {  	[tilespmem:$0x1FBC0] =	vst v2;
	v0 =	vmul.f32 s29, v61;
	v2 =	vadd.f32 v42, v32;
	v42 =	vmul.f32 s29, v62  }
0x2bb: {  	v43 =	vmul.f32 s2, v62;
	v62 =	vadd.f32 v53, v51;
	v26 =	vadd.f32 v37, v26  }
0x2bc: {  	v34 =	vmul.f32 v37, v37;
	v28 =	vadd.f32 v33, v28;
	v23 =	vadd.f32 v52, v23  }
0x2bd: {  	v25 =	vadd.f32 v7, v25;
	v41 =	vmul.f32 v7, v7;
	v54 =	vadd.f32 v27, v0  }
0x2be: {  	s26 =	sor.u32 $0x62, s15;
	v0 =	vmul.f32 v2, v2;
	v56 =	vadd.f32 v47, v42;
	v38 =	vadd.f32 v1, v43;
	[tilespmem:s0+$0x10800] =	vst v23  }
0x2bf: {  	v1 =	vmul.f32 s2, v31;
	v24 =	vadd.f32 v34, v24;
	v26 =	vadd.f32 v2, v26;
	v40 =	vld [tilespmem:s26+$0x10800]  }
0x2c0: {  	v61 =	vmul.f32 s29, v31;
	v25 =	vadd.f32 v54, v25;
	v28 =	vadd.f32 v41, v28  }
0x2c1: {  	[tilespmem:$0x1FBF0] =	vst v2;
	v2 =	vmul.f32 v3, v3;
	v53 =	vadd.f32 v21, v1;
	v0 =	vadd.f32 v0, v24  }
0x2c2: {  	v60 =	vmul.f32 v54, v54;
	v1 =	vadd.f32 v29, v22;
	v52 =	vadd.f32 v62, v61  }
0x2c3: {  	v42 =	vmul.f32 v38, v38;
	v26 =	vadd.f32 v3, v26;
	v0 =	vadd.f32 v2, v0;
	v2 =	vld [tilespmem:$0x1F9F0]  }
0x2c4: {  	v4 =	vld [tilespmem:$0x1FFF0];
	v28 =	vadd.f32 v60, v28;
	v23 =	vadd.f32 v40, v23;
	v40 =	vmul.f32 v56, v56  }
0x2c5: {  	v60 =	vmul.f32 v53, v53;
	v26 =	vadd.f32 v38, v26;
	v0 =	vadd.f32 v42, v0  }
0x2c6: {  	v25 =	vadd.f32 v56, v25;
	v24 =	vmul.f32 v52, v52;
	v43 =	vadd.f32 v40, v28  }
0x2c7: {  	v57 =	vmul.f32 $7.812500000e-03, v1;
	v46 =	vadd.f32 v53, v26;
	v0 =	vadd.f32 v60, v0  }
0x2c8: {  	v2 =	vmul.f32 v10, v2;
	v10 =	vadd.f32 v52, v25;
	v1 =	vadd.f32 v24, v43  }
0x2c9: {  	v26 =	vperm.xlane v46, v4;
	v60 =	vperm.xlane v0, v4  }
0x2ca: {  	v62 =	vperm.xlane v10, v4;
	v33 =	vperm.xlane v1, v4;
	v4 =	vld [tilespmem:$0x1FA20];
	_ =	sdelay $0x1  }
0x2cb: {  	[tilespmem:$0x1FC30] =	vst v3  }
0x2cc: {  	s31 =	sor.u32 $0x61, s15;
	v3 =	vld [tilespmem:$0x1FA00];
	[tilespmem:s0+$0x10800] =	vst v23  }
0x2cd: {  	v41 =	vld [tilespmem:s31+$0x10800]  }
0x2ce: {  	v25 =	vmul.f32 v11, v4;
	v4 =	vld [tilespmem:$0x1FA30];
	_ =	sdelay $0x1  }
0x2cf: {  	v51 =	vld [tilespmem:$0x1FF50]  }
0x2d0: {  	v34 =	vbroadcast v57, $0x0;
	v21 =	vmul.f32 v11, v3;
	v3 =	vld [tilespmem:$0x1FA10];
	_ =	sdelay $0x1  }
0x2d1: {  	v43 =	vsub.f32 v17, v34;
	v23 =	vadd.f32 v41, v23;
	v17 =	vmul.f32 v11, v4;
	v4 =	vld [tilespmem:$0x1FA40];
	_ =	sdelay $0x1  }
0x2d2: {  	v61 =	vmul.f32 v57, v57;
	v23 =	vmul.f32 $7.812500000e-03, v23  }
0x2d3: {  	v3 =	vadd.f32 v3, v51  }
0x2d4: {  	v23 =	vsub.f32 v23, v61  }
0x2d5: {  	v42 =	vsub.f32 v19, v34;
	[tilespmem:s18+$0x60] =	vst v3;
	v3 =	vadd.f32 v62, v10;
	v19 =	vmul.f32 v11, v4;
	v4 =	vld [tilespmem:$0x1FA50]  }
0x2d6: {  	v10 =	vadd.f32 v46, v26;
	v23 =	vadd.f32 $9.999999960e-13, v23  }
0x2d7: {  	v0 =	vadd.f32 v60, v0;
	v1 =	vadd.f32 v33, v1  }
0x2d8: {  	v62 =	vld [tilespmem:$0x1FF60];
	v26 =	vsel vm0, v3, v10;
	v3 =	vshrl.u32 v23, $0x1  }
0x2d9: {  	v0 =	vsel vm0, v1, v0;
	v1 =	vsub.s32 $0x5F3759DF, v3;
	v3 =	vld [tilespmem:$0x1FA70]  }
0x2da: {  	v24 =	vmul.f32 v11, v4;
	v4 =	vld [tilespmem:$0x1FA60];
	_ =	sdelay $0x1  }
0x2db: {  	[tilespmem:s28+$0x10800] =	vst v26  }
0x2dc: {  	v61 =	vld [tilespmem:s28+$0x10804]  }
0x2dd: {  	v28 =	vadd.f32 v3, v62;
	v3 =	vld [tilespmem:$0x1FA90]  }
0x2de: {  	v27 =	vmul.f32 v11, v4;
	v4 =	vld [tilespmem:$0x1FA80];
	_ =	sdelay $0x2  }
0x2df: {  	v22 =	vmul.f32 $5.000000000e-01, v23;
	v23 =	vadd.f32 v26, v61;
	v61 =	vld [tilespmem:$0x1FEF0]  }
0x2e0: {  	v6 =	vmul.f32 v3, v13;
	v3 =	vld [tilespmem:$0x1FAB0]  }
0x2e1: {  	v26 =	vmul.f32 v11, v4;
	v4 =	vld [tilespmem:$0x1FAA0];
	_ =	sdelay $0x3  }
0x2e2: {  	v50 =	vld [tilespmem:$0x1FEA0];
	v48 =	vsub.f32 v15, v34  }
0x2e3: {  	v49 =	vsub.f32 v16, v34;
	v29 =	vmul.f32 v11, v4;
	v4 =	vadd.f32 v3, v61;
	v3 =	vld [tilespmem:$0x1FAC0]  }
0x2e4: {  	v32 =	vld [tilespmem:$0x1FEE0];
	v9 =	vsub.f32 v14, v34;
	v40 =	vsub.f32 v12, v34  }
0x2e5: {  	v46 =	vsub.f32 v58, v34;
	v41 =	vsub.f32 v18, v34;
	v34 =	vld [tilespmem:$0x1FEC0];
	[tilespmem:s28+$0x10820] =	vst v0;
	v5 =	vmul.f32 v1, v22  }
0x2e6: {  	v12 =	vld [tilespmem:s28+$0x10824]  }
0x2e7: {  	v18 =	vmul.f32 v1, v5;
	v5 =	vld [tilespmem:$0x1FE90]  }
0x2e8: {  	v11 =	vmul.f32 v3, v30;
	v3 =	vld [tilespmem:$0x1FAD0]  }
0x2e9: {  	v33 =	vld [tilespmem:$0x1FF30]  }
0x2ea: {  	v16 =	vmul.f32 v45, v34;
	v45 =	vmul.f32 v2, v32;
	v2 =	vld [tilespmem:$0x1FB10]  }
0x2eb: {  	v60 =	vld [tilespmem:$0x1FF20]  }
0x2ec: {  	v58 =	vld [tilespmem:$0x1FF00]  }
0x2ed: {  	v31 =	vmov v13;
	v0 =	vadd.f32 v12, v0;
	v13 =	vmul.f32 v3, v5;
	v3 =	vld [tilespmem:$0x1FAE0]  }
0x2ee: {  	v10 =	vld [tilespmem:$0x1FEB0];
	[tilespmem:s28+$0x10800] =	vst v23;
	v18 =	vsub.f32 $1.500000000e+00, v18  }
0x2ef: {  	v2 =	vadd.f32 v2, v33;
	[tilespmem:s28+$0x10820] =	vst v0;
	v12 =	vld [tilespmem:s28+$0x10802]  }
0x2f0: {  	v15 =	vmul.f32 v44, v50;
	v44 =	vld [tilespmem:s28+$0x10822];
	v1 =	vmul.f32 v1, v18  }
0x2f1: {  	[tilespmem:s18+$0xC0] =	vst v2;
	v2 =	vld [tilespmem:$0x1FB30]  }
0x2f2: {  	v62 =	vld [tilespmem:$0x1FF10];
	v18 =	vmul.f32 v1, v22;
	[tilespmem:s18+$0x80] =	vst v4;
	v4 =	vadd.f32 v3, v58  }
0x2f3: {  	v3 =	vld [tilespmem:$0x1FAF0]  }
0x2f4: {  	v18 =	vmul.f32 v18, v1;
	[tilespmem:s18+$0x90] =	vst v4;
	v4 =	vld [tilespmem:$0x1FB00]  }
0x2f5: {  	v21 =	vmul.f32 v21, v31;
	v12 =	vadd.f32 v12, v23  }
0x2f6: {  	v47 =	vmovc v31;
	v31 =	vmul.f32 v19, v50;
	[tilespmem:s18+$0x70] =	vst v28;
	v19 =	vadd.f32 v2, v51;
	v18 =	vsub.f32 $1.500000000e+00, v18  }
0x2f7: {  	v0 =	vadd.f32 v44, v0;
	[tilespmem:s28+$0x10800] =	vst v12  }
0x2f8: {  	v14 =	vmul.f32 v63, v10;
	[tilespmem:s18+$0xE0] =	vst v19;
	v44 =	vld [tilespmem:s28+$0x10801];
	v18 =	vmul.f32 v18, v1;
	v28 =	vadd.f32 v3, v62  }
0x2f9: {  	v25 =	vmul.f32 v25, v30;
	[tilespmem:s28+$0x10820] =	vst v0;
	v3 =	vld [tilespmem:$0x1FED0];
	v4 =	vadd.f32 v4, v60  }
0x2fa: {  	v14 =	vadd.f32 v14, v33;
	v24 =	vmul.f32 v24, v10;
	v19 =	vmul.f32 v18, v22;
	[tilespmem:s18+$0xA0] =	vst v28;
	v28 =	vld [tilespmem:$0x1FF40]  }
0x2fb: {  	v10 =	vmovc v49;
	v49 =	vmov v48;
	v48 =	vmov v46;
	v6 =	vadd.f32 v6, v61;
	[tilespmem:s18+$0xB0] =	vst v4;
	v4 =	vld [tilespmem:$0x1FB20]  }
0x2fc: {  	v46 =	vld [tilespmem:s28+$0x10821];
	[tilespmem:s18+$0xFFFFFF40] =	vst v14;
	v14 =	vadd.f32 v31, v60;
	v19 =	vmul.f32 v19, v18;
	v11 =	vadd.f32 v11, v58  }
0x2fd: {  	v17 =	vmul.f32 v17, v5;
	[tilespmem:s18+$0xFFFFFF00] =	vst v6;
	v6 =	vadd.f32 v21, v61;
	v12 =	vadd.f32 v44, v12  }
0x2fe: {  	s4 =	sadd.s32 $0x2, s4;
	v50 =	vmovc v41;
	v1 =	vmul.f32 v29, v32;
	[tilespmem:s18+$0xFFFFFF10] =	vst v11;
	v11 =	vsub.f32 $1.500000000e+00, v19;
	v13 =	vadd.f32 v13, v62  }
0x2ff: {  	p0 =	slt.u32 s4, $0x26;
	v63 =	vld [tilespmem:$0x1FF60];
	v41 =	vmovc v8;
	v19 =	vadd.f32 v25, v58;
	v20 =	vmul.f32 v20, v3;
	v16 =	vadd.f32 v16, v28  }
.Ltmp3:
0x300: {  	v5 =	vmovc v42;
	v42 =	vmov v43;
	v11 =	vmul.f32 v11, v18;
	[tilespmem:s18+$0xFFFFFF20] =	vst v13;
	v4 =	vadd.f32 v4, v28;
	(pc) =	sbr.rel @p0 .LBB2_5-.Ltmp3, $4  }
0x301: {  	v43 =	vmovc v7;
	v18 =	vmul.f32 $7.812500000e-03, v12;
	v13 =	vadd.f32 v17, v62;
	v20 =	vadd.f32 v20, v51;
	[tilespmem:s18+$0xFFFFFF50] =	vst v16  }
0x302: {  	[tilespmem:s18+$0xD0] =	vst v4;
	v4 =	vmul.f32 v27, v34;
	v34 =	vmovc v39;
	v39 =	vmov v55;
	v55 =	vadd.f32 v15, v60  }
0x303: {  	v17 =	vadd.f32 v46, v0;
	v2 =	vmul.f32 v26, v3;
	[tilespmem:s18+$0xFFFFFF60] =	vst v20;
	v16 =	vadd.f32 v24, v33  }
0x304: {  	s1 =	smov.u32 s18;
	s6 =	sadd.s32 $0x200, s6;
	v58 =	vbroadcast v57, $0x8;
	v33 =	vmovc v35;
	v35 =	vmovc v36;
	v36 =	vmov v59;
	v15 =	vadd.f32 v45, v63;
	[tilespmem:s18+$0xFFFFFF30] =	vst v55  }
0x305: {  	v0 =	vmul.f32 $7.812500000e-03, v17;
	v17 =	vld [tilespmem:$0x1FBB0]  }
0x306: {  	v8 =	vld [tilespmem:$0x1FBC0];
	_ =	sdelay $0x1  }
0x307: {  	v12 =	vmul.f32 v18, v18;
	v21 =	vld [tilespmem:$0x1FB40]  }
0x308: {  	v20 =	vbroadcast v18, $0x0;
	v18 =	vbroadcast v18, $0x8;
	v22 =	vld [tilespmem:$0x1FB50]  }
0x309: {  	v51 =	vld [tilespmem:$0x1FEE0];
	v0 =	vsub.f32 v0, v12  }
0x30a: {  	v12 =	vbroadcast v11, $0x8;
	v17 =	vsub.f32 v17, v58;
	v45 =	vsub.f32 v8, v18;
	v8 =	vld [tilespmem:$0x1FBF0];
	[tilespmem:s18+$0xFFFFFF70] =	vst v15  }
0x30b: {  	v3 =	vld [tilespmem:$0x1FC30];
	[tilespmem:s18+$0xFFFFFF80] =	vst v6  }
0x30c: {  	[tilespmem:s18+$0xFFFFFF90] =	vst v19;
	v17 =	vmul.f32 v12, v17  }
0x30d: {  	v19 =	vld [tilespmem:$0x1FB60]  }
0x30e: {  	v0 =	vadd.f32 $9.999999960e-13, v0;
	v6 =	vsub.f32 v53, v18;
	v53 =	vld [tilespmem:$0x1FB70];
	[tilespmem:s18+$0xFFFFFFA0] =	vst v13;
	v17 =	vmul.f32 v17, v51  }
0x30f: {  	v30 =	vsub.f32 v54, v20;
	v13 =	vld [tilespmem:$0x1FB80]  }
0x310: {  	v24 =	vshrl.u32 v0, $0x1;
	v0 =	vmul.f32 $5.000000000e-01, v0;
	v54 =	vld [tilespmem:$0x1FB90];
	[tilespmem:s18+$0xFFFFFFB0] =	vst v14;
	v17 =	vadd.f32 v17, v63  }
0x311: {  	s3 =	sadd.s32 $0x200, s18;
	v24 =	vsub.s32 $0x5F3759DF, v24;
	v14 =	vld [tilespmem:$0x1FBA0];
	[tilespmem:s18+$0xFFFFFFC0] =	vst v16  }
0x312: {  	v23 =	vsub.f32 v36, v20;
	v25 =	vsub.f32 v35, v20;
	v28 =	vmul.f32 v24, v0;
	v55 =	vld [tilespmem:$0x1FF40];
	[tilespmem:s3+$0xF0] =	vst v17  }
0x313: {  	v26 =	vsub.f32 v39, v20;
	v31 =	vsub.f32 v56, v20;
	v56 =	vld [tilespmem:$0x1FF50]  }
0x314: {  	v27 =	vsub.f32 v41, v20;
	v11 =	vbroadcast v11, $0x0;
	v28 =	vmul.f32 v24, v28  }
0x315: {  	v29 =	vsub.f32 v43, v20;
	v32 =	vsub.f32 v33, v18  }
0x316: {  	v36 =	vsub.f32 v34, v18;
	v61 =	vmul.f32 v11, v48;
	v28 =	vsub.f32 $1.500000000e+00, v28  }
0x317: {  	v62 =	vmul.f32 v11, v49;
	v48 =	vsub.f32 v37, v18;
	v4 =	vadd.f32 v4, v55  }
0x318: {  	v44 =	vmul.f32 v11, v10;
	v24 =	vmul.f32 v24, v28;
	v2 =	vadd.f32 v2, v56  }
0x319: {  	v10 =	vsub.f32 v38, v18;
	v9 =	vmul.f32 v11, v9;
	v22 =	vsub.f32 v22, v58;
	[tilespmem:s1+$0xFFFFFFD0] =	vst v4  }
0x31a: {  	v49 =	vsub.f32 v8, v18;
	v15 =	vsub.f32 v3, v18;
	v18 =	vmul.f32 v24, v0;
	v57 =	vld [tilespmem:$0x1FE80];
	[tilespmem:s1+$0xFFFFFFE0] =	vst v2  }
0x31b: {  	v20 =	vsub.f32 v52, v20;
	v52 =	vmul.f32 v11, v42;
	v17 =	vmul.f32 v12, v22;
	v22 =	vld [tilespmem:$0x1FEF0]  }
0x31c: {  	v5 =	vmul.f32 v11, v5;
	v21 =	vsub.f32 v21, v58;
	v18 =	vmul.f32 v18, v24  }
0x31d: {  	v1 =	vadd.f32 v1, v63;
	v8 =	vmul.f32 v11, v40;
	v3 =	vmul.f32 v11, v50  }
0x31e: {  	v11 =	vmul.f32 v12, v21;
	v16 =	vsub.f32 $1.500000000e+00, v18;
	v18 =	vmul.f32 v61, v47;
	v21 =	vld [tilespmem:$0x1FE90]  }
0x31f: {  	[tilespmem:s1+$0xFFFFFFF0] =	vst v1  }
0x320: {  	v59 =	vld [tilespmem:$0x1FEA0];
	v18 =	vadd.f32 v18, v22  }
0x321: {  	v19 =	vsub.f32 v19, v58;
	v60 =	vld [tilespmem:$0x1FF00]  }
0x322: {  	v13 =	vsub.f32 v13, v58;
	v40 =	vsub.f32 v54, v58;
	v61 =	vld [tilespmem:$0x1FEB0];
	[tilespmem:s3+$0x0] =	vst v18  }
0x323: {  	v28 =	vsub.f32 v53, v58;
	v14 =	vsub.f32 v14, v58;
	v2 =	vmul.f32 v44, v21;
	v58 =	vmovc v21;
	v21 =	vld [tilespmem:$0x1FF10]  }
0x324: {  	v4 =	vmul.f32 v62, v57;
	_ =	sdelay $0x1  }
0x325: {  	v4 =	vadd.f32 v4, v60;
	_ =	sdelay $0x1  }
0x326: {  	v62 =	vld [tilespmem:$0x1FEC0];
	[tilespmem:s3+$0x10] =	vst v4;
	v2 =	vadd.f32 v2, v21  }
0x327: {  	v18 =	vld [tilespmem:$0x1FF20]  }
0x328: {  	v16 =	vmul.f32 v16, v24;
	v46 =	vld [tilespmem:$0x1FED0];
	[tilespmem:s3+$0x20] =	vst v2  }
0x329: {  	v4 =	vmul.f32 v12, v13;
	v13 =	vld [tilespmem:$0x1FF30]  }
0x32a: {  	v0 =	vmul.f32 v16, v0  }
0x32b: {  	v1 =	vmul.f32 v9, v59  }
0x32c: {  	v0 =	vmul.f32 v0, v16;
	v8 =	vmul.f32 v8, v61  }
0x32d: {  	v5 =	vmul.f32 v5, v51;
	v7 =	vmul.f32 v52, v62;
	v1 =	vadd.f32 v1, v18  }
0x32e: {  	v0 =	vsub.f32 $1.500000000e+00, v0;
	v3 =	vmul.f32 v3, v46;
	v2 =	vadd.f32 v8, v13  }
0x32f: {  	v19 =	vmul.f32 v12, v19;
	v9 =	vmul.f32 v12, v28;
	[tilespmem:s3+$0x30] =	vst v1;
	v1 =	vadd.f32 v7, v55  }
0x330: {  	v0 =	vmul.f32 v0, v16;
	v8 =	vmul.f32 v11, v47;
	[tilespmem:s3+$0x40] =	vst v2;
	v2 =	vadd.f32 v3, v56  }
0x331: {  	v7 =	vmul.f32 v12, v40;
	[tilespmem:s3+$0x50] =	vst v1;
	v1 =	vadd.f32 v5, v63;
	v3 =	vmul.f32 v17, v57  }
0x332: {  	v5 =	vmul.f32 v12, v14;
	v11 =	vmul.f32 v19, v58;
	[tilespmem:s3+$0x60] =	vst v2;
	v2 =	vadd.f32 v8, v22  }
0x333: {  	[tilespmem:s3+$0x70] =	vst v1;
	v8 =	vmul.f32 v9, v59;
	v9 =	vbroadcast v0, $0x0;
	v1 =	vadd.f32 v3, v60  }
0x334: {  	v5 =	vmul.f32 v5, v46;
	v3 =	vmul.f32 v4, v61;
	[tilespmem:s3+$0x80] =	vst v2;
	v2 =	vadd.f32 v11, v21  }
0x335: {  	v4 =	vmul.f32 v7, v62;
	v7 =	vmul.f32 v9, v23;
	[tilespmem:s3+$0x90] =	vst v1;
	v1 =	vadd.f32 v8, v18  }
0x336: {  	v0 =	vbroadcast v0, $0x8;
	v8 =	vmul.f32 v9, v25;
	[tilespmem:s3+$0xA0] =	vst v2;
	v2 =	vadd.f32 v3, v13  }
0x337: {  	v3 =	vmul.f32 v9, v26;
	v7 =	vmul.f32 v7, v47;
	[tilespmem:s3+$0xB0] =	vst v1;
	v1 =	vadd.f32 v4, v55  }
0x338: {  	v4 =	vmul.f32 v9, v27;
	v8 =	vmul.f32 v8, v57;
	[tilespmem:s3+$0xC0] =	vst v2;
	v2 =	vadd.f32 v5, v56  }
0x339: {  	v5 =	vmul.f32 v9, v29;
	v3 =	vmul.f32 v3, v58;
	[tilespmem:s3+$0xD0] =	vst v1;
	v1 =	vadd.f32 v7, v22  }
0x33a: {  	v7 =	vmul.f32 v9, v30;
	v4 =	vmul.f32 v4, v59;
	[tilespmem:s3+$0xE0] =	vst v2;
	v2 =	vadd.f32 v8, v60  }
0x33b: {  	v8 =	vmul.f32 v9, v31;
	v5 =	vmul.f32 v5, v61;
	v3 =	vadd.f32 v3, v21;
	[tilespmem:s3+$0xFFFFFF00] =	vst v1  }
0x33c: {  	v1 =	vmul.f32 v9, v20;
	v7 =	vmul.f32 v7, v62;
	v4 =	vadd.f32 v4, v18;
	[tilespmem:s3+$0xFFFFFF10] =	vst v2  }
0x33d: {  	v2 =	vmul.f32 v0, v32;
	v8 =	vmul.f32 v8, v46;
	v5 =	vadd.f32 v5, v13;
	[tilespmem:s3+$0xFFFFFF20] =	vst v3  }
0x33e: {  	v3 =	vmul.f32 v0, v45;
	v1 =	vmul.f32 v1, v51;
	v7 =	vadd.f32 v7, v55;
	[tilespmem:s3+$0xFFFFFF30] =	vst v4  }
0x33f: {  	v4 =	vmul.f32 v0, v36;
	v2 =	vmul.f32 v2, v47;
	v8 =	vadd.f32 v8, v56;
	[tilespmem:s3+$0xFFFFFF40] =	vst v5  }
0x340: {  	v5 =	vmul.f32 v0, v48;
	v3 =	vmul.f32 v3, v57;
	v1 =	vadd.f32 v1, v63;
	[tilespmem:s3+$0xFFFFFF50] =	vst v7  }
0x341: {  	v7 =	vmul.f32 v0, v49;
	v4 =	vmul.f32 v4, v58;
	v2 =	vadd.f32 v2, v22;
	[tilespmem:s3+$0xFFFFFF60] =	vst v8  }
0x342: {  	v8 =	vmul.f32 v0, v15;
	v5 =	vmul.f32 v5, v59;
	v3 =	vadd.f32 v3, v60;
	[tilespmem:s3+$0xFFFFFF70] =	vst v1  }
0x343: {  	v1 =	vmul.f32 v0, v10;
	v7 =	vmul.f32 v7, v61;
	v4 =	vadd.f32 v4, v21;
	[tilespmem:s3+$0xFFFFFF80] =	vst v2  }
0x344: {  	v0 =	vmul.f32 v0, v6;
	v2 =	vmul.f32 v8, v62;
	v5 =	vadd.f32 v5, v18;
	[tilespmem:s3+$0xFFFFFF90] =	vst v3  }
0x345: {  	v1 =	vmul.f32 v1, v46;
	v3 =	vadd.f32 v7, v13;
	[tilespmem:s3+$0xFFFFFFA0] =	vst v4  }
0x346: {  	v0 =	vmul.f32 v0, v51;
	[tilespmem:s3+$0xFFFFFFB0] =	vst v5;
	v2 =	vadd.f32 v2, v55  }
0x347: {  	[tilespmem:s3+$0xFFFFFFC0] =	vst v3;
	v1 =	vadd.f32 v1, v56  }
0x348: {  	v0 =	vadd.f32 v0, v63;
	[tilespmem:s3+$0xFFFFFFD0] =	vst v2  }
0x349: {  	s14 =	sshll.u32 s12, $0x4;
	[tilespmem:s3+$0xFFFFFFE0] =	vst v1  }
0x34a: {  	s0 =	simm.s32 $0xB400;
	s1 =	sadd.s32 s9, s14;
	[tilespmem:s3+$0xFFFFFFF0] =	vst v0  }
0x34b: {  	[hbm4b:s1+s8] =	stream.linear.scatter [tilespmem:s0], [sflag:$0x3], $0x2800, $0x38;
	[tilespmem:$0x11200] =	vst v63  }
0x34c: {  	p0 =	seq.s32 s25, $0x9F;
	s0 =	rddreg [dreg:$0x17]  }
0x34d: {  	s1 =	sadd.s32 @!p0 s23, s0  }
0x34e: {  	s1 =	sshrl.u32 @!p0 s1, $0x3  }
0x34f: {  	s4 =	simm.s32 @!p0 $0x10400;
	s3 =	simm.s32 @!p0 $0x0;
	s2 =	sadd.s32 @!p0 s10, s1  }
0x350: {  	[tilespmem:s4], [sflag:$0x5] =	stream.linear.gather @!p0 [hbm4b:s2+s3], $0x50, $0x38;
	[tilespmem:$0x11200] =	vst v63  }
0x351: {  	s2 =	simm.s32 @!p0 $0x5  }
0x352: {  	_ =	swait.ge @!p0 [sflag:s2], $0x50  }
0x353: {  	[sflag:s2] =	ssyncset.done @!p0 $0x0  }
0x354: {  	s6 =	simm.s32 @!p0 $0x10500;
	s1 =	sadd.s32 @!p0 s11, s1;
	[sflag:s2] =	ssyncadd.s32 @!p0 $0xFFFFFFB0  }
0x355: {  	[tilespmem:s6], [sflag:$0x5] =	stream.linear.gather @!p0 [hbm4b:s1+s3], $0x50, $0x38;
	[tilespmem:$0x11200] =	vst v63  }
0x356: {  	_ =	swait.ge @!p0 [sflag:s2], $0x50  }
0x357: {  	[sflag:s2] =	ssyncset.done @!p0 $0x0  }
0x358: {  	s1 =	simm.s32 @!p0 $0x50;
	[sflag:s2] =	ssyncadd.s32 @!p0 $0xFFFFFFB0;
	s2 =	simm.s32 @!p0 $0x6400  }
0x359: {  	[tilespmem:s2], [sflag:$0x1] =	stream.indirect.gather @!p0 [hbm4b:s16+s1], $0x80, s4, s1, $0xb8;
	[tilespmem:$0x11200] =	vst v63  }
0x35a: {  	_ =	swait.ge [sflag:s5], $0x2800  }
0x35b: {  	[sflag:s5] =	ssyncset.done $0x0  }
0x35c: {  	s1 =	simm.s32 @!p1 $0x4;
	[sflag:s5] =	ssyncadd.s32 $0xFFFFD800  }
0x35d: {  	_ =	swait.ge @!p1 [sflag:s1], $0x2800  }
0x35e: {  	v58 =	vld [tilespmem:$0x1FFB0]  }
0x35f: {  	v61 =	vld [tilespmem:$0x1FFE0]  }
0x360: {  	[sflag:s1] =	ssyncset.done @!p1 $0x0;
	v59 =	vld [tilespmem:$0x1FFC0]  }
0x361: {  	v60 =	vld [tilespmem:$0x1FFD0];
	[sflag:s1] =	ssyncadd.s32 @!p1 $0xFFFFD800;
	s1 =	simm.s32 $0x8D00  }
0x362: {  	v0 =	vld [tilespmem:s1+$0x70]  }
0x363: {  	v1 =	vld [tilespmem:s1+$0xF0]  }
0x364: {  	v2 =	vld [tilespmem:s1+$0x60]  }
0x365: {  	v3 =	vld [tilespmem:s1+$0xE0]  }
0x366: {  	v4 =	vld [tilespmem:s1+$0x50]  }
0x367: {  	v5 =	vld [tilespmem:s1+$0xD0]  }
0x368: {  	v6 =	vld [tilespmem:s1+$0x40]  }
0x369: {  	v7 =	vld [tilespmem:s1+$0xC0]  }
0x36a: {  	v8 =	vld [tilespmem:s1+$0x30]  }
0x36b: {  	v9 =	vld [tilespmem:s1+$0xB0]  }
0x36c: {  	v10 =	vld [tilespmem:s1+$0x20]  }
0x36d: {  	v11 =	vld [tilespmem:s1+$0xA0]  }
0x36e: {  	s0 =	smov.u32 s16;
	s16 =	simm.s32 $0x10582;
	v12 =	vld [tilespmem:s1+$0x0]  }
0x36f: {  	s15 =	rddreg [dreg:$0xc];
	v13 =	vld [tilespmem:s16+$0x0]  }
0x370: {  	s17 =	rddreg [dreg:$0xd];
	s7 =	sadd.s32 s22, s15;
	v14 =	vld [tilespmem:s1+$0x10]  }
0x371: {  	s6 =	rddreg [dreg:$0x11];
	p1 =	sgt.u32 s7, $0xC7;
	v15 =	vld [tilespmem:s16+$0x1]  }
0x372: {  	s18 =	sadd.s32 $0x0, s17;
	v16 =	vld [tilespmem:s1+$0x80];
	s6 =	simm.s32 @!p1 $0x2980  }
0x373: {  	v17 =	vld [tilespmem:s1+$0x90];
	s4 =	sadd.s32 s6, s18  }
0x374: {  	v18 =	vld [tilespmem:s4+$0x70]  }
0x375: {  	v19 =	vld [tilespmem:s4+$0x50]  }
0x376: {  	v20 =	vld [tilespmem:s4+$0x30]  }
0x377: {  	s13 =	sadd.s32 $0xFFFFFFFF, s7;
	v21 =	vld [tilespmem:s4+$0x20];
	(v2sf) =	vpush v13, $0x0  }
0x378: {  	p1 =	sgt.u32 s13, $0xC7;
	s6 =	rddreg [dreg:$0x10];
	v22 =	vld [tilespmem:s4+$0x0]  }
0x379: {  	s6 =	simm.s32 @!p1 $0x2900;
	v23 =	vld [tilespmem:s4+$0x10];
	(v2sf) =	vpush v15, $0x0  }
0x37a: {  	s6 =	sadd.s32 s6, s18;
	v13 =	vld [tilespmem:s4+$0x60]  }
0x37b: {  	v47 =	vld [tilespmem:s6+$0x70]  }
0x37c: {  	v48 =	vld [tilespmem:s6+$0x60]  }
0x37d: {  	v15 =	vld [tilespmem:s4+$0x40]  }
0x37e: {  	v49 =	vld [tilespmem:s6+$0x50]  }
0x37f: {  	v50 =	vld [tilespmem:s6+$0x40]  }
0x380: {  	v51 =	vld [tilespmem:s6+$0x30]  }
0x381: {  	v18 =	vadd.f32 v18, v1;
	v1 =	vld [tilespmem:s6+$0x0];
	v9 =	vadd.f32 v20, v9  }
0x382: {  	v13 =	vadd.f32 v13, v3;
	v3 =	vld [tilespmem:s6+$0x10];
	v7 =	vadd.f32 v15, v7  }
0x383: {  	v15 =	vadd.f32 v19, v5;
	v5 =	vadd.f32 v21, v11;
	v11 =	vld [tilespmem:s6+$0x20]  }
0x384: {  	v16 =	vadd.f32 v22, v16;
	v17 =	vadd.f32 v23, v17;
	v21 =	vld [tilespmem:s16+$0xFFFFFFFE]  }
0x385: {  	v22 =	vld [tilespmem:s16+$0xFFFFFFFF];
	v0 =	vadd.f32 v47, v0;
	v6 =	vadd.f32 v50, v6  }
0x386: {  	v57 =	vld [tilespmem:$0x1FFA0];
	v20 =	vadd.f32 v49, v4;
	v8 =	vadd.f32 v51, v8;
	s28 =	spop (v2sf)  }
0x387: {  	v43 =	vld [tilespmem:$0x1FF70];
	v19 =	vadd.f32 v48, v2;
	v1 =	vadd.f32 v1, v12;
	s4 =	scvt.s32.f32 s28  }
0x388: {  	v44 =	vld [tilespmem:$0x1FF80];
	v3 =	vadd.f32 v3, v14;
	v10 =	vadd.f32 v11, v10;
	s29 =	spop (v2sf)  }
0x389: {  	s26 =	smov.u32 s9;
	s31 =	sadd.s32 $0xFFFFFFFD, s7;
	v52 =	vld [tilespmem:s1+$0xFFFFFF00];
	(v2sf) =	vpush v21, $0x0;
	s14 =	scvt.s32.f32 s29;
	v4 =	vmul.f32 s4, v58;
	v2 =	vmul.f32 s4, v61  }
0x38a: {  	s9 =	sadd.s32 $0xFFFFFFFE, s7;
	v53 =	vld [tilespmem:s1+$0xFFFFFF10];
	s13 =	rddreg [dreg:$0xe];
	p1 =	sgt.u32 s31, $0xC7;
	(v2sf) =	vpush v22, $0x0;
	v12 =	vmul.f32 s4, v59;
	v23 =	vmul.f32 s4, v60  }
0x38b: {  	s15 =	rddreg [dreg:$0xf];
	v26 =	vld [tilespmem:s1+$0xFFFFFF20];
	s13 =	simm.s32 @!p1 $0x2800;
	p1 =	sgt.u32 s9, $0xC7;
	v11 =	vmul.f32 s14, v61;
	v14 =	vmul.f32 s14, v59;
	v2 =	vadd.f32 v2, v1  }
0x38c: {  	v45 =	vld [tilespmem:s1+$0xFFFFFF40];
	s13 =	sadd.s32 s13, s18;
	s15 =	simm.s32 @!p1 $0x2880;
	v1 =	vadd.f32 v12, v3;
	v12 =	vmul.f32 s14, v58;
	v3 =	vadd.f32 v10, v4  }
0x38d: {  	s15 =	sadd.s32 s15, s18;
	v30 =	vld [tilespmem:s13+$0x40];
	v4 =	vadd.f32 v8, v23;
	v8 =	vmul.f32 s14, v57;
	v34 =	vadd.f32 v11, v16  }
0x38e: {  	v41 =	vld [tilespmem:s15+$0x40];
	v10 =	vmul.f32 s4, v57;
	v38 =	vadd.f32 v14, v17;
	v33 =	vadd.f32 v5, v12  }
0x38f: {  	v49 =	vld [tilespmem:$0x1FF90];
	v5 =	vmul.f32 s14, v60;
	v14 =	vadd.f32 v1, v2;
	v35 =	vadd.f32 v7, v8  }
0x390: {  	v50 =	vld [tilespmem:$0x1FFF0];
	v8 =	vmul.f32 s4, v44;
	v54 =	vmul.f32 v2, v2;
	v16 =	vadd.f32 v38, v34  }
0x391: {  	v47 =	vld [tilespmem:s1+$0xFFFFFFC0];
	v55 =	vmul.f32 v1, v1;
	v39 =	vadd.f32 v9, v5;
	v14 =	vadd.f32 v3, v14  }
0x392: {  	v51 =	vld [tilespmem:s13+$0x50];
	v9 =	vmul.f32 s4, v43;
	v5 =	vadd.f32 v6, v10;
	v16 =	vadd.f32 v33, v16  }
0x393: {  	v21 =	vld [tilespmem:s1+$0xFFFFFF30];
	v6 =	vmul.f32 s14, v43;
	v8 =	vadd.f32 v19, v8;
	v27 =	vadd.f32 v55, v54  }
0x394: {  	v22 =	vld [tilespmem:s1+$0xFFFFFFB0];
	v10 =	vadd.f32 v4, v14;
	v14 =	vadd.f32 v39, v16  }
0x395: {  	v23 =	vld [tilespmem:s15+$0x10];
	v7 =	vadd.f32 v20, v9;
	v36 =	vadd.f32 v15, v6;
	v6 =	vmul.f32 s14, v44  }
0x396: {  	v11 =	vld [tilespmem:s13+$0x0];
	v10 =	vadd.f32 v5, v10;
	v14 =	vadd.f32 v35, v14  }
0x397: {  	v17 =	vld [tilespmem:s15+$0x0];
	v9 =	vmul.f32 s4, v49;
	v37 =	vadd.f32 v13, v6;
	v6 =	vmul.f32 s14, v49  }
0x398: {  	v63 =	vmul.f32 v34, v34;
	v16 =	vld [tilespmem:s1+$0xFFFFFF80];
	v19 =	vadd.f32 v7, v10;
	v14 =	vadd.f32 v36, v14  }
0x399: {  	v12 =	vld [tilespmem:s13+$0x10];
	v40 =	vmul.f32 v38, v38;
	v10 =	vadd.f32 v0, v9;
	v9 =	vadd.f32 v18, v6  }
0x39a: {  	v15 =	vld [tilespmem:s1+$0xFFFFFF90];
	v6 =	vadd.f32 v8, v19;
	v14 =	vadd.f32 v37, v14  }
0x39b: {  	v42 =	vmul.f32 v3, v3;
	v25 =	vadd.f32 v40, v63;
	v11 =	vadd.f32 v11, v52;
	v13 =	vld [tilespmem:s15+$0x20]  }
0x39c: {  	v48 =	vmul.f32 v4, v4;
	v0 =	vld [tilespmem:s1+$0xFFFFFFA0];
	v6 =	vadd.f32 v10, v6;
	v14 =	vadd.f32 v9, v14  }
0x39d: {  	v46 =	vmul.f32 v33, v33;
	v19 =	vld [tilespmem:s15+$0x30];
	v16 =	vadd.f32 v17, v16;
	v17 =	vadd.f32 v42, v27  }
0x39e: {  	v20 =	vld [tilespmem:s13+$0x20];
	v12 =	vadd.f32 v12, v53;
	v56 =	vperm.xlane v6, v50;
	v62 =	vperm.xlane v14, v50  }
0x39f: {  	v53 =	vld [tilespmem:s15+$0x50];
	v15 =	vadd.f32 v23, v15;
	v23 =	vmul.f32 v5, v5;
	v17 =	vadd.f32 v48, v17  }
0x3a0: {  	v52 =	vmul.f32 v39, v39;
	v18 =	vld [tilespmem:s13+$0x30];
	v6 =	vadd.f32 v56, v6;
	v14 =	vadd.f32 v14, v62  }
0x3a1: {  	v0 =	vadd.f32 v13, v0;
	v13 =	vadd.f32 v23, v17;
	v17 =	vmul.f32 v7, v7;
	v23 =	vld [tilespmem:s1+$0xFFFFFFD0]  }
0x3a2: {  	v19 =	vadd.f32 v19, v22;
	v22 =	vld [tilespmem:s1+$0xFFFFFF60];
	v6 =	vsel vm0, v6, v14;
	v14 =	vadd.f32 v46, v25  }
0x3a3: {  	v24 =	vadd.f32 v30, v45;
	v56 =	vld [tilespmem:s1+$0xFFFFFF50];
	v13 =	vadd.f32 v17, v13;
	v17 =	vmul.f32 v8, v8  }
0x3a4: {  	v55 =	vmul.f32 v35, v35;
	v63 =	vadd.f32 v41, v47;
	s28 =	spop (v2sf);
	v62 =	vld [tilespmem:s13+$0x60];
	v14 =	vadd.f32 v52, v14  }
0x3a5: {  	v20 =	vadd.f32 v20, v26;
	s2 =	scvt.s32.f32 s28;
	v13 =	vadd.f32 v17, v13;
	v17 =	vmul.f32 v10, v10  }
0x3a6: {  	s29 =	spop (v2sf);
	v18 =	vadd.f32 v18, v21;
	v21 =	vmul.f32 v36, v36;
	v14 =	vadd.f32 v55, v14  }
0x3a7: {  	s31 =	scvt.s32.f32 s29;
	v45 =	vmul.f32 s2, v59;
	v13 =	vadd.f32 v17, v13;
	v17 =	vadd.f32 v53, v23  }
0x3a8: {  	s17 =	simm.s32 $0x0;
	s16 =	simm.s32 $0x40;
	v23 =	vmul.f32 s2, v61;
	v14 =	vadd.f32 v21, v14;
	v21 =	vmul.f32 v37, v37  }
0x3a9: {  	s18 =	sor.u32 $0x44, s16;
	[tilespmem:s17+$0x10840] =	vst v6;
	v27 =	vadd.f32 v51, v56;
	v25 =	vadd.f32 v62, v22;
	v22 =	vmul.f32 s31, v59  }
0x3aa: {  	v54 =	vld [tilespmem:s18+$0x10800];
	v52 =	vmul.f32 s31, v57;
	v14 =	vadd.f32 v21, v14;
	v21 =	vmul.f32 v9, v9  }
0x3ab: {  	v56 =	vmul.f32 s2, v43;
	v11 =	vadd.f32 v23, v11;
	v46 =	vadd.f32 v22, v15  }
0x3ac: {  	v29 =	vadd.f32 v21, v14;
	v14 =	vperm.xlane v13, v50;
	v21 =	vmul.f32 s31, v61  }
0x3ad: {  	v12 =	vadd.f32 v45, v12;
	v23 =	vmul.f32 s2, v58;
	v15 =	vmul.f32 v11, v11  }
0x3ae: {  	v31 =	vmul.f32 v46, v46;
	v28 =	vadd.f32 v14, v13;
	v13 =	vadd.f32 v21, v16  }
0x3af: {  	v6 =	vadd.f32 v6, v54;
	v14 =	vmul.f32 s31, v58;
	v21 =	vmul.f32 v12, v12  }
0x3b0: {  	v16 =	vadd.f32 v12, v11;
	v22 =	vadd.f32 v46, v13;
	v47 =	vmul.f32 v13, v13  }
0x3b1: {  	v48 =	vadd.f32 v0, v14;
	v15 =	vadd.f32 v21, v15;
	v21 =	vmul.f32 s31, v60  }
0x3b2: {  	[tilespmem:$0x1F800] =	vst v13;
	v13 =	vadd.f32 v20, v23;
	v20 =	vmul.f32 s2, v60;
	v23 =	vadd.f32 v31, v47  }
0x3b3: {  	v62 =	vmul.f32 s31, v43;
	[tilespmem:$0x1F810] =	vst v46;
	v22 =	vadd.f32 v48, v22;
	v0 =	vadd.f32 v19, v21  }
0x3b4: {  	[tilespmem:$0x1F820] =	vst v48;
	v16 =	vadd.f32 v13, v16;
	v14 =	vadd.f32 v18, v20;
	v18 =	vmul.f32 v48, v48  }
0x3b5: {  	v51 =	vmul.f32 v13, v13;
	v19 =	vmul.f32 s2, v57;
	v53 =	vld [tilespmem:s15+$0x60];
	[tilespmem:$0x1F830] =	vst v0;
	v22 =	vadd.f32 v0, v22  }
0x3b6: {  	v18 =	vadd.f32 v18, v23;
	v23 =	vmul.f32 v0, v0;
	v0 =	vadd.f32 v63, v52;
	v55 =	vld [tilespmem:s1+$0xFFFFFFE0]  }
0x3b7: {  	v21 =	vadd.f32 v17, v62;
	v17 =	vmul.f32 s2, v44;
	v20 =	vadd.f32 v51, v15  }
0x3b8: {  	v62 =	vmul.f32 s31, v49;
	v16 =	vadd.f32 v14, v16;
	v15 =	vadd.f32 v24, v19;
	v19 =	vld [tilespmem:s13+$0x70];
	[tilespmem:$0x1F840] =	vst v0  }
0x3b9: {  	v54 =	vmul.f32 v14, v14;
	v17 =	vadd.f32 v25, v17;
	v18 =	vadd.f32 v23, v18;
	v26 =	vld [tilespmem:s15+$0x70]  }
0x3ba: {  	v52 =	vmul.f32 s31, v44;
	v23 =	vadd.f32 v15, v16;
	v16 =	vadd.f32 v27, v56;
	v63 =	vld [tilespmem:s1+$0xFFFFFF70]  }
0x3bb: {  	v20 =	vadd.f32 v54, v20;
	v45 =	vmul.f32 v15, v15;
	v47 =	vld [tilespmem:s1+$0xFFFFFFF0];
	v51 =	vadd.f32 v53, v55  }
0x3bc: {  	v46 =	vadd.f32 v0, v22;
	v48 =	vmul.f32 v0, v0;
	v23 =	vadd.f32 v16, v23  }
0x3bd: {  	v56 =	vmul.f32 s2, v49;
	v20 =	vadd.f32 v45, v20;
	v0 =	vadd.f32 v51, v52  }
0x3be: {  	[tilespmem:$0x1F850] =	vst v21;
	v54 =	vadd.f32 v21, v46;
	v18 =	vadd.f32 v48, v18;
	v53 =	vmul.f32 v16, v16  }
0x3bf: {  	v55 =	vmul.f32 v21, v21;
	v23 =	vadd.f32 v17, v23;
	v19 =	vadd.f32 v19, v63;
	[tilespmem:$0x1F860] =	vst v0  }
0x3c0: {  	s7 =	sor.u32 $0x42, s16;
	v24 =	vadd.f32 v26, v47;
	v63 =	vmul.f32 v17, v17;
	v45 =	vadd.f32 v53, v20;
	[tilespmem:s17+$0x10840] =	vst v6  }
0x3c1: {  	v18 =	vadd.f32 v55, v18;
	v52 =	vperm.xlane v29, v50;
	v20 =	vadd.f32 v19, v56;
	v19 =	vld [tilespmem:s7+$0x10800]  }
0x3c2: {  	v21 =	vadd.f32 v24, v62;
	v47 =	vadd.f32 v0, v54  }
0x3c3: {  	v46 =	vmul.f32 v0, v0;
	v26 =	vadd.f32 v63, v45;
	v54 =	vadd.f32 v52, v29  }
0x3c4: {  	v23 =	vadd.f32 v20, v23;
	v24 =	vadd.f32 v21, v47  }
0x3c5: {  	v48 =	vmul.f32 v20, v20;
	v18 =	vadd.f32 v46, v18;
	v51 =	vmul.f32 v21, v21  }
0x3c6: {  	v53 =	vperm.xlane v24, v50;
	v6 =	vadd.f32 v19, v6;
	v19 =	vperm.xlane v23, v50  }
0x3c7: {  	[tilespmem:$0x1F880] =	vst v21;
	v26 =	vadd.f32 v48, v26;
	v18 =	vadd.f32 v51, v18  }
0x3c8: {  	s9 =	sor.u32 $0x41, s16;
	s13 =	sor.u32 $0x60, s16;
	v62 =	vsel vm0, v28, v54;
	[tilespmem:s17+$0x10840] =	vst v6;
	v19 =	vadd.f32 v19, v23;
	v23 =	vadd.f32 v24, v53  }
0x3c9: {  	s14 =	sor.u32 $0x64, s16;
	v55 =	vperm.xlane v26, v50;
	v56 =	vperm.xlane v18, v50;
	v63 =	vld [tilespmem:s9+$0x10800];
	[tilespmem:s13+$0x10800] =	vst v62  }
0x3ca: {  	s1 =	simm.s32 $0x8F00;
	v19 =	vsel vm0, v19, v23;
	v23 =	vld [tilespmem:s14+$0x10800]  }
0x3cb: {  	v28 =	vld [tilespmem:s1+$0x70];
	v26 =	vadd.f32 v55, v26;
	v18 =	vadd.f32 v56, v18  }
0x3cc: {  	v29 =	vld [tilespmem:s1+$0xF0];
	[tilespmem:s17+$0x10800] =	vst v19  }
0x3cd: {  	v18 =	vsel vm0, v26, v18;
	v52 =	vld [tilespmem:s17+$0x10804]  }
0x3ce: {  	v30 =	vld [tilespmem:s1+$0x60];
	[tilespmem:s17+$0x10820] =	vst v18  }
0x3cf: {  	v53 =	vld [tilespmem:s17+$0x10824];
	v23 =	vadd.f32 v23, v62  }
0x3d0: {  	v31 =	vld [tilespmem:s1+$0xE0]  }
0x3d1: {  	s15 =	sor.u32 $0x62, s16;
	v32 =	vld [tilespmem:s1+$0x50];
	[tilespmem:s13+$0x10800] =	vst v23  }
0x3d2: {  	v19 =	vadd.f32 v19, v52;
	v54 =	vld [tilespmem:s15+$0x10800]  }
0x3d3: {  	v41 =	vld [tilespmem:s1+$0xD0]  }
0x3d4: {  	v42 =	vld [tilespmem:s1+$0x40];
	v18 =	vadd.f32 v53, v18;
	[tilespmem:s17+$0x10800] =	vst v19  }
0x3d5: {  	v55 =	vld [tilespmem:s17+$0x10802]  }
0x3d6: {  	v45 =	vld [tilespmem:s1+$0xC0];
	[tilespmem:s17+$0x10820] =	vst v18  }
0x3d7: {  	v56 =	vld [tilespmem:s17+$0x10822];
	v23 =	vadd.f32 v54, v23  }
0x3d8: {  	v46 =	vld [tilespmem:s1+$0x30]  }
0x3d9: {  	s16 =	sor.u32 $0x61, s16;
	v47 =	vld [tilespmem:s1+$0xB0];
	[tilespmem:s13+$0x10800] =	vst v23  }
0x3da: {  	v24 =	vadd.f32 v55, v19;
	v19 =	vld [tilespmem:s16+$0x10800]  }
0x3db: {  	v25 =	vld [tilespmem:s1+$0x0]  }
0x3dc: {  	v48 =	vld [tilespmem:s1+$0x20];
	v18 =	vadd.f32 v56, v18  }
0x3dd: {  	v51 =	vld [tilespmem:s1+$0x10];
	v6 =	vadd.f32 v63, v6  }
0x3de: {  	v22 =	vmov v50;
	v50 =	vld [tilespmem:s1+$0xA0];
	[tilespmem:s17+$0x10820] =	vst v18  }
0x3df: {  	[tilespmem:s17+$0x10800] =	vst v24;
	v27 =	vld [tilespmem:s17+$0x10821];
	v19 =	vadd.f32 v19, v23;
	v23 =	vmul.f32 $7.812500000e-03, v6  }
0x3e0: {  	s14 =	sadd.s32 $0x4, s22;
	v26 =	vld [tilespmem:s17+$0x10801];
	s17 =	rddreg [dreg:$0xc]  }
0x3e1: {  	s6 =	rddreg [dreg:$0x11];
	v63 =	vld [tilespmem:s1+$0x90];
	s28 =	sadd.s32 s14, s17;
	v56 =	vbroadcast v23, $0x0  }
0x3e2: {  	s18 =	rddreg [dreg:$0xd];
	v54 =	vld [tilespmem:s1+$0x80];
	s13 =	simm.s32 $0x10586;
	p1 =	sgt.u32 s28, $0xC7  }
0x3e3: {  	s3 =	sadd.s32 $0x200, s18;
	v40 =	vld [tilespmem:s13+$0x0];
	s6 =	simm.s32 @!p1 $0x2980;
	v19 =	vmul.f32 $7.812500000e-03, v19;
	v53 =	vmul.f32 v23, v23;
	v0 =	vsub.f32 v2, v56  }
0x3e4: {  	v6 =	vld [tilespmem:s13+$0x1];
	s29 =	sadd.s32 s6, s3  }
0x3e5: {  	v21 =	vsub.f32 v19, v53;
	v53 =	vld [tilespmem:s29+$0x70];
	[tilespmem:$0x1F770] =	vst v0;
	v0 =	vsub.f32 v1, v56;
	_ =	sdelay $0x1  }
0x3e6: {  	v62 =	vld [tilespmem:s29+$0x60];
	[tilespmem:$0x1F780] =	vst v0;
	v0 =	vsub.f32 v3, v56;
	_ =	sdelay $0x1  }
0x3e7: {  	v2 =	vadd.f32 v26, v24;
	v1 =	vld [tilespmem:s29+$0x50];
	[tilespmem:$0x1F790] =	vst v0;
	v0 =	vsub.f32 v4, v56;
	_ =	sdelay $0x1  }
0x3e8: {  	v52 =	vmul.f32 $7.812500000e-03, v2;
	v2 =	vld [tilespmem:s29+$0x40];
	[tilespmem:$0x1F7A0] =	vst v0;
	v0 =	vsub.f32 v5, v56;
	_ =	sdelay $0x1  }
0x3e9: {  	[tilespmem:$0x1F7B0] =	vst v0;
	v0 =	vsub.f32 v7, v56;
	_ =	sdelay $0x1  }
0x3ea: {  	v4 =	vld [tilespmem:s29+$0x30];
	[tilespmem:$0x1F7C0] =	vst v0;
	v0 =	vsub.f32 v8, v56;
	_ =	sdelay $0x1  }
0x3eb: {  	(v2sf) =	vpush v40, $0x0;
	v40 =	vbroadcast v23, $0x8;
	v23 =	vld [tilespmem:s29+$0x20];
	[tilespmem:$0x1F7D0] =	vst v0;
	v0 =	vsub.f32 v10, v56;
	_ =	sdelay $0x1  }
0x3ec: {  	v3 =	vadd.f32 v27, v18;
	v8 =	vbroadcast v52, $0x0;
	[tilespmem:$0x1F7E0] =	vst v0;
	v0 =	vsub.f32 v9, v40;
	_ =	sdelay $0x1  }
0x3ed: {  	v3 =	vmul.f32 $7.812500000e-03, v3;
	v5 =	vmul.f32 v52, v52;
	v56 =	vld [tilespmem:s29+$0x0];
	[tilespmem:$0x1F7F0] =	vst v0;
	v0 =	vsub.f32 v11, v8  }
0x3ee: {  	(v2sf) =	vpush v6, $0x0  }
0x3ef: {  	s31 =	sadd.s32 $0xFFFFFFFF, s28;
	v18 =	vsub.f32 v3, v5;
	v3 =	vld [tilespmem:s29+$0x10];
	[tilespmem:$0x1F870] =	vst v0;
	v0 =	vsub.f32 v12, v8  }
0x3f0: {  	p1 =	sgt.u32 s31, $0xC7;
	s6 =	rddreg [dreg:$0x10]  }
0x3f1: {  	s6 =	simm.s32 @!p1 $0x2900;
	[tilespmem:$0x1F890] =	vst v0;
	v0 =	vsub.f32 v13, v8  }
0x3f2: {  	s6 =	sadd.s32 s6, s3  }
0x3f3: {  	v5 =	vld [tilespmem:s6+$0x70];
	[tilespmem:$0x1F8A0] =	vst v0;
	v0 =	vsub.f32 v14, v8;
	_ =	sdelay $0x1  }
0x3f4: {  	[tilespmem:$0x1F8B0] =	vst v0;
	v0 =	vsub.f32 v15, v8;
	_ =	sdelay $0x1  }
0x3f5: {  	v9 =	vld [tilespmem:s6+$0x60];
	[tilespmem:$0x1F8C0] =	vst v0;
	v0 =	vsub.f32 v16, v8;
	_ =	sdelay $0x1  }
0x3f6: {  	[tilespmem:$0x1F8D0] =	vst v0;
	v0 =	vsub.f32 v17, v8;
	_ =	sdelay $0x1  }
0x3f7: {  	v11 =	vld [tilespmem:s6+$0x50];
	[tilespmem:$0x1F8E0] =	vst v0;
	v0 =	vsub.f32 v20, v8;
	_ =	sdelay $0x1  }
0x3f8: {  	s9 =	spop (v2sf);
	[tilespmem:$0x1F8F0] =	vst v0  }
0x3f9: {  	v1 =	vadd.f32 v1, v41;
	s15 =	spop (v2sf);
	v8 =	vld [tilespmem:s6+$0x40]  }
0x3fa: {  	v2 =	vadd.f32 v2, v45;
	v4 =	vadd.f32 v4, v47;
	s16 =	scvt.s32.f32 s15;
	v13 =	vld [tilespmem:s6+$0x30]  }
0x3fb: {  	v12 =	vadd.f32 v62, v31;
	v14 =	vadd.f32 v53, v29;
	v15 =	vld [tilespmem:s6+$0x0]  }
0x3fc: {  	v17 =	vadd.f32 v23, v50;
	v23 =	vadd.f32 v56, v54;
	v50 =	vmul.f32 s16, v61;
	v16 =	vld [tilespmem:s6+$0x10]  }
0x3fd: {  	v3 =	vadd.f32 v3, v63;
	v41 =	vadd.f32 v5, v28;
	v20 =	vld [tilespmem:s6+$0x20]  }
0x3fe: {  	s2 =	scvt.s32.f32 s9;
	v24 =	vadd.f32 v9, v30;
	v7 =	vadd.f32 v50, v23  }
0x3ff: {  	v30 =	vsub.f32 v38, v40;
	v11 =	vadd.f32 v11, v32  }
0x400: {  	v62 =	vadd.f32 v8, v42;
	v5 =	vadd.f32 v15, v25;
	v15 =	vmul.f32 s2, v58  }
0x401: {  	s18 =	sadd.s32 $0xFFFFFFFD, s28;
	v8 =	vmul.f32 s2, v61;
	v9 =	vadd.f32 v16, v51;
	v16 =	vmul.f32 s2, v59  }
0x402: {  	p1 =	sgt.u32 s18, $0xC7;
	s6 =	rddreg [dreg:$0xe];
	v13 =	vadd.f32 v13, v46;
	v20 =	vadd.f32 v20, v48;
	v51 =	vmul.f32 s16, v59  }
0x403: {  	s4 =	sadd.s32 $0xFFFFFFFE, s28;
	s6 =	simm.s32 @!p1 $0x2800;
	v55 =	vadd.f32 v8, v5;
	v28 =	vadd.f32 v16, v9;
	v5 =	vmul.f32 s16, v58  }
0x404: {  	v38 =	vld [tilespmem:s1+$0xFFFFFF20];
	p1 =	sgt.u32 s4, $0xC7;
	s4 =	sadd.s32 s6, s3;
	v16 =	vmul.f32 s2, v60;
	v0 =	vadd.f32 v51, v3;
	v10 =	vadd.f32 v20, v15  }
0x405: {  	s17 =	rddreg [dreg:$0xf];
	v45 =	vld [tilespmem:s4+$0x0];
	v3 =	vmul.f32 s16, v60;
	v5 =	vadd.f32 v17, v5;
	v20 =	vadd.f32 v28, v55  }
0x406: {  	s17 =	simm.s32 @!p1 $0x2880;
	v50 =	vld [tilespmem:s4+$0x20];
	v17 =	vmul.f32 s2, v57;
	v23 =	vadd.f32 v0, v7;
	v31 =	vadd.f32 v13, v16  }
0x407: {  	s6 =	sadd.s32 s17, s3;
	v53 =	vld [tilespmem:s4+$0x30];
	v4 =	vadd.f32 v4, v3;
	v3 =	vmul.f32 s16, v57;
	v13 =	vadd.f32 v10, v20  }
0x408: {  	v47 =	vld [tilespmem:s6+$0x10];
	v16 =	vadd.f32 v5, v23;
	v23 =	vmul.f32 s2, v43;
	v27 =	vadd.f32 v62, v17  }
0x409: {  	v42 =	vld [tilespmem:s13+$0xFFFFFFFF];
	v3 =	vadd.f32 v2, v3;
	v2 =	vmul.f32 s16, v43;
	v62 =	vsub.f32 v34, v40  }
0x40a: {  	v46 =	vld [tilespmem:s6+$0x0];
	v17 =	vmul.f32 s2, v44;
	v13 =	vadd.f32 v31, v13;
	v16 =	vadd.f32 v4, v16  }
0x40b: {  	v15 =	vld [tilespmem:s13+$0xFFFFFFFE];
	v32 =	vadd.f32 v11, v23;
	v11 =	vmul.f32 s16, v44;
	v2 =	vadd.f32 v1, v2  }
0x40c: {  	v48 =	vld [tilespmem:s1+$0xFFFFFF90];
	v1 =	vmul.f32 s2, v49;
	v26 =	vadd.f32 v24, v17;
	v13 =	vadd.f32 v27, v13  }
0x40d: {  	v51 =	vld [tilespmem:s1+$0xFFFFFFA0];
	v6 =	vadd.f32 v12, v11;
	v11 =	vmul.f32 s16, v49;
	v12 =	vadd.f32 v3, v16  }
0x40e: {  	v20 =	vld [tilespmem:s4+$0x10];
	v8 =	vadd.f32 v41, v1;
	v13 =	vadd.f32 v32, v13  }
0x40f: {  	v34 =	vld [tilespmem:s6+$0x20];
	v1 =	vadd.f32 v14, v11;
	v14 =	vadd.f32 v2, v12  }
0x410: {  	(v2sf) =	vpush v15, $0x0;
	v23 =	vld [tilespmem:s1+$0xFFFFFF00];
	v15 =	vadd.f32 v26, v13  }
0x411: {  	v24 =	vld [tilespmem:s1+$0xFFFFFF10];
	v16 =	vadd.f32 v6, v14  }
0x412: {  	v17 =	vsub.f32 v35, v40;
	v35 =	vld [tilespmem:s6+$0x30];
	v56 =	vadd.f32 v8, v15  }
0x413: {  	v41 =	vld [tilespmem:s1+$0xFFFFFF80];
	v15 =	vsub.f32 v39, v40;
	v39 =	vadd.f32 v1, v16  }
0x414: {  	v19 =	vsub.f32 v33, v40;
	v11 =	vsub.f32 v36, v40;
	v36 =	vld [tilespmem:s1+$0xFFFFFFB0];
	v25 =	vperm.xlane v56, v22  }
0x415: {  	(v2sf) =	vpush v42, $0x0;
	v16 =	vsub.f32 v37, v40;
	v37 =	vld [tilespmem:s1+$0xFFFFFF30];
	v29 =	vperm.xlane v39, v22  }
0x416: {  	v42 =	vmul.f32 v55, v55;
	v40 =	vld [tilespmem:s4+$0x40];
	[tilespmem:$0x1F6F0] =	vst v7;
	v33 =	vadd.f32 v25, v56;
	v25 =	vmul.f32 v28, v28  }
0x417: {  	[tilespmem:$0x1F700] =	vst v0;
	v0 =	vmul.f32 v0, v0;
	v39 =	vadd.f32 v39, v29;
	v29 =	vmul.f32 v7, v7  }
0x418: {  	v23 =	vadd.f32 v45, v23;
	v45 =	vld [tilespmem:s6+$0x40];
	v42 =	vadd.f32 v25, v42;
	v25 =	vmul.f32 v10, v10  }
0x419: {  	s3 =	simm.s32 $0x80;
	v0 =	vadd.f32 v0, v29;
	v33 =	vsel vm0, v33, v39;
	v39 =	vld [tilespmem:s1+$0xFFFFFF40];
	[tilespmem:$0x1F710] =	vst v5;
	v29 =	vmul.f32 v5, v5  }
0x41a: {  	s15 =	simm.s32 $0xC0;
	v63 =	vld [tilespmem:$0x1FF60];
	v20 =	vadd.f32 v20, v24;
	[tilespmem:s3+$0x10840] =	vst v33;
	v24 =	vadd.f32 v25, v42;
	v25 =	vmul.f32 v31, v31  }
0x41b: {  	s28 =	sor.u32 $0x44, s15;
	v38 =	vadd.f32 v50, v38;
	v42 =	vld [tilespmem:s1+$0xFFFFFFC0];
	v0 =	vadd.f32 v29, v0;
	[tilespmem:$0x1F720] =	vst v4;
	v29 =	vmul.f32 v4, v4  }
0x41c: {  	v47 =	vadd.f32 v47, v48;
	v56 =	vld [tilespmem:s28+$0x10800];
	v24 =	vadd.f32 v25, v24  }
0x41d: {  	v48 =	vld [tilespmem:s4+$0x50];
	v25 =	vmul.f32 v27, v27;
	v0 =	vadd.f32 v29, v0;
	v29 =	vmul.f32 v3, v3  }
0x41e: {  	v50 =	vmul.f32 v2, v2;
	v41 =	vadd.f32 v46, v41;
	v53 =	vadd.f32 v53, v37;
	v46 =	vld [tilespmem:s6+$0x50];
	[tilespmem:$0x1F730] =	vst v3  }
0x41f: {  	v37 =	vld [tilespmem:s1+$0xFFFFFFD0];
	v24 =	vadd.f32 v25, v24;
	v25 =	vmul.f32 v32, v32;
	v0 =	vadd.f32 v29, v0  }
0x420: {  	v51 =	vadd.f32 v34, v51;
	v34 =	vld [tilespmem:s1+$0xFFFFFF50];
	[tilespmem:$0x1F740] =	vst v2;
	v3 =	vadd.f32 v35, v36;
	v29 =	vmul.f32 v26, v26  }
0x421: {  	s29 =	spop (v2sf);
	v54 =	vld [tilespmem:s4+$0x60];
	v24 =	vadd.f32 v25, v24;
	v0 =	vadd.f32 v50, v0;
	v50 =	vmul.f32 v6, v6  }
0x422: {  	s18 =	scvt.s32.f32 s29;
	v35 =	vld [tilespmem:s1+$0xFFFFFF60];
	v40 =	vadd.f32 v40, v39;
	v33 =	vadd.f32 v33, v56;
	v56 =	vmul.f32 v1, v1  }
0x423: {  	[tilespmem:$0x1F750] =	vst v6;
	v24 =	vadd.f32 v29, v24;
	v29 =	vmul.f32 v8, v8;
	v0 =	vadd.f32 v50, v0  }
0x424: {  	v42 =	vadd.f32 v45, v42;
	v46 =	vadd.f32 v46, v37;
	[tilespmem:s3+$0x10840] =	vst v33;
	v50 =	vmul.f32 s18, v59  }
0x425: {  	s31 =	sor.u32 $0x42, s15;
	[tilespmem:$0x1F760] =	vst v1;
	v24 =	vadd.f32 v29, v24;
	v29 =	vmul.f32 s18, v61;
	v0 =	vadd.f32 v56, v0  }
0x426: {  	s7 =	spop (v2sf);
	v36 =	vmul.f32 s18, v60;
	v45 =	vld [tilespmem:s31+$0x10800];
	v37 =	vadd.f32 v50, v20;
	v20 =	vadd.f32 $9.999999960e-13, v21  }
0x427: {  	s28 =	scvt.s32.f32 s7;
	v54 =	vadd.f32 v54, v35;
	v35 =	vadd.f32 v29, v23;
	v23 =	vperm.xlane v24, v22  }
0x428: {  	v48 =	vadd.f32 v48, v34;
	v56 =	vperm.xlane v0, v22;
	v25 =	vshrl.u32 v20, $0x1  }
0x429: {  	v20 =	vmul.f32 $5.000000000e-01, v20;
	v29 =	vmul.f32 s28, v61;
	v21 =	vadd.f32 v23, v24  }
0x42a: {  	v0 =	vadd.f32 v56, v0;
	v24 =	vsub.s32 $0x5F3759DF, v25;
	v56 =	vmul.f32 s18, v58  }
0x42b: {  	v25 =	vmul.f32 v35, v35;
	v23 =	vadd.f32 v45, v33;
	v45 =	vmul.f32 s28, v59  }
0x42c: {  	v33 =	vadd.f32 v29, v41;
	v50 =	vmul.f32 v24, v20;
	v41 =	vadd.f32 v53, v36  }
0x42d: {  	v2 =	vsel vm0, v21, v0;
	v21 =	vmul.f32 s28, v58;
	v39 =	vadd.f32 v38, v56  }
0x42e: {  	s9 =	sor.u32 $0x41, s15;
	s16 =	sor.u32 $0x60, s15;
	v0 =	vmul.f32 s28, v60;
	[tilespmem:s3+$0x10840] =	vst v23;
	v34 =	vadd.f32 v45, v47;
	v59 =	vmul.f32 v24, v50  }
0x42f: {  	s17 =	sor.u32 $0x64, s15;
	v45 =	vmul.f32 v33, v33;
	v47 =	vld [tilespmem:s9+$0x10800];
	[tilespmem:s16+$0x10800] =	vst v2;
	v5 =	vadd.f32 v51, v21;
	v21 =	vmul.f32 v37, v37  }
0x430: {  	v1 =	vmul.f32 v39, v39;
	v36 =	vadd.f32 v3, v0;
	v3 =	vadd.f32 $9.999999960e-13, v18;
	v61 =	vld [tilespmem:s17+$0x10800]  }
0x431: {  	v0 =	vmul.f32 s18, v43;
	v38 =	vsub.f32 $1.500000000e+00, v59;
	v29 =	vmul.f32 v34, v34  }
0x432: {  	v53 =	vld [tilespmem:s6+$0x60];
	v21 =	vadd.f32 v21, v25;
	v7 =	vmul.f32 $5.000000000e-01, v3;
	v25 =	vmul.f32 s28, v57  }
0x433: {  	v60 =	vld [tilespmem:s1+$0xFFFFFFE0];
	v50 =	vadd.f32 v48, v0;
	v24 =	vmul.f32 v24, v38;
	v45 =	vadd.f32 v29, v45  }
0x434: {  	v4 =	vadd.f32 v1, v21;
	v1 =	vmul.f32 v5, v5;
	v21 =	vmul.f32 s18, v57  }
0x435: {  	v0 =	vld [tilespmem:s1+$0xFFFFFF70];
	v38 =	vadd.f32 v42, v25;
	v18 =	vmul.f32 v24, v20;
	v2 =	vadd.f32 v61, v2  }
0x436: {  	v6 =	vadd.f32 v1, v45;
	v61 =	vshrl.u32 v3, $0x1;
	v45 =	vadd.f32 v40, v21;
	v40 =	vmovc v5;
	v5 =	vld [tilespmem:s4+$0x70]  }
0x437: {  	v25 =	vmul.f32 v36, v36;
	v18 =	vmul.f32 v18, v24;
	v21 =	vsub.s32 $0x5F3759DF, v61  }
0x438: {  	s29 =	sor.u32 $0x62, s15;
	v60 =	vadd.f32 v53, v60;
	v61 =	vmul.f32 v41, v41;
	[tilespmem:s16+$0x10800] =	vst v2;
	v29 =	vmul.f32 v21, v7  }
0x439: {  	v6 =	vadd.f32 v25, v6;
	v25 =	vmul.f32 v38, v38;
	v18 =	vsub.f32 $1.500000000e+00, v18;
	v3 =	vld [tilespmem:s29+$0x10800]  }
0x43a: {  	v4 =	vadd.f32 v61, v4;
	v61 =	vld [tilespmem:s1+$0xFFFFFFF0];
	v1 =	vmul.f32 v21, v29;
	v29 =	vmul.f32 s28, v43  }
0x43b: {  	v43 =	vmul.f32 v45, v45;
	v18 =	vmul.f32 v18, v24;
	v24 =	vld [tilespmem:s6+$0x70];
	v0 =	vadd.f32 v5, v0  }
0x43c: {  	v42 =	vadd.f32 v46, v29;
	v1 =	vsub.f32 $1.500000000e+00, v1;
	v29 =	vmul.f32 s18, v44  }
0x43d: {  	v4 =	vadd.f32 v43, v4;
	v5 =	vmul.f32 v18, v20;
	v20 =	vmul.f32 v50, v50  }
0x43e: {  	v2 =	vadd.f32 v3, v2;
	v3 =	vadd.f32 v25, v6;
	v6 =	vmul.f32 s28, v44  }
0x43f: {  	v1 =	vmul.f32 v21, v1;
	v21 =	vmul.f32 s18, v49;
	v4 =	vadd.f32 v20, v4  }
0x440: {  	v20 =	vmul.f32 s28, v49;
	v48 =	vadd.f32 v60, v6;
	v24 =	vadd.f32 v24, v61  }
0x441: {  	v6 =	vmul.f32 v42, v42;
	v56 =	vadd.f32 v0, v21;
	v21 =	vadd.f32 v34, v33  }
0x442: {  	v53 =	vadd.f32 v24, v20;
	v20 =	vadd.f32 v47, v23  }
0x443: {  	v54 =	vadd.f32 v54, v29;
	v0 =	vadd.f32 v6, v3;
	v3 =	vmul.f32 v5, v18  }
0x444: {  	v61 =	vmul.f32 $7.812500000e-03, v20;
	v20 =	vadd.f32 v40, v21;
	v21 =	vmul.f32 v48, v48  }
0x445: {  	[tilespmem:s16+$0x10800] =	vst v2;
	v6 =	vmul.f32 v54, v54;
	v3 =	vsub.f32 $1.500000000e+00, v3  }
0x446: {  	v14 =	vmov v8;
	v8 =	vadd.f32 v21, v0;
	v0 =	vld [tilespmem:$0x1F770]  }
0x447: {  	v9 =	vadd.f32 v6, v4;
	v4 =	vmul.f32 v3, v18;
	_ =	sdelay $0x1  }
0x448: {  	v23 =	vbroadcast v4, $0x0;
	_ =	sdelay $0x1  }
0x449: {  	v21 =	vmul.f32 v23, v0;
	v0 =	vld [tilespmem:$0x1F780];
	_ =	sdelay $0x4  }
0x44a: {  	v24 =	vmul.f32 v23, v0;
	v0 =	vld [tilespmem:$0x1F790];
	_ =	sdelay $0x4  }
0x44b: {  	v25 =	vmul.f32 v23, v0;
	v0 =	vld [tilespmem:$0x1F7A0];
	_ =	sdelay $0x4  }
0x44c: {  	s31 =	sor.u32 $0x61, s15;
	v0 =	vmul.f32 v23, v0  }
0x44d: {  	v43 =	vld [tilespmem:s31+$0x10800]  }
0x44e: {  	[tilespmem:$0x1F910] =	vst v0;
	v0 =	vld [tilespmem:$0x1F7B0];
	_ =	sdelay $0x4  }
0x44f: {  	v57 =	vmul.f32 v23, v0;
	v0 =	vld [tilespmem:$0x1F7C0]  }
0x450: {  	v5 =	vmul.f32 v1, v7  }
0x451: {  	v6 =	vadd.f32 v37, v35  }
0x452: {  	v5 =	vmul.f32 v5, v1  }
0x453: {  	v6 =	vadd.f32 v39, v6  }
0x454: {  	v5 =	vsub.f32 $1.500000000e+00, v5;
	v29 =	vmul.f32 v23, v0;
	v0 =	vld [tilespmem:$0x1F7D0]  }
0x455: {  	v6 =	vadd.f32 v41, v6  }
0x456: {  	v1 =	vmul.f32 v5, v1;
	v5 =	vadd.f32 v36, v20  }
0x457: {  	v6 =	vadd.f32 v45, v6  }
0x458: {  	v5 =	vadd.f32 v38, v5  }
0x459: {  	v7 =	vmul.f32 v1, v7;
	v6 =	vadd.f32 v50, v6;
	v51 =	vmul.f32 v23, v0;
	v0 =	vld [tilespmem:$0x1F7E0]  }
0x45a: {  	v5 =	vadd.f32 v42, v5  }
0x45b: {  	v7 =	vmul.f32 v7, v1;
	v6 =	vadd.f32 v54, v6  }
0x45c: {  	v5 =	vadd.f32 v48, v5  }
0x45d: {  	v7 =	vsub.f32 $1.500000000e+00, v7;
	v6 =	vadd.f32 v56, v6  }
0x45e: {  	v5 =	vadd.f32 v53, v5;
	v46 =	vmul.f32 v23, v0;
	v0 =	vmul.f32 v56, v56  }
0x45f: {  	v13 =	vmul.f32 v7, v1;
	v1 =	vld [tilespmem:$0x1F7F0]  }
0x460: {  	v7 =	vperm.xlane v6, v22;
	v0 =	vadd.f32 v0, v9;
	v9 =	vperm.xlane v5, v22  }
0x461: {  	v2 =	vadd.f32 v43, v2  }
0x462: {  	v4 =	vbroadcast v4, $0x8;
	v6 =	vadd.f32 v7, v6;
	v5 =	vadd.f32 v5, v9  }
0x463: {  	v47 =	vmul.f32 v61, v61;
	v2 =	vmul.f32 $7.812500000e-03, v2  }
0x464: {  	v5 =	vsel vm0, v6, v5;
	v6 =	vmul.f32 v4, v1;
	v1 =	vmul.f32 v4, v15;
	_ =	sdelay $0x1  }
0x465: {  	v3 =	vsub.f32 v2, v47;
	[tilespmem:$0x1F920] =	vst v1;
	v1 =	vmul.f32 v4, v17  }
0x466: {  	v2 =	vmul.f32 v53, v53  }
0x467: {  	v3 =	vadd.f32 $9.999999960e-13, v3;
	[tilespmem:$0x1F930] =	vst v1;
	v1 =	vmul.f32 v4, v11  }
0x468: {  	v2 =	vadd.f32 v2, v8  }
0x469: {  	v8 =	vshrl.u32 v3, $0x1;
	[tilespmem:$0x1F940] =	vst v1;
	v1 =	vmul.f32 v4, v16  }
0x46a: {  	v49 =	vperm.xlane v2, v22;
	v7 =	vsub.s32 $0x5F3759DF, v8;
	v8 =	vperm.xlane v0, v22;
	[tilespmem:s3+$0x10800] =	vst v5  }
0x46b: {  	[tilespmem:$0x1F950] =	vst v1;
	v1 =	vld [tilespmem:$0x1F800]  }
0x46c: {  	v2 =	vadd.f32 v49, v2;
	v0 =	vadd.f32 v8, v0;
	_ =	sdelay $0x1  }
0x46d: {  	v8 =	vbroadcast v52, $0x8;
	v0 =	vsel vm0, v0, v2  }
0x46e: {  	[tilespmem:s3+$0x10820] =	vst v0  }
0x46f: {  	v58 =	vmul.f32 v4, v19;
	v19 =	vsub.f32 v1, v8;
	v1 =	vld [tilespmem:$0x1F810];
	_ =	sdelay $0x4  }
0x470: {  	v47 =	vmul.f32 v4, v30;
	v30 =	vsub.f32 v1, v8;
	v1 =	vld [tilespmem:$0x1F820];
	_ =	sdelay $0x4  }
0x471: {  	v20 =	vsub.f32 v1, v8;
	v1 =	vld [tilespmem:$0x1FEE0];
	_ =	sdelay $0x4  }
0x472: {  	v6 =	vmul.f32 v6, v1;
	v1 =	vld [tilespmem:$0x1F830];
	_ =	sdelay $0x4  }
0x473: {  	v43 =	vsub.f32 v1, v8;
	v1 =	vld [tilespmem:$0x1F840];
	_ =	sdelay $0x4  }
0x474: {  	v17 =	vsub.f32 v1, v8;
	v1 =	vld [tilespmem:$0x1F850]  }
0x475: {  	v12 =	vmul.f32 $5.000000000e-01, v3;
	_ =	sdelay $0x1  }
0x476: {  	v9 =	vmul.f32 v7, v12;
	_ =	sdelay $0x1  }
0x477: {  	v9 =	vmul.f32 v7, v9;
	v18 =	vsub.f32 v1, v8;
	v1 =	vld [tilespmem:$0x1F860];
	_ =	sdelay $0x1  }
0x478: {  	v9 =	vsub.f32 $1.500000000e+00, v9;
	_ =	sdelay $0x1  }
0x479: {  	v16 =	vmul.f32 v7, v9;
	v9 =	vld [tilespmem:s3+$0x10824]  }
0x47a: {  	v22 =	vsub.f32 v1, v8;
	v1 =	vld [tilespmem:$0x1F870];
	_ =	sdelay $0x2  }
0x47b: {  	v7 =	vbroadcast v13, $0x0  }
0x47c: {  	v11 =	vadd.f32 v9, v0;
	v0 =	vld [tilespmem:$0x1F8D0]  }
0x47d: {  	v1 =	vmul.f32 v7, v1  }
0x47e: {  	v60 =	vmul.f32 v4, v62;
	v4 =	vld [tilespmem:s3+$0x10804]  }
0x47f: {  	[tilespmem:$0x1F960] =	vst v1;
	v1 =	vld [tilespmem:$0x1F880];
	_ =	sdelay $0x1  }
0x480: {  	v2 =	vld [tilespmem:$0x1F8B0];
	v0 =	vmul.f32 v7, v0;
	_ =	sdelay $0x1  }
0x481: {  	[tilespmem:$0x1F9A0] =	vst v0;
	v0 =	vld [tilespmem:$0x1F8E0]  }
0x482: {  	v44 =	vsub.f32 v1, v8;
	v1 =	vld [tilespmem:$0x1F890];
	_ =	sdelay $0x1  }
0x483: {  	v2 =	vmul.f32 v7, v2;
	_ =	sdelay $0x1  }
0x484: {  	[tilespmem:$0x1F980] =	vst v2;
	v2 =	vld [tilespmem:$0x1F8C0];
	v0 =	vmul.f32 v7, v0  }
0x485: {  	v59 =	vmul.f32 v7, v1;
	v1 =	vld [tilespmem:$0x1F8A0]  }
0x486: {  	[tilespmem:$0x1F9B0] =	vst v0;
	v0 =	vld [tilespmem:$0x1F8F0];
	_ =	sdelay $0x2  }
0x487: {  	v2 =	vmul.f32 v7, v2  }
0x488: {  	v1 =	vmul.f32 v7, v1  }
0x489: {  	[tilespmem:$0x1F990] =	vst v2;
	v0 =	vmul.f32 v7, v0  }
0x48a: {  	[tilespmem:$0x1F970] =	vst v1;
	v1 =	vadd.f32 v5, v4;
	v5 =	vbroadcast v61, $0x0  }
0x48b: {  	[tilespmem:$0x1F9C0] =	vst v0  }
0x48c: {  	[tilespmem:s3+$0x10800] =	vst v1;
	v2 =	vsub.f32 v26, v5  }
0x48d: {  	v15 =	vld [tilespmem:$0x1FE70]  }
0x48e: {  	v3 =	vld [tilespmem:s3+$0x10802];
	[tilespmem:$0x1F900] =	vst v2  }
0x48f: {  	v9 =	vsub.f32 v31, v5;
	v31 =	vld [tilespmem:$0x1FE80];
	[tilespmem:s3+$0x10820] =	vst v11  }
0x490: {  	v26 =	vld [tilespmem:$0x1FEF0];
	_ =	sdelay $0x1  }
0x491: {  	v6 =	vadd.f32 v6, v63  }
0x492: {  	s18 =	simm.s32 $0xDD00;
	v4 =	vmul.f32 v16, v12;
	v21 =	vmul.f32 v21, v15  }
0x493: {  	v49 =	vld [tilespmem:$0x1FE90];
	[tilespmem:s18+$0xF0] =	vst v6  }
0x494: {  	v0 =	vmul.f32 v4, v16;
	v4 =	vsub.f32 v27, v5;
	v27 =	vld [tilespmem:$0x1FEA0];
	v21 =	vadd.f32 v21, v26  }
0x495: {  	v6 =	vld [tilespmem:$0x1F910]  }
0x496: {  	v62 =	vld [tilespmem:$0x1FF00];
	[tilespmem:s18+$0x0] =	vst v21  }
0x497: {  	v52 =	vsub.f32 v28, v5;
	v28 =	vld [tilespmem:$0x1FEB0]  }
0x498: {  	v23 =	vld [tilespmem:$0x1FEC0];
	_ =	sdelay $0x4  }
0x499: {  	v21 =	vmul.f32 v57, v28;
	v57 =	vmul.f32 v29, v23;
	v29 =	vld [tilespmem:$0x1FF10];
	_ =	sdelay $0x1  }
0x49a: {  	v0 =	vsub.f32 $1.500000000e+00, v0;
	v24 =	vmul.f32 v24, v31  }
0x49b: {  	v25 =	vmul.f32 v25, v49  }
0x49c: {  	v0 =	vmul.f32 v0, v16;
	v16 =	vadd.f32 v24, v62  }
0x49d: {  	v25 =	vadd.f32 v25, v29  }
0x49e: {  	v55 =	vsub.f32 v55, v5;
	v10 =	vsub.f32 v10, v5;
	[tilespmem:s18+$0x10] =	vst v16  }
0x49f: {  	v7 =	vsub.f32 v32, v5;
	v5 =	vsub.f32 v14, v5;
	v14 =	vld [tilespmem:$0x1FED0];
	[tilespmem:s18+$0x20] =	vst v25  }
0x4a0: {  	v32 =	vld [tilespmem:$0x1FF20];
	_ =	sdelay $0x2  }
0x4a1: {  	v6 =	vmul.f32 v6, v27  }
0x4a2: {  	v1 =	vadd.f32 v3, v1  }
0x4a3: {  	v6 =	vadd.f32 v6, v32  }
0x4a4: {  	v13 =	vbroadcast v13, $0x8;
	v16 =	vld [tilespmem:$0x1FEE0];
	[tilespmem:s3+$0x10800] =	vst v1  }
0x4a5: {  	v2 =	vld [tilespmem:s3+$0x10822];
	[tilespmem:s18+$0x30] =	vst v6  }
0x4a6: {  	v3 =	vmul.f32 v51, v14;
	v51 =	vmul.f32 v13, v30;
	v30 =	vld [tilespmem:$0x1FF30];
	_ =	sdelay $0x3  }
0x4a7: {  	v2 =	vadd.f32 v2, v11  }
0x4a8: {  	v6 =	vadd.f32 v21, v30  }
0x4a9: {  	v21 =	vld [tilespmem:$0x1FF40];
	[tilespmem:s3+$0x10820] =	vst v2  }
0x4aa: {  	[tilespmem:s18+$0x40] =	vst v6  }
0x4ab: {  	v6 =	vld [tilespmem:$0x1FF50]  }
0x4ac: {  	v16 =	vmul.f32 v46, v16;
	_ =	sdelay $0x1  }
0x4ad: {  	v11 =	vld [tilespmem:s3+$0x10801];
	v16 =	vadd.f32 v16, v63  }
0x4ae: {  	v25 =	vmul.f32 v60, v15;
	v60 =	vmul.f32 v13, v19;
	v19 =	vadd.f32 v57, v21  }
0x4af: {  	v46 =	vmul.f32 v13, v17;
	[tilespmem:s18+$0x70] =	vst v16;
	v3 =	vadd.f32 v3, v6  }
0x4b0: {  	v17 =	vmul.f32 v13, v22;
	v22 =	vadd.f32 v25, v26;
	v57 =	vld [tilespmem:s3+$0x10821];
	[tilespmem:s18+$0x50] =	vst v19;
	v19 =	vmul.f32 v47, v31  }
0x4b1: {  	[tilespmem:s18+$0x60] =	vst v3  }
0x4b2: {  	v12 =	vmul.f32 v0, v12;
	v16 =	vadd.f32 v11, v1;
	v11 =	vadd.f32 v19, v62;
	v1 =	vld [tilespmem:$0x1F920];
	[tilespmem:s18+$0x80] =	vst v22  }
0x4b3: {  	v3 =	vmul.f32 v58, v49;
	v8 =	vld [tilespmem:$0x1F930]  }
0x4b4: {  	v12 =	vmul.f32 v12, v0;
	[tilespmem:s18+$0x90] =	vst v11  }
0x4b5: {  	v19 =	vadd.f32 v57, v2;
	v3 =	vadd.f32 v3, v29;
	v2 =	vld [tilespmem:$0x1F940]  }
0x4b6: {  	v12 =	vsub.f32 $1.500000000e+00, v12  }
0x4b7: {  	[tilespmem:s18+$0xA0] =	vst v3;
	v1 =	vmul.f32 v1, v27  }
0x4b8: {  	v11 =	vmul.f32 v12, v0;
	v0 =	vld [tilespmem:$0x1F950];
	v22 =	vmul.f32 v8, v28  }
0x4b9: {  	v1 =	vadd.f32 v1, v32  }
0x4ba: {  	v2 =	vmul.f32 v2, v23;
	v3 =	vadd.f32 v22, v30  }
0x4bb: {  	[tilespmem:s18+$0xB0] =	vst v1  }
0x4bc: {  	v2 =	vadd.f32 v2, v21;
	v1 =	vld [tilespmem:$0x1F960];
	[tilespmem:s18+$0xC0] =	vst v3  }
0x4bd: {  	v0 =	vmul.f32 v0, v14;
	v3 =	vld [tilespmem:$0x1F970]  }
0x4be: {  	v8 =	vld [tilespmem:$0x1F980];
	[tilespmem:s18+$0xD0] =	vst v2  }
0x4bf: {  	v20 =	vmul.f32 v13, v20;
	v47 =	vmov v6;
	v0 =	vadd.f32 v0, v6;
	v6 =	vld [tilespmem:$0x1F9A0]  }
0x4c0: {  	v43 =	vmul.f32 v13, v43;
	v18 =	vmul.f32 v13, v18  }
0x4c1: {  	v20 =	vmul.f32 v20, v49;
	v24 =	vmov v62;
	v13 =	vmul.f32 v13, v44;
	v2 =	vld [tilespmem:$0x1F990];
	[tilespmem:s18+$0xE0] =	vst v0  }
0x4c2: {  	v25 =	vmovc v14;
	v44 =	vmovc v21;
	v12 =	vmul.f32 v59, v31;
	v14 =	vmov v31;
	v0 =	vld [tilespmem:$0x1F9B0];
	v1 =	vmul.f32 v1, v15  }
0x4c3: {  	v62 =	vmovc v29;
	v58 =	vmovc v26;
	v57 =	vmov v30;
	v59 =	vmul.f32 v60, v15;
	v60 =	vmul.f32 v51, v14  }
0x4c4: {  	v30 =	vmovc v23;
	v3 =	vmul.f32 v3, v49;
	v22 =	vmul.f32 v6, v23;
	v1 =	vadd.f32 v1, v26;
	v23 =	vld [tilespmem:$0x1FEE0]  }
0x4c5: {  	v29 =	vmovc v24;
	v12 =	vadd.f32 v12, v24;
	v14 =	vmul.f32 v43, v27;
	v21 =	vmul.f32 v8, v27;
	v6 =	vld [tilespmem:$0x1F9C0]  }
0x4c6: {  	v31 =	vmovc v25;
	v43 =	vmov v32;
	v2 =	vmul.f32 v2, v28;
	v26 =	vld [tilespmem:$0x1FEE0];
	[tilespmem:s18+$0xFFFFFF00] =	vst v1;
	v1 =	vadd.f32 v3, v62  }
0x4c7: {  	v14 =	vadd.f32 v14, v32;
	[tilespmem:s18+$0xFFFFFF10] =	vst v12;
	v12 =	vadd.f32 v21, v32;
	v0 =	vmul.f32 v0, v25  }
0x4c8: {  	v21 =	vmul.f32 v46, v28;
	v3 =	vmul.f32 v18, v30;
	[tilespmem:s18+$0xFFFFFF20] =	vst v1;
	v1 =	vadd.f32 v2, v57  }
0x4c9: {  	[tilespmem:s18+$0xFFFFFF30] =	vst v12;
	v12 =	vadd.f32 v59, v58;
	v58 =	vbroadcast v61, $0x8;
	v61 =	vmovc v28;
	v0 =	vadd.f32 v0, v47  }
0x4ca: {  	v2 =	vmul.f32 v17, v31;
	v23 =	vmul.f32 v6, v23;
	v6 =	vadd.f32 v22, v44;
	[tilespmem:s18+$0xFFFFFF40] =	vst v1  }
0x4cb: {  	s12 =	sadd.s32 $0x50, s12;
	s4 =	simm.s32 $0x9100;
	v17 =	vadd.f32 v60, v29;
	v1 =	vmul.f32 v13, v26;
	v13 =	vadd.f32 v20, v62;
	[tilespmem:s18+$0xFFFFFF60] =	vst v0  }
0x4cc: {  	s1 =	simm.s32 $0xDD00;
	s6 =	simm.s32 $0x200;
	s3 =	simm.s32 $0x2;
	v60 =	vmovc v27;
	v20 =	vmul.f32 $7.812500000e-03, v16;
	v16 =	vadd.f32 v21, v57;
	v15 =	vadd.f32 v23, v63;
	[tilespmem:s18+$0xFFFFFF50] =	vst v6  }
.LBB2_7:
0x4cd: {  	_ = 	snop  }
0x4ce: {  	v0 =	vmul.f32 $7.812500000e-03, v19;
	v21 =	vmul.f32 v20, v20;
	_ =	sdelay $0x1  }
0x4cf: {  	v0 =	vsub.f32 v0, v21;
	_ =	sdelay $0x1  }
0x4d0: {  	v22 =	vbroadcast v20, $0x0;
	v0 =	vadd.f32 $9.999999960e-13, v0  }
0x4d1: {  	v44 =	vbroadcast v20, $0x8  }
0x4d2: {  	v30 =	vshrl.u32 v0, $0x1;
	v51 =	vmul.f32 $5.000000000e-01, v0;
	v0 =	vsub.f32 v56, v22;
	_ =	sdelay $0x1  }
0x4d3: {  	[tilespmem:$0x1F5A0] =	vst v0;
	v0 =	vsub.f32 v33, v44;
	_ =	sdelay $0x1  }
0x4d4: {  	[tilespmem:$0x1F5B0] =	vst v0;
	v0 =	vsub.f32 v34, v44;
	_ =	sdelay $0x1  }
0x4d5: {  	[tilespmem:$0x1F5C0] =	vst v0;
	v0 =	vsub.f32 v40, v44;
	_ =	sdelay $0x1  }
0x4d6: {  	[tilespmem:$0x1F5D0] =	vst v0;
	v0 =	vsub.f32 v36, v44;
	_ =	sdelay $0x1  }
0x4d7: {  	[tilespmem:$0x1F5E0] =	vst v0;
	v0 =	vsub.f32 v38, v44;
	_ =	sdelay $0x1  }
0x4d8: {  	[tilespmem:$0x1F5F0] =	vst v0;
	v0 =	vsub.f32 v42, v44;
	_ =	sdelay $0x1  }
0x4d9: {  	[tilespmem:$0x1F600] =	vst v0;
	v0 =	vsub.f32 v48, v44;
	_ =	sdelay $0x1  }
0x4da: {  	[tilespmem:$0x1F620] =	vst v0;
	v0 =	vsub.f32 v53, v44;
	_ =	sdelay $0x1  }
0x4db: {  	[tilespmem:$0x1F640] =	vst v0;
	v0 =	vld [tilespmem:$0x1F710];
	_ =	sdelay $0x4  }
0x4dc: {  	v25 =	vsub.f32 v0, v58;
	v0 =	vld [tilespmem:$0x1F720];
	_ =	sdelay $0x4  }
0x4dd: {  	v26 =	vsub.f32 v0, v58;
	v0 =	vld [tilespmem:$0x1F730];
	_ =	sdelay $0x4  }
0x4de: {  	v27 =	vsub.f32 v0, v58;
	v0 =	vld [tilespmem:$0x1F740];
	_ =	sdelay $0x2  }
0x4df: {  	v6 =	vld [tilespmem:s4+$0x70]  }
0x4e0: {  	[tilespmem:s18+$0xFFFFFF80] =	vst v12;
	v12 =	vld [tilespmem:$0x1F700]  }
0x4e1: {  	v28 =	vsub.f32 v0, v58;
	v0 =	vld [tilespmem:$0x1F750]  }
0x4e2: {  	v18 =	vld [tilespmem:$0x1F760];
	v21 =	vbroadcast v11, $0x0  }
0x4e3: {  	v31 =	vld [tilespmem:s4+$0xE0];
	v62 =	vsub.f32 v37, v22  }
0x4e4: {  	v32 =	vld [tilespmem:s4+$0xD0];
	v57 =	vsub.f32 v41, v22;
	v37 =	vsub.f32 v50, v22;
	v47 =	vmul.f32 v21, v55  }
0x4e5: {  	[tilespmem:s18+$0xFFFFFF70] =	vst v15;
	v15 =	vld [tilespmem:$0x1F6F0];
	v55 =	vsub.f32 v45, v22;
	v45 =	vmul.f32 v21, v52;
	v52 =	vsub.f32 v54, v22  }
0x4e6: {  	v46 =	vsub.f32 v12, v58;
	v50 =	vsub.s32 $0x5F3759DF, v30;
	v29 =	vsub.f32 v0, v58;
	v0 =	vld [tilespmem:$0x1F900]  }
0x4e7: {  	[tilespmem:s18+$0xFFFFFF90] =	vst v17;
	v17 =	vld [tilespmem:s4+$0x50];
	v12 =	vsub.f32 v35, v22;
	v35 =	vsub.f32 v39, v22;
	v22 =	vmul.f32 v50, v51  }
0x4e8: {  	[tilespmem:s18+$0xFFFFFFA0] =	vst v13;
	v13 =	vld [tilespmem:$0x1FEC0]  }
0x4e9: {  	v59 =	vbroadcast v11, $0x8;
	v11 =	vld [tilespmem:$0x1FEE0];
	v54 =	vmul.f32 v50, v22  }
0x4ea: {  	v19 =	vsub.f32 v18, v58;
	v18 =	vld [tilespmem:s4+$0xF0]  }
0x4eb: {  	v40 =	vmul.f32 v21, v4;
	v36 =	vsub.f32 $1.500000000e+00, v54;
	v4 =	vmul.f32 v21, v0;
	v0 =	vld [tilespmem:$0x1FF50]  }
0x4ec: {  	v24 =	vsub.f32 v15, v58;
	v15 =	vld [tilespmem:s4+$0x60];
	v19 =	vmul.f32 v59, v19  }
0x4ed: {  	v39 =	vld [tilespmem:s4+$0xC0];
	v36 =	vmul.f32 v50, v36  }
0x4ee: {  	v20 =	vmul.f32 v19, v11;
	v44 =	vld [tilespmem:$0x1FE70]  }
0x4ef: {  	v19 =	vld [tilespmem:s4+$0x40];
	v50 =	vmul.f32 v36, v51  }
0x4f0: {  	[tilespmem:s18+$0xFFFFFFB0] =	vst v14;
	v23 =	vadd.f32 v20, v63;
	v2 =	vadd.f32 v2, v0;
	v0 =	vld [tilespmem:$0x1FEF0]  }
0x4f1: {  	[tilespmem:s18+$0xFFFFFFC0] =	vst v16;
	s18 =	sadd.s32 $0x200, s18;
	v11 =	vld [tilespmem:$0x1FF40];
	v58 =	vmul.f32 v50, v36  }
0x4f2: {  	v20 =	vld [tilespmem:s4+$0x30];
	[tilespmem:s18+$0xF0] =	vst v23  }
0x4f3: {  	v1 =	vadd.f32 v1, v63;
	v63 =	vmul.f32 v47, v44;
	[tilespmem:s1+$0xFFFFFFE0] =	vst v2;
	v2 =	vsub.f32 $1.500000000e+00, v58;
	v58 =	vld [tilespmem:$0x1FE80]  }
0x4f4: {  	v41 =	vld [tilespmem:s4+$0xB0]  }
0x4f5: {  	v36 =	vmul.f32 v2, v36;
	v2 =	vadd.f32 v63, v0;
	v0 =	vld [tilespmem:$0x1FF00]  }
0x4f6: {  	v30 =	vld [tilespmem:s4+$0x20]  }
0x4f7: {  	s7 =	rddreg [dreg:$0xc];
	s14 =	sadd.s32 $0x4, s14;
	v34 =	vmul.f32 v21, v10;
	v10 =	vld [tilespmem:s4+$0xA0]  }
0x4f8: {  	s17 =	rddreg [dreg:$0xd];
	s7 =	sadd.s32 s14, s7;
	[tilespmem:s1+$0xFFFFFFF0] =	vst v1;
	v33 =	vld [tilespmem:s4+$0x0];
	v1 =	vmul.f32 v45, v58  }
0x4f9: {  	s29 =	rddreg [dreg:$0x11];
	s6 =	sadd.s32 $0x200, s6;
	p1 =	sgt.u32 s7, $0xC7;
	v8 =	vld [tilespmem:s4+$0x10]  }
0x4fa: {  	s13 =	sadd.s32 $0x4, s13;
	s28 =	sadd.s32 s6, s17;
	s29 =	simm.s32 @!p1 $0x2980;
	v1 =	vadd.f32 v1, v0;
	v0 =	vld [tilespmem:$0x1FF10]  }
0x4fb: {  	s16 =	sadd.s32 s29, s28;
	v56 =	vld [tilespmem:s13+$0x1]  }
0x4fc: {  	v54 =	vld [tilespmem:s16+$0x10]  }
0x4fd: {  	v34 =	vmul.f32 v34, v49;
	v38 =	vld [tilespmem:s13+$0x0]  }
0x4fe: {  	v42 =	vld [tilespmem:s16+$0x40]  }
0x4ff: {  	v3 =	vadd.f32 v3, v11;
	v34 =	vadd.f32 v34, v0;
	v0 =	vld [tilespmem:$0x1FEE0]  }
0x500: {  	v53 =	vld [tilespmem:s16+$0x70]  }
0x501: {  	[tilespmem:s1+$0xFFFFFFD0] =	vst v3;
	v3 =	vld [tilespmem:s16+$0x60]  }
0x502: {  	v5 =	vmul.f32 v21, v5;
	v48 =	vld [tilespmem:s4+$0x80];
	(v2sf) =	vpush v38, $0x0  }
0x503: {  	v38 =	vmul.f32 v59, v46;
	v46 =	vld [tilespmem:s16+$0x0];
	(v2sf) =	vpush v56, $0x0  }
0x504: {  	s17 =	sadd.s32 $0xFFFFFFFD, s7;
	v24 =	vmul.f32 v59, v24;
	v47 =	vld [tilespmem:s16+$0x30];
	v0 =	vmul.f32 v5, v0  }
0x505: {  	s2 =	rddreg [dreg:$0xe];
	s31 =	sadd.s32 $0xFFFFFFFE, s7;
	p2 =	sgt.u32 s17, $0xC7;
	v23 =	vadd.f32 v53, v18;
	v18 =	vadd.f32 v42, v39;
	v39 =	vld [tilespmem:$0x1FFC0]  }
0x506: {  	s7 =	sadd.s32 $0xFFFFFFFF, s7;
	p3 =	sgt.u32 s31, $0xC7;
	s2 =	simm.s32 @!p2 $0x2800;
	v9 =	vmul.f32 v21, v9;
	v50 =	vld [tilespmem:s16+$0x50];
	[tilespmem:$0x1F610] =	vst v0;
	v0 =	vmul.f32 v24, v44  }
0x507: {  	p2 =	sgt.u32 s7, $0xC7;
	v7 =	vmul.f32 v21, v7;
	s31 =	sadd.s32 s2, s28;
	s2 =	rddreg [dreg:$0x10];
	v21 =	vld [tilespmem:s4+$0x90]  }
0x508: {  	s2 =	simm.s32 @!p2 $0x2900;
	v9 =	vmul.f32 v9, v60;
	v40 =	vmul.f32 v40, v61;
	[tilespmem:$0x1F650] =	vst v0;
	v0 =	vld [tilespmem:$0x1FF30]  }
0x509: {  	s2 =	sadd.s32 s2, s28;
	v25 =	vmul.f32 v59, v25;
	v26 =	vmul.f32 v59, v26;
	v45 =	vld [tilespmem:s16+$0x20];
	[tilespmem:s18+$0x0] =	vst v2  }
0x50a: {  	v27 =	vmul.f32 v59, v27;
	v51 =	vmul.f32 v36, v51;
	v56 =	vld [tilespmem:s2+$0x70]  }
0x50b: {  	v9 =	vadd.f32 v9, v43;
	v28 =	vmul.f32 v59, v28;
	v29 =	vmul.f32 v59, v29;
	v59 =	vld [tilespmem:$0x1FED0];
	[tilespmem:s18+$0x10] =	vst v1  }
0x50c: {  	v43 =	vmul.f32 v51, v36;
	v5 =	vld [tilespmem:s2+$0x60];
	[tilespmem:s18+$0x20] =	vst v34  }
0x50d: {  	v7 =	vmul.f32 v7, v13;
	v63 =	vld [tilespmem:s2+$0x50];
	[tilespmem:s18+$0x30] =	vst v9;
	v51 =	vadd.f32 v40, v0;
	v0 =	vmul.f32 v38, v58  }
0x50e: {  	v9 =	vld [tilespmem:s2+$0x40];
	v24 =	vsub.f32 $1.500000000e+00, v43  }
0x50f: {  	v7 =	vadd.f32 v7, v11;
	v43 =	vadd.f32 v56, v6;
	v6 =	vld [tilespmem:$0x1FFE0];
	[tilespmem:$0x1F680] =	vst v0  }
0x510: {  	s9 =	rddreg [dreg:$0xf];
	v34 =	vadd.f32 v3, v31;
	v3 =	vmul.f32 v24, v36;
	v36 =	vld [tilespmem:s13+$0xFFFFFFFE];
	v0 =	vmul.f32 v25, v49;
	[tilespmem:s18+$0x40] =	vst v51  }
0x511: {  	s9 =	simm.s32 @!p3 $0x2880;
	s17 =	spop (v2sf);
	v25 =	vld [tilespmem:s2+$0x30];
	[tilespmem:s18+$0x50] =	vst v7  }
0x512: {  	s29 =	sadd.s32 s9, s28;
	s28 =	spop (v2sf);
	v17 =	vadd.f32 v63, v17;
	v63 =	vld [tilespmem:$0x1FFB0];
	[tilespmem:$0x1F690] =	vst v0;
	v0 =	vmul.f32 v26, v60  }
0x513: {  	s7 =	scvt.s32.f32 s28;
	v7 =	vld [tilespmem:s2+$0x0]  }
0x514: {  	v21 =	vadd.f32 v54, v21;
	v53 =	vld [tilespmem:s2+$0x10];
	[tilespmem:$0x1F6B0] =	vst v0;
	v0 =	vmul.f32 v27, v61  }
0x515: {  	v54 =	vmul.f32 s7, v39;
	v31 =	vadd.f32 v46, v48;
	v27 =	vadd.f32 v47, v41;
	v47 =	vld [tilespmem:s2+$0x20]  }
0x516: {  	v15 =	vadd.f32 v5, v15;
	[tilespmem:$0x1F6C0] =	vst v0;
	v0 =	vmul.f32 v28, v13;
	v28 =	vadd.f32 v50, v32;
	v32 =	vld [tilespmem:$0x1FFD0]  }
0x517: {  	v19 =	vadd.f32 v9, v19;
	(v2sf) =	vpush v36, $0x0;
	v56 =	vmul.f32 s7, v63;
	s2 =	scvt.s32.f32 s17  }
0x518: {  	v42 =	vld [tilespmem:s4+$0xFFFFFF00];
	v26 =	vadd.f32 v45, v10;
	v10 =	vbroadcast v3, $0x0;
	v60 =	vadd.f32 v54, v21  }
0x519: {  	v46 =	vld [tilespmem:s4+$0xFFFFFF80];
	v50 =	vmul.f32 s2, v39;
	v8 =	vadd.f32 v53, v8;
	v53 =	vmul.f32 s7, v6  }
0x51a: {  	v38 =	vld [tilespmem:s31+$0x0];
	v5 =	vadd.f32 v7, v33;
	v7 =	vmul.f32 s2, v6;
	[tilespmem:$0x1F6D0] =	vst v0;
	v0 =	vmul.f32 v29, v59  }
0x51b: {  	v51 =	vadd.f32 v47, v30;
	v61 =	vadd.f32 v53, v31;
	v30 =	vld [tilespmem:$0x1FFA0];
	v53 =	vmul.f32 s7, v32  }
0x51c: {  	v24 =	vld [tilespmem:s4+$0xFFFFFF20];
	v2 =	vadd.f32 v26, v56;
	v9 =	vmul.f32 s2, v63;
	v13 =	vadd.f32 v7, v5  }
0x51d: {  	v16 =	vadd.f32 v50, v8;
	[tilespmem:$0x1F6E0] =	vst v0;
	v0 =	vmul.f32 v10, v12;
	v1 =	vadd.f32 v27, v53;
	v27 =	vld [tilespmem:$0x1FF70]  }
0x51e: {  	v36 =	vld [tilespmem:s4+$0xFFFFFF40];
	v12 =	vadd.f32 v25, v20;
	v40 =	vmul.f32 s2, v32;
	v14 =	vadd.f32 v51, v9  }
0x51f: {  	v49 =	vld [tilespmem:s13+$0xFFFFFFFF];
	v54 =	vadd.f32 v16, v13;
	v56 =	vadd.f32 v60, v61  }
0x520: {  	v38 =	vadd.f32 v38, v42;
	v7 =	vld [tilespmem:$0x1FF80];
	v9 =	vadd.f32 v12, v40;
	v31 =	vmul.f32 s7, v30  }
0x521: {  	v11 =	vbroadcast v3, $0x8;
	v21 =	vld [tilespmem:s4+$0xFFFFFF10];
	v47 =	vadd.f32 v14, v54;
	v48 =	vadd.f32 v2, v56  }
0x522: {  	v45 =	vld [tilespmem:s31+$0x20];
	v29 =	vmul.f32 s2, v30;
	v3 =	vadd.f32 v18, v31;
	v18 =	vmul.f32 s7, v27  }
0x523: {  	v42 =	vld [tilespmem:s29+$0x40];
	v25 =	vadd.f32 v9, v47;
	v26 =	vadd.f32 v1, v48;
	v40 =	vmul.f32 s2, v27  }
0x524: {  	v22 =	vmul.f32 v4, v59;
	v12 =	vadd.f32 v19, v29;
	v4 =	vadd.f32 v28, v18;
	v28 =	vld [tilespmem:$0x1FF90]  }
0x525: {  	v41 =	vld [tilespmem:s29+$0x10];
	v19 =	vmul.f32 s2, v7;
	v17 =	vadd.f32 v17, v40;
	v40 =	vmul.f32 s7, v7  }
0x526: {  	v33 =	vld [tilespmem:s29+$0x0];
	v8 =	vmul.f32 v10, v35;
	[tilespmem:$0x1F630] =	vst v0;
	v0 =	vadd.f32 v12, v25;
	v47 =	vadd.f32 v3, v26  }
0x527: {  	v50 =	vld [tilespmem:s4+$0xFFFFFF90];
	v5 =	vmul.f32 v10, v62;
	v18 =	vadd.f32 v15, v19;
	v40 =	vadd.f32 v34, v40  }
0x528: {  	v20 =	vld [tilespmem:s31+$0x10];
	[tilespmem:$0x1F670] =	vst v8;
	v8 =	vmul.f32 v10, v37;
	v0 =	vadd.f32 v17, v0;
	v47 =	vadd.f32 v4, v47  }
0x529: {  	(v2sf) =	vpush v49, $0x0;
	v37 =	vld [tilespmem:s4+$0xFFFFFFC0];
	v56 =	vmul.f32 s2, v28;
	v15 =	vmul.f32 s7, v28  }
0x52a: {  	v29 =	vld [tilespmem:$0x1FFF0];
	v0 =	vadd.f32 v18, v0;
	v47 =	vadd.f32 v40, v47  }
0x52b: {  	v49 =	vld [tilespmem:s29+$0x50];
	[tilespmem:$0x1F660] =	vst v5;
	v19 =	vadd.f32 v43, v56;
	v5 =	vadd.f32 v23, v15  }
0x52c: {  	v24 =	vadd.f32 v45, v24;
	v51 =	vld [tilespmem:s31+$0x30];
	v62 =	vmul.f32 v16, v16;
	v33 =	vadd.f32 v33, v46  }
0x52d: {  	[tilespmem:$0x1F700] =	vst v60;
	v60 =	vmul.f32 v60, v60;
	v53 =	vld [tilespmem:s29+$0x20];
	v0 =	vadd.f32 v19, v0;
	v47 =	vadd.f32 v5, v47  }
0x52e: {  	v54 =	vld [tilespmem:s4+$0xFFFFFFA0];
	v41 =	vadd.f32 v41, v50;
	v48 =	vmul.f32 v13, v13;
	v42 =	vadd.f32 v42, v37  }
0x52f: {  	v31 =	vld [tilespmem:s29+$0x30];
	v26 =	vadd.f32 v20, v21;
	v21 =	vperm.xlane v0, v29;
	v43 =	vperm.xlane v47, v29  }
0x530: {  	v48 =	vadd.f32 v62, v48;
	v25 =	vld [tilespmem:s4+$0xFFFFFFB0];
	v15 =	vmul.f32 v10, v57;
	v56 =	vmul.f32 v61, v61  }
0x531: {  	v34 =	vld [tilespmem:s4+$0xFFFFFF30];
	v57 =	vmul.f32 v14, v14;
	v0 =	vadd.f32 v21, v0;
	v21 =	vadd.f32 v47, v43  }
0x532: {  	v35 =	vld [tilespmem:s31+$0x40];
	v23 =	vmul.f32 v10, v55;
	v46 =	vadd.f32 v60, v56;
	v47 =	vmul.f32 v2, v2  }
0x533: {  	s15 =	sadd.s32 $0x80, s15;
	s28 =	sshra.s32 s6, $0x2;
	v20 =	vld [tilespmem:s31+$0x50];
	v55 =	vmul.f32 v9, v9;
	v56 =	vadd.f32 v57, v48;
	v0 =	vsel vm0, v0, v21  }
0x534: {  	s9 =	sor.u32 $0x44, s15;
	v54 =	vadd.f32 v53, v54;
	v53 =	vld [tilespmem:s29+$0x70];
	v21 =	vadd.f32 v47, v46;
	v46 =	vmul.f32 v1, v1;
	[tilespmem:s28+$0x10840] =	vst v0  }
0x535: {  	s16 =	spop (v2sf);
	v31 =	vadd.f32 v31, v25;
	v57 =	vmul.f32 v12, v12;
	v45 =	vadd.f32 v55, v56;
	v50 =	vld [tilespmem:s9+$0x10800]  }
0x536: {  	v51 =	vadd.f32 v51, v34;
	v48 =	vld [tilespmem:s29+$0x60];
	s29 =	scvt.s32.f32 s16;
	v21 =	vadd.f32 v46, v21;
	v46 =	vmul.f32 v3, v3  }
0x537: {  	[tilespmem:$0x1F6F0] =	vst v61;
	v61 =	vld [tilespmem:s4+$0xFFFFFF50];
	v55 =	vmul.f32 v40, v40;
	v34 =	vadd.f32 v57, v45;
	v45 =	vmul.f32 v17, v17  }
0x538: {  	v62 =	vld [tilespmem:s4+$0xFFFFFF60];
	[tilespmem:$0x1F750] =	vst v40;
	v40 =	vmul.f32 s29, v6;
	v57 =	vmul.f32 v4, v4;
	v21 =	vadd.f32 v46, v21  }
0x539: {  	[tilespmem:$0x1F730] =	vst v3;
	v60 =	vld [tilespmem:s31+$0x60];
	v34 =	vadd.f32 v45, v34;
	v3 =	vadd.f32 v35, v36;
	v35 =	vmul.f32 v18, v18  }
0x53a: {  	[tilespmem:$0x1F710] =	vst v2;
	v56 =	vld [tilespmem:s31+$0x70];
	v25 =	vadd.f32 v57, v21;
	v0 =	vadd.f32 v0, v50  }
0x53b: {  	[tilespmem:$0x1F6A0] =	vst v8;
	v43 =	vld [tilespmem:s4+$0xFFFFFFD0];
	v8 =	vadd.f32 v40, v38;
	v34 =	vadd.f32 v35, v34;
	v57 =	vmul.f32 v19, v19  }
0x53c: {  	s17 =	sor.u32 $0x42, s15;
	s31 =	spop (v2sf);
	v2 =	vld [tilespmem:s4+$0xFFFFFFE0];
	v47 =	vadd.f32 v20, v61;
	v61 =	vmul.f32 v5, v5;
	v25 =	vadd.f32 v55, v25;
	[tilespmem:s28+$0x10840] =	vst v0  }
0x53d: {  	s31 =	scvt.s32.f32 s31;
	v20 =	vmul.f32 v10, v52;
	v52 =	vmul.f32 s29, v39;
	v34 =	vadd.f32 v57, v34;
	v36 =	vld [tilespmem:s17+$0x10800]  }
0x53e: {  	v60 =	vadd.f32 v60, v62;
	v25 =	vadd.f32 v61, v25  }
0x53f: {  	v39 =	vmul.f32 s31, v39;
	v37 =	vadd.f32 v52, v26;
	v57 =	vperm.xlane v34, v29  }
0x540: {  	v52 =	vmul.f32 v8, v8;
	v43 =	vadd.f32 v49, v43;
	v21 =	vld [tilespmem:s4+$0xFFFFFFF0];
	v55 =	vperm.xlane v25, v29  }
0x541: {  	v2 =	vadd.f32 v48, v2;
	v35 =	vmul.f32 s31, v6;
	v57 =	vadd.f32 v57, v34  }
0x542: {  	v49 =	vmul.f32 s29, v63;
	v25 =	vadd.f32 v55, v25;
	v0 =	vadd.f32 v36, v0  }
0x543: {  	v38 =	vadd.f32 v37, v8;
	v35 =	vadd.f32 v35, v33;
	v50 =	vmul.f32 s31, v63  }
0x544: {  	s2 =	sor.u32 $0x41, s15;
	s9 =	sor.u32 $0x60, s15;
	v33 =	vmul.f32 s29, v32;
	v34 =	vadd.f32 v39, v41;
	v25 =	vsel vm0, v57, v25;
	[tilespmem:s28+$0x10840] =	vst v0  }
0x545: {  	s16 =	sor.u32 $0x64, s15;
	v62 =	vmul.f32 v35, v35;
	v40 =	vadd.f32 v54, v50;
	v21 =	vadd.f32 v53, v21;
	v26 =	vld [tilespmem:s2+$0x10800];
	[tilespmem:s9+$0x10800] =	vst v25  }
0x546: {  	v39 =	vadd.f32 v24, v49;
	v55 =	vmul.f32 v37, v37;
	v45 =	vadd.f32 v34, v35;
	v49 =	vld [tilespmem:s16+$0x10800]  }
0x547: {  	v41 =	vadd.f32 v51, v33;
	v36 =	vmul.f32 s31, v32;
	v57 =	vmul.f32 v34, v34  }
0x548: {  	v32 =	vmul.f32 v39, v39;
	v50 =	vadd.f32 v55, v52;
	v45 =	vadd.f32 v40, v45  }
0x549: {  	[tilespmem:$0x1F720] =	vst v1;
	v1 =	vmul.f32 v40, v40;
	v36 =	vadd.f32 v31, v36;
	v61 =	vadd.f32 v57, v62  }
0x54a: {  	v33 =	vmul.f32 s29, v30;
	v57 =	vadd.f32 v39, v38;
	v50 =	vadd.f32 v32, v50  }
0x54b: {  	v38 =	vmul.f32 s31, v30;
	v30 =	vadd.f32 v36, v45;
	v25 =	vadd.f32 v49, v25  }
0x54c: {  	v31 =	vmul.f32 v36, v36;
	v45 =	vadd.f32 v3, v33;
	v33 =	vmul.f32 s31, v27  }
0x54d: {  	s17 =	sor.u32 $0x62, s15;
	v54 =	vadd.f32 v41, v57;
	v57 =	vmul.f32 v41, v41;
	v1 =	vadd.f32 v1, v61;
	[tilespmem:s9+$0x10800] =	vst v25  }
0x54e: {  	v32 =	vmul.f32 s29, v27;
	v38 =	vadd.f32 v42, v38;
	v42 =	vadd.f32 v43, v33;
	v61 =	vld [tilespmem:s17+$0x10800]  }
0x54f: {  	v46 =	vld [tilespmem:s4+$0xFFFFFF70];
	v55 =	vmul.f32 s29, v28;
	v51 =	vadd.f32 v57, v50;
	v1 =	vadd.f32 v31, v1  }
0x550: {  	v3 =	vld [tilespmem:$0x1F5A0];
	v54 =	vadd.f32 v45, v54;
	v57 =	vmul.f32 v45, v45;
	v50 =	vadd.f32 v47, v32  }
0x551: {  	v31 =	vmul.f32 s29, v7;
	v32 =	vmul.f32 s31, v7;
	v0 =	vadd.f32 v26, v0  }
0x552: {  	v27 =	vmul.f32 v42, v42;
	v49 =	vadd.f32 v38, v30;
	v33 =	vadd.f32 v50, v54  }
0x553: {  	v30 =	vmul.f32 v38, v38;
	v51 =	vadd.f32 v57, v51;
	v25 =	vadd.f32 v61, v25  }
0x554: {  	v62 =	vmul.f32 v50, v50;
	v54 =	vadd.f32 v60, v31;
	v57 =	vadd.f32 v56, v46  }
0x555: {  	v48 =	vadd.f32 v2, v32;
	v2 =	vmul.f32 s31, v28;
	s31 =	sor.u32 $0x61, s15;
	v24 =	vmul.f32 v10, v3;
	v3 =	vld [tilespmem:$0x1F5C0];
	[tilespmem:s9+$0x10800] =	vst v25  }
0x556: {  	v1 =	vadd.f32 v30, v1;
	v30 =	vadd.f32 v54, v33;
	v31 =	vmul.f32 v54, v54;
	v60 =	vld [tilespmem:s31+$0x10800]  }
0x557: {  	v51 =	vadd.f32 v62, v51;
	v56 =	vadd.f32 v57, v55;
	v57 =	vmul.f32 $7.812500000e-03, v0  }
0x558: {  	v49 =	vadd.f32 v42, v49;
	v32 =	vmul.f32 v48, v48;
	v53 =	vadd.f32 v21, v2  }
0x559: {  	v10 =	vadd.f32 v56, v30;
	v21 =	vadd.f32 v31, v51;
	v30 =	vld [tilespmem:$0x1FF50];
	v31 =	vbroadcast v57, $0x0  }
0x55a: {  	v49 =	vadd.f32 v48, v49;
	v1 =	vadd.f32 v27, v1;
	v47 =	vmul.f32 v56, v56  }
0x55b: {  	v27 =	vmul.f32 v11, v3;
	v3 =	vsub.f32 v18, v31;
	v25 =	vadd.f32 v60, v25  }
0x55c: {  	v0 =	vadd.f32 v47, v21;
	v1 =	vadd.f32 v32, v1;
	v21 =	vmul.f32 v53, v53  }
0x55d: {  	v55 =	vmul.f32 v57, v57;
	v52 =	vadd.f32 v53, v49;
	[tilespmem:$0x1F900] =	vst v3;
	v3 =	vld [tilespmem:$0x1F5D0];
	v25 =	vmul.f32 $7.812500000e-03, v25  }
0x55e: {  	[tilespmem:$0x1F740] =	vst v4;
	v1 =	vadd.f32 v21, v1;
	v21 =	vperm.xlane v10, v29;
	v4 =	vadd.f32 v22, v30  }
0x55f: {  	v7 =	vsub.f32 v17, v31;
	v62 =	vperm.xlane v52, v29;
	v25 =	vsub.f32 v25, v55  }
0x560: {  	v63 =	vperm.xlane v0, v29;
	[tilespmem:s18+$0x60] =	vst v4;
	v4 =	vadd.f32 v21, v10;
	v21 =	vperm.xlane v1, v29  }
0x561: {  	v10 =	vadd.f32 v52, v62;
	v25 =	vadd.f32 $9.999999960e-13, v25  }
0x562: {  	v0 =	vadd.f32 v63, v0;
	v1 =	vadd.f32 v21, v1;
	v17 =	vmul.f32 v11, v3;
	v3 =	vld [tilespmem:$0x1F5E0]  }
0x563: {  	v43 =	vsel vm0, v4, v10;
	v4 =	vshrl.u32 v25, $0x1;
	v21 =	vmul.f32 $5.000000000e-01, v25  }
0x564: {  	v0 =	vsel vm0, v0, v1;
	v1 =	vsub.s32 $0x5F3759DF, v4  }
0x565: {  	[tilespmem:$0x1F760] =	vst v5;
	v5 =	vmul.f32 v1, v21;
	_ =	sdelay $0x1  }
0x566: {  	v18 =	vmul.f32 v1, v5;
	v5 =	vsub.f32 v19, v31;
	v19 =	vmul.f32 v11, v3;
	v3 =	vld [tilespmem:$0x1F5F0];
	_ =	sdelay $0x4  }
0x567: {  	v26 =	vmul.f32 v11, v3;
	v3 =	vld [tilespmem:$0x1F600];
	_ =	sdelay $0x3  }
0x568: {  	v33 =	vld [tilespmem:$0x1FF60]  }
0x569: {  	v46 =	vmul.f32 v11, v3;
	v3 =	vld [tilespmem:$0x1F610];
	_ =	sdelay $0x2  }
0x56a: {  	[tilespmem:s28+$0x10800] =	vst v43  }
0x56b: {  	v32 =	vld [tilespmem:s28+$0x10804]  }
0x56c: {  	v22 =	vadd.f32 v3, v33;
	v3 =	vld [tilespmem:$0x1F620];
	_ =	sdelay $0x4  }
0x56d: {  	v25 =	vadd.f32 v43, v32;
	v43 =	vmul.f32 v11, v3;
	v3 =	vld [tilespmem:$0x1F630];
	_ =	sdelay $0x4  }
0x56e: {  	v6 =	vmul.f32 v3, v44;
	v3 =	vld [tilespmem:$0x1F640];
	_ =	sdelay $0x1  }
0x56f: {  	v28 =	vld [tilespmem:$0x1FEE0]  }
0x570: {  	v2 =	vld [tilespmem:$0x1F5B0]  }
0x571: {  	v32 =	vld [tilespmem:$0x1FEF0]  }
0x572: {  	v47 =	vmul.f32 v11, v3;
	v3 =	vld [tilespmem:$0x1F650]  }
0x573: {  	v51 =	vld [tilespmem:$0x1F6B0]  }
0x574: {  	v49 =	vld [tilespmem:$0x1FE90]  }
0x575: {  	v61 =	vld [tilespmem:$0x1FEB0]  }
0x576: {  	v9 =	vsub.f32 v9, v31;
	v63 =	vld [tilespmem:$0x1FEC0];
	v52 =	vsub.f32 v16, v31;
	[tilespmem:s28+$0x10820] =	vst v0  }
0x577: {  	v4 =	vsub.f32 v12, v31;
	v12 =	vld [tilespmem:s28+$0x10824];
	v3 =	vadd.f32 v3, v32  }
0x578: {  	v10 =	vsub.f32 v14, v31;
	v55 =	vsub.f32 v13, v31;
	v31 =	vld [tilespmem:$0x1FF00]  }
0x579: {  	[tilespmem:s18+$0x80] =	vst v3;
	v3 =	vld [tilespmem:$0x1F680]  }
0x57a: {  	v2 =	vmul.f32 v11, v2;
	v11 =	vld [tilespmem:$0x1F660]  }
0x57b: {  	v62 =	vld [tilespmem:$0x1FF10]  }
0x57c: {  	v16 =	vld [tilespmem:$0x1F690]  }
0x57d: {  	v60 =	vld [tilespmem:$0x1FEA0]  }
0x57e: {  	v44 =	vmul.f32 v2, v44;
	v2 =	vld [tilespmem:$0x1F6D0];
	v3 =	vadd.f32 v3, v31  }
0x57f: {  	v27 =	vmul.f32 v27, v58;
	[tilespmem:s28+$0x10800] =	vst v25;
	v0 =	vadd.f32 v12, v0;
	v11 =	vmul.f32 v11, v58;
	v58 =	vld [tilespmem:$0x1FF40]  }
0x580: {  	[tilespmem:s18+$0x90] =	vst v3;
	v3 =	vld [tilespmem:$0x1FF20]  }
0x581: {  	v13 =	vld [tilespmem:$0x1F670];
	[tilespmem:s28+$0x10820] =	vst v0  }
0x582: {  	v18 =	vsub.f32 $1.500000000e+00, v18;
	v12 =	vld [tilespmem:s28+$0x10802];
	[tilespmem:s18+$0x70] =	vst v22;
	v22 =	vadd.f32 v16, v62  }
0x583: {  	v14 =	vmul.f32 v23, v61;
	v23 =	vld [tilespmem:s28+$0x10822]  }
0x584: {  	v1 =	vmul.f32 v1, v18;
	[tilespmem:s18+$0xA0] =	vst v22;
	v22 =	vld [tilespmem:$0x1F6C0]  }
0x585: {  	v2 =	vadd.f32 v2, v58;
	v3 =	vadd.f32 v51, v3;
	v51 =	vld [tilespmem:$0x1FF30]  }
0x586: {  	v18 =	vmul.f32 v1, v21;
	v16 =	vld [tilespmem:$0x1F6A0]  }
0x587: {  	v25 =	vadd.f32 v12, v25;
	[tilespmem:s18+$0xD0] =	vst v2;
	v2 =	vld [tilespmem:$0x1F6E0]  }
0x588: {  	v20 =	vmul.f32 v20, v59;
	v18 =	vmul.f32 v18, v1  }
0x589: {  	v24 =	vmul.f32 v24, v28;
	v15 =	vmul.f32 v15, v60;
	[tilespmem:s28+$0x10800] =	vst v25;
	v0 =	vadd.f32 v23, v0  }
0x58a: {  	v13 =	vmul.f32 v13, v49;
	[tilespmem:s18+$0xB0] =	vst v3;
	v3 =	vsub.f32 $1.500000000e+00, v18;
	v22 =	vadd.f32 v22, v51  }
0x58b: {  	[tilespmem:s28+$0x10820] =	vst v0;
	v16 =	vmul.f32 v16, v63;
	v6 =	vadd.f32 v6, v32;
	v18 =	vmul.f32 v17, v49;
	v17 =	vld [tilespmem:s28+$0x10801]  }
0x58c: {  	v12 =	vadd.f32 v2, v30;
	v23 =	vmul.f32 v3, v1;
	[tilespmem:s18+$0xC0] =	vst v22;
	v22 =	vmul.f32 v19, v60;
	v19 =	vld [tilespmem:s28+$0x10821]  }
0x58d: {  	v13 =	vadd.f32 v13, v62;
	v26 =	vmul.f32 v26, v61;
	v11 =	vadd.f32 v11, v31;
	[tilespmem:s18+$0xFFFFFF00] =	vst v6;
	v6 =	vld [tilespmem:$0x1FF20]  }
0x58e: {  	s3 =	sadd.s32 $0x2, s3;
	v16 =	vadd.f32 v16, v58;
	v2 =	vmul.f32 v43, v59;
	v43 =	vld [tilespmem:$0x1FF20];
	[tilespmem:s18+$0xE0] =	vst v12;
	v12 =	vmul.f32 v23, v21  }
0x58f: {  	p1 =	slt.u32 s3, $0x26;
	v1 =	vmul.f32 v47, v28;
	v47 =	vadd.f32 v20, v30;
	v14 =	vadd.f32 v14, v51;
	[tilespmem:s18+$0xFFFFFF10] =	vst v11  }
.Ltmp4:
0x590: {  	[tilespmem:s18+$0xFFFFFF20] =	vst v13;
	v20 =	vadd.f32 v17, v25;
	v17 =	vadd.f32 v27, v31;
	v21 =	vmul.f32 v12, v23;
	(pc) =	sbr.rel @p1 .LBB2_7-.Ltmp4, $4  }
0x591: {  	v3 =	vmul.f32 v46, v63;
	v13 =	vadd.f32 v18, v62;
	[tilespmem:s18+$0xFFFFFF50] =	vst v16;
	v16 =	vadd.f32 v26, v51  }
0x592: {  	v58 =	vbroadcast v57, $0x8;
	v63 =	vmovc v33;
	v33 =	vmovc v35;
	[tilespmem:s18+$0xFFFFFF40] =	vst v14;
	v11 =	vsub.f32 $1.500000000e+00, v21;
	v6 =	vadd.f32 v15, v6  }
0x593: {  	v35 =	vmovc v8;
	[tilespmem:s18+$0xFFFFFF60] =	vst v47;
	v12 =	vadd.f32 v44, v32;
	v20 =	vmul.f32 $7.812500000e-03, v20;
	v14 =	vadd.f32 v22, v43  }
0x594: {  	s1 =	smov.u32 s18;
	s4 =	sadd.s32 $0x200, s4;
	v15 =	vadd.f32 v24, v63;
	v19 =	vadd.f32 v19, v0;
	v11 =	vmul.f32 v11, v23;
	[tilespmem:s18+$0xFFFFFF30] =	vst v6  }
0x595: {  	v24 =	vld [tilespmem:$0x1FF90]  }
0x596: {  	v25 =	vld [tilespmem:$0x1FF80]  }
0x597: {  	v26 =	vld [tilespmem:$0x1FF70]  }
0x598: {  	v27 =	vld [tilespmem:$0x1FFA0]  }
0x599: {  	v62 =	vld [tilespmem:$0x1FFD0]  }
0x59a: {  	v6 =	vmul.f32 v20, v20;
	v32 =	vld [tilespmem:$0x1F760];
	v0 =	vmul.f32 $7.812500000e-03, v19  }
0x59b: {  	v59 =	vld [tilespmem:$0x1FFB0]  }
0x59c: {  	v57 =	vld [tilespmem:$0x1FFC0];
	v18 =	vbroadcast v20, $0x0;
	v0 =	vsub.f32 v0, v6  }
0x59d: {  	v44 =	vld [tilespmem:$0x1FFE0]  }
0x59e: {  	v51 =	vld [tilespmem:$0x1F700];
	v46 =	vsub.f32 v41, v18;
	v0 =	vadd.f32 $9.999999960e-13, v0  }
0x59f: {  	v41 =	vld [tilespmem:$0x1F6F0];
	v19 =	vsub.f32 v32, v58;
	v32 =	vsub.f32 v50, v18  }
0x5a0: {  	v50 =	vsub.f32 v54, v18;
	v54 =	vld [tilespmem:$0x1FEE0];
	[tilespmem:s18+$0xFFFFFF70] =	vst v15;
	v31 =	vshrl.u32 v0, $0x1;
	v0 =	vmul.f32 $5.000000000e-01, v0  }
0x5a1: {  	v22 =	vbroadcast v11, $0x8;
	[tilespmem:s18+$0xFFFFFF80] =	vst v12;
	v6 =	vsub.s32 $0x5F3759DF, v31  }
0x5a2: {  	v11 =	vbroadcast v11, $0x0;
	[tilespmem:s18+$0xFFFFFF90] =	vst v17;
	v21 =	vmul.f32 v6, v0  }
0x5a3: {  	v17 =	vld [tilespmem:$0x1F710];
	v19 =	vmul.f32 v22, v19  }
0x5a4: {  	v47 =	vsub.f32 v39, v18;
	v39 =	vmul.f32 v11, v52;
	v52 =	vld [tilespmem:$0x1F720];
	[tilespmem:s18+$0xFFFFFFA0] =	vst v13;
	v21 =	vmul.f32 v6, v21  }
0x5a5: {  	v13 =	vld [tilespmem:$0x1F730];
	v19 =	vmul.f32 v19, v54  }
0x5a6: {  	v20 =	vbroadcast v20, $0x8;
	v23 =	vsub.f32 v35, v18;
	v28 =	vld [tilespmem:$0x1F740];
	[tilespmem:s18+$0xFFFFFFB0] =	vst v14;
	v21 =	vsub.f32 $1.500000000e+00, v21  }
0x5a7: {  	v35 =	vsub.f32 v37, v18;
	v14 =	vld [tilespmem:$0x1F750];
	v19 =	vadd.f32 v19, v63  }
0x5a8: {  	s3 =	sadd.s32 $0x200, s18;
	v31 =	vsub.f32 v41, v58;
	v21 =	vmul.f32 v6, v21;
	v6 =	vsub.f32 v53, v20;
	v53 =	vld [tilespmem:$0x1F900];
	[tilespmem:s18+$0xFFFFFFC0] =	vst v16  }
0x5a9: {  	v45 =	vsub.f32 v45, v18;
	v15 =	vsub.f32 v42, v20;
	v42 =	vld [tilespmem:$0x1FF40];
	[tilespmem:s3+$0xF0] =	vst v19  }
0x5aa: {  	v18 =	vsub.f32 v56, v18;
	v56 =	vmul.f32 v11, v55;
	v55 =	vmul.f32 v22, v31;
	v31 =	vld [tilespmem:$0x1FF50];
	_ =	sdelay $0x1  }
0x5ab: {  	v41 =	vmul.f32 v11, v10;
	v10 =	vsub.f32 v48, v20;
	v48 =	vmul.f32 v21, v0;
	_ =	sdelay $0x1  }
0x5ac: {  	v12 =	vmul.f32 v48, v21;
	v3 =	vadd.f32 v3, v42  }
0x5ad: {  	v2 =	vadd.f32 v2, v31  }
0x5ae: {  	v48 =	vld [tilespmem:$0x1FE70];
	v12 =	vsub.f32 $1.500000000e+00, v12;
	[tilespmem:s1+$0xFFFFFFD0] =	vst v3  }
0x5af: {  	v37 =	vld [tilespmem:$0x1FE80];
	[tilespmem:s1+$0xFFFFFFE0] =	vst v2  }
0x5b0: {  	v12 =	vmul.f32 v12, v21;
	v21 =	vld [tilespmem:$0x1FEF0]  }
0x5b1: {  	v1 =	vadd.f32 v1, v63  }
0x5b2: {  	v33 =	vsub.f32 v33, v20;
	v34 =	vsub.f32 v34, v20  }
0x5b3: {  	v36 =	vsub.f32 v36, v20;
	v30 =	vsub.f32 v51, v58;
	v56 =	vmul.f32 v56, v48  }
0x5b4: {  	v51 =	vsub.f32 v40, v20;
	v40 =	vsub.f32 v38, v20  }
0x5b5: {  	v17 =	vsub.f32 v17, v58;
	v19 =	vadd.f32 v56, v21  }
0x5b6: {  	v9 =	vmul.f32 v11, v9;
	v13 =	vsub.f32 v13, v58;
	v20 =	vsub.f32 v52, v58;
	[tilespmem:s1+$0xFFFFFFF0] =	vst v1  }
0x5b7: {  	v28 =	vsub.f32 v28, v58;
	v14 =	vsub.f32 v14, v58;
	v29 =	vld [tilespmem:$0x1FF00];
	v58 =	vmul.f32 v39, v37;
	[tilespmem:s3+$0x0] =	vst v19  }
0x5b8: {  	v39 =	vmul.f32 v9, v60;
	v9 =	vmul.f32 v22, v20;
	v20 =	vld [tilespmem:$0x1FF10];
	_ =	sdelay $0x2  }
0x5b9: {  	v38 =	vmul.f32 v41, v49  }
0x5ba: {  	v8 =	vmul.f32 v11, v4;
	v3 =	vadd.f32 v58, v29  }
0x5bb: {  	v7 =	vmul.f32 v11, v7;
	v0 =	vmul.f32 v12, v0;
	v2 =	vadd.f32 v38, v20  }
0x5bc: {  	v5 =	vmul.f32 v11, v5;
	v8 =	vmul.f32 v8, v61;
	v19 =	vld [tilespmem:$0x1FEC0];
	[tilespmem:s3+$0x10] =	vst v3  }
0x5bd: {  	v0 =	vmul.f32 v0, v12;
	v3 =	vmul.f32 v22, v13;
	v13 =	vld [tilespmem:$0x1FED0];
	[tilespmem:s3+$0x20] =	vst v2  }
0x5be: {  	v5 =	vmul.f32 v5, v54;
	v16 =	vmul.f32 v22, v30;
	v30 =	vld [tilespmem:$0x1FF30]  }
0x5bf: {  	v17 =	vmul.f32 v22, v17;
	v4 =	vmul.f32 v11, v53;
	v0 =	vsub.f32 $1.500000000e+00, v0  }
0x5c0: {  	v53 =	vmul.f32 v22, v28;
	v55 =	vmul.f32 v55, v48  }
0x5c1: {  	v1 =	vadd.f32 v39, v43;
	v58 =	vmul.f32 v16, v37;
	v0 =	vmul.f32 v0, v12  }
0x5c2: {  	v16 =	vadd.f32 v5, v63;
	v22 =	vmul.f32 v22, v14;
	v3 =	vmul.f32 v3, v61  }
0x5c3: {  	v7 =	vmul.f32 v7, v19;
	v4 =	vmul.f32 v4, v13;
	[tilespmem:s3+$0x30] =	vst v1;
	v41 =	vadd.f32 v8, v30  }
0x5c4: {  	v39 =	vadd.f32 v55, v21;
	v38 =	vmul.f32 v17, v49;
	v53 =	vmul.f32 v53, v19;
	[tilespmem:s3+$0x70] =	vst v16  }
0x5c5: {  	v56 =	vadd.f32 v4, v31;
	[tilespmem:s3+$0x40] =	vst v41;
	v41 =	vmul.f32 v9, v60;
	v9 =	vbroadcast v0, $0x0  }
0x5c6: {  	v5 =	vmul.f32 v22, v13;
	v52 =	vadd.f32 v7, v42;
	[tilespmem:s3+$0x80] =	vst v39;
	v0 =	vbroadcast v0, $0x8  }
0x5c7: {  	v55 =	vadd.f32 v38, v20;
	[tilespmem:s3+$0x60] =	vst v56;
	v56 =	vmul.f32 v9, v23;
	v12 =	vmul.f32 v9, v35  }
0x5c8: {  	v17 =	vadd.f32 v53, v42;
	[tilespmem:s3+$0x50] =	vst v52;
	v16 =	vmul.f32 v9, v47;
	v22 =	vmul.f32 v9, v46  }
0x5c9: {  	v52 =	vadd.f32 v58, v29;
	[tilespmem:s3+$0xA0] =	vst v55;
	v35 =	vmul.f32 v9, v45;
	v39 =	vmul.f32 v9, v32  }
0x5ca: {  	[tilespmem:s3+$0xD0] =	vst v17;
	v14 =	vadd.f32 v3, v30;
	v45 =	vmul.f32 v9, v50;
	v46 =	vmul.f32 v9, v18  }
0x5cb: {  	[tilespmem:s3+$0x90] =	vst v52;
	v58 =	vadd.f32 v41, v43;
	v47 =	vmul.f32 v0, v33;
	v7 =	vmul.f32 v56, v48  }
0x5cc: {  	[tilespmem:s3+$0xC0] =	vst v14;
	v23 =	vadd.f32 v5, v31;
	v50 =	vmul.f32 v0, v34;
	v8 =	vmul.f32 v12, v37  }
0x5cd: {  	v52 =	vmul.f32 v0, v51;
	[tilespmem:s3+$0xB0] =	vst v58;
	v3 =	vmul.f32 v16, v49;
	v38 =	vadd.f32 v7, v21  }
0x5ce: {  	v53 =	vmul.f32 v0, v36;
	v4 =	vmul.f32 v22, v60;
	[tilespmem:s3+$0xE0] =	vst v23;
	v41 =	vadd.f32 v8, v29  }
0x5cf: {  	v55 =	vmul.f32 v0, v40;
	v5 =	vmul.f32 v35, v61;
	v3 =	vadd.f32 v3, v20;
	[tilespmem:s3+$0xFFFFFF00] =	vst v38  }
0x5d0: {  	v1 =	vmul.f32 v46, v54;
	v2 =	vmul.f32 v47, v48;
	v4 =	vadd.f32 v4, v43;
	[tilespmem:s3+$0xFFFFFF10] =	vst v41  }
0x5d1: {  	v56 =	vmul.f32 v0, v15;
	v58 =	vmul.f32 v0, v10;
	v5 =	vadd.f32 v5, v30;
	[tilespmem:s3+$0xFFFFFF20] =	vst v3  }
0x5d2: {  	v0 =	vmul.f32 v0, v6;
	v7 =	vmul.f32 v39, v19;
	v1 =	vadd.f32 v1, v63;
	[tilespmem:s3+$0xFFFFFF30] =	vst v4  }
0x5d3: {  	v8 =	vmul.f32 v45, v13;
	v2 =	vadd.f32 v2, v21;
	[tilespmem:s3+$0xFFFFFF40] =	vst v5  }
0x5d4: {  	v0 =	vmul.f32 v0, v54;
	v7 =	vadd.f32 v7, v42;
	[tilespmem:s3+$0xFFFFFF70] =	vst v1  }
0x5d5: {  	v8 =	vadd.f32 v8, v31;
	v3 =	vmul.f32 v50, v37;
	[tilespmem:s3+$0xFFFFFF80] =	vst v2  }
0x5d6: {  	v4 =	vmul.f32 v52, v49;
	v0 =	vadd.f32 v0, v63;
	[tilespmem:s3+$0xFFFFFF50] =	vst v7  }
0x5d7: {  	v5 =	vmul.f32 v53, v60;
	[tilespmem:s3+$0xFFFFFF60] =	vst v8;
	v3 =	vadd.f32 v3, v29  }
0x5d8: {  	v60 =	vmul.f32 v56, v19;
	v4 =	vadd.f32 v4, v20;
	[tilespmem:s3+$0xFFFFFFF0] =	vst v0  }
0x5d9: {  	v1 =	vmul.f32 v58, v13;
	v5 =	vadd.f32 v5, v43;
	[tilespmem:s3+$0xFFFFFF90] =	vst v3  }
0x5da: {  	v7 =	vmul.f32 v55, v61;
	v2 =	vadd.f32 v60, v42;
	[tilespmem:s3+$0xFFFFFFA0] =	vst v4  }
.Ltmp5:
0x5db: {  	v1 =	vadd.f32 v1, v31;
	[tilespmem:s3+$0xFFFFFFB0] =	vst v5;
	(pc) =	sbr.rel @p0 .LBB2_10-.Ltmp5, $4  }
0x5dc: {  	v61 =	vadd.f32 v7, v30;
	[tilespmem:s3+$0xFFFFFFD0] =	vst v2  }
0x5dd: {  	s31 =	sshll.u32 s12, $0x4;
	[tilespmem:s3+$0xFFFFFFE0] =	vst v1  }
0x5de: {  	s9 =	smov.u32 s26;
	s2 =	simm.s32 $0xDC00;
	s1 =	sadd.s32 s26, s31;
	[tilespmem:s3+$0xFFFFFFC0] =	vst v61  }
0x5df: {  	[hbm4b:s1+s8] =	stream.linear.scatter [tilespmem:s2], [sflag:$0x4], $0x2800, $0x38;
	[tilespmem:$0x11200] =	vst v63  }
0x5e0: {  	s1 =	rddreg [dreg:$0x18]  }
0x5e1: {  	s1 =	sadd.s32 s23, s1  }
0x5e2: {  	s1 =	sshrl.u32 s1, $0x3  }
0x5e3: {  	s3 =	simm.s32 $0x10480;
	s2 =	sadd.s32 s10, s1  }
0x5e4: {  	[tilespmem:s3], [sflag:$0x5] =	stream.linear.gather [hbm4b:s2+s8], $0x50, $0x38;
	[tilespmem:$0x11200] =	vst v63  }
0x5e5: {  	_ =	swait.ge [sflag:s19], $0x50  }
0x5e6: {  	[sflag:s19] =	ssyncset.done $0x0  }
0x5e7: {  	s28 =	simm.s32 $0x10580;
	s1 =	sadd.s32 s11, s1;
	[sflag:s19] =	ssyncadd.s32 $0xFFFFFFB0  }
0x5e8: {  	[tilespmem:s28], [sflag:$0x5] =	stream.linear.gather [hbm4b:s1+s8], $0x50, $0x38;
	[tilespmem:$0x11200] =	vst v63  }
.Ltmp6:
0x5e9: {  	s16 =	smov.u32 s0;
	s29 =	simm.s32 $0x8C00;
	(pc) =	sbr.rel .LBB2_4-.Ltmp6, $4  }
0x5ea: {  	s31 =	simm.s32 $0x50;
	s25 =	sadd.s32 $0x1, s25;
	_ =	swait.ge [sflag:s19], $0x50  }
0x5eb: {  	s24 =	sadd.s32 $0xA0, s24;
	s20 =	sadd.s32 $0x5000, s20;
	[sflag:s19] =	ssyncset.done $0x0  }
0x5ec: {  	s21 =	sadd.s32 $0xA0, s21;
	s22 =	sadd.s32 $0xA0, s22;
	v22 =	vmov v44;
	v23 =	vmov v57;
	[sflag:s19] =	ssyncadd.s32 $0xFFFFFFB0  }
0x5ed: {  	v63 =	vmovc v62;
	v54 =	vmovc v27;
	v45 =	vmov v26;
	v36 =	vmov v25;
	v55 =	vmov v24;
	[tilespmem:s29], [sflag:$0x2] =	stream.indirect.gather [hbm4b:s16+s31], $0x80, s3, s31, $0xb8;
	[tilespmem:$0x11200] =	vst v63  }
.LBB2_11:
0x5ee: {  	_ =	sfence.sel $0x180000  }
0x5ef: {  	[bflag:$0x0] =	sbarrier.arrive $0xFFFF  }
0x5f0: {  	_ =	strace $0x90000047  }
0x5f1: {  	s0 =	stileid.u32;
	[bflag:$0x2] =	sbarrier.arrive $0xFFFF  }
0x5f2: {  	p0 =	sne.s32 s0, $0x0;
	s0 =	rddreg [dreg:$0x7]  }
0x5f3: {  	s0 =	sadd.s32 @!p0 $0x100000, s0  }
0x5f4: {  	[sflag:s0] =	ssyncadd.tile.s32 @!p0 $0x1;
	_ =	shalt  }
.Lfunc_end2:
_tile_overlayer_lowered:
.L_overlay_start_2:
0x5f5: {  	(tag) =	ssettag $0x2  }
0x5f6: {  	s0 =	rddreg [dreg:$0x0];
	s2 =	stileid.u32  }
0x5f7: {  	s1 =	rddreg [dreg:$0x1];
	p0 =	sne.s32 s2, $0x0  }
0x5f8: {  	s3 =	rddreg [dreg:$0x2];
	[bflag:$0x3] =	sbarrier.arrive $0xFFFF;
	s2 =	simm.s32 @!p0 $0x1C05  }
0x5f9: {  	[timem:s3], [sflag:s2] =	dma.local @!p0 [hbm:s0], s1  }
0x5fa: {  	s0 =	simm.s32 @!p0 $0x5  }
0x5fb: {  	_ =	swait.ge @!p0 [sflag:s0], s1  }
0x5fc: {  	s1 =	ssub.s32 @!p0 $0x0, s1;
	[sflag:s0] =	ssyncset.done @!p0 $0x0  }
0x5fd: {  	[sflag:s0] =	ssyncadd.s32 @!p0 s1  }
0x5fe: {  	[bflag:$0x3] =	sbarrier.arrive $0xFFFF  }
0x5ff: {  	_ =	shalt  }

</sc_bundles>
